<compile_context>
chip_gen: v7x
topology: tpu7x:2x2x1
jax: 0.10.2.dev20260603
libtpu: 0.0.44.dev20260713+nightly
codegen_flags: <defaults>
</compile_context>

<pallas_src>
import functools

import jax
import jax.numpy as jnp
from jax import lax
from jax.experimental import pallas as pl
from jax.experimental.pallas import tpu as pltpu
from jax.experimental.pallas import tpu_sc as plsc

_NUM_CORES = 2
_NUM_SUBCORES = 16
_NUM_WORKERS = _NUM_CORES * _NUM_SUBCORES
_L = 16
_UNROLL = 4


@functools.partial(jax.jit, static_argnums=(2, 3, 4))
def _sc_gather_t(table, idx, B, H, D):
    C = B // _NUM_WORKERS
    mesh = plsc.VectorSubcoreMesh(core_axis_name="c", subcore_axis_name="s")

    @functools.partial(
        pl.kernel,
        mesh=mesh,
        out_type=jax.ShapeDtypeStruct((H, D, B), jnp.float32),
        scratch_types=[
            pltpu.VMEM((H, C), jnp.int32),
            pltpu.VMEM((C, D), jnp.float32),
            pltpu.VMEM((C, D), jnp.float32),
            pltpu.VMEM((D, C), jnp.float32),
            pltpu.VMEM((D, C), jnp.float32),
            pltpu.SemaphoreType.DMA,
            pltpu.SemaphoreType.DMA,
            pltpu.SemaphoreType.DMA,
            pltpu.SemaphoreType.DMA,
        ],
        compiler_params=pltpu.CompilerParams(
            use_tc_tiling_on_sc=False, needs_layout_passes=False
        ),
    )
    def k(table_hbm, idx_hbm, out_hbm, idxv, r0, r1, t0, t1, g0, g1, w0, w1):
        rows, trows = (r0, r1), (t0, t1)
        gsem, wsem = (g0, g1), (w0, w1)
        wid = lax.axis_index("s") * _NUM_CORES + lax.axis_index("c")
        base = wid * C
        iota = lax.iota(jnp.int32, _L)
        dvecs = [jnp.full((_L,), d, jnp.int32) for d in range(D)]

        for h in range(H):
            pltpu.async_copy(
                idx_hbm.at[pl.ds(h * B + base, C)], idxv.at[h], g0
            )
        for h in range(H):
            pltpu.make_async_copy(
                idx_hbm.at[pl.ds(h * B + base, C)], idxv.at[h], g0
            ).wait()
        for b in range(2):
            pltpu.async_copy(table_hbm.at[idxv.at[b]], rows[b], gsem[b])

        def outer(g, carry):
            for b in range(2):
                h = g * 2 + b
                pltpu.make_async_copy(
                    table_hbm.at[idxv.at[b]], rows[b], gsem[b]
                ).wait()

                @pl.when(g > 0)
                def _():
                    pltpu.make_async_copy(
                        trows[b], out_hbm.at[h, :, pl.ds(base, C)], wsem[b]
                    ).wait()

                def tbody(o, tc):
                    for u in range(_UNROLL):
                        jv = (o * _UNROLL + u) * _L + iota
                        vals = [
                            plsc.load_gather(rows[b], [jv, dvecs[d]])
                            for d in range(D)
                        ]
                        for d in range(D):
                            trows[b][d, pl.ds((o * _UNROLL + u) * _L, _L)] = (
                                vals[d]
                            )
                    return tc

                lax.fori_loop(0, C // (_L * _UNROLL), tbody, 0)

                pltpu.async_copy(
                    trows[b], out_hbm.at[h, :, pl.ds(base, C)], wsem[b]
                )

                @pl.when(h + 2 < H)
                def _():
                    pltpu.async_copy(
                        table_hbm.at[idxv.at[h + 2]], rows[b], gsem[b]
                    )

            return carry

        lax.fori_loop(0, H // 2, outer, 0)

        for b in range(2):
            pltpu.make_async_copy(
                trows[b], out_hbm.at[0, :, pl.ds(base, C)], wsem[b]
            ).wait()

    return k(table, idx)


def kernel(table, x):
    batch, hist = x.shape
    D = table.shape[1]
    idx = x.T.reshape(-1).astype(jnp.int32)
    out_t = _sc_gather_t(table, idx, batch, hist, D)
    return jnp.transpose(out_t, (2, 0, 1))

# --- scband reference (transcript-rebuilt; emitter-appended) ---
"""Pipeline reference for scband-node-embedding-with-dropout-2422361555485 (READ-ONLY COPY).

The authoritative reference and input builder live on the scoring server;
editing this copy changes nothing except your own understanding.
"""

import jax, jax.numpy as jnp
import numpy as np

VOCAB = 1000000
EMBED_DIM = 32
BATCH = 16384
HIST = 50

def setup_inputs(seed: int = 0) -> dict:
    key = jax.random.key(seed)
    k_tab, k_idx = jax.random.split(key)
    table = jax.random.normal(k_tab, (VOCAB, EMBED_DIM), dtype=jnp.float32)
    x = jax.random.randint(k_idx, (BATCH, HIST), 0, VOCAB, dtype=jnp.int64)
    return {"table": table, "x": x}

def reference(table, x):
    # NodeEmbeddingWithDropout with dropout=0.0 -> pure embedding lookup (dropout is identity).
    emb = jnp.take(table, x, axis=0)
    return emb

if __name__ == "__main__":
    import jax
    _d = setup_inputs()
    print(jax.jit(kernel)(*tuple(_d.values())))

</pallas_src>

<mosaic_0001>
#map = affine_map<(d0, d1) -> (0, 0)>
#map1 = affine_map<(d0, d1) -> (0)>
#map2 = affine_map<(d0, d1) -> (0, 0, 0)>
module attributes {stable_mosaic.version = 14 : i64} {
  func.func @k(%arg0: i32, %arg1: i32, %arg2: memref<1000000x32xf32, #tpu.memory_space<hbm>>, %arg3: memref<819200xi32, #tpu.memory_space<hbm>>, %arg4: memref<50x32x16384xf32, #tpu.memory_space<hbm>>, %arg5: memref<50x512xi32, #tpu.memory_space<vmem>>, %arg6: memref<512x32xf32, #tpu.memory_space<vmem>>, %arg7: memref<512x32xf32, #tpu.memory_space<vmem>>, %arg8: memref<32x512xf32, #tpu.memory_space<vmem>>, %arg9: memref<32x512xf32, #tpu.memory_space<vmem>>, %arg10: memref<!tpu.dma_semaphore, #tpu.memory_space<semaphore_mem>>, %arg11: memref<!tpu.dma_semaphore, #tpu.memory_space<semaphore_mem>>, %arg12: memref<!tpu.dma_semaphore, #tpu.memory_space<semaphore_mem>>, %arg13: memref<!tpu.dma_semaphore, #tpu.memory_space<semaphore_mem>>) attributes {dimension_semantics = [#tpu.dimension_semantics<core_parallel>, #tpu.dimension_semantics<subcore_parallel>], iteration_bounds = array<i64: 2, 16>, scalar_prefetch = 0 : i64, scratch_operands = 9 : i64, tpu.core_type = #tpu.core_type<sc_vector_subcore>, window_params = [{transform_indices = #map}, {transform_indices = #map1}, {transform_indices = #map2}]} {
    %mul3A = arith.constant 2 : i32
    %mul3A_0 = arith.muli %arg1, %mul3A : i32
    %add3A = arith.addi %mul3A_0, %arg0 : i32
    %mul3A_1 = arith.constant 512 : i32
    %mul3A_2 = arith.muli %add3A, %mul3A_1 : i32
    %iota3A = tpu.iota {dimensions = array<i32: 0>} : vector<16xi32>
    %broadcast_in_dim3A = arith.constant 0 : i32
    %broadcast_in_dim3A_3 = vector.broadcast %broadcast_in_dim3A : i32 to vector<16xi32>
    %broadcast_in_dim3A_4 = arith.constant 1 : i32
    %broadcast_in_dim3A_5 = vector.broadcast %broadcast_in_dim3A_4 : i32 to vector<16xi32>
    %broadcast_in_dim3A_6 = arith.constant 2 : i32
    %broadcast_in_dim3A_7 = vector.broadcast %broadcast_in_dim3A_6 : i32 to vector<16xi32>
    %broadcast_in_dim3A_8 = arith.constant 3 : i32
    %broadcast_in_dim3A_9 = vector.broadcast %broadcast_in_dim3A_8 : i32 to vector<16xi32>
    %broadcast_in_dim3A_10 = arith.constant 4 : i32
    %broadcast_in_dim3A_11 = vector.broadcast %broadcast_in_dim3A_10 : i32 to vector<16xi32>
    %broadcast_in_dim3A_12 = arith.constant 5 : i32
    %broadcast_in_dim3A_13 = vector.broadcast %broadcast_in_dim3A_12 : i32 to vector<16xi32>
    %broadcast_in_dim3A_14 = arith.constant 6 : i32
    %broadcast_in_dim3A_15 = vector.broadcast %broadcast_in_dim3A_14 : i32 to vector<16xi32>
    %broadcast_in_dim3A_16 = arith.constant 7 : i32
    %broadcast_in_dim3A_17 = vector.broadcast %broadcast_in_dim3A_16 : i32 to vector<16xi32>
    %broadcast_in_dim3A_18 = arith.constant 8 : i32
    %broadcast_in_dim3A_19 = vector.broadcast %broadcast_in_dim3A_18 : i32 to vector<16xi32>
    %broadcast_in_dim3A_20 = arith.constant 9 : i32
    %broadcast_in_dim3A_21 = vector.broadcast %broadcast_in_dim3A_20 : i32 to vector<16xi32>
    %broadcast_in_dim3A_22 = arith.constant 10 : i32
    %broadcast_in_dim3A_23 = vector.broadcast %broadcast_in_dim3A_22 : i32 to vector<16xi32>
    %broadcast_in_dim3A_24 = arith.constant 11 : i32
    %broadcast_in_dim3A_25 = vector.broadcast %broadcast_in_dim3A_24 : i32 to vector<16xi32>
    %broadcast_in_dim3A_26 = arith.constant 12 : i32
    %broadcast_in_dim3A_27 = vector.broadcast %broadcast_in_dim3A_26 : i32 to vector<16xi32>
    %broadcast_in_dim3A_28 = arith.constant 13 : i32
    %broadcast_in_dim3A_29 = vector.broadcast %broadcast_in_dim3A_28 : i32 to vector<16xi32>
    %broadcast_in_dim3A_30 = arith.constant 14 : i32
    %broadcast_in_dim3A_31 = vector.broadcast %broadcast_in_dim3A_30 : i32 to vector<16xi32>
    %broadcast_in_dim3A_32 = arith.constant 15 : i32
    %broadcast_in_dim3A_33 = vector.broadcast %broadcast_in_dim3A_32 : i32 to vector<16xi32>
    %broadcast_in_dim3A_34 = arith.constant 16 : i32
    %broadcast_in_dim3A_35 = vector.broadcast %broadcast_in_dim3A_34 : i32 to vector<16xi32>
    %broadcast_in_dim3A_36 = arith.constant 17 : i32
    %broadcast_in_dim3A_37 = vector.broadcast %broadcast_in_dim3A_36 : i32 to vector<16xi32>
    %broadcast_in_dim3A_38 = arith.constant 18 : i32
    %broadcast_in_dim3A_39 = vector.broadcast %broadcast_in_dim3A_38 : i32 to vector<16xi32>
    %broadcast_in_dim3A_40 = arith.constant 19 : i32
    %broadcast_in_dim3A_41 = vector.broadcast %broadcast_in_dim3A_40 : i32 to vector<16xi32>
    %broadcast_in_dim3A_42 = arith.constant 20 : i32
    %broadcast_in_dim3A_43 = vector.broadcast %broadcast_in_dim3A_42 : i32 to vector<16xi32>
    %broadcast_in_dim3A_44 = arith.constant 21 : i32
    %broadcast_in_dim3A_45 = vector.broadcast %broadcast_in_dim3A_44 : i32 to vector<16xi32>
    %broadcast_in_dim3A_46 = arith.constant 22 : i32
    %broadcast_in_dim3A_47 = vector.broadcast %broadcast_in_dim3A_46 : i32 to vector<16xi32>
    %broadcast_in_dim3A_48 = arith.constant 23 : i32
    %broadcast_in_dim3A_49 = vector.broadcast %broadcast_in_dim3A_48 : i32 to vector<16xi32>
    %broadcast_in_dim3A_50 = arith.constant 24 : i32
    %broadcast_in_dim3A_51 = vector.broadcast %broadcast_in_dim3A_50 : i32 to vector<16xi32>
    %broadcast_in_dim3A_52 = arith.constant 25 : i32
    %broadcast_in_dim3A_53 = vector.broadcast %broadcast_in_dim3A_52 : i32 to vector<16xi32>
    %broadcast_in_dim3A_54 = arith.constant 26 : i32
    %broadcast_in_dim3A_55 = vector.broadcast %broadcast_in_dim3A_54 : i32 to vector<16xi32>
    %broadcast_in_dim3A_56 = arith.constant 27 : i32
    %broadcast_in_dim3A_57 = vector.broadcast %broadcast_in_dim3A_56 : i32 to vector<16xi32>
    %broadcast_in_dim3A_58 = arith.constant 28 : i32
    %broadcast_in_dim3A_59 = vector.broadcast %broadcast_in_dim3A_58 : i32 to vector<16xi32>
    %broadcast_in_dim3A_60 = arith.constant 29 : i32
    %broadcast_in_dim3A_61 = vector.broadcast %broadcast_in_dim3A_60 : i32 to vector<16xi32>
    %broadcast_in_dim3A_62 = arith.constant 30 : i32
    %broadcast_in_dim3A_63 = vector.broadcast %broadcast_in_dim3A_62 : i32 to vector<16xi32>
    %broadcast_in_dim3A_64 = arith.constant 31 : i32
    %broadcast_in_dim3A_65 = vector.broadcast %broadcast_in_dim3A_64 : i32 to vector<16xi32>
    %add3A_66 = arith.constant 0 : i32
    %add3A_67 = arith.addi %add3A_66, %mul3A_2 : i32
    %dma_start3A = arith.constant 0 : i32
    %dma_start3A_68 = arith.constant 0 : i32
    %dma_start3A_69 = tpu.memref_slice %arg5[%dma_start3A, %dma_start3A_68] : memref<50x512xi32, #tpu.memory_space<vmem>> -> memref<1x512xi32, #tpu.memory_space<vmem>>
    %dma_start3A_70 = tpu.memref_squeeze %dma_start3A_69 : memref<1x512xi32, #tpu.memory_space<vmem>> -> memref<512xi32, #tpu.memory_space<vmem>>
    %dma_start3A_71 = tpu.memref_slice %arg3[%add3A_67] : memref<819200xi32, #tpu.memory_space<hbm>> -> memref<512xi32, #tpu.memory_space<hbm>>
    %dma_start3A_72 = arith.constant 0 : i32
    %dma_start3A_73 = tpu.memref_slice %arg5[%dma_start3A, %dma_start3A_72] : memref<50x512xi32, #tpu.memory_space<vmem>> -> memref<1x512xi32, #tpu.memory_space<vmem>>
    %dma_start3A_74 = tpu.memref_squeeze %dma_start3A_73 : memref<1x512xi32, #tpu.memory_space<vmem>> -> memref<512xi32, #tpu.memory_space<vmem>>
    %dma_start3A_75 = tpu.memref_slice %arg3[%add3A_67] : memref<819200xi32, #tpu.memory_space<hbm>> -> memref<512xi32, #tpu.memory_space<hbm>>
    tpu.enqueue_dma source(%dma_start3A_75 : memref<512xi32, #tpu.memory_space<hbm>>) target(%dma_start3A_74 : memref<512xi32, #tpu.memory_space<vmem>>) target_semaphore(%arg10 : memref<!tpu.dma_semaphore, #tpu.memory_space<semaphore_mem>>)
    %add3A_76 = arith.constant 16384 : i32
    %add3A_77 = arith.addi %add3A_76, %mul3A_2 : i32
    %dma_start3A_78 = arith.constant 1 : i32
    %dma_start3A_79 = arith.constant 0 : i32
    %dma_start3A_80 = tpu.memref_slice %arg5[%dma_start3A_78, %dma_start3A_79] : memref<50x512xi32, #tpu.memory_space<vmem>> -> memref<1x512xi32, #tpu.memory_space<vmem>>
    %dma_start3A_81 = tpu.memref_squeeze %dma_start3A_80 : memref<1x512xi32, #tpu.memory_space<vmem>> -> memref<512xi32, #tpu.memory_space<vmem>>
    %dma_start3A_82 = tpu.memref_slice %arg3[%add3A_77] : memref<819200xi32, #tpu.memory_space<hbm>> -> memref<512xi32, #tpu.memory_space<hbm>>
    %dma_start3A_83 = arith.constant 0 : i32
    %dma_start3A_84 = tpu.memref_slice %arg5[%dma_start3A_78, %dma_start3A_83] : memref<50x512xi32, #tpu.memory_space<vmem>> -> memref<1x512xi32, #tpu.memory_space<vmem>>
    %dma_start3A_85 = tpu.memref_squeeze %dma_start3A_84 : memref<1x512xi32, #tpu.memory_space<vmem>> -> memref<512xi32, #tpu.memory_space<vmem>>
    %dma_start3A_86 = tpu.memref_slice %arg3[%add3A_77] : memref<819200xi32, #tpu.memory_space<hbm>> -> memref<512xi32, #tpu.memory_space<hbm>>
    tpu.enqueue_dma source(%dma_start3A_86 : memref<512xi32, #tpu.memory_space<hbm>>) target(%dma_start3A_85 : memref<512xi32, #tpu.memory_space<vmem>>) target_semaphore(%arg10 : memref<!tpu.dma_semaphore, #tpu.memory_space<semaphore_mem>>)
    %add3A_87 = arith.constant 32768 : i32
    %add3A_88 = arith.addi %add3A_87, %mul3A_2 : i32
    %dma_start3A_89 = arith.constant 2 : i32
    %dma_start3A_90 = arith.constant 0 : i32
    %dma_start3A_91 = tpu.memref_slice %arg5[%dma_start3A_89, %dma_start3A_90] : memref<50x512xi32, #tpu.memory_space<vmem>> -> memref<1x512xi32, #tpu.memory_space<vmem>>
    %dma_start3A_92 = tpu.memref_squeeze %dma_start3A_91 : memref<1x512xi32, #tpu.memory_space<vmem>> -> memref<512xi32, #tpu.memory_space<vmem>>
    %dma_start3A_93 = tpu.memref_slice %arg3[%add3A_88] : memref<819200xi32, #tpu.memory_space<hbm>> -> memref<512xi32, #tpu.memory_space<hbm>>
    %dma_start3A_94 = arith.constant 0 : i32
    %dma_start3A_95 = tpu.memref_slice %arg5[%dma_start3A_89, %dma_start3A_94] : memref<50x512xi32, #tpu.memory_space<vmem>> -> memref<1x512xi32, #tpu.memory_space<vmem>>
    %dma_start3A_96 = tpu.memref_squeeze %dma_start3A_95 : memref<1x512xi32, #tpu.memory_space<vmem>> -> memref<512xi32, #tpu.memory_space<vmem>>
    %dma_start3A_97 = tpu.memref_slice %arg3[%add3A_88] : memref<819200xi32, #tpu.memory_space<hbm>> -> memref<512xi32, #tpu.memory_space<hbm>>
    tpu.enqueue_dma source(%dma_start3A_97 : memref<512xi32, #tpu.memory_space<hbm>>) target(%dma_start3A_96 : memref<512xi32, #tpu.memory_space<vmem>>) target_semaphore(%arg10 : memref<!tpu.dma_semaphore, #tpu.memory_space<semaphore_mem>>)
    %add3A_98 = arith.constant 49152 : i32
    %add3A_99 = arith.addi %add3A_98, %mul3A_2 : i32
    %dma_start3A_100 = arith.constant 3 : i32
    %dma_start3A_101 = arith.constant 0 : i32
    %dma_start3A_102 = tpu.memref_slice %arg5[%dma_start3A_100, %dma_start3A_101] : memref<50x512xi32, #tpu.memory_space<vmem>> -> memref<1x512xi32, #tpu.memory_space<vmem>>
    %dma_start3A_103 = tpu.memref_squeeze %dma_start3A_102 : memref<1x512xi32, #tpu.memory_space<vmem>> -> memref<512xi32, #tpu.memory_space<vmem>>
    %dma_start3A_104 = tpu.memref_slice %arg3[%add3A_99] : memref<819200xi32, #tpu.memory_space<hbm>> -> memref<512xi32, #tpu.memory_space<hbm>>
    %dma_start3A_105 = arith.constant 0 : i32
    %dma_start3A_106 = tpu.memref_slice %arg5[%dma_start3A_100, %dma_start3A_105] : memref<50x512xi32, #tpu.memory_space<vmem>> -> memref<1x512xi32, #tpu.memory_space<vmem>>
    %dma_start3A_107 = tpu.memref_squeeze %dma_start3A_106 : memref<1x512xi32, #tpu.memory_space<vmem>> -> memref<512xi32, #tpu.memory_space<vmem>>
    %dma_start3A_108 = tpu.memref_slice %arg3[%add3A_99] : memref<819200xi32, #tpu.memory_space<hbm>> -> memref<512xi32, #tpu.memory_space<hbm>>
    tpu.enqueue_dma source(%dma_start3A_108 : memref<512xi32, #tpu.memory_space<hbm>>) target(%dma_start3A_107 : memref<512xi32, #tpu.memory_space<vmem>>) target_semaphore(%arg10 : memref<!tpu.dma_semaphore, #tpu.memory_space<semaphore_mem>>)
    %add3A_109 = arith.constant 65536 : i32
    %add3A_110 = arith.addi %add3A_109, %mul3A_2 : i32
    %dma_start3A_111 = arith.constant 4 : i32
    %dma_start3A_112 = arith.constant 0 : i32
    %dma_start3A_113 = tpu.memref_slice %arg5[%dma_start3A_111, %dma_start3A_112] : memref<50x512xi32, #tpu.memory_space<vmem>> -> memref<1x512xi32, #tpu.memory_space<vmem>>
    %dma_start3A_114 = tpu.memref_squeeze %dma_start3A_113 : memref<1x512xi32, #tpu.memory_space<vmem>> -> memref<512xi32, #tpu.memory_space<vmem>>
    %dma_start3A_115 = tpu.memref_slice %arg3[%add3A_110] : memref<819200xi32, #tpu.memory_space<hbm>> -> memref<512xi32, #tpu.memory_space<hbm>>
    %dma_start3A_116 = arith.constant 0 : i32
    %dma_start3A_117 = tpu.memref_slice %arg5[%dma_start3A_111, %dma_start3A_116] : memref<50x512xi32, #tpu.memory_space<vmem>> -> memref<1x512xi32, #tpu.memory_space<vmem>>
    %dma_start3A_118 = tpu.memref_squeeze %dma_start3A_117 : memref<1x512xi32, #tpu.memory_space<vmem>> -> memref<512xi32, #tpu.memory_space<vmem>>
    %dma_start3A_119 = tpu.memref_slice %arg3[%add3A_110] : memref<819200xi32, #tpu.memory_space<hbm>> -> memref<512xi32, #tpu.memory_space<hbm>>
    tpu.enqueue_dma source(%dma_start3A_119 : memref<512xi32, #tpu.memory_space<hbm>>) target(%dma_start3A_118 : memref<512xi32, #tpu.memory_space<vmem>>) target_semaphore(%arg10 : memref<!tpu.dma_semaphore, #tpu.memory_space<semaphore_mem>>)
    %add3A_120 = arith.constant 81920 : i32
    %add3A_121 = arith.addi %add3A_120, %mul3A_2 : i32
    %dma_start3A_122 = arith.constant 5 : i32
    %dma_start3A_123 = arith.constant 0 : i32
    %dma_start3A_124 = tpu.memref_slice %arg5[%dma_start3A_122, %dma_start3A_123] : memref<50x512xi32, #tpu.memory_space<vmem>> -> memref<1x512xi32, #tpu.memory_space<vmem>>
    %dma_start3A_125 = tpu.memref_squeeze %dma_start3A_124 : memref<1x512xi32, #tpu.memory_space<vmem>> -> memref<512xi32, #tpu.memory_space<vmem>>
    %dma_start3A_126 = tpu.memref_slice %arg3[%add3A_121] : memref<819200xi32, #tpu.memory_space<hbm>> -> memref<512xi32, #tpu.memory_space<hbm>>
    %dma_start3A_127 = arith.constant 0 : i32
    %dma_start3A_128 = tpu.memref_slice %arg5[%dma_start3A_122, %dma_start3A_127] : memref<50x512xi32, #tpu.memory_space<vmem>> -> memref<1x512xi32, #tpu.memory_space<vmem>>
    %dma_start3A_129 = tpu.memref_squeeze %dma_start3A_128 : memref<1x512xi32, #tpu.memory_space<vmem>> -> memref<512xi32, #tpu.memory_space<vmem>>
    %dma_start3A_130 = tpu.memref_slice %arg3[%add3A_121] : memref<819200xi32, #tpu.memory_space<hbm>> -> memref<512xi32, #tpu.memory_space<hbm>>
    tpu.enqueue_dma source(%dma_start3A_130 : memref<512xi32, #tpu.memory_space<hbm>>) target(%dma_start3A_129 : memref<512xi32, #tpu.memory_space<vmem>>) target_semaphore(%arg10 : memref<!tpu.dma_semaphore, #tpu.memory_space<semaphore_mem>>)
    %add3A_131 = arith.constant 98304 : i32
    %add3A_132 = arith.addi %add3A_131, %mul3A_2 : i32
    %dma_start3A_133 = arith.constant 6 : i32
    %dma_start3A_134 = arith.constant 0 : i32
    %dma_start3A_135 = tpu.memref_slice %arg5[%dma_start3A_133, %dma_start3A_134] : memref<50x512xi32, #tpu.memory_space<vmem>> -> memref<1x512xi32, #tpu.memory_space<vmem>>
    %dma_start3A_136 = tpu.memref_squeeze %dma_start3A_135 : memref<1x512xi32, #tpu.memory_space<vmem>> -> memref<512xi32, #tpu.memory_space<vmem>>
    %dma_start3A_137 = tpu.memref_slice %arg3[%add3A_132] : memref<819200xi32, #tpu.memory_space<hbm>> -> memref<512xi32, #tpu.memory_space<hbm>>
    %dma_start3A_138 = arith.constant 0 : i32
    %dma_start3A_139 = tpu.memref_slice %arg5[%dma_start3A_133, %dma_start3A_138] : memref<50x512xi32, #tpu.memory_space<vmem>> -> memref<1x512xi32, #tpu.memory_space<vmem>>
    %dma_start3A_140 = tpu.memref_squeeze %dma_start3A_139 : memref<1x512xi32, #tpu.memory_space<vmem>> -> memref<512xi32, #tpu.memory_space<vmem>>
    %dma_start3A_141 = tpu.memref_slice %arg3[%add3A_132] : memref<819200xi32, #tpu.memory_space<hbm>> -> memref<512xi32, #tpu.memory_space<hbm>>
    tpu.enqueue_dma source(%dma_start3A_141 : memref<512xi32, #tpu.memory_space<hbm>>) target(%dma_start3A_140 : memref<512xi32, #tpu.memory_space<vmem>>) target_semaphore(%arg10 : memref<!tpu.dma_semaphore, #tpu.memory_space<semaphore_mem>>)
    %add3A_142 = arith.constant 114688 : i32
    %add3A_143 = arith.addi %add3A_142, %mul3A_2 : i32
    %dma_start3A_144 = arith.constant 7 : i32
    %dma_start3A_145 = arith.constant 0 : i32
    %dma_start3A_146 = tpu.memref_slice %arg5[%dma_start3A_144, %dma_start3A_145] : memref<50x512xi32, #tpu.memory_space<vmem>> -> memref<1x512xi32, #tpu.memory_space<vmem>>
    %dma_start3A_147 = tpu.memref_squeeze %dma_start3A_146 : memref<1x512xi32, #tpu.memory_space<vmem>> -> memref<512xi32, #tpu.memory_space<vmem>>
    %dma_start3A_148 = tpu.memref_slice %arg3[%add3A_143] : memref<819200xi32, #tpu.memory_space<hbm>> -> memref<512xi32, #tpu.memory_space<hbm>>
    %dma_start3A_149 = arith.constant 0 : i32
    %dma_start3A_150 = tpu.memref_slice %arg5[%dma_start3A_144, %dma_start3A_149] : memref<50x512xi32, #tpu.memory_space<vmem>> -> memref<1x512xi32, #tpu.memory_space<vmem>>
    %dma_start3A_151 = tpu.memref_squeeze %dma_start3A_150 : memref<1x512xi32, #tpu.memory_space<vmem>> -> memref<512xi32, #tpu.memory_space<vmem>>
    %dma_start3A_152 = tpu.memref_slice %arg3[%add3A_143] : memref<819200xi32, #tpu.memory_space<hbm>> -> memref<512xi32, #tpu.memory_space<hbm>>
    tpu.enqueue_dma source(%dma_start3A_152 : memref<512xi32, #tpu.memory_space<hbm>>) target(%dma_start3A_151 : memref<512xi32, #tpu.memory_space<vmem>>) target_semaphore(%arg10 : memref<!tpu.dma_semaphore, #tpu.memory_space<semaphore_mem>>)
    %add3A_153 = arith.constant 131072 : i32
    %add3A_154 = arith.addi %add3A_153, %mul3A_2 : i32
    %dma_start3A_155 = arith.constant 8 : i32
    %dma_start3A_156 = arith.constant 0 : i32
    %dma_start3A_157 = tpu.memref_slice %arg5[%dma_start3A_155, %dma_start3A_156] : memref<50x512xi32, #tpu.memory_space<vmem>> -> memref<1x512xi32, #tpu.memory_space<vmem>>
    %dma_start3A_158 = tpu.memref_squeeze %dma_start3A_157 : memref<1x512xi32, #tpu.memory_space<vmem>> -> memref<512xi32, #tpu.memory_space<vmem>>
    %dma_start3A_159 = tpu.memref_slice %arg3[%add3A_154] : memref<819200xi32, #tpu.memory_space<hbm>> -> memref<512xi32, #tpu.memory_space<hbm>>
    %dma_start3A_160 = arith.constant 0 : i32
    %dma_start3A_161 = tpu.memref_slice %arg5[%dma_start3A_155, %dma_start3A_160] : memref<50x512xi32, #tpu.memory_space<vmem>> -> memref<1x512xi32, #tpu.memory_space<vmem>>
    %dma_start3A_162 = tpu.memref_squeeze %dma_start3A_161 : memref<1x512xi32, #tpu.memory_space<vmem>> -> memref<512xi32, #tpu.memory_space<vmem>>
    %dma_start3A_163 = tpu.memref_slice %arg3[%add3A_154] : memref<819200xi32, #tpu.memory_space<hbm>> -> memref<512xi32, #tpu.memory_space<hbm>>
    tpu.enqueue_dma source(%dma_start3A_163 : memref<512xi32, #tpu.memory_space<hbm>>) target(%dma_start3A_162 : memref<512xi32, #tpu.memory_space<vmem>>) target_semaphore(%arg10 : memref<!tpu.dma_semaphore, #tpu.memory_space<semaphore_mem>>)
    %add3A_164 = arith.constant 147456 : i32
    %add3A_165 = arith.addi %add3A_164, %mul3A_2 : i32
    %dma_start3A_166 = arith.constant 9 : i32
    %dma_start3A_167 = arith.constant 0 : i32
    %dma_start3A_168 = tpu.memref_slice %arg5[%dma_start3A_166, %dma_start3A_167] : memref<50x512xi32, #tpu.memory_space<vmem>> -> memref<1x512xi32, #tpu.memory_space<vmem>>
    %dma_start3A_169 = tpu.memref_squeeze %dma_start3A_168 : memref<1x512xi32, #tpu.memory_space<vmem>> -> memref<512xi32, #tpu.memory_space<vmem>>
    %dma_start3A_170 = tpu.memref_slice %arg3[%add3A_165] : memref<819200xi32, #tpu.memory_space<hbm>> -> memref<512xi32, #tpu.memory_space<hbm>>
    %dma_start3A_171 = arith.constant 0 : i32
    %dma_start3A_172 = tpu.memref_slice %arg5[%dma_start3A_166, %dma_start3A_171] : memref<50x512xi32, #tpu.memory_space<vmem>> -> memref<1x512xi32, #tpu.memory_space<vmem>>
    %dma_start3A_173 = tpu.memref_squeeze %dma_start3A_172 : memref<1x512xi32, #tpu.memory_space<vmem>> -> memref<512xi32, #tpu.memory_space<vmem>>
    %dma_start3A_174 = tpu.memref_slice %arg3[%add3A_165] : memref<819200xi32, #tpu.memory_space<hbm>> -> memref<512xi32, #tpu.memory_space<hbm>>
    tpu.enqueue_dma source(%dma_start3A_174 : memref<512xi32, #tpu.memory_space<hbm>>) target(%dma_start3A_173 : memref<512xi32, #tpu.memory_space<vmem>>) target_semaphore(%arg10 : memref<!tpu.dma_semaphore, #tpu.memory_space<semaphore_mem>>)
    %add3A_175 = arith.constant 163840 : i32
    %add3A_176 = arith.addi %add3A_175, %mul3A_2 : i32
    %dma_start3A_177 = arith.constant 10 : i32
    %dma_start3A_178 = arith.constant 0 : i32
    %dma_start3A_179 = tpu.memref_slice %arg5[%dma_start3A_177, %dma_start3A_178] : memref<50x512xi32, #tpu.memory_space<vmem>> -> memref<1x512xi32, #tpu.memory_space<vmem>>
    %dma_start3A_180 = tpu.memref_squeeze %dma_start3A_179 : memref<1x512xi32, #tpu.memory_space<vmem>> -> memref<512xi32, #tpu.memory_space<vmem>>
    %dma_start3A_181 = tpu.memref_slice %arg3[%add3A_176] : memref<819200xi32, #tpu.memory_space<hbm>> -> memref<512xi32, #tpu.memory_space<hbm>>
    %dma_start3A_182 = arith.constant 0 : i32
    %dma_start3A_183 = tpu.memref_slice %arg5[%dma_start3A_177, %dma_start3A_182] : memref<50x512xi32, #tpu.memory_space<vmem>> -> memref<1x512xi32, #tpu.memory_space<vmem>>
    %dma_start3A_184 = tpu.memref_squeeze %dma_start3A_183 : memref<1x512xi32, #tpu.memory_space<vmem>> -> memref<512xi32, #tpu.memory_space<vmem>>
    %dma_start3A_185 = tpu.memref_slice %arg3[%add3A_176] : memref<819200xi32, #tpu.memory_space<hbm>> -> memref<512xi32, #tpu.memory_space<hbm>>
    tpu.enqueue_dma source(%dma_start3A_185 : memref<512xi32, #tpu.memory_space<hbm>>) target(%dma_start3A_184 : memref<512xi32, #tpu.memory_space<vmem>>) target_semaphore(%arg10 : memref<!tpu.dma_semaphore, #tpu.memory_space<semaphore_mem>>)
    %add3A_186 = arith.constant 180224 : i32
    %add3A_187 = arith.addi %add3A_186, %mul3A_2 : i32
    %dma_start3A_188 = arith.constant 11 : i32
    %dma_start3A_189 = arith.constant 0 : i32
    %dma_start3A_190 = tpu.memref_slice %arg5[%dma_start3A_188, %dma_start3A_189] : memref<50x512xi32, #tpu.memory_space<vmem>> -> memref<1x512xi32, #tpu.memory_space<vmem>>
    %dma_start3A_191 = tpu.memref_squeeze %dma_start3A_190 : memref<1x512xi32, #tpu.memory_space<vmem>> -> memref<512xi32, #tpu.memory_space<vmem>>
    %dma_start3A_192 = tpu.memref_slice %arg3[%add3A_187] : memref<819200xi32, #tpu.memory_space<hbm>> -> memref<512xi32, #tpu.memory_space<hbm>>
    %dma_start3A_193 = arith.constant 0 : i32
    %dma_start3A_194 = tpu.memref_slice %arg5[%dma_start3A_188, %dma_start3A_193] : memref<50x512xi32, #tpu.memory_space<vmem>> -> memref<1x512xi32, #tpu.memory_space<vmem>>
    %dma_start3A_195 = tpu.memref_squeeze %dma_start3A_194 : memref<1x512xi32, #tpu.memory_space<vmem>> -> memref<512xi32, #tpu.memory_space<vmem>>
    %dma_start3A_196 = tpu.memref_slice %arg3[%add3A_187] : memref<819200xi32, #tpu.memory_space<hbm>> -> memref<512xi32, #tpu.memory_space<hbm>>
    tpu.enqueue_dma source(%dma_start3A_196 : memref<512xi32, #tpu.memory_space<hbm>>) target(%dma_start3A_195 : memref<512xi32, #tpu.memory_space<vmem>>) target_semaphore(%arg10 : memref<!tpu.dma_semaphore, #tpu.memory_space<semaphore_mem>>)
    %add3A_197 = arith.constant 196608 : i32
    %add3A_198 = arith.addi %add3A_197, %mul3A_2 : i32
    %dma_start3A_199 = arith.constant 12 : i32
    %dma_start3A_200 = arith.constant 0 : i32
    %dma_start3A_201 = tpu.memref_slice %arg5[%dma_start3A_199, %dma_start3A_200] : memref<50x512xi32, #tpu.memory_space<vmem>> -> memref<1x512xi32, #tpu.memory_space<vmem>>
    %dma_start3A_202 = tpu.memref_squeeze %dma_start3A_201 : memref<1x512xi32, #tpu.memory_space<vmem>> -> memref<512xi32, #tpu.memory_space<vmem>>
    %dma_start3A_203 = tpu.memref_slice %arg3[%add3A_198] : memref<819200xi32, #tpu.memory_space<hbm>> -> memref<512xi32, #tpu.memory_space<hbm>>
    %dma_start3A_204 = arith.constant 0 : i32
    %dma_start3A_205 = tpu.memref_slice %arg5[%dma_start3A_199, %dma_start3A_204] : memref<50x512xi32, #tpu.memory_space<vmem>> -> memref<1x512xi32, #tpu.memory_space<vmem>>
    %dma_start3A_206 = tpu.memref_squeeze %dma_start3A_205 : memref<1x512xi32, #tpu.memory_space<vmem>> -> memref<512xi32, #tpu.memory_space<vmem>>
    %dma_start3A_207 = tpu.memref_slice %arg3[%add3A_198] : memref<819200xi32, #tpu.memory_space<hbm>> -> memref<512xi32, #tpu.memory_space<hbm>>
    tpu.enqueue_dma source(%dma_start3A_207 : memref<512xi32, #tpu.memory_space<hbm>>) target(%dma_start3A_206 : memref<512xi32, #tpu.memory_space<vmem>>) target_semaphore(%arg10 : memref<!tpu.dma_semaphore, #tpu.memory_space<semaphore_mem>>)
    %add3A_208 = arith.constant 212992 : i32
    %add3A_209 = arith.addi %add3A_208, %mul3A_2 : i32
    %dma_start3A_210 = arith.constant 13 : i32
    %dma_start3A_211 = arith.constant 0 : i32
    %dma_start3A_212 = tpu.memref_slice %arg5[%dma_start3A_210, %dma_start3A_211] : memref<50x512xi32, #tpu.memory_space<vmem>> -> memref<1x512xi32, #tpu.memory_space<vmem>>
    %dma_start3A_213 = tpu.memref_squeeze %dma_start3A_212 : memref<1x512xi32, #tpu.memory_space<vmem>> -> memref<512xi32, #tpu.memory_space<vmem>>
    %dma_start3A_214 = tpu.memref_slice %arg3[%add3A_209] : memref<819200xi32, #tpu.memory_space<hbm>> -> memref<512xi32, #tpu.memory_space<hbm>>
    %dma_start3A_215 = arith.constant 0 : i32
    %dma_start3A_216 = tpu.memref_slice %arg5[%dma_start3A_210, %dma_start3A_215] : memref<50x512xi32, #tpu.memory_space<vmem>> -> memref<1x512xi32, #tpu.memory_space<vmem>>
    %dma_start3A_217 = tpu.memref_squeeze %dma_start3A_216 : memref<1x512xi32, #tpu.memory_space<vmem>> -> memref<512xi32, #tpu.memory_space<vmem>>
    %dma_start3A_218 = tpu.memref_slice %arg3[%add3A_209] : memref<819200xi32, #tpu.memory_space<hbm>> -> memref<512xi32, #tpu.memory_space<hbm>>
    tpu.enqueue_dma source(%dma_start3A_218 : memref<512xi32, #tpu.memory_space<hbm>>) target(%dma_start3A_217 : memref<512xi32, #tpu.memory_space<vmem>>) target_semaphore(%arg10 : memref<!tpu.dma_semaphore, #tpu.memory_space<semaphore_mem>>)
    %add3A_219 = arith.constant 229376 : i32
    %add3A_220 = arith.addi %add3A_219, %mul3A_2 : i32
    %dma_start3A_221 = arith.constant 14 : i32
    %dma_start3A_222 = arith.constant 0 : i32
    %dma_start3A_223 = tpu.memref_slice %arg5[%dma_start3A_221, %dma_start3A_222] : memref<50x512xi32, #tpu.memory_space<vmem>> -> memref<1x512xi32, #tpu.memory_space<vmem>>
    %dma_start3A_224 = tpu.memref_squeeze %dma_start3A_223 : memref<1x512xi32, #tpu.memory_space<vmem>> -> memref<512xi32, #tpu.memory_space<vmem>>
    %dma_start3A_225 = tpu.memref_slice %arg3[%add3A_220] : memref<819200xi32, #tpu.memory_space<hbm>> -> memref<512xi32, #tpu.memory_space<hbm>>
    %dma_start3A_226 = arith.constant 0 : i32
    %dma_start3A_227 = tpu.memref_slice %arg5[%dma_start3A_221, %dma_start3A_226] : memref<50x512xi32, #tpu.memory_space<vmem>> -> memref<1x512xi32, #tpu.memory_space<vmem>>
    %dma_start3A_228 = tpu.memref_squeeze %dma_start3A_227 : memref<1x512xi32, #tpu.memory_space<vmem>> -> memref<512xi32, #tpu.memory_space<vmem>>
    %dma_start3A_229 = tpu.memref_slice %arg3[%add3A_220] : memref<819200xi32, #tpu.memory_space<hbm>> -> memref<512xi32, #tpu.memory_space<hbm>>
    tpu.enqueue_dma source(%dma_start3A_229 : memref<512xi32, #tpu.memory_space<hbm>>) target(%dma_start3A_228 : memref<512xi32, #tpu.memory_space<vmem>>) target_semaphore(%arg10 : memref<!tpu.dma_semaphore, #tpu.memory_space<semaphore_mem>>)
    %add3A_230 = arith.constant 245760 : i32
    %add3A_231 = arith.addi %add3A_230, %mul3A_2 : i32
    %dma_start3A_232 = arith.constant 15 : i32
    %dma_start3A_233 = arith.constant 0 : i32
    %dma_start3A_234 = tpu.memref_slice %arg5[%dma_start3A_232, %dma_start3A_233] : memref<50x512xi32, #tpu.memory_space<vmem>> -> memref<1x512xi32, #tpu.memory_space<vmem>>
    %dma_start3A_235 = tpu.memref_squeeze %dma_start3A_234 : memref<1x512xi32, #tpu.memory_space<vmem>> -> memref<512xi32, #tpu.memory_space<vmem>>
    %dma_start3A_236 = tpu.memref_slice %arg3[%add3A_231] : memref<819200xi32, #tpu.memory_space<hbm>> -> memref<512xi32, #tpu.memory_space<hbm>>
    %dma_start3A_237 = arith.constant 0 : i32
    %dma_start3A_238 = tpu.memref_slice %arg5[%dma_start3A_232, %dma_start3A_237] : memref<50x512xi32, #tpu.memory_space<vmem>> -> memref<1x512xi32, #tpu.memory_space<vmem>>
    %dma_start3A_239 = tpu.memref_squeeze %dma_start3A_238 : memref<1x512xi32, #tpu.memory_space<vmem>> -> memref<512xi32, #tpu.memory_space<vmem>>
    %dma_start3A_240 = tpu.memref_slice %arg3[%add3A_231] : memref<819200xi32, #tpu.memory_space<hbm>> -> memref<512xi32, #tpu.memory_space<hbm>>
    tpu.enqueue_dma source(%dma_start3A_240 : memref<512xi32, #tpu.memory_space<hbm>>) target(%dma_start3A_239 : memref<512xi32, #tpu.memory_space<vmem>>) target_semaphore(%arg10 : memref<!tpu.dma_semaphore, #tpu.memory_space<semaphore_mem>>)
    %add3A_241 = arith.constant 262144 : i32
    %add3A_242 = arith.addi %add3A_241, %mul3A_2 : i32
    %dma_start3A_243 = arith.constant 16 : i32
    %dma_start3A_244 = arith.constant 0 : i32
    %dma_start3A_245 = tpu.memref_slice %arg5[%dma_start3A_243, %dma_start3A_244] : memref<50x512xi32, #tpu.memory_space<vmem>> -> memref<1x512xi32, #tpu.memory_space<vmem>>
    %dma_start3A_246 = tpu.memref_squeeze %dma_start3A_245 : memref<1x512xi32, #tpu.memory_space<vmem>> -> memref<512xi32, #tpu.memory_space<vmem>>
    %dma_start3A_247 = tpu.memref_slice %arg3[%add3A_242] : memref<819200xi32, #tpu.memory_space<hbm>> -> memref<512xi32, #tpu.memory_space<hbm>>
    %dma_start3A_248 = arith.constant 0 : i32
    %dma_start3A_249 = tpu.memref_slice %arg5[%dma_start3A_243, %dma_start3A_248] : memref<50x512xi32, #tpu.memory_space<vmem>> -> memref<1x512xi32, #tpu.memory_space<vmem>>
    %dma_start3A_250 = tpu.memref_squeeze %dma_start3A_249 : memref<1x512xi32, #tpu.memory_space<vmem>> -> memref<512xi32, #tpu.memory_space<vmem>>
    %dma_start3A_251 = tpu.memref_slice %arg3[%add3A_242] : memref<819200xi32, #tpu.memory_space<hbm>> -> memref<512xi32, #tpu.memory_space<hbm>>
    tpu.enqueue_dma source(%dma_start3A_251 : memref<512xi32, #tpu.memory_space<hbm>>) target(%dma_start3A_250 : memref<512xi32, #tpu.memory_space<vmem>>) target_semaphore(%arg10 : memref<!tpu.dma_semaphore, #tpu.memory_space<semaphore_mem>>)
    %add3A_252 = arith.constant 278528 : i32
    %add3A_253 = arith.addi %add3A_252, %mul3A_2 : i32
    %dma_start3A_254 = arith.constant 17 : i32
    %dma_start3A_255 = arith.constant 0 : i32
    %dma_start3A_256 = tpu.memref_slice %arg5[%dma_start3A_254, %dma_start3A_255] : memref<50x512xi32, #tpu.memory_space<vmem>> -> memref<1x512xi32, #tpu.memory_space<vmem>>
    %dma_start3A_257 = tpu.memref_squeeze %dma_start3A_256 : memref<1x512xi32, #tpu.memory_space<vmem>> -> memref<512xi32, #tpu.memory_space<vmem>>
    %dma_start3A_258 = tpu.memref_slice %arg3[%add3A_253] : memref<819200xi32, #tpu.memory_space<hbm>> -> memref<512xi32, #tpu.memory_space<hbm>>
    %dma_start3A_259 = arith.constant 0 : i32
    %dma_start3A_260 = tpu.memref_slice %arg5[%dma_start3A_254, %dma_start3A_259] : memref<50x512xi32, #tpu.memory_space<vmem>> -> memref<1x512xi32, #tpu.memory_space<vmem>>
    %dma_start3A_261 = tpu.memref_squeeze %dma_start3A_260 : memref<1x512xi32, #tpu.memory_space<vmem>> -> memref<512xi32, #tpu.memory_space<vmem>>
    %dma_start3A_262 = tpu.memref_slice %arg3[%add3A_253] : memref<819200xi32, #tpu.memory_space<hbm>> -> memref<512xi32, #tpu.memory_space<hbm>>
    tpu.enqueue_dma source(%dma_start3A_262 : memref<512xi32, #tpu.memory_space<hbm>>) target(%dma_start3A_261 : memref<512xi32, #tpu.memory_space<vmem>>) target_semaphore(%arg10 : memref<!tpu.dma_semaphore, #tpu.memory_space<semaphore_mem>>)
    %add3A_263 = arith.constant 294912 : i32
    %add3A_264 = arith.addi %add3A_263, %mul3A_2 : i32
    %dma_start3A_265 = arith.constant 18 : i32
    %dma_start3A_266 = arith.constant 0 : i32
    %dma_start3A_267 = tpu.memref_slice %arg5[%dma_start3A_265, %dma_start3A_266] : memref<50x512xi32, #tpu.memory_space<vmem>> -> memref<1x512xi32, #tpu.memory_space<vmem>>
    %dma_start3A_268 = tpu.memref_squeeze %dma_start3A_267 : memref<1x512xi32, #tpu.memory_space<vmem>> -> memref<512xi32, #tpu.memory_space<vmem>>
    %dma_start3A_269 = tpu.memref_slice %arg3[%add3A_264] : memref<819200xi32, #tpu.memory_space<hbm>> -> memref<512xi32, #tpu.memory_space<hbm>>
    %dma_start3A_270 = arith.constant 0 : i32
    %dma_start3A_271 = tpu.memref_slice %arg5[%dma_start3A_265, %dma_start3A_270] : memref<50x512xi32, #tpu.memory_space<vmem>> -> memref<1x512xi32, #tpu.memory_space<vmem>>
    %dma_start3A_272 = tpu.memref_squeeze %dma_start3A_271 : memref<1x512xi32, #tpu.memory_space<vmem>> -> memref<512xi32, #tpu.memory_space<vmem>>
    %dma_start3A_273 = tpu.memref_slice %arg3[%add3A_264] : memref<819200xi32, #tpu.memory_space<hbm>> -> memref<512xi32, #tpu.memory_space<hbm>>
    tpu.enqueue_dma source(%dma_start3A_273 : memref<512xi32, #tpu.memory_space<hbm>>) target(%dma_start3A_272 : memref<512xi32, #tpu.memory_space<vmem>>) target_semaphore(%arg10 : memref<!tpu.dma_semaphore, #tpu.memory_space<semaphore_mem>>)
    %add3A_274 = arith.constant 311296 : i32
    %add3A_275 = arith.addi %add3A_274, %mul3A_2 : i32
    %dma_start3A_276 = arith.constant 19 : i32
    %dma_start3A_277 = arith.constant 0 : i32
    %dma_start3A_278 = tpu.memref_slice %arg5[%dma_start3A_276, %dma_start3A_277] : memref<50x512xi32, #tpu.memory_space<vmem>> -> memref<1x512xi32, #tpu.memory_space<vmem>>
    %dma_start3A_279 = tpu.memref_squeeze %dma_start3A_278 : memref<1x512xi32, #tpu.memory_space<vmem>> -> memref<512xi32, #tpu.memory_space<vmem>>
    %dma_start3A_280 = tpu.memref_slice %arg3[%add3A_275] : memref<819200xi32, #tpu.memory_space<hbm>> -> memref<512xi32, #tpu.memory_space<hbm>>
    %dma_start3A_281 = arith.constant 0 : i32
    %dma_start3A_282 = tpu.memref_slice %arg5[%dma_start3A_276, %dma_start3A_281] : memref<50x512xi32, #tpu.memory_space<vmem>> -> memref<1x512xi32, #tpu.memory_space<vmem>>
    %dma_start3A_283 = tpu.memref_squeeze %dma_start3A_282 : memref<1x512xi32, #tpu.memory_space<vmem>> -> memref<512xi32, #tpu.memory_space<vmem>>
    %dma_start3A_284 = tpu.memref_slice %arg3[%add3A_275] : memref<819200xi32, #tpu.memory_space<hbm>> -> memref<512xi32, #tpu.memory_space<hbm>>
    tpu.enqueue_dma source(%dma_start3A_284 : memref<512xi32, #tpu.memory_space<hbm>>) target(%dma_start3A_283 : memref<512xi32, #tpu.memory_space<vmem>>) target_semaphore(%arg10 : memref<!tpu.dma_semaphore, #tpu.memory_space<semaphore_mem>>)
    %add3A_285 = arith.constant 327680 : i32
    %add3A_286 = arith.addi %add3A_285, %mul3A_2 : i32
    %dma_start3A_287 = arith.constant 20 : i32
    %dma_start3A_288 = arith.constant 0 : i32
    %dma_start3A_289 = tpu.memref_slice %arg5[%dma_start3A_287, %dma_start3A_288] : memref<50x512xi32, #tpu.memory_space<vmem>> -> memref<1x512xi32, #tpu.memory_space<vmem>>
    %dma_start3A_290 = tpu.memref_squeeze %dma_start3A_289 : memref<1x512xi32, #tpu.memory_space<vmem>> -> memref<512xi32, #tpu.memory_space<vmem>>
    %dma_start3A_291 = tpu.memref_slice %arg3[%add3A_286] : memref<819200xi32, #tpu.memory_space<hbm>> -> memref<512xi32, #tpu.memory_space<hbm>>
    %dma_start3A_292 = arith.constant 0 : i32
    %dma_start3A_293 = tpu.memref_slice %arg5[%dma_start3A_287, %dma_start3A_292] : memref<50x512xi32, #tpu.memory_space<vmem>> -> memref<1x512xi32, #tpu.memory_space<vmem>>
    %dma_start3A_294 = tpu.memref_squeeze %dma_start3A_293 : memref<1x512xi32, #tpu.memory_space<vmem>> -> memref<512xi32, #tpu.memory_space<vmem>>
    %dma_start3A_295 = tpu.memref_slice %arg3[%add3A_286] : memref<819200xi32, #tpu.memory_space<hbm>> -> memref<512xi32, #tpu.memory_space<hbm>>
    tpu.enqueue_dma source(%dma_start3A_295 : memref<512xi32, #tpu.memory_space<hbm>>) target(%dma_start3A_294 : memref<512xi32, #tpu.memory_space<vmem>>) target_semaphore(%arg10 : memref<!tpu.dma_semaphore, #tpu.memory_space<semaphore_mem>>)
    %add3A_296 = arith.constant 344064 : i32
    %add3A_297 = arith.addi %add3A_296, %mul3A_2 : i32
    %dma_start3A_298 = arith.constant 21 : i32
    %dma_start3A_299 = arith.constant 0 : i32
    %dma_start3A_300 = tpu.memref_slice %arg5[%dma_start3A_298, %dma_start3A_299] : memref<50x512xi32, #tpu.memory_space<vmem>> -> memref<1x512xi32, #tpu.memory_space<vmem>>
    %dma_start3A_301 = tpu.memref_squeeze %dma_start3A_300 : memref<1x512xi32, #tpu.memory_space<vmem>> -> memref<512xi32, #tpu.memory_space<vmem>>
    %dma_start3A_302 = tpu.memref_slice %arg3[%add3A_297] : memref<819200xi32, #tpu.memory_space<hbm>> -> memref<512xi32, #tpu.memory_space<hbm>>
    %dma_start3A_303 = arith.constant 0 : i32
    %dma_start3A_304 = tpu.memref_slice %arg5[%dma_start3A_298, %dma_start3A_303] : memref<50x512xi32, #tpu.memory_space<vmem>> -> memref<1x512xi32, #tpu.memory_space<vmem>>
    %dma_start3A_305 = tpu.memref_squeeze %dma_start3A_304 : memref<1x512xi32, #tpu.memory_space<vmem>> -> memref<512xi32, #tpu.memory_space<vmem>>
    %dma_start3A_306 = tpu.memref_slice %arg3[%add3A_297] : memref<819200xi32, #tpu.memory_space<hbm>> -> memref<512xi32, #tpu.memory_space<hbm>>
    tpu.enqueue_dma source(%dma_start3A_306 : memref<512xi32, #tpu.memory_space<hbm>>) target(%dma_start3A_305 : memref<512xi32, #tpu.memory_space<vmem>>) target_semaphore(%arg10 : memref<!tpu.dma_semaphore, #tpu.memory_space<semaphore_mem>>)
    %add3A_307 = arith.constant 360448 : i32
    %add3A_308 = arith.addi %add3A_307, %mul3A_2 : i32
    %dma_start3A_309 = arith.constant 22 : i32
    %dma_start3A_310 = arith.constant 0 : i32
    %dma_start3A_311 = tpu.memref_slice %arg5[%dma_start3A_309, %dma_start3A_310] : memref<50x512xi32, #tpu.memory_space<vmem>> -> memref<1x512xi32, #tpu.memory_space<vmem>>
    %dma_start3A_312 = tpu.memref_squeeze %dma_start3A_311 : memref<1x512xi32, #tpu.memory_space<vmem>> -> memref<512xi32, #tpu.memory_space<vmem>>
    %dma_start3A_313 = tpu.memref_slice %arg3[%add3A_308] : memref<819200xi32, #tpu.memory_space<hbm>> -> memref<512xi32, #tpu.memory_space<hbm>>
    %dma_start3A_314 = arith.constant 0 : i32
    %dma_start3A_315 = tpu.memref_slice %arg5[%dma_start3A_309, %dma_start3A_314] : memref<50x512xi32, #tpu.memory_space<vmem>> -> memref<1x512xi32, #tpu.memory_space<vmem>>
    %dma_start3A_316 = tpu.memref_squeeze %dma_start3A_315 : memref<1x512xi32, #tpu.memory_space<vmem>> -> memref<512xi32, #tpu.memory_space<vmem>>
    %dma_start3A_317 = tpu.memref_slice %arg3[%add3A_308] : memref<819200xi32, #tpu.memory_space<hbm>> -> memref<512xi32, #tpu.memory_space<hbm>>
    tpu.enqueue_dma source(%dma_start3A_317 : memref<512xi32, #tpu.memory_space<hbm>>) target(%dma_start3A_316 : memref<512xi32, #tpu.memory_space<vmem>>) target_semaphore(%arg10 : memref<!tpu.dma_semaphore, #tpu.memory_space<semaphore_mem>>)
    %add3A_318 = arith.constant 376832 : i32
    %add3A_319 = arith.addi %add3A_318, %mul3A_2 : i32
    %dma_start3A_320 = arith.constant 23 : i32
    %dma_start3A_321 = arith.constant 0 : i32
    %dma_start3A_322 = tpu.memref_slice %arg5[%dma_start3A_320, %dma_start3A_321] : memref<50x512xi32, #tpu.memory_space<vmem>> -> memref<1x512xi32, #tpu.memory_space<vmem>>
    %dma_start3A_323 = tpu.memref_squeeze %dma_start3A_322 : memref<1x512xi32, #tpu.memory_space<vmem>> -> memref<512xi32, #tpu.memory_space<vmem>>
    %dma_start3A_324 = tpu.memref_slice %arg3[%add3A_319] : memref<819200xi32, #tpu.memory_space<hbm>> -> memref<512xi32, #tpu.memory_space<hbm>>
    %dma_start3A_325 = arith.constant 0 : i32
    %dma_start3A_326 = tpu.memref_slice %arg5[%dma_start3A_320, %dma_start3A_325] : memref<50x512xi32, #tpu.memory_space<vmem>> -> memref<1x512xi32, #tpu.memory_space<vmem>>
    %dma_start3A_327 = tpu.memref_squeeze %dma_start3A_326 : memref<1x512xi32, #tpu.memory_space<vmem>> -> memref<512xi32, #tpu.memory_space<vmem>>
    %dma_start3A_328 = tpu.memref_slice %arg3[%add3A_319] : memref<819200xi32, #tpu.memory_space<hbm>> -> memref<512xi32, #tpu.memory_space<hbm>>
    tpu.enqueue_dma source(%dma_start3A_328 : memref<512xi32, #tpu.memory_space<hbm>>) target(%dma_start3A_327 : memref<512xi32, #tpu.memory_space<vmem>>) target_semaphore(%arg10 : memref<!tpu.dma_semaphore, #tpu.memory_space<semaphore_mem>>)
    %add3A_329 = arith.constant 393216 : i32
    %add3A_330 = arith.addi %add3A_329, %mul3A_2 : i32
    %dma_start3A_331 = arith.constant 24 : i32
    %dma_start3A_332 = arith.constant 0 : i32
    %dma_start3A_333 = tpu.memref_slice %arg5[%dma_start3A_331, %dma_start3A_332] : memref<50x512xi32, #tpu.memory_space<vmem>> -> memref<1x512xi32, #tpu.memory_space<vmem>>
    %dma_start3A_334 = tpu.memref_squeeze %dma_start3A_333 : memref<1x512xi32, #tpu.memory_space<vmem>> -> memref<512xi32, #tpu.memory_space<vmem>>
    %dma_start3A_335 = tpu.memref_slice %arg3[%add3A_330] : memref<819200xi32, #tpu.memory_space<hbm>> -> memref<512xi32, #tpu.memory_space<hbm>>
    %dma_start3A_336 = arith.constant 0 : i32
    %dma_start3A_337 = tpu.memref_slice %arg5[%dma_start3A_331, %dma_start3A_336] : memref<50x512xi32, #tpu.memory_space<vmem>> -> memref<1x512xi32, #tpu.memory_space<vmem>>
    %dma_start3A_338 = tpu.memref_squeeze %dma_start3A_337 : memref<1x512xi32, #tpu.memory_space<vmem>> -> memref<512xi32, #tpu.memory_space<vmem>>
    %dma_start3A_339 = tpu.memref_slice %arg3[%add3A_330] : memref<819200xi32, #tpu.memory_space<hbm>> -> memref<512xi32, #tpu.memory_space<hbm>>
    tpu.enqueue_dma source(%dma_start3A_339 : memref<512xi32, #tpu.memory_space<hbm>>) target(%dma_start3A_338 : memref<512xi32, #tpu.memory_space<vmem>>) target_semaphore(%arg10 : memref<!tpu.dma_semaphore, #tpu.memory_space<semaphore_mem>>)
    %add3A_340 = arith.constant 409600 : i32
    %add3A_341 = arith.addi %add3A_340, %mul3A_2 : i32
    %dma_start3A_342 = arith.constant 25 : i32
    %dma_start3A_343 = arith.constant 0 : i32
    %dma_start3A_344 = tpu.memref_slice %arg5[%dma_start3A_342, %dma_start3A_343] : memref<50x512xi32, #tpu.memory_space<vmem>> -> memref<1x512xi32, #tpu.memory_space<vmem>>
    %dma_start3A_345 = tpu.memref_squeeze %dma_start3A_344 : memref<1x512xi32, #tpu.memory_space<vmem>> -> memref<512xi32, #tpu.memory_space<vmem>>
    %dma_start3A_346 = tpu.memref_slice %arg3[%add3A_341] : memref<819200xi32, #tpu.memory_space<hbm>> -> memref<512xi32, #tpu.memory_space<hbm>>
    %dma_start3A_347 = arith.constant 0 : i32
    %dma_start3A_348 = tpu.memref_slice %arg5[%dma_start3A_342, %dma_start3A_347] : memref<50x512xi32, #tpu.memory_space<vmem>> -> memref<1x512xi32, #tpu.memory_space<vmem>>
    %dma_start3A_349 = tpu.memref_squeeze %dma_start3A_348 : memref<1x512xi32, #tpu.memory_space<vmem>> -> memref<512xi32, #tpu.memory_space<vmem>>
    %dma_start3A_350 = tpu.memref_slice %arg3[%add3A_341] : memref<819200xi32, #tpu.memory_space<hbm>> -> memref<512xi32, #tpu.memory_space<hbm>>
    tpu.enqueue_dma source(%dma_start3A_350 : memref<512xi32, #tpu.memory_space<hbm>>) target(%dma_start3A_349 : memref<512xi32, #tpu.memory_space<vmem>>) target_semaphore(%arg10 : memref<!tpu.dma_semaphore, #tpu.memory_space<semaphore_mem>>)
    %add3A_351 = arith.constant 425984 : i32
    %add3A_352 = arith.addi %add3A_351, %mul3A_2 : i32
    %dma_start3A_353 = arith.constant 26 : i32
    %dma_start3A_354 = arith.constant 0 : i32
    %dma_start3A_355 = tpu.memref_slice %arg5[%dma_start3A_353, %dma_start3A_354] : memref<50x512xi32, #tpu.memory_space<vmem>> -> memref<1x512xi32, #tpu.memory_space<vmem>>
    %dma_start3A_356 = tpu.memref_squeeze %dma_start3A_355 : memref<1x512xi32, #tpu.memory_space<vmem>> -> memref<512xi32, #tpu.memory_space<vmem>>
    %dma_start3A_357 = tpu.memref_slice %arg3[%add3A_352] : memref<819200xi32, #tpu.memory_space<hbm>> -> memref<512xi32, #tpu.memory_space<hbm>>
    %dma_start3A_358 = arith.constant 0 : i32
    %dma_start3A_359 = tpu.memref_slice %arg5[%dma_start3A_353, %dma_start3A_358] : memref<50x512xi32, #tpu.memory_space<vmem>> -> memref<1x512xi32, #tpu.memory_space<vmem>>
    %dma_start3A_360 = tpu.memref_squeeze %dma_start3A_359 : memref<1x512xi32, #tpu.memory_space<vmem>> -> memref<512xi32, #tpu.memory_space<vmem>>
    %dma_start3A_361 = tpu.memref_slice %arg3[%add3A_352] : memref<819200xi32, #tpu.memory_space<hbm>> -> memref<512xi32, #tpu.memory_space<hbm>>
    tpu.enqueue_dma source(%dma_start3A_361 : memref<512xi32, #tpu.memory_space<hbm>>) target(%dma_start3A_360 : memref<512xi32, #tpu.memory_space<vmem>>) target_semaphore(%arg10 : memref<!tpu.dma_semaphore, #tpu.memory_space<semaphore_mem>>)
    %add3A_362 = arith.constant 442368 : i32
    %add3A_363 = arith.addi %add3A_362, %mul3A_2 : i32
    %dma_start3A_364 = arith.constant 27 : i32
    %dma_start3A_365 = arith.constant 0 : i32
    %dma_start3A_366 = tpu.memref_slice %arg5[%dma_start3A_364, %dma_start3A_365] : memref<50x512xi32, #tpu.memory_space<vmem>> -> memref<1x512xi32, #tpu.memory_space<vmem>>
    %dma_start3A_367 = tpu.memref_squeeze %dma_start3A_366 : memref<1x512xi32, #tpu.memory_space<vmem>> -> memref<512xi32, #tpu.memory_space<vmem>>
    %dma_start3A_368 = tpu.memref_slice %arg3[%add3A_363] : memref<819200xi32, #tpu.memory_space<hbm>> -> memref<512xi32, #tpu.memory_space<hbm>>
    %dma_start3A_369 = arith.constant 0 : i32
    %dma_start3A_370 = tpu.memref_slice %arg5[%dma_start3A_364, %dma_start3A_369] : memref<50x512xi32, #tpu.memory_space<vmem>> -> memref<1x512xi32, #tpu.memory_space<vmem>>
    %dma_start3A_371 = tpu.memref_squeeze %dma_start3A_370 : memref<1x512xi32, #tpu.memory_space<vmem>> -> memref<512xi32, #tpu.memory_space<vmem>>
    %dma_start3A_372 = tpu.memref_slice %arg3[%add3A_363] : memref<819200xi32, #tpu.memory_space<hbm>> -> memref<512xi32, #tpu.memory_space<hbm>>
    tpu.enqueue_dma source(%dma_start3A_372 : memref<512xi32, #tpu.memory_space<hbm>>) target(%dma_start3A_371 : memref<512xi32, #tpu.memory_space<vmem>>) target_semaphore(%arg10 : memref<!tpu.dma_semaphore, #tpu.memory_space<semaphore_mem>>)
    %add3A_373 = arith.constant 458752 : i32
    %add3A_374 = arith.addi %add3A_373, %mul3A_2 : i32
    %dma_start3A_375 = arith.constant 28 : i32
    %dma_start3A_376 = arith.constant 0 : i32
    %dma_start3A_377 = tpu.memref_slice %arg5[%dma_start3A_375, %dma_start3A_376] : memref<50x512xi32, #tpu.memory_space<vmem>> -> memref<1x512xi32, #tpu.memory_space<vmem>>
    %dma_start3A_378 = tpu.memref_squeeze %dma_start3A_377 : memref<1x512xi32, #tpu.memory_space<vmem>> -> memref<512xi32, #tpu.memory_space<vmem>>
    %dma_start3A_379 = tpu.memref_slice %arg3[%add3A_374] : memref<819200xi32, #tpu.memory_space<hbm>> -> memref<512xi32, #tpu.memory_space<hbm>>
    %dma_start3A_380 = arith.constant 0 : i32
    %dma_start3A_381 = tpu.memref_slice %arg5[%dma_start3A_375, %dma_start3A_380] : memref<50x512xi32, #tpu.memory_space<vmem>> -> memref<1x512xi32, #tpu.memory_space<vmem>>
    %dma_start3A_382 = tpu.memref_squeeze %dma_start3A_381 : memref<1x512xi32, #tpu.memory_space<vmem>> -> memref<512xi32, #tpu.memory_space<vmem>>
    %dma_start3A_383 = tpu.memref_slice %arg3[%add3A_374] : memref<819200xi32, #tpu.memory_space<hbm>> -> memref<512xi32, #tpu.memory_space<hbm>>
    tpu.enqueue_dma source(%dma_start3A_383 : memref<512xi32, #tpu.memory_space<hbm>>) target(%dma_start3A_382 : memref<512xi32, #tpu.memory_space<vmem>>) target_semaphore(%arg10 : memref<!tpu.dma_semaphore, #tpu.memory_space<semaphore_mem>>)
    %add3A_384 = arith.constant 475136 : i32
    %add3A_385 = arith.addi %add3A_384, %mul3A_2 : i32
    %dma_start3A_386 = arith.constant 29 : i32
    %dma_start3A_387 = arith.constant 0 : i32
    %dma_start3A_388 = tpu.memref_slice %arg5[%dma_start3A_386, %dma_start3A_387] : memref<50x512xi32, #tpu.memory_space<vmem>> -> memref<1x512xi32, #tpu.memory_space<vmem>>
    %dma_start3A_389 = tpu.memref_squeeze %dma_start3A_388 : memref<1x512xi32, #tpu.memory_space<vmem>> -> memref<512xi32, #tpu.memory_space<vmem>>
    %dma_start3A_390 = tpu.memref_slice %arg3[%add3A_385] : memref<819200xi32, #tpu.memory_space<hbm>> -> memref<512xi32, #tpu.memory_space<hbm>>
    %dma_start3A_391 = arith.constant 0 : i32
    %dma_start3A_392 = tpu.memref_slice %arg5[%dma_start3A_386, %dma_start3A_391] : memref<50x512xi32, #tpu.memory_space<vmem>> -> memref<1x512xi32, #tpu.memory_space<vmem>>
    %dma_start3A_393 = tpu.memref_squeeze %dma_start3A_392 : memref<1x512xi32, #tpu.memory_space<vmem>> -> memref<512xi32, #tpu.memory_space<vmem>>
    %dma_start3A_394 = tpu.memref_slice %arg3[%add3A_385] : memref<819200xi32, #tpu.memory_space<hbm>> -> memref<512xi32, #tpu.memory_space<hbm>>
    tpu.enqueue_dma source(%dma_start3A_394 : memref<512xi32, #tpu.memory_space<hbm>>) target(%dma_start3A_393 : memref<512xi32, #tpu.memory_space<vmem>>) target_semaphore(%arg10 : memref<!tpu.dma_semaphore, #tpu.memory_space<semaphore_mem>>)
    %add3A_395 = arith.constant 491520 : i32
    %add3A_396 = arith.addi %add3A_395, %mul3A_2 : i32
    %dma_start3A_397 = arith.constant 30 : i32
    %dma_start3A_398 = arith.constant 0 : i32
    %dma_start3A_399 = tpu.memref_slice %arg5[%dma_start3A_397, %dma_start3A_398] : memref<50x512xi32, #tpu.memory_space<vmem>> -> memref<1x512xi32, #tpu.memory_space<vmem>>
    %dma_start3A_400 = tpu.memref_squeeze %dma_start3A_399 : memref<1x512xi32, #tpu.memory_space<vmem>> -> memref<512xi32, #tpu.memory_space<vmem>>
    %dma_start3A_401 = tpu.memref_slice %arg3[%add3A_396] : memref<819200xi32, #tpu.memory_space<hbm>> -> memref<512xi32, #tpu.memory_space<hbm>>
    %dma_start3A_402 = arith.constant 0 : i32
    %dma_start3A_403 = tpu.memref_slice %arg5[%dma_start3A_397, %dma_start3A_402] : memref<50x512xi32, #tpu.memory_space<vmem>> -> memref<1x512xi32, #tpu.memory_space<vmem>>
    %dma_start3A_404 = tpu.memref_squeeze %dma_start3A_403 : memref<1x512xi32, #tpu.memory_space<vmem>> -> memref<512xi32, #tpu.memory_space<vmem>>
    %dma_start3A_405 = tpu.memref_slice %arg3[%add3A_396] : memref<819200xi32, #tpu.memory_space<hbm>> -> memref<512xi32, #tpu.memory_space<hbm>>
    tpu.enqueue_dma source(%dma_start3A_405 : memref<512xi32, #tpu.memory_space<hbm>>) target(%dma_start3A_404 : memref<512xi32, #tpu.memory_space<vmem>>) target_semaphore(%arg10 : memref<!tpu.dma_semaphore, #tpu.memory_space<semaphore_mem>>)
    %add3A_406 = arith.constant 507904 : i32
    %add3A_407 = arith.addi %add3A_406, %mul3A_2 : i32
    %dma_start3A_408 = arith.constant 31 : i32
    %dma_start3A_409 = arith.constant 0 : i32
    %dma_start3A_410 = tpu.memref_slice %arg5[%dma_start3A_408, %dma_start3A_409] : memref<50x512xi32, #tpu.memory_space<vmem>> -> memref<1x512xi32, #tpu.memory_space<vmem>>
    %dma_start3A_411 = tpu.memref_squeeze %dma_start3A_410 : memref<1x512xi32, #tpu.memory_space<vmem>> -> memref<512xi32, #tpu.memory_space<vmem>>
    %dma_start3A_412 = tpu.memref_slice %arg3[%add3A_407] : memref<819200xi32, #tpu.memory_space<hbm>> -> memref<512xi32, #tpu.memory_space<hbm>>
    %dma_start3A_413 = arith.constant 0 : i32
    %dma_start3A_414 = tpu.memref_slice %arg5[%dma_start3A_408, %dma_start3A_413] : memref<50x512xi32, #tpu.memory_space<vmem>> -> memref<1x512xi32, #tpu.memory_space<vmem>>
    %dma_start3A_415 = tpu.memref_squeeze %dma_start3A_414 : memref<1x512xi32, #tpu.memory_space<vmem>> -> memref<512xi32, #tpu.memory_space<vmem>>
    %dma_start3A_416 = tpu.memref_slice %arg3[%add3A_407] : memref<819200xi32, #tpu.memory_space<hbm>> -> memref<512xi32, #tpu.memory_space<hbm>>
    tpu.enqueue_dma source(%dma_start3A_416 : memref<512xi32, #tpu.memory_space<hbm>>) target(%dma_start3A_415 : memref<512xi32, #tpu.memory_space<vmem>>) target_semaphore(%arg10 : memref<!tpu.dma_semaphore, #tpu.memory_space<semaphore_mem>>)
    %add3A_417 = arith.constant 524288 : i32
    %add3A_418 = arith.addi %add3A_417, %mul3A_2 : i32
    %dma_start3A_419 = arith.constant 32 : i32
    %dma_start3A_420 = arith.constant 0 : i32
    %dma_start3A_421 = tpu.memref_slice %arg5[%dma_start3A_419, %dma_start3A_420] : memref<50x512xi32, #tpu.memory_space<vmem>> -> memref<1x512xi32, #tpu.memory_space<vmem>>
    %dma_start3A_422 = tpu.memref_squeeze %dma_start3A_421 : memref<1x512xi32, #tpu.memory_space<vmem>> -> memref<512xi32, #tpu.memory_space<vmem>>
    %dma_start3A_423 = tpu.memref_slice %arg3[%add3A_418] : memref<819200xi32, #tpu.memory_space<hbm>> -> memref<512xi32, #tpu.memory_space<hbm>>
    %dma_start3A_424 = arith.constant 0 : i32
    %dma_start3A_425 = tpu.memref_slice %arg5[%dma_start3A_419, %dma_start3A_424] : memref<50x512xi32, #tpu.memory_space<vmem>> -> memref<1x512xi32, #tpu.memory_space<vmem>>
    %dma_start3A_426 = tpu.memref_squeeze %dma_start3A_425 : memref<1x512xi32, #tpu.memory_space<vmem>> -> memref<512xi32, #tpu.memory_space<vmem>>
    %dma_start3A_427 = tpu.memref_slice %arg3[%add3A_418] : memref<819200xi32, #tpu.memory_space<hbm>> -> memref<512xi32, #tpu.memory_space<hbm>>
    tpu.enqueue_dma source(%dma_start3A_427 : memref<512xi32, #tpu.memory_space<hbm>>) target(%dma_start3A_426 : memref<512xi32, #tpu.memory_space<vmem>>) target_semaphore(%arg10 : memref<!tpu.dma_semaphore, #tpu.memory_space<semaphore_mem>>)
    %add3A_428 = arith.constant 540672 : i32
    %add3A_429 = arith.addi %add3A_428, %mul3A_2 : i32
    %dma_start3A_430 = arith.constant 33 : i32
    %dma_start3A_431 = arith.constant 0 : i32
    %dma_start3A_432 = tpu.memref_slice %arg5[%dma_start3A_430, %dma_start3A_431] : memref<50x512xi32, #tpu.memory_space<vmem>> -> memref<1x512xi32, #tpu.memory_space<vmem>>
    %dma_start3A_433 = tpu.memref_squeeze %dma_start3A_432 : memref<1x512xi32, #tpu.memory_space<vmem>> -> memref<512xi32, #tpu.memory_space<vmem>>
    %dma_start3A_434 = tpu.memref_slice %arg3[%add3A_429] : memref<819200xi32, #tpu.memory_space<hbm>> -> memref<512xi32, #tpu.memory_space<hbm>>
    %dma_start3A_435 = arith.constant 0 : i32
    %dma_start3A_436 = tpu.memref_slice %arg5[%dma_start3A_430, %dma_start3A_435] : memref<50x512xi32, #tpu.memory_space<vmem>> -> memref<1x512xi32, #tpu.memory_space<vmem>>
    %dma_start3A_437 = tpu.memref_squeeze %dma_start3A_436 : memref<1x512xi32, #tpu.memory_space<vmem>> -> memref<512xi32, #tpu.memory_space<vmem>>
    %dma_start3A_438 = tpu.memref_slice %arg3[%add3A_429] : memref<819200xi32, #tpu.memory_space<hbm>> -> memref<512xi32, #tpu.memory_space<hbm>>
    tpu.enqueue_dma source(%dma_start3A_438 : memref<512xi32, #tpu.memory_space<hbm>>) target(%dma_start3A_437 : memref<512xi32, #tpu.memory_space<vmem>>) target_semaphore(%arg10 : memref<!tpu.dma_semaphore, #tpu.memory_space<semaphore_mem>>)
    %add3A_439 = arith.constant 557056 : i32
    %add3A_440 = arith.addi %add3A_439, %mul3A_2 : i32
    %dma_start3A_441 = arith.constant 34 : i32
    %dma_start3A_442 = arith.constant 0 : i32
    %dma_start3A_443 = tpu.memref_slice %arg5[%dma_start3A_441, %dma_start3A_442] : memref<50x512xi32, #tpu.memory_space<vmem>> -> memref<1x512xi32, #tpu.memory_space<vmem>>
    %dma_start3A_444 = tpu.memref_squeeze %dma_start3A_443 : memref<1x512xi32, #tpu.memory_space<vmem>> -> memref<512xi32, #tpu.memory_space<vmem>>
    %dma_start3A_445 = tpu.memref_slice %arg3[%add3A_440] : memref<819200xi32, #tpu.memory_space<hbm>> -> memref<512xi32, #tpu.memory_space<hbm>>
    %dma_start3A_446 = arith.constant 0 : i32
    %dma_start3A_447 = tpu.memref_slice %arg5[%dma_start3A_441, %dma_start3A_446] : memref<50x512xi32, #tpu.memory_space<vmem>> -> memref<1x512xi32, #tpu.memory_space<vmem>>
    %dma_start3A_448 = tpu.memref_squeeze %dma_start3A_447 : memref<1x512xi32, #tpu.memory_space<vmem>> -> memref<512xi32, #tpu.memory_space<vmem>>
    %dma_start3A_449 = tpu.memref_slice %arg3[%add3A_440] : memref<819200xi32, #tpu.memory_space<hbm>> -> memref<512xi32, #tpu.memory_space<hbm>>
    tpu.enqueue_dma source(%dma_start3A_449 : memref<512xi32, #tpu.memory_space<hbm>>) target(%dma_start3A_448 : memref<512xi32, #tpu.memory_space<vmem>>) target_semaphore(%arg10 : memref<!tpu.dma_semaphore, #tpu.memory_space<semaphore_mem>>)
    %add3A_450 = arith.constant 573440 : i32
    %add3A_451 = arith.addi %add3A_450, %mul3A_2 : i32
    %dma_start3A_452 = arith.constant 35 : i32
    %dma_start3A_453 = arith.constant 0 : i32
    %dma_start3A_454 = tpu.memref_slice %arg5[%dma_start3A_452, %dma_start3A_453] : memref<50x512xi32, #tpu.memory_space<vmem>> -> memref<1x512xi32, #tpu.memory_space<vmem>>
    %dma_start3A_455 = tpu.memref_squeeze %dma_start3A_454 : memref<1x512xi32, #tpu.memory_space<vmem>> -> memref<512xi32, #tpu.memory_space<vmem>>
    %dma_start3A_456 = tpu.memref_slice %arg3[%add3A_451] : memref<819200xi32, #tpu.memory_space<hbm>> -> memref<512xi32, #tpu.memory_space<hbm>>
    %dma_start3A_457 = arith.constant 0 : i32
    %dma_start3A_458 = tpu.memref_slice %arg5[%dma_start3A_452, %dma_start3A_457] : memref<50x512xi32, #tpu.memory_space<vmem>> -> memref<1x512xi32, #tpu.memory_space<vmem>>
    %dma_start3A_459 = tpu.memref_squeeze %dma_start3A_458 : memref<1x512xi32, #tpu.memory_space<vmem>> -> memref<512xi32, #tpu.memory_space<vmem>>
    %dma_start3A_460 = tpu.memref_slice %arg3[%add3A_451] : memref<819200xi32, #tpu.memory_space<hbm>> -> memref<512xi32, #tpu.memory_space<hbm>>
    tpu.enqueue_dma source(%dma_start3A_460 : memref<512xi32, #tpu.memory_space<hbm>>) target(%dma_start3A_459 : memref<512xi32, #tpu.memory_space<vmem>>) target_semaphore(%arg10 : memref<!tpu.dma_semaphore, #tpu.memory_space<semaphore_mem>>)
    %add3A_461 = arith.constant 589824 : i32
    %add3A_462 = arith.addi %add3A_461, %mul3A_2 : i32
    %dma_start3A_463 = arith.constant 36 : i32
    %dma_start3A_464 = arith.constant 0 : i32
    %dma_start3A_465 = tpu.memref_slice %arg5[%dma_start3A_463, %dma_start3A_464] : memref<50x512xi32, #tpu.memory_space<vmem>> -> memref<1x512xi32, #tpu.memory_space<vmem>>
    %dma_start3A_466 = tpu.memref_squeeze %dma_start3A_465 : memref<1x512xi32, #tpu.memory_space<vmem>> -> memref<512xi32, #tpu.memory_space<vmem>>
    %dma_start3A_467 = tpu.memref_slice %arg3[%add3A_462] : memref<819200xi32, #tpu.memory_space<hbm>> -> memref<512xi32, #tpu.memory_space<hbm>>
    %dma_start3A_468 = arith.constant 0 : i32
    %dma_start3A_469 = tpu.memref_slice %arg5[%dma_start3A_463, %dma_start3A_468] : memref<50x512xi32, #tpu.memory_space<vmem>> -> memref<1x512xi32, #tpu.memory_space<vmem>>
    %dma_start3A_470 = tpu.memref_squeeze %dma_start3A_469 : memref<1x512xi32, #tpu.memory_space<vmem>> -> memref<512xi32, #tpu.memory_space<vmem>>
    %dma_start3A_471 = tpu.memref_slice %arg3[%add3A_462] : memref<819200xi32, #tpu.memory_space<hbm>> -> memref<512xi32, #tpu.memory_space<hbm>>
    tpu.enqueue_dma source(%dma_start3A_471 : memref<512xi32, #tpu.memory_space<hbm>>) target(%dma_start3A_470 : memref<512xi32, #tpu.memory_space<vmem>>) target_semaphore(%arg10 : memref<!tpu.dma_semaphore, #tpu.memory_space<semaphore_mem>>)
    %add3A_472 = arith.constant 606208 : i32
    %add3A_473 = arith.addi %add3A_472, %mul3A_2 : i32
    %dma_start3A_474 = arith.constant 37 : i32
    %dma_start3A_475 = arith.constant 0 : i32
    %dma_start3A_476 = tpu.memref_slice %arg5[%dma_start3A_474, %dma_start3A_475] : memref<50x512xi32, #tpu.memory_space<vmem>> -> memref<1x512xi32, #tpu.memory_space<vmem>>
    %dma_start3A_477 = tpu.memref_squeeze %dma_start3A_476 : memref<1x512xi32, #tpu.memory_space<vmem>> -> memref<512xi32, #tpu.memory_space<vmem>>
    %dma_start3A_478 = tpu.memref_slice %arg3[%add3A_473] : memref<819200xi32, #tpu.memory_space<hbm>> -> memref<512xi32, #tpu.memory_space<hbm>>
    %dma_start3A_479 = arith.constant 0 : i32
    %dma_start3A_480 = tpu.memref_slice %arg5[%dma_start3A_474, %dma_start3A_479] : memref<50x512xi32, #tpu.memory_space<vmem>> -> memref<1x512xi32, #tpu.memory_space<vmem>>
    %dma_start3A_481 = tpu.memref_squeeze %dma_start3A_480 : memref<1x512xi32, #tpu.memory_space<vmem>> -> memref<512xi32, #tpu.memory_space<vmem>>
    %dma_start3A_482 = tpu.memref_slice %arg3[%add3A_473] : memref<819200xi32, #tpu.memory_space<hbm>> -> memref<512xi32, #tpu.memory_space<hbm>>
    tpu.enqueue_dma source(%dma_start3A_482 : memref<512xi32, #tpu.memory_space<hbm>>) target(%dma_start3A_481 : memref<512xi32, #tpu.memory_space<vmem>>) target_semaphore(%arg10 : memref<!tpu.dma_semaphore, #tpu.memory_space<semaphore_mem>>)
    %add3A_483 = arith.constant 622592 : i32
    %add3A_484 = arith.addi %add3A_483, %mul3A_2 : i32
    %dma_start3A_485 = arith.constant 38 : i32
    %dma_start3A_486 = arith.constant 0 : i32
    %dma_start3A_487 = tpu.memref_slice %arg5[%dma_start3A_485, %dma_start3A_486] : memref<50x512xi32, #tpu.memory_space<vmem>> -> memref<1x512xi32, #tpu.memory_space<vmem>>
    %dma_start3A_488 = tpu.memref_squeeze %dma_start3A_487 : memref<1x512xi32, #tpu.memory_space<vmem>> -> memref<512xi32, #tpu.memory_space<vmem>>
    %dma_start3A_489 = tpu.memref_slice %arg3[%add3A_484] : memref<819200xi32, #tpu.memory_space<hbm>> -> memref<512xi32, #tpu.memory_space<hbm>>
    %dma_start3A_490 = arith.constant 0 : i32
    %dma_start3A_491 = tpu.memref_slice %arg5[%dma_start3A_485, %dma_start3A_490] : memref<50x512xi32, #tpu.memory_space<vmem>> -> memref<1x512xi32, #tpu.memory_space<vmem>>
    %dma_start3A_492 = tpu.memref_squeeze %dma_start3A_491 : memref<1x512xi32, #tpu.memory_space<vmem>> -> memref<512xi32, #tpu.memory_space<vmem>>
    %dma_start3A_493 = tpu.memref_slice %arg3[%add3A_484] : memref<819200xi32, #tpu.memory_space<hbm>> -> memref<512xi32, #tpu.memory_space<hbm>>
    tpu.enqueue_dma source(%dma_start3A_493 : memref<512xi32, #tpu.memory_space<hbm>>) target(%dma_start3A_492 : memref<512xi32, #tpu.memory_space<vmem>>) target_semaphore(%arg10 : memref<!tpu.dma_semaphore, #tpu.memory_space<semaphore_mem>>)
    %add3A_494 = arith.constant 638976 : i32
    %add3A_495 = arith.addi %add3A_494, %mul3A_2 : i32
    %dma_start3A_496 = arith.constant 39 : i32
    %dma_start3A_497 = arith.constant 0 : i32
    %dma_start3A_498 = tpu.memref_slice %arg5[%dma_start3A_496, %dma_start3A_497] : memref<50x512xi32, #tpu.memory_space<vmem>> -> memref<1x512xi32, #tpu.memory_space<vmem>>
    %dma_start3A_499 = tpu.memref_squeeze %dma_start3A_498 : memref<1x512xi32, #tpu.memory_space<vmem>> -> memref<512xi32, #tpu.memory_space<vmem>>
    %dma_start3A_500 = tpu.memref_slice %arg3[%add3A_495] : memref<819200xi32, #tpu.memory_space<hbm>> -> memref<512xi32, #tpu.memory_space<hbm>>
    %dma_start3A_501 = arith.constant 0 : i32
    %dma_start3A_502 = tpu.memref_slice %arg5[%dma_start3A_496, %dma_start3A_501] : memref<50x512xi32, #tpu.memory_space<vmem>> -> memref<1x512xi32, #tpu.memory_space<vmem>>
    %dma_start3A_503 = tpu.memref_squeeze %dma_start3A_502 : memref<1x512xi32, #tpu.memory_space<vmem>> -> memref<512xi32, #tpu.memory_space<vmem>>
    %dma_start3A_504 = tpu.memref_slice %arg3[%add3A_495] : memref<819200xi32, #tpu.memory_space<hbm>> -> memref<512xi32, #tpu.memory_space<hbm>>
    tpu.enqueue_dma source(%dma_start3A_504 : memref<512xi32, #tpu.memory_space<hbm>>) target(%dma_start3A_503 : memref<512xi32, #tpu.memory_space<vmem>>) target_semaphore(%arg10 : memref<!tpu.dma_semaphore, #tpu.memory_space<semaphore_mem>>)
    %add3A_505 = arith.constant 655360 : i32
    %add3A_506 = arith.addi %add3A_505, %mul3A_2 : i32
    %dma_start3A_507 = arith.constant 40 : i32
    %dma_start3A_508 = arith.constant 0 : i32
    %dma_start3A_509 = tpu.memref_slice %arg5[%dma_start3A_507, %dma_start3A_508] : memref<50x512xi32, #tpu.memory_space<vmem>> -> memref<1x512xi32, #tpu.memory_space<vmem>>
    %dma_start3A_510 = tpu.memref_squeeze %dma_start3A_509 : memref<1x512xi32, #tpu.memory_space<vmem>> -> memref<512xi32, #tpu.memory_space<vmem>>
    %dma_start3A_511 = tpu.memref_slice %arg3[%add3A_506] : memref<819200xi32, #tpu.memory_space<hbm>> -> memref<512xi32, #tpu.memory_space<hbm>>
    %dma_start3A_512 = arith.constant 0 : i32
    %dma_start3A_513 = tpu.memref_slice %arg5[%dma_start3A_507, %dma_start3A_512] : memref<50x512xi32, #tpu.memory_space<vmem>> -> memref<1x512xi32, #tpu.memory_space<vmem>>
    %dma_start3A_514 = tpu.memref_squeeze %dma_start3A_513 : memref<1x512xi32, #tpu.memory_space<vmem>> -> memref<512xi32, #tpu.memory_space<vmem>>
    %dma_start3A_515 = tpu.memref_slice %arg3[%add3A_506] : memref<819200xi32, #tpu.memory_space<hbm>> -> memref<512xi32, #tpu.memory_space<hbm>>
    tpu.enqueue_dma source(%dma_start3A_515 : memref<512xi32, #tpu.memory_space<hbm>>) target(%dma_start3A_514 : memref<512xi32, #tpu.memory_space<vmem>>) target_semaphore(%arg10 : memref<!tpu.dma_semaphore, #tpu.memory_space<semaphore_mem>>)
    %add3A_516 = arith.constant 671744 : i32
    %add3A_517 = arith.addi %add3A_516, %mul3A_2 : i32
    %dma_start3A_518 = arith.constant 41 : i32
    %dma_start3A_519 = arith.constant 0 : i32
    %dma_start3A_520 = tpu.memref_slice %arg5[%dma_start3A_518, %dma_start3A_519] : memref<50x512xi32, #tpu.memory_space<vmem>> -> memref<1x512xi32, #tpu.memory_space<vmem>>
    %dma_start3A_521 = tpu.memref_squeeze %dma_start3A_520 : memref<1x512xi32, #tpu.memory_space<vmem>> -> memref<512xi32, #tpu.memory_space<vmem>>
    %dma_start3A_522 = tpu.memref_slice %arg3[%add3A_517] : memref<819200xi32, #tpu.memory_space<hbm>> -> memref<512xi32, #tpu.memory_space<hbm>>
    %dma_start3A_523 = arith.constant 0 : i32
    %dma_start3A_524 = tpu.memref_slice %arg5[%dma_start3A_518, %dma_start3A_523] : memref<50x512xi32, #tpu.memory_space<vmem>> -> memref<1x512xi32, #tpu.memory_space<vmem>>
    %dma_start3A_525 = tpu.memref_squeeze %dma_start3A_524 : memref<1x512xi32, #tpu.memory_space<vmem>> -> memref<512xi32, #tpu.memory_space<vmem>>
    %dma_start3A_526 = tpu.memref_slice %arg3[%add3A_517] : memref<819200xi32, #tpu.memory_space<hbm>> -> memref<512xi32, #tpu.memory_space<hbm>>
    tpu.enqueue_dma source(%dma_start3A_526 : memref<512xi32, #tpu.memory_space<hbm>>) target(%dma_start3A_525 : memref<512xi32, #tpu.memory_space<vmem>>) target_semaphore(%arg10 : memref<!tpu.dma_semaphore, #tpu.memory_space<semaphore_mem>>)
    %add3A_527 = arith.constant 688128 : i32
    %add3A_528 = arith.addi %add3A_527, %mul3A_2 : i32
    %dma_start3A_529 = arith.constant 42 : i32
    %dma_start3A_530 = arith.constant 0 : i32
    %dma_start3A_531 = tpu.memref_slice %arg5[%dma_start3A_529, %dma_start3A_530] : memref<50x512xi32, #tpu.memory_space<vmem>> -> memref<1x512xi32, #tpu.memory_space<vmem>>
    %dma_start3A_532 = tpu.memref_squeeze %dma_start3A_531 : memref<1x512xi32, #tpu.memory_space<vmem>> -> memref<512xi32, #tpu.memory_space<vmem>>
    %dma_start3A_533 = tpu.memref_slice %arg3[%add3A_528] : memref<819200xi32, #tpu.memory_space<hbm>> -> memref<512xi32, #tpu.memory_space<hbm>>
    %dma_start3A_534 = arith.constant 0 : i32
    %dma_start3A_535 = tpu.memref_slice %arg5[%dma_start3A_529, %dma_start3A_534] : memref<50x512xi32, #tpu.memory_space<vmem>> -> memref<1x512xi32, #tpu.memory_space<vmem>>
    %dma_start3A_536 = tpu.memref_squeeze %dma_start3A_535 : memref<1x512xi32, #tpu.memory_space<vmem>> -> memref<512xi32, #tpu.memory_space<vmem>>
    %dma_start3A_537 = tpu.memref_slice %arg3[%add3A_528] : memref<819200xi32, #tpu.memory_space<hbm>> -> memref<512xi32, #tpu.memory_space<hbm>>
    tpu.enqueue_dma source(%dma_start3A_537 : memref<512xi32, #tpu.memory_space<hbm>>) target(%dma_start3A_536 : memref<512xi32, #tpu.memory_space<vmem>>) target_semaphore(%arg10 : memref<!tpu.dma_semaphore, #tpu.memory_space<semaphore_mem>>)
    %add3A_538 = arith.constant 704512 : i32
    %add3A_539 = arith.addi %add3A_538, %mul3A_2 : i32
    %dma_start3A_540 = arith.constant 43 : i32
    %dma_start3A_541 = arith.constant 0 : i32
    %dma_start3A_542 = tpu.memref_slice %arg5[%dma_start3A_540, %dma_start3A_541] : memref<50x512xi32, #tpu.memory_space<vmem>> -> memref<1x512xi32, #tpu.memory_space<vmem>>
    %dma_start3A_543 = tpu.memref_squeeze %dma_start3A_542 : memref<1x512xi32, #tpu.memory_space<vmem>> -> memref<512xi32, #tpu.memory_space<vmem>>
    %dma_start3A_544 = tpu.memref_slice %arg3[%add3A_539] : memref<819200xi32, #tpu.memory_space<hbm>> -> memref<512xi32, #tpu.memory_space<hbm>>
    %dma_start3A_545 = arith.constant 0 : i32
    %dma_start3A_546 = tpu.memref_slice %arg5[%dma_start3A_540, %dma_start3A_545] : memref<50x512xi32, #tpu.memory_space<vmem>> -> memref<1x512xi32, #tpu.memory_space<vmem>>
    %dma_start3A_547 = tpu.memref_squeeze %dma_start3A_546 : memref<1x512xi32, #tpu.memory_space<vmem>> -> memref<512xi32, #tpu.memory_space<vmem>>
    %dma_start3A_548 = tpu.memref_slice %arg3[%add3A_539] : memref<819200xi32, #tpu.memory_space<hbm>> -> memref<512xi32, #tpu.memory_space<hbm>>
    tpu.enqueue_dma source(%dma_start3A_548 : memref<512xi32, #tpu.memory_space<hbm>>) target(%dma_start3A_547 : memref<512xi32, #tpu.memory_space<vmem>>) target_semaphore(%arg10 : memref<!tpu.dma_semaphore, #tpu.memory_space<semaphore_mem>>)
    %add3A_549 = arith.constant 720896 : i32
    %add3A_550 = arith.addi %add3A_549, %mul3A_2 : i32
    %dma_start3A_551 = arith.constant 44 : i32
    %dma_start3A_552 = arith.constant 0 : i32
    %dma_start3A_553 = tpu.memref_slice %arg5[%dma_start3A_551, %dma_start3A_552] : memref<50x512xi32, #tpu.memory_space<vmem>> -> memref<1x512xi32, #tpu.memory_space<vmem>>
    %dma_start3A_554 = tpu.memref_squeeze %dma_start3A_553 : memref<1x512xi32, #tpu.memory_space<vmem>> -> memref<512xi32, #tpu.memory_space<vmem>>
    %dma_start3A_555 = tpu.memref_slice %arg3[%add3A_550] : memref<819200xi32, #tpu.memory_space<hbm>> -> memref<512xi32, #tpu.memory_space<hbm>>
    %dma_start3A_556 = arith.constant 0 : i32
    %dma_start3A_557 = tpu.memref_slice %arg5[%dma_start3A_551, %dma_start3A_556] : memref<50x512xi32, #tpu.memory_space<vmem>> -> memref<1x512xi32, #tpu.memory_space<vmem>>
    %dma_start3A_558 = tpu.memref_squeeze %dma_start3A_557 : memref<1x512xi32, #tpu.memory_space<vmem>> -> memref<512xi32, #tpu.memory_space<vmem>>
    %dma_start3A_559 = tpu.memref_slice %arg3[%add3A_550] : memref<819200xi32, #tpu.memory_space<hbm>> -> memref<512xi32, #tpu.memory_space<hbm>>
    tpu.enqueue_dma source(%dma_start3A_559 : memref<512xi32, #tpu.memory_space<hbm>>) target(%dma_start3A_558 : memref<512xi32, #tpu.memory_space<vmem>>) target_semaphore(%arg10 : memref<!tpu.dma_semaphore, #tpu.memory_space<semaphore_mem>>)
    %add3A_560 = arith.constant 737280 : i32
    %add3A_561 = arith.addi %add3A_560, %mul3A_2 : i32
    %dma_start3A_562 = arith.constant 45 : i32
    %dma_start3A_563 = arith.constant 0 : i32
    %dma_start3A_564 = tpu.memref_slice %arg5[%dma_start3A_562, %dma_start3A_563] : memref<50x512xi32, #tpu.memory_space<vmem>> -> memref<1x512xi32, #tpu.memory_space<vmem>>
    %dma_start3A_565 = tpu.memref_squeeze %dma_start3A_564 : memref<1x512xi32, #tpu.memory_space<vmem>> -> memref<512xi32, #tpu.memory_space<vmem>>
    %dma_start3A_566 = tpu.memref_slice %arg3[%add3A_561] : memref<819200xi32, #tpu.memory_space<hbm>> -> memref<512xi32, #tpu.memory_space<hbm>>
    %dma_start3A_567 = arith.constant 0 : i32
    %dma_start3A_568 = tpu.memref_slice %arg5[%dma_start3A_562, %dma_start3A_567] : memref<50x512xi32, #tpu.memory_space<vmem>> -> memref<1x512xi32, #tpu.memory_space<vmem>>
    %dma_start3A_569 = tpu.memref_squeeze %dma_start3A_568 : memref<1x512xi32, #tpu.memory_space<vmem>> -> memref<512xi32, #tpu.memory_space<vmem>>
    %dma_start3A_570 = tpu.memref_slice %arg3[%add3A_561] : memref<819200xi32, #tpu.memory_space<hbm>> -> memref<512xi32, #tpu.memory_space<hbm>>
    tpu.enqueue_dma source(%dma_start3A_570 : memref<512xi32, #tpu.memory_space<hbm>>) target(%dma_start3A_569 : memref<512xi32, #tpu.memory_space<vmem>>) target_semaphore(%arg10 : memref<!tpu.dma_semaphore, #tpu.memory_space<semaphore_mem>>)
    %add3A_571 = arith.constant 753664 : i32
    %add3A_572 = arith.addi %add3A_571, %mul3A_2 : i32
    %dma_start3A_573 = arith.constant 46 : i32
    %dma_start3A_574 = arith.constant 0 : i32
    %dma_start3A_575 = tpu.memref_slice %arg5[%dma_start3A_573, %dma_start3A_574] : memref<50x512xi32, #tpu.memory_space<vmem>> -> memref<1x512xi32, #tpu.memory_space<vmem>>
    %dma_start3A_576 = tpu.memref_squeeze %dma_start3A_575 : memref<1x512xi32, #tpu.memory_space<vmem>> -> memref<512xi32, #tpu.memory_space<vmem>>
    %dma_start3A_577 = tpu.memref_slice %arg3[%add3A_572] : memref<819200xi32, #tpu.memory_space<hbm>> -> memref<512xi32, #tpu.memory_space<hbm>>
    %dma_start3A_578 = arith.constant 0 : i32
    %dma_start3A_579 = tpu.memref_slice %arg5[%dma_start3A_573, %dma_start3A_578] : memref<50x512xi32, #tpu.memory_space<vmem>> -> memref<1x512xi32, #tpu.memory_space<vmem>>
    %dma_start3A_580 = tpu.memref_squeeze %dma_start3A_579 : memref<1x512xi32, #tpu.memory_space<vmem>> -> memref<512xi32, #tpu.memory_space<vmem>>
    %dma_start3A_581 = tpu.memref_slice %arg3[%add3A_572] : memref<819200xi32, #tpu.memory_space<hbm>> -> memref<512xi32, #tpu.memory_space<hbm>>
    tpu.enqueue_dma source(%dma_start3A_581 : memref<512xi32, #tpu.memory_space<hbm>>) target(%dma_start3A_580 : memref<512xi32, #tpu.memory_space<vmem>>) target_semaphore(%arg10 : memref<!tpu.dma_semaphore, #tpu.memory_space<semaphore_mem>>)
    %add3A_582 = arith.constant 770048 : i32
    %add3A_583 = arith.addi %add3A_582, %mul3A_2 : i32
    %dma_start3A_584 = arith.constant 47 : i32
    %dma_start3A_585 = arith.constant 0 : i32
    %dma_start3A_586 = tpu.memref_slice %arg5[%dma_start3A_584, %dma_start3A_585] : memref<50x512xi32, #tpu.memory_space<vmem>> -> memref<1x512xi32, #tpu.memory_space<vmem>>
    %dma_start3A_587 = tpu.memref_squeeze %dma_start3A_586 : memref<1x512xi32, #tpu.memory_space<vmem>> -> memref<512xi32, #tpu.memory_space<vmem>>
    %dma_start3A_588 = tpu.memref_slice %arg3[%add3A_583] : memref<819200xi32, #tpu.memory_space<hbm>> -> memref<512xi32, #tpu.memory_space<hbm>>
    %dma_start3A_589 = arith.constant 0 : i32
    %dma_start3A_590 = tpu.memref_slice %arg5[%dma_start3A_584, %dma_start3A_589] : memref<50x512xi32, #tpu.memory_space<vmem>> -> memref<1x512xi32, #tpu.memory_space<vmem>>
    %dma_start3A_591 = tpu.memref_squeeze %dma_start3A_590 : memref<1x512xi32, #tpu.memory_space<vmem>> -> memref<512xi32, #tpu.memory_space<vmem>>
    %dma_start3A_592 = tpu.memref_slice %arg3[%add3A_583] : memref<819200xi32, #tpu.memory_space<hbm>> -> memref<512xi32, #tpu.memory_space<hbm>>
    tpu.enqueue_dma source(%dma_start3A_592 : memref<512xi32, #tpu.memory_space<hbm>>) target(%dma_start3A_591 : memref<512xi32, #tpu.memory_space<vmem>>) target_semaphore(%arg10 : memref<!tpu.dma_semaphore, #tpu.memory_space<semaphore_mem>>)
    %add3A_593 = arith.constant 786432 : i32
    %add3A_594 = arith.addi %add3A_593, %mul3A_2 : i32
    %dma_start3A_595 = arith.constant 48 : i32
    %dma_start3A_596 = arith.constant 0 : i32
    %dma_start3A_597 = tpu.memref_slice %arg5[%dma_start3A_595, %dma_start3A_596] : memref<50x512xi32, #tpu.memory_space<vmem>> -> memref<1x512xi32, #tpu.memory_space<vmem>>
    %dma_start3A_598 = tpu.memref_squeeze %dma_start3A_597 : memref<1x512xi32, #tpu.memory_space<vmem>> -> memref<512xi32, #tpu.memory_space<vmem>>
    %dma_start3A_599 = tpu.memref_slice %arg3[%add3A_594] : memref<819200xi32, #tpu.memory_space<hbm>> -> memref<512xi32, #tpu.memory_space<hbm>>
    %dma_start3A_600 = arith.constant 0 : i32
    %dma_start3A_601 = tpu.memref_slice %arg5[%dma_start3A_595, %dma_start3A_600] : memref<50x512xi32, #tpu.memory_space<vmem>> -> memref<1x512xi32, #tpu.memory_space<vmem>>
    %dma_start3A_602 = tpu.memref_squeeze %dma_start3A_601 : memref<1x512xi32, #tpu.memory_space<vmem>> -> memref<512xi32, #tpu.memory_space<vmem>>
    %dma_start3A_603 = tpu.memref_slice %arg3[%add3A_594] : memref<819200xi32, #tpu.memory_space<hbm>> -> memref<512xi32, #tpu.memory_space<hbm>>
    tpu.enqueue_dma source(%dma_start3A_603 : memref<512xi32, #tpu.memory_space<hbm>>) target(%dma_start3A_602 : memref<512xi32, #tpu.memory_space<vmem>>) target_semaphore(%arg10 : memref<!tpu.dma_semaphore, #tpu.memory_space<semaphore_mem>>)
    %add3A_604 = arith.constant 802816 : i32
    %add3A_605 = arith.addi %add3A_604, %mul3A_2 : i32
    %dma_start3A_606 = arith.constant 49 : i32
    %dma_start3A_607 = arith.constant 0 : i32
    %dma_start3A_608 = tpu.memref_slice %arg5[%dma_start3A_606, %dma_start3A_607] : memref<50x512xi32, #tpu.memory_space<vmem>> -> memref<1x512xi32, #tpu.memory_space<vmem>>
    %dma_start3A_609 = tpu.memref_squeeze %dma_start3A_608 : memref<1x512xi32, #tpu.memory_space<vmem>> -> memref<512xi32, #tpu.memory_space<vmem>>
    %dma_start3A_610 = tpu.memref_slice %arg3[%add3A_605] : memref<819200xi32, #tpu.memory_space<hbm>> -> memref<512xi32, #tpu.memory_space<hbm>>
    %dma_start3A_611 = arith.constant 0 : i32
    %dma_start3A_612 = tpu.memref_slice %arg5[%dma_start3A_606, %dma_start3A_611] : memref<50x512xi32, #tpu.memory_space<vmem>> -> memref<1x512xi32, #tpu.memory_space<vmem>>
    %dma_start3A_613 = tpu.memref_squeeze %dma_start3A_612 : memref<1x512xi32, #tpu.memory_space<vmem>> -> memref<512xi32, #tpu.memory_space<vmem>>
    %dma_start3A_614 = tpu.memref_slice %arg3[%add3A_605] : memref<819200xi32, #tpu.memory_space<hbm>> -> memref<512xi32, #tpu.memory_space<hbm>>
    tpu.enqueue_dma source(%dma_start3A_614 : memref<512xi32, #tpu.memory_space<hbm>>) target(%dma_start3A_613 : memref<512xi32, #tpu.memory_space<vmem>>) target_semaphore(%arg10 : memref<!tpu.dma_semaphore, #tpu.memory_space<semaphore_mem>>)
    %add3A_615 = arith.constant 0 : i32
    %add3A_616 = arith.addi %add3A_615, %mul3A_2 : i32
    %dma_wait3A = arith.constant 0 : i32
    %dma_wait3A_617 = arith.constant 0 : i32
    %dma_wait3A_618 = tpu.memref_slice %arg5[%dma_wait3A, %dma_wait3A_617] : memref<50x512xi32, #tpu.memory_space<vmem>> -> memref<1x512xi32, #tpu.memory_space<vmem>>
    %dma_wait3A_619 = tpu.memref_squeeze %dma_wait3A_618 : memref<1x512xi32, #tpu.memory_space<vmem>> -> memref<512xi32, #tpu.memory_space<vmem>>
    %dma_wait3A_620 = tpu.memref_slice %arg3[%add3A_616] : memref<819200xi32, #tpu.memory_space<hbm>> -> memref<512xi32, #tpu.memory_space<hbm>>
    %dma_wait3A_621 = arith.constant 0 : i32
    %dma_wait3A_622 = tpu.memref_slice %arg5[%dma_wait3A, %dma_wait3A_621] : memref<50x512xi32, #tpu.memory_space<vmem>> -> memref<1x512xi32, #tpu.memory_space<vmem>>
    %dma_wait3A_623 = tpu.memref_squeeze %dma_wait3A_622 : memref<1x512xi32, #tpu.memory_space<vmem>> -> memref<512xi32, #tpu.memory_space<vmem>>
    %dma_wait3A_624 = tpu.memref_slice %arg3[%add3A_616] : memref<819200xi32, #tpu.memory_space<hbm>> -> memref<512xi32, #tpu.memory_space<hbm>>
    tpu.wait_dma2 semaphore(%arg10 : memref<!tpu.dma_semaphore, #tpu.memory_space<semaphore_mem>>) src(%dma_wait3A_624 : memref<512xi32, #tpu.memory_space<hbm>>) dst(%dma_wait3A_623 : memref<512xi32, #tpu.memory_space<vmem>>)
    %add3A_625 = arith.constant 16384 : i32
    %add3A_626 = arith.addi %add3A_625, %mul3A_2 : i32
    %dma_wait3A_627 = arith.constant 1 : i32
    %dma_wait3A_628 = arith.constant 0 : i32
    %dma_wait3A_629 = tpu.memref_slice %arg5[%dma_wait3A_627, %dma_wait3A_628] : memref<50x512xi32, #tpu.memory_space<vmem>> -> memref<1x512xi32, #tpu.memory_space<vmem>>
    %dma_wait3A_630 = tpu.memref_squeeze %dma_wait3A_629 : memref<1x512xi32, #tpu.memory_space<vmem>> -> memref<512xi32, #tpu.memory_space<vmem>>
    %dma_wait3A_631 = tpu.memref_slice %arg3[%add3A_626] : memref<819200xi32, #tpu.memory_space<hbm>> -> memref<512xi32, #tpu.memory_space<hbm>>
    %dma_wait3A_632 = arith.constant 0 : i32
    %dma_wait3A_633 = tpu.memref_slice %arg5[%dma_wait3A_627, %dma_wait3A_632] : memref<50x512xi32, #tpu.memory_space<vmem>> -> memref<1x512xi32, #tpu.memory_space<vmem>>
    %dma_wait3A_634 = tpu.memref_squeeze %dma_wait3A_633 : memref<1x512xi32, #tpu.memory_space<vmem>> -> memref<512xi32, #tpu.memory_space<vmem>>
    %dma_wait3A_635 = tpu.memref_slice %arg3[%add3A_626] : memref<819200xi32, #tpu.memory_space<hbm>> -> memref<512xi32, #tpu.memory_space<hbm>>
    tpu.wait_dma2 semaphore(%arg10 : memref<!tpu.dma_semaphore, #tpu.memory_space<semaphore_mem>>) src(%dma_wait3A_635 : memref<512xi32, #tpu.memory_space<hbm>>) dst(%dma_wait3A_634 : memref<512xi32, #tpu.memory_space<vmem>>)
    %add3A_636 = arith.constant 32768 : i32
    %add3A_637 = arith.addi %add3A_636, %mul3A_2 : i32
    %dma_wait3A_638 = arith.constant 2 : i32
    %dma_wait3A_639 = arith.constant 0 : i32
    %dma_wait3A_640 = tpu.memref_slice %arg5[%dma_wait3A_638, %dma_wait3A_639] : memref<50x512xi32, #tpu.memory_space<vmem>> -> memref<1x512xi32, #tpu.memory_space<vmem>>
    %dma_wait3A_641 = tpu.memref_squeeze %dma_wait3A_640 : memref<1x512xi32, #tpu.memory_space<vmem>> -> memref<512xi32, #tpu.memory_space<vmem>>
    %dma_wait3A_642 = tpu.memref_slice %arg3[%add3A_637] : memref<819200xi32, #tpu.memory_space<hbm>> -> memref<512xi32, #tpu.memory_space<hbm>>
    %dma_wait3A_643 = arith.constant 0 : i32
    %dma_wait3A_644 = tpu.memref_slice %arg5[%dma_wait3A_638, %dma_wait3A_643] : memref<50x512xi32, #tpu.memory_space<vmem>> -> memref<1x512xi32, #tpu.memory_space<vmem>>
    %dma_wait3A_645 = tpu.memref_squeeze %dma_wait3A_644 : memref<1x512xi32, #tpu.memory_space<vmem>> -> memref<512xi32, #tpu.memory_space<vmem>>
    %dma_wait3A_646 = tpu.memref_slice %arg3[%add3A_637] : memref<819200xi32, #tpu.memory_space<hbm>> -> memref<512xi32, #tpu.memory_space<hbm>>
    tpu.wait_dma2 semaphore(%arg10 : memref<!tpu.dma_semaphore, #tpu.memory_space<semaphore_mem>>) src(%dma_wait3A_646 : memref<512xi32, #tpu.memory_space<hbm>>) dst(%dma_wait3A_645 : memref<512xi32, #tpu.memory_space<vmem>>)
    %add3A_647 = arith.constant 49152 : i32
    %add3A_648 = arith.addi %add3A_647, %mul3A_2 : i32
    %dma_wait3A_649 = arith.constant 3 : i32
    %dma_wait3A_650 = arith.constant 0 : i32
    %dma_wait3A_651 = tpu.memref_slice %arg5[%dma_wait3A_649, %dma_wait3A_650] : memref<50x512xi32, #tpu.memory_space<vmem>> -> memref<1x512xi32, #tpu.memory_space<vmem>>
    %dma_wait3A_652 = tpu.memref_squeeze %dma_wait3A_651 : memref<1x512xi32, #tpu.memory_space<vmem>> -> memref<512xi32, #tpu.memory_space<vmem>>
    %dma_wait3A_653 = tpu.memref_slice %arg3[%add3A_648] : memref<819200xi32, #tpu.memory_space<hbm>> -> memref<512xi32, #tpu.memory_space<hbm>>
    %dma_wait3A_654 = arith.constant 0 : i32
    %dma_wait3A_655 = tpu.memref_slice %arg5[%dma_wait3A_649, %dma_wait3A_654] : memref<50x512xi32, #tpu.memory_space<vmem>> -> memref<1x512xi32, #tpu.memory_space<vmem>>
    %dma_wait3A_656 = tpu.memref_squeeze %dma_wait3A_655 : memref<1x512xi32, #tpu.memory_space<vmem>> -> memref<512xi32, #tpu.memory_space<vmem>>
    %dma_wait3A_657 = tpu.memref_slice %arg3[%add3A_648] : memref<819200xi32, #tpu.memory_space<hbm>> -> memref<512xi32, #tpu.memory_space<hbm>>
    tpu.wait_dma2 semaphore(%arg10 : memref<!tpu.dma_semaphore, #tpu.memory_space<semaphore_mem>>) src(%dma_wait3A_657 : memref<512xi32, #tpu.memory_space<hbm>>) dst(%dma_wait3A_656 : memref<512xi32, #tpu.memory_space<vmem>>)
    %add3A_658 = arith.constant 65536 : i32
    %add3A_659 = arith.addi %add3A_658, %mul3A_2 : i32
    %dma_wait3A_660 = arith.constant 4 : i32
    %dma_wait3A_661 = arith.constant 0 : i32
    %dma_wait3A_662 = tpu.memref_slice %arg5[%dma_wait3A_660, %dma_wait3A_661] : memref<50x512xi32, #tpu.memory_space<vmem>> -> memref<1x512xi32, #tpu.memory_space<vmem>>
    %dma_wait3A_663 = tpu.memref_squeeze %dma_wait3A_662 : memref<1x512xi32, #tpu.memory_space<vmem>> -> memref<512xi32, #tpu.memory_space<vmem>>
    %dma_wait3A_664 = tpu.memref_slice %arg3[%add3A_659] : memref<819200xi32, #tpu.memory_space<hbm>> -> memref<512xi32, #tpu.memory_space<hbm>>
    %dma_wait3A_665 = arith.constant 0 : i32
    %dma_wait3A_666 = tpu.memref_slice %arg5[%dma_wait3A_660, %dma_wait3A_665] : memref<50x512xi32, #tpu.memory_space<vmem>> -> memref<1x512xi32, #tpu.memory_space<vmem>>
    %dma_wait3A_667 = tpu.memref_squeeze %dma_wait3A_666 : memref<1x512xi32, #tpu.memory_space<vmem>> -> memref<512xi32, #tpu.memory_space<vmem>>
    %dma_wait3A_668 = tpu.memref_slice %arg3[%add3A_659] : memref<819200xi32, #tpu.memory_space<hbm>> -> memref<512xi32, #tpu.memory_space<hbm>>
    tpu.wait_dma2 semaphore(%arg10 : memref<!tpu.dma_semaphore, #tpu.memory_space<semaphore_mem>>) src(%dma_wait3A_668 : memref<512xi32, #tpu.memory_space<hbm>>) dst(%dma_wait3A_667 : memref<512xi32, #tpu.memory_space<vmem>>)
    %add3A_669 = arith.constant 81920 : i32
    %add3A_670 = arith.addi %add3A_669, %mul3A_2 : i32
    %dma_wait3A_671 = arith.constant 5 : i32
    %dma_wait3A_672 = arith.constant 0 : i32
    %dma_wait3A_673 = tpu.memref_slice %arg5[%dma_wait3A_671, %dma_wait3A_672] : memref<50x512xi32, #tpu.memory_space<vmem>> -> memref<1x512xi32, #tpu.memory_space<vmem>>
    %dma_wait3A_674 = tpu.memref_squeeze %dma_wait3A_673 : memref<1x512xi32, #tpu.memory_space<vmem>> -> memref<512xi32, #tpu.memory_space<vmem>>
    %dma_wait3A_675 = tpu.memref_slice %arg3[%add3A_670] : memref<819200xi32, #tpu.memory_space<hbm>> -> memref<512xi32, #tpu.memory_space<hbm>>
    %dma_wait3A_676 = arith.constant 0 : i32
    %dma_wait3A_677 = tpu.memref_slice %arg5[%dma_wait3A_671, %dma_wait3A_676] : memref<50x512xi32, #tpu.memory_space<vmem>> -> memref<1x512xi32, #tpu.memory_space<vmem>>
    %dma_wait3A_678 = tpu.memref_squeeze %dma_wait3A_677 : memref<1x512xi32, #tpu.memory_space<vmem>> -> memref<512xi32, #tpu.memory_space<vmem>>
    %dma_wait3A_679 = tpu.memref_slice %arg3[%add3A_670] : memref<819200xi32, #tpu.memory_space<hbm>> -> memref<512xi32, #tpu.memory_space<hbm>>
    tpu.wait_dma2 semaphore(%arg10 : memref<!tpu.dma_semaphore, #tpu.memory_space<semaphore_mem>>) src(%dma_wait3A_679 : memref<512xi32, #tpu.memory_space<hbm>>) dst(%dma_wait3A_678 : memref<512xi32, #tpu.memory_space<vmem>>)
    %add3A_680 = arith.constant 98304 : i32
    %add3A_681 = arith.addi %add3A_680, %mul3A_2 : i32
    %dma_wait3A_682 = arith.constant 6 : i32
    %dma_wait3A_683 = arith.constant 0 : i32
    %dma_wait3A_684 = tpu.memref_slice %arg5[%dma_wait3A_682, %dma_wait3A_683] : memref<50x512xi32, #tpu.memory_space<vmem>> -> memref<1x512xi32, #tpu.memory_space<vmem>>
    %dma_wait3A_685 = tpu.memref_squeeze %dma_wait3A_684 : memref<1x512xi32, #tpu.memory_space<vmem>> -> memref<512xi32, #tpu.memory_space<vmem>>
    %dma_wait3A_686 = tpu.memref_slice %arg3[%add3A_681] : memref<819200xi32, #tpu.memory_space<hbm>> -> memref<512xi32, #tpu.memory_space<hbm>>
    %dma_wait3A_687 = arith.constant 0 : i32
    %dma_wait3A_688 = tpu.memref_slice %arg5[%dma_wait3A_682, %dma_wait3A_687] : memref<50x512xi32, #tpu.memory_space<vmem>> -> memref<1x512xi32, #tpu.memory_space<vmem>>
    %dma_wait3A_689 = tpu.memref_squeeze %dma_wait3A_688 : memref<1x512xi32, #tpu.memory_space<vmem>> -> memref<512xi32, #tpu.memory_space<vmem>>
    %dma_wait3A_690 = tpu.memref_slice %arg3[%add3A_681] : memref<819200xi32, #tpu.memory_space<hbm>> -> memref<512xi32, #tpu.memory_space<hbm>>
    tpu.wait_dma2 semaphore(%arg10 : memref<!tpu.dma_semaphore, #tpu.memory_space<semaphore_mem>>) src(%dma_wait3A_690 : memref<512xi32, #tpu.memory_space<hbm>>) dst(%dma_wait3A_689 : memref<512xi32, #tpu.memory_space<vmem>>)
    %add3A_691 = arith.constant 114688 : i32
    %add3A_692 = arith.addi %add3A_691, %mul3A_2 : i32
    %dma_wait3A_693 = arith.constant 7 : i32
    %dma_wait3A_694 = arith.constant 0 : i32
    %dma_wait3A_695 = tpu.memref_slice %arg5[%dma_wait3A_693, %dma_wait3A_694] : memref<50x512xi32, #tpu.memory_space<vmem>> -> memref<1x512xi32, #tpu.memory_space<vmem>>
    %dma_wait3A_696 = tpu.memref_squeeze %dma_wait3A_695 : memref<1x512xi32, #tpu.memory_space<vmem>> -> memref<512xi32, #tpu.memory_space<vmem>>
    %dma_wait3A_697 = tpu.memref_slice %arg3[%add3A_692] : memref<819200xi32, #tpu.memory_space<hbm>> -> memref<512xi32, #tpu.memory_space<hbm>>
    %dma_wait3A_698 = arith.constant 0 : i32
    %dma_wait3A_699 = tpu.memref_slice %arg5[%dma_wait3A_693, %dma_wait3A_698] : memref<50x512xi32, #tpu.memory_space<vmem>> -> memref<1x512xi32, #tpu.memory_space<vmem>>
    %dma_wait3A_700 = tpu.memref_squeeze %dma_wait3A_699 : memref<1x512xi32, #tpu.memory_space<vmem>> -> memref<512xi32, #tpu.memory_space<vmem>>
    %dma_wait3A_701 = tpu.memref_slice %arg3[%add3A_692] : memref<819200xi32, #tpu.memory_space<hbm>> -> memref<512xi32, #tpu.memory_space<hbm>>
    tpu.wait_dma2 semaphore(%arg10 : memref<!tpu.dma_semaphore, #tpu.memory_space<semaphore_mem>>) src(%dma_wait3A_701 : memref<512xi32, #tpu.memory_space<hbm>>) dst(%dma_wait3A_700 : memref<512xi32, #tpu.memory_space<vmem>>)
    %add3A_702 = arith.constant 131072 : i32
    %add3A_703 = arith.addi %add3A_702, %mul3A_2 : i32
    %dma_wait3A_704 = arith.constant 8 : i32
    %dma_wait3A_705 = arith.constant 0 : i32
    %dma_wait3A_706 = tpu.memref_slice %arg5[%dma_wait3A_704, %dma_wait3A_705] : memref<50x512xi32, #tpu.memory_space<vmem>> -> memref<1x512xi32, #tpu.memory_space<vmem>>
    %dma_wait3A_707 = tpu.memref_squeeze %dma_wait3A_706 : memref<1x512xi32, #tpu.memory_space<vmem>> -> memref<512xi32, #tpu.memory_space<vmem>>
    %dma_wait3A_708 = tpu.memref_slice %arg3[%add3A_703] : memref<819200xi32, #tpu.memory_space<hbm>> -> memref<512xi32, #tpu.memory_space<hbm>>
    %dma_wait3A_709 = arith.constant 0 : i32
    %dma_wait3A_710 = tpu.memref_slice %arg5[%dma_wait3A_704, %dma_wait3A_709] : memref<50x512xi32, #tpu.memory_space<vmem>> -> memref<1x512xi32, #tpu.memory_space<vmem>>
    %dma_wait3A_711 = tpu.memref_squeeze %dma_wait3A_710 : memref<1x512xi32, #tpu.memory_space<vmem>> -> memref<512xi32, #tpu.memory_space<vmem>>
    %dma_wait3A_712 = tpu.memref_slice %arg3[%add3A_703] : memref<819200xi32, #tpu.memory_space<hbm>> -> memref<512xi32, #tpu.memory_space<hbm>>
    tpu.wait_dma2 semaphore(%arg10 : memref<!tpu.dma_semaphore, #tpu.memory_space<semaphore_mem>>) src(%dma_wait3A_712 : memref<512xi32, #tpu.memory_space<hbm>>) dst(%dma_wait3A_711 : memref<512xi32, #tpu.memory_space<vmem>>)
    %add3A_713 = arith.constant 147456 : i32
    %add3A_714 = arith.addi %add3A_713, %mul3A_2 : i32
    %dma_wait3A_715 = arith.constant 9 : i32
    %dma_wait3A_716 = arith.constant 0 : i32
    %dma_wait3A_717 = tpu.memref_slice %arg5[%dma_wait3A_715, %dma_wait3A_716] : memref<50x512xi32, #tpu.memory_space<vmem>> -> memref<1x512xi32, #tpu.memory_space<vmem>>
    %dma_wait3A_718 = tpu.memref_squeeze %dma_wait3A_717 : memref<1x512xi32, #tpu.memory_space<vmem>> -> memref<512xi32, #tpu.memory_space<vmem>>
    %dma_wait3A_719 = tpu.memref_slice %arg3[%add3A_714] : memref<819200xi32, #tpu.memory_space<hbm>> -> memref<512xi32, #tpu.memory_space<hbm>>
    %dma_wait3A_720 = arith.constant 0 : i32
    %dma_wait3A_721 = tpu.memref_slice %arg5[%dma_wait3A_715, %dma_wait3A_720] : memref<50x512xi32, #tpu.memory_space<vmem>> -> memref<1x512xi32, #tpu.memory_space<vmem>>
    %dma_wait3A_722 = tpu.memref_squeeze %dma_wait3A_721 : memref<1x512xi32, #tpu.memory_space<vmem>> -> memref<512xi32, #tpu.memory_space<vmem>>
    %dma_wait3A_723 = tpu.memref_slice %arg3[%add3A_714] : memref<819200xi32, #tpu.memory_space<hbm>> -> memref<512xi32, #tpu.memory_space<hbm>>
    tpu.wait_dma2 semaphore(%arg10 : memref<!tpu.dma_semaphore, #tpu.memory_space<semaphore_mem>>) src(%dma_wait3A_723 : memref<512xi32, #tpu.memory_space<hbm>>) dst(%dma_wait3A_722 : memref<512xi32, #tpu.memory_space<vmem>>)
    %add3A_724 = arith.constant 163840 : i32
    %add3A_725 = arith.addi %add3A_724, %mul3A_2 : i32
    %dma_wait3A_726 = arith.constant 10 : i32
    %dma_wait3A_727 = arith.constant 0 : i32
    %dma_wait3A_728 = tpu.memref_slice %arg5[%dma_wait3A_726, %dma_wait3A_727] : memref<50x512xi32, #tpu.memory_space<vmem>> -> memref<1x512xi32, #tpu.memory_space<vmem>>
    %dma_wait3A_729 = tpu.memref_squeeze %dma_wait3A_728 : memref<1x512xi32, #tpu.memory_space<vmem>> -> memref<512xi32, #tpu.memory_space<vmem>>
    %dma_wait3A_730 = tpu.memref_slice %arg3[%add3A_725] : memref<819200xi32, #tpu.memory_space<hbm>> -> memref<512xi32, #tpu.memory_space<hbm>>
    %dma_wait3A_731 = arith.constant 0 : i32
    %dma_wait3A_732 = tpu.memref_slice %arg5[%dma_wait3A_726, %dma_wait3A_731] : memref<50x512xi32, #tpu.memory_space<vmem>> -> memref<1x512xi32, #tpu.memory_space<vmem>>
    %dma_wait3A_733 = tpu.memref_squeeze %dma_wait3A_732 : memref<1x512xi32, #tpu.memory_space<vmem>> -> memref<512xi32, #tpu.memory_space<vmem>>
    %dma_wait3A_734 = tpu.memref_slice %arg3[%add3A_725] : memref<819200xi32, #tpu.memory_space<hbm>> -> memref<512xi32, #tpu.memory_space<hbm>>
    tpu.wait_dma2 semaphore(%arg10 : memref<!tpu.dma_semaphore, #tpu.memory_space<semaphore_mem>>) src(%dma_wait3A_734 : memref<512xi32, #tpu.memory_space<hbm>>) dst(%dma_wait3A_733 : memref<512xi32, #tpu.memory_space<vmem>>)
    %add3A_735 = arith.constant 180224 : i32
    %add3A_736 = arith.addi %add3A_735, %mul3A_2 : i32
    %dma_wait3A_737 = arith.constant 11 : i32
    %dma_wait3A_738 = arith.constant 0 : i32
    %dma_wait3A_739 = tpu.memref_slice %arg5[%dma_wait3A_737, %dma_wait3A_738] : memref<50x512xi32, #tpu.memory_space<vmem>> -> memref<1x512xi32, #tpu.memory_space<vmem>>
    %dma_wait3A_740 = tpu.memref_squeeze %dma_wait3A_739 : memref<1x512xi32, #tpu.memory_space<vmem>> -> memref<512xi32, #tpu.memory_space<vmem>>
    %dma_wait3A_741 = tpu.memref_slice %arg3[%add3A_736] : memref<819200xi32, #tpu.memory_space<hbm>> -> memref<512xi32, #tpu.memory_space<hbm>>
    %dma_wait3A_742 = arith.constant 0 : i32
    %dma_wait3A_743 = tpu.memref_slice %arg5[%dma_wait3A_737, %dma_wait3A_742] : memref<50x512xi32, #tpu.memory_space<vmem>> -> memref<1x512xi32, #tpu.memory_space<vmem>>
    %dma_wait3A_744 = tpu.memref_squeeze %dma_wait3A_743 : memref<1x512xi32, #tpu.memory_space<vmem>> -> memref<512xi32, #tpu.memory_space<vmem>>
    %dma_wait3A_745 = tpu.memref_slice %arg3[%add3A_736] : memref<819200xi32, #tpu.memory_space<hbm>> -> memref<512xi32, #tpu.memory_space<hbm>>
    tpu.wait_dma2 semaphore(%arg10 : memref<!tpu.dma_semaphore, #tpu.memory_space<semaphore_mem>>) src(%dma_wait3A_745 : memref<512xi32, #tpu.memory_space<hbm>>) dst(%dma_wait3A_744 : memref<512xi32, #tpu.memory_space<vmem>>)
    %add3A_746 = arith.constant 196608 : i32
    %add3A_747 = arith.addi %add3A_746, %mul3A_2 : i32
    %dma_wait3A_748 = arith.constant 12 : i32
    %dma_wait3A_749 = arith.constant 0 : i32
    %dma_wait3A_750 = tpu.memref_slice %arg5[%dma_wait3A_748, %dma_wait3A_749] : memref<50x512xi32, #tpu.memory_space<vmem>> -> memref<1x512xi32, #tpu.memory_space<vmem>>
    %dma_wait3A_751 = tpu.memref_squeeze %dma_wait3A_750 : memref<1x512xi32, #tpu.memory_space<vmem>> -> memref<512xi32, #tpu.memory_space<vmem>>
    %dma_wait3A_752 = tpu.memref_slice %arg3[%add3A_747] : memref<819200xi32, #tpu.memory_space<hbm>> -> memref<512xi32, #tpu.memory_space<hbm>>
    %dma_wait3A_753 = arith.constant 0 : i32
    %dma_wait3A_754 = tpu.memref_slice %arg5[%dma_wait3A_748, %dma_wait3A_753] : memref<50x512xi32, #tpu.memory_space<vmem>> -> memref<1x512xi32, #tpu.memory_space<vmem>>
    %dma_wait3A_755 = tpu.memref_squeeze %dma_wait3A_754 : memref<1x512xi32, #tpu.memory_space<vmem>> -> memref<512xi32, #tpu.memory_space<vmem>>
    %dma_wait3A_756 = tpu.memref_slice %arg3[%add3A_747] : memref<819200xi32, #tpu.memory_space<hbm>> -> memref<512xi32, #tpu.memory_space<hbm>>
    tpu.wait_dma2 semaphore(%arg10 : memref<!tpu.dma_semaphore, #tpu.memory_space<semaphore_mem>>) src(%dma_wait3A_756 : memref<512xi32, #tpu.memory_space<hbm>>) dst(%dma_wait3A_755 : memref<512xi32, #tpu.memory_space<vmem>>)
    %add3A_757 = arith.constant 212992 : i32
    %add3A_758 = arith.addi %add3A_757, %mul3A_2 : i32
    %dma_wait3A_759 = arith.constant 13 : i32
    %dma_wait3A_760 = arith.constant 0 : i32
    %dma_wait3A_761 = tpu.memref_slice %arg5[%dma_wait3A_759, %dma_wait3A_760] : memref<50x512xi32, #tpu.memory_space<vmem>> -> memref<1x512xi32, #tpu.memory_space<vmem>>
    %dma_wait3A_762 = tpu.memref_squeeze %dma_wait3A_761 : memref<1x512xi32, #tpu.memory_space<vmem>> -> memref<512xi32, #tpu.memory_space<vmem>>
    %dma_wait3A_763 = tpu.memref_slice %arg3[%add3A_758] : memref<819200xi32, #tpu.memory_space<hbm>> -> memref<512xi32, #tpu.memory_space<hbm>>
    %dma_wait3A_764 = arith.constant 0 : i32
    %dma_wait3A_765 = tpu.memref_slice %arg5[%dma_wait3A_759, %dma_wait3A_764] : memref<50x512xi32, #tpu.memory_space<vmem>> -> memref<1x512xi32, #tpu.memory_space<vmem>>
    %dma_wait3A_766 = tpu.memref_squeeze %dma_wait3A_765 : memref<1x512xi32, #tpu.memory_space<vmem>> -> memref<512xi32, #tpu.memory_space<vmem>>
    %dma_wait3A_767 = tpu.memref_slice %arg3[%add3A_758] : memref<819200xi32, #tpu.memory_space<hbm>> -> memref<512xi32, #tpu.memory_space<hbm>>
    tpu.wait_dma2 semaphore(%arg10 : memref<!tpu.dma_semaphore, #tpu.memory_space<semaphore_mem>>) src(%dma_wait3A_767 : memref<512xi32, #tpu.memory_space<hbm>>) dst(%dma_wait3A_766 : memref<512xi32, #tpu.memory_space<vmem>>)
    %add3A_768 = arith.constant 229376 : i32
    %add3A_769 = arith.addi %add3A_768, %mul3A_2 : i32
    %dma_wait3A_770 = arith.constant 14 : i32
    %dma_wait3A_771 = arith.constant 0 : i32
    %dma_wait3A_772 = tpu.memref_slice %arg5[%dma_wait3A_770, %dma_wait3A_771] : memref<50x512xi32, #tpu.memory_space<vmem>> -> memref<1x512xi32, #tpu.memory_space<vmem>>
    %dma_wait3A_773 = tpu.memref_squeeze %dma_wait3A_772 : memref<1x512xi32, #tpu.memory_space<vmem>> -> memref<512xi32, #tpu.memory_space<vmem>>
    %dma_wait3A_774 = tpu.memref_slice %arg3[%add3A_769] : memref<819200xi32, #tpu.memory_space<hbm>> -> memref<512xi32, #tpu.memory_space<hbm>>
    %dma_wait3A_775 = arith.constant 0 : i32
    %dma_wait3A_776 = tpu.memref_slice %arg5[%dma_wait3A_770, %dma_wait3A_775] : memref<50x512xi32, #tpu.memory_space<vmem>> -> memref<1x512xi32, #tpu.memory_space<vmem>>
    %dma_wait3A_777 = tpu.memref_squeeze %dma_wait3A_776 : memref<1x512xi32, #tpu.memory_space<vmem>> -> memref<512xi32, #tpu.memory_space<vmem>>
    %dma_wait3A_778 = tpu.memref_slice %arg3[%add3A_769] : memref<819200xi32, #tpu.memory_space<hbm>> -> memref<512xi32, #tpu.memory_space<hbm>>
    tpu.wait_dma2 semaphore(%arg10 : memref<!tpu.dma_semaphore, #tpu.memory_space<semaphore_mem>>) src(%dma_wait3A_778 : memref<512xi32, #tpu.memory_space<hbm>>) dst(%dma_wait3A_777 : memref<512xi32, #tpu.memory_space<vmem>>)
    %add3A_779 = arith.constant 245760 : i32
    %add3A_780 = arith.addi %add3A_779, %mul3A_2 : i32
    %dma_wait3A_781 = arith.constant 15 : i32
    %dma_wait3A_782 = arith.constant 0 : i32
    %dma_wait3A_783 = tpu.memref_slice %arg5[%dma_wait3A_781, %dma_wait3A_782] : memref<50x512xi32, #tpu.memory_space<vmem>> -> memref<1x512xi32, #tpu.memory_space<vmem>>
    %dma_wait3A_784 = tpu.memref_squeeze %dma_wait3A_783 : memref<1x512xi32, #tpu.memory_space<vmem>> -> memref<512xi32, #tpu.memory_space<vmem>>
    %dma_wait3A_785 = tpu.memref_slice %arg3[%add3A_780] : memref<819200xi32, #tpu.memory_space<hbm>> -> memref<512xi32, #tpu.memory_space<hbm>>
    %dma_wait3A_786 = arith.constant 0 : i32
    %dma_wait3A_787 = tpu.memref_slice %arg5[%dma_wait3A_781, %dma_wait3A_786] : memref<50x512xi32, #tpu.memory_space<vmem>> -> memref<1x512xi32, #tpu.memory_space<vmem>>
    %dma_wait3A_788 = tpu.memref_squeeze %dma_wait3A_787 : memref<1x512xi32, #tpu.memory_space<vmem>> -> memref<512xi32, #tpu.memory_space<vmem>>
    %dma_wait3A_789 = tpu.memref_slice %arg3[%add3A_780] : memref<819200xi32, #tpu.memory_space<hbm>> -> memref<512xi32, #tpu.memory_space<hbm>>
    tpu.wait_dma2 semaphore(%arg10 : memref<!tpu.dma_semaphore, #tpu.memory_space<semaphore_mem>>) src(%dma_wait3A_789 : memref<512xi32, #tpu.memory_space<hbm>>) dst(%dma_wait3A_788 : memref<512xi32, #tpu.memory_space<vmem>>)
    %add3A_790 = arith.constant 262144 : i32
    %add3A_791 = arith.addi %add3A_790, %mul3A_2 : i32
    %dma_wait3A_792 = arith.constant 16 : i32
    %dma_wait3A_793 = arith.constant 0 : i32
    %dma_wait3A_794 = tpu.memref_slice %arg5[%dma_wait3A_792, %dma_wait3A_793] : memref<50x512xi32, #tpu.memory_space<vmem>> -> memref<1x512xi32, #tpu.memory_space<vmem>>
    %dma_wait3A_795 = tpu.memref_squeeze %dma_wait3A_794 : memref<1x512xi32, #tpu.memory_space<vmem>> -> memref<512xi32, #tpu.memory_space<vmem>>
    %dma_wait3A_796 = tpu.memref_slice %arg3[%add3A_791] : memref<819200xi32, #tpu.memory_space<hbm>> -> memref<512xi32, #tpu.memory_space<hbm>>
    %dma_wait3A_797 = arith.constant 0 : i32
    %dma_wait3A_798 = tpu.memref_slice %arg5[%dma_wait3A_792, %dma_wait3A_797] : memref<50x512xi32, #tpu.memory_space<vmem>> -> memref<1x512xi32, #tpu.memory_space<vmem>>
    %dma_wait3A_799 = tpu.memref_squeeze %dma_wait3A_798 : memref<1x512xi32, #tpu.memory_space<vmem>> -> memref<512xi32, #tpu.memory_space<vmem>>
    %dma_wait3A_800 = tpu.memref_slice %arg3[%add3A_791] : memref<819200xi32, #tpu.memory_space<hbm>> -> memref<512xi32, #tpu.memory_space<hbm>>
    tpu.wait_dma2 semaphore(%arg10 : memref<!tpu.dma_semaphore, #tpu.memory_space<semaphore_mem>>) src(%dma_wait3A_800 : memref<512xi32, #tpu.memory_space<hbm>>) dst(%dma_wait3A_799 : memref<512xi32, #tpu.memory_space<vmem>>)
    %add3A_801 = arith.constant 278528 : i32
    %add3A_802 = arith.addi %add3A_801, %mul3A_2 : i32
    %dma_wait3A_803 = arith.constant 17 : i32
    %dma_wait3A_804 = arith.constant 0 : i32
    %dma_wait3A_805 = tpu.memref_slice %arg5[%dma_wait3A_803, %dma_wait3A_804] : memref<50x512xi32, #tpu.memory_space<vmem>> -> memref<1x512xi32, #tpu.memory_space<vmem>>
    %dma_wait3A_806 = tpu.memref_squeeze %dma_wait3A_805 : memref<1x512xi32, #tpu.memory_space<vmem>> -> memref<512xi32, #tpu.memory_space<vmem>>
    %dma_wait3A_807 = tpu.memref_slice %arg3[%add3A_802] : memref<819200xi32, #tpu.memory_space<hbm>> -> memref<512xi32, #tpu.memory_space<hbm>>
    %dma_wait3A_808 = arith.constant 0 : i32
    %dma_wait3A_809 = tpu.memref_slice %arg5[%dma_wait3A_803, %dma_wait3A_808] : memref<50x512xi32, #tpu.memory_space<vmem>> -> memref<1x512xi32, #tpu.memory_space<vmem>>
    %dma_wait3A_810 = tpu.memref_squeeze %dma_wait3A_809 : memref<1x512xi32, #tpu.memory_space<vmem>> -> memref<512xi32, #tpu.memory_space<vmem>>
    %dma_wait3A_811 = tpu.memref_slice %arg3[%add3A_802] : memref<819200xi32, #tpu.memory_space<hbm>> -> memref<512xi32, #tpu.memory_space<hbm>>
    tpu.wait_dma2 semaphore(%arg10 : memref<!tpu.dma_semaphore, #tpu.memory_space<semaphore_mem>>) src(%dma_wait3A_811 : memref<512xi32, #tpu.memory_space<hbm>>) dst(%dma_wait3A_810 : memref<512xi32, #tpu.memory_space<vmem>>)
    %add3A_812 = arith.constant 294912 : i32
    %add3A_813 = arith.addi %add3A_812, %mul3A_2 : i32
    %dma_wait3A_814 = arith.constant 18 : i32
    %dma_wait3A_815 = arith.constant 0 : i32
    %dma_wait3A_816 = tpu.memref_slice %arg5[%dma_wait3A_814, %dma_wait3A_815] : memref<50x512xi32, #tpu.memory_space<vmem>> -> memref<1x512xi32, #tpu.memory_space<vmem>>
    %dma_wait3A_817 = tpu.memref_squeeze %dma_wait3A_816 : memref<1x512xi32, #tpu.memory_space<vmem>> -> memref<512xi32, #tpu.memory_space<vmem>>
    %dma_wait3A_818 = tpu.memref_slice %arg3[%add3A_813] : memref<819200xi32, #tpu.memory_space<hbm>> -> memref<512xi32, #tpu.memory_space<hbm>>
    %dma_wait3A_819 = arith.constant 0 : i32
    %dma_wait3A_820 = tpu.memref_slice %arg5[%dma_wait3A_814, %dma_wait3A_819] : memref<50x512xi32, #tpu.memory_space<vmem>> -> memref<1x512xi32, #tpu.memory_space<vmem>>
    %dma_wait3A_821 = tpu.memref_squeeze %dma_wait3A_820 : memref<1x512xi32, #tpu.memory_space<vmem>> -> memref<512xi32, #tpu.memory_space<vmem>>
    %dma_wait3A_822 = tpu.memref_slice %arg3[%add3A_813] : memref<819200xi32, #tpu.memory_space<hbm>> -> memref<512xi32, #tpu.memory_space<hbm>>
    tpu.wait_dma2 semaphore(%arg10 : memref<!tpu.dma_semaphore, #tpu.memory_space<semaphore_mem>>) src(%dma_wait3A_822 : memref<512xi32, #tpu.memory_space<hbm>>) dst(%dma_wait3A_821 : memref<512xi32, #tpu.memory_space<vmem>>)
    %add3A_823 = arith.constant 311296 : i32
    %add3A_824 = arith.addi %add3A_823, %mul3A_2 : i32
    %dma_wait3A_825 = arith.constant 19 : i32
    %dma_wait3A_826 = arith.constant 0 : i32
    %dma_wait3A_827 = tpu.memref_slice %arg5[%dma_wait3A_825, %dma_wait3A_826] : memref<50x512xi32, #tpu.memory_space<vmem>> -> memref<1x512xi32, #tpu.memory_space<vmem>>
    %dma_wait3A_828 = tpu.memref_squeeze %dma_wait3A_827 : memref<1x512xi32, #tpu.memory_space<vmem>> -> memref<512xi32, #tpu.memory_space<vmem>>
    %dma_wait3A_829 = tpu.memref_slice %arg3[%add3A_824] : memref<819200xi32, #tpu.memory_space<hbm>> -> memref<512xi32, #tpu.memory_space<hbm>>
    %dma_wait3A_830 = arith.constant 0 : i32
    %dma_wait3A_831 = tpu.memref_slice %arg5[%dma_wait3A_825, %dma_wait3A_830] : memref<50x512xi32, #tpu.memory_space<vmem>> -> memref<1x512xi32, #tpu.memory_space<vmem>>
    %dma_wait3A_832 = tpu.memref_squeeze %dma_wait3A_831 : memref<1x512xi32, #tpu.memory_space<vmem>> -> memref<512xi32, #tpu.memory_space<vmem>>
    %dma_wait3A_833 = tpu.memref_slice %arg3[%add3A_824] : memref<819200xi32, #tpu.memory_space<hbm>> -> memref<512xi32, #tpu.memory_space<hbm>>
    tpu.wait_dma2 semaphore(%arg10 : memref<!tpu.dma_semaphore, #tpu.memory_space<semaphore_mem>>) src(%dma_wait3A_833 : memref<512xi32, #tpu.memory_space<hbm>>) dst(%dma_wait3A_832 : memref<512xi32, #tpu.memory_space<vmem>>)
    %add3A_834 = arith.constant 327680 : i32
    %add3A_835 = arith.addi %add3A_834, %mul3A_2 : i32
    %dma_wait3A_836 = arith.constant 20 : i32
    %dma_wait3A_837 = arith.constant 0 : i32
    %dma_wait3A_838 = tpu.memref_slice %arg5[%dma_wait3A_836, %dma_wait3A_837] : memref<50x512xi32, #tpu.memory_space<vmem>> -> memref<1x512xi32, #tpu.memory_space<vmem>>
    %dma_wait3A_839 = tpu.memref_squeeze %dma_wait3A_838 : memref<1x512xi32, #tpu.memory_space<vmem>> -> memref<512xi32, #tpu.memory_space<vmem>>
    %dma_wait3A_840 = tpu.memref_slice %arg3[%add3A_835] : memref<819200xi32, #tpu.memory_space<hbm>> -> memref<512xi32, #tpu.memory_space<hbm>>
    %dma_wait3A_841 = arith.constant 0 : i32
    %dma_wait3A_842 = tpu.memref_slice %arg5[%dma_wait3A_836, %dma_wait3A_841] : memref<50x512xi32, #tpu.memory_space<vmem>> -> memref<1x512xi32, #tpu.memory_space<vmem>>
    %dma_wait3A_843 = tpu.memref_squeeze %dma_wait3A_842 : memref<1x512xi32, #tpu.memory_space<vmem>> -> memref<512xi32, #tpu.memory_space<vmem>>
    %dma_wait3A_844 = tpu.memref_slice %arg3[%add3A_835] : memref<819200xi32, #tpu.memory_space<hbm>> -> memref<512xi32, #tpu.memory_space<hbm>>
    tpu.wait_dma2 semaphore(%arg10 : memref<!tpu.dma_semaphore, #tpu.memory_space<semaphore_mem>>) src(%dma_wait3A_844 : memref<512xi32, #tpu.memory_space<hbm>>) dst(%dma_wait3A_843 : memref<512xi32, #tpu.memory_space<vmem>>)
    %add3A_845 = arith.constant 344064 : i32
    %add3A_846 = arith.addi %add3A_845, %mul3A_2 : i32
    %dma_wait3A_847 = arith.constant 21 : i32
    %dma_wait3A_848 = arith.constant 0 : i32
    %dma_wait3A_849 = tpu.memref_slice %arg5[%dma_wait3A_847, %dma_wait3A_848] : memref<50x512xi32, #tpu.memory_space<vmem>> -> memref<1x512xi32, #tpu.memory_space<vmem>>
    %dma_wait3A_850 = tpu.memref_squeeze %dma_wait3A_849 : memref<1x512xi32, #tpu.memory_space<vmem>> -> memref<512xi32, #tpu.memory_space<vmem>>
    %dma_wait3A_851 = tpu.memref_slice %arg3[%add3A_846] : memref<819200xi32, #tpu.memory_space<hbm>> -> memref<512xi32, #tpu.memory_space<hbm>>
    %dma_wait3A_852 = arith.constant 0 : i32
    %dma_wait3A_853 = tpu.memref_slice %arg5[%dma_wait3A_847, %dma_wait3A_852] : memref<50x512xi32, #tpu.memory_space<vmem>> -> memref<1x512xi32, #tpu.memory_space<vmem>>
    %dma_wait3A_854 = tpu.memref_squeeze %dma_wait3A_853 : memref<1x512xi32, #tpu.memory_space<vmem>> -> memref<512xi32, #tpu.memory_space<vmem>>
    %dma_wait3A_855 = tpu.memref_slice %arg3[%add3A_846] : memref<819200xi32, #tpu.memory_space<hbm>> -> memref<512xi32, #tpu.memory_space<hbm>>
    tpu.wait_dma2 semaphore(%arg10 : memref<!tpu.dma_semaphore, #tpu.memory_space<semaphore_mem>>) src(%dma_wait3A_855 : memref<512xi32, #tpu.memory_space<hbm>>) dst(%dma_wait3A_854 : memref<512xi32, #tpu.memory_space<vmem>>)
    %add3A_856 = arith.constant 360448 : i32
    %add3A_857 = arith.addi %add3A_856, %mul3A_2 : i32
    %dma_wait3A_858 = arith.constant 22 : i32
    %dma_wait3A_859 = arith.constant 0 : i32
    %dma_wait3A_860 = tpu.memref_slice %arg5[%dma_wait3A_858, %dma_wait3A_859] : memref<50x512xi32, #tpu.memory_space<vmem>> -> memref<1x512xi32, #tpu.memory_space<vmem>>
    %dma_wait3A_861 = tpu.memref_squeeze %dma_wait3A_860 : memref<1x512xi32, #tpu.memory_space<vmem>> -> memref<512xi32, #tpu.memory_space<vmem>>
    %dma_wait3A_862 = tpu.memref_slice %arg3[%add3A_857] : memref<819200xi32, #tpu.memory_space<hbm>> -> memref<512xi32, #tpu.memory_space<hbm>>
    %dma_wait3A_863 = arith.constant 0 : i32
    %dma_wait3A_864 = tpu.memref_slice %arg5[%dma_wait3A_858, %dma_wait3A_863] : memref<50x512xi32, #tpu.memory_space<vmem>> -> memref<1x512xi32, #tpu.memory_space<vmem>>
    %dma_wait3A_865 = tpu.memref_squeeze %dma_wait3A_864 : memref<1x512xi32, #tpu.memory_space<vmem>> -> memref<512xi32, #tpu.memory_space<vmem>>
    %dma_wait3A_866 = tpu.memref_slice %arg3[%add3A_857] : memref<819200xi32, #tpu.memory_space<hbm>> -> memref<512xi32, #tpu.memory_space<hbm>>
    tpu.wait_dma2 semaphore(%arg10 : memref<!tpu.dma_semaphore, #tpu.memory_space<semaphore_mem>>) src(%dma_wait3A_866 : memref<512xi32, #tpu.memory_space<hbm>>) dst(%dma_wait3A_865 : memref<512xi32, #tpu.memory_space<vmem>>)
    %add3A_867 = arith.constant 376832 : i32
    %add3A_868 = arith.addi %add3A_867, %mul3A_2 : i32
    %dma_wait3A_869 = arith.constant 23 : i32
    %dma_wait3A_870 = arith.constant 0 : i32
    %dma_wait3A_871 = tpu.memref_slice %arg5[%dma_wait3A_869, %dma_wait3A_870] : memref<50x512xi32, #tpu.memory_space<vmem>> -> memref<1x512xi32, #tpu.memory_space<vmem>>
    %dma_wait3A_872 = tpu.memref_squeeze %dma_wait3A_871 : memref<1x512xi32, #tpu.memory_space<vmem>> -> memref<512xi32, #tpu.memory_space<vmem>>
    %dma_wait3A_873 = tpu.memref_slice %arg3[%add3A_868] : memref<819200xi32, #tpu.memory_space<hbm>> -> memref<512xi32, #tpu.memory_space<hbm>>
    %dma_wait3A_874 = arith.constant 0 : i32
    %dma_wait3A_875 = tpu.memref_slice %arg5[%dma_wait3A_869, %dma_wait3A_874] : memref<50x512xi32, #tpu.memory_space<vmem>> -> memref<1x512xi32, #tpu.memory_space<vmem>>
    %dma_wait3A_876 = tpu.memref_squeeze %dma_wait3A_875 : memref<1x512xi32, #tpu.memory_space<vmem>> -> memref<512xi32, #tpu.memory_space<vmem>>
    %dma_wait3A_877 = tpu.memref_slice %arg3[%add3A_868] : memref<819200xi32, #tpu.memory_space<hbm>> -> memref<512xi32, #tpu.memory_space<hbm>>
    tpu.wait_dma2 semaphore(%arg10 : memref<!tpu.dma_semaphore, #tpu.memory_space<semaphore_mem>>) src(%dma_wait3A_877 : memref<512xi32, #tpu.memory_space<hbm>>) dst(%dma_wait3A_876 : memref<512xi32, #tpu.memory_space<vmem>>)
    %add3A_878 = arith.constant 393216 : i32
    %add3A_879 = arith.addi %add3A_878, %mul3A_2 : i32
    %dma_wait3A_880 = arith.constant 24 : i32
    %dma_wait3A_881 = arith.constant 0 : i32
    %dma_wait3A_882 = tpu.memref_slice %arg5[%dma_wait3A_880, %dma_wait3A_881] : memref<50x512xi32, #tpu.memory_space<vmem>> -> memref<1x512xi32, #tpu.memory_space<vmem>>
    %dma_wait3A_883 = tpu.memref_squeeze %dma_wait3A_882 : memref<1x512xi32, #tpu.memory_space<vmem>> -> memref<512xi32, #tpu.memory_space<vmem>>
    %dma_wait3A_884 = tpu.memref_slice %arg3[%add3A_879] : memref<819200xi32, #tpu.memory_space<hbm>> -> memref<512xi32, #tpu.memory_space<hbm>>
    %dma_wait3A_885 = arith.constant 0 : i32
    %dma_wait3A_886 = tpu.memref_slice %arg5[%dma_wait3A_880, %dma_wait3A_885] : memref<50x512xi32, #tpu.memory_space<vmem>> -> memref<1x512xi32, #tpu.memory_space<vmem>>
    %dma_wait3A_887 = tpu.memref_squeeze %dma_wait3A_886 : memref<1x512xi32, #tpu.memory_space<vmem>> -> memref<512xi32, #tpu.memory_space<vmem>>
    %dma_wait3A_888 = tpu.memref_slice %arg3[%add3A_879] : memref<819200xi32, #tpu.memory_space<hbm>> -> memref<512xi32, #tpu.memory_space<hbm>>
    tpu.wait_dma2 semaphore(%arg10 : memref<!tpu.dma_semaphore, #tpu.memory_space<semaphore_mem>>) src(%dma_wait3A_888 : memref<512xi32, #tpu.memory_space<hbm>>) dst(%dma_wait3A_887 : memref<512xi32, #tpu.memory_space<vmem>>)
    %add3A_889 = arith.constant 409600 : i32
    %add3A_890 = arith.addi %add3A_889, %mul3A_2 : i32
    %dma_wait3A_891 = arith.constant 25 : i32
    %dma_wait3A_892 = arith.constant 0 : i32
    %dma_wait3A_893 = tpu.memref_slice %arg5[%dma_wait3A_891, %dma_wait3A_892] : memref<50x512xi32, #tpu.memory_space<vmem>> -> memref<1x512xi32, #tpu.memory_space<vmem>>
    %dma_wait3A_894 = tpu.memref_squeeze %dma_wait3A_893 : memref<1x512xi32, #tpu.memory_space<vmem>> -> memref<512xi32, #tpu.memory_space<vmem>>
    %dma_wait3A_895 = tpu.memref_slice %arg3[%add3A_890] : memref<819200xi32, #tpu.memory_space<hbm>> -> memref<512xi32, #tpu.memory_space<hbm>>
    %dma_wait3A_896 = arith.constant 0 : i32
    %dma_wait3A_897 = tpu.memref_slice %arg5[%dma_wait3A_891, %dma_wait3A_896] : memref<50x512xi32, #tpu.memory_space<vmem>> -> memref<1x512xi32, #tpu.memory_space<vmem>>
    %dma_wait3A_898 = tpu.memref_squeeze %dma_wait3A_897 : memref<1x512xi32, #tpu.memory_space<vmem>> -> memref<512xi32, #tpu.memory_space<vmem>>
    %dma_wait3A_899 = tpu.memref_slice %arg3[%add3A_890] : memref<819200xi32, #tpu.memory_space<hbm>> -> memref<512xi32, #tpu.memory_space<hbm>>
    tpu.wait_dma2 semaphore(%arg10 : memref<!tpu.dma_semaphore, #tpu.memory_space<semaphore_mem>>) src(%dma_wait3A_899 : memref<512xi32, #tpu.memory_space<hbm>>) dst(%dma_wait3A_898 : memref<512xi32, #tpu.memory_space<vmem>>)
    %add3A_900 = arith.constant 425984 : i32
    %add3A_901 = arith.addi %add3A_900, %mul3A_2 : i32
    %dma_wait3A_902 = arith.constant 26 : i32
    %dma_wait3A_903 = arith.constant 0 : i32
    %dma_wait3A_904 = tpu.memref_slice %arg5[%dma_wait3A_902, %dma_wait3A_903] : memref<50x512xi32, #tpu.memory_space<vmem>> -> memref<1x512xi32, #tpu.memory_space<vmem>>
    %dma_wait3A_905 = tpu.memref_squeeze %dma_wait3A_904 : memref<1x512xi32, #tpu.memory_space<vmem>> -> memref<512xi32, #tpu.memory_space<vmem>>
    %dma_wait3A_906 = tpu.memref_slice %arg3[%add3A_901] : memref<819200xi32, #tpu.memory_space<hbm>> -> memref<512xi32, #tpu.memory_space<hbm>>
    %dma_wait3A_907 = arith.constant 0 : i32
    %dma_wait3A_908 = tpu.memref_slice %arg5[%dma_wait3A_902, %dma_wait3A_907] : memref<50x512xi32, #tpu.memory_space<vmem>> -> memref<1x512xi32, #tpu.memory_space<vmem>>
    %dma_wait3A_909 = tpu.memref_squeeze %dma_wait3A_908 : memref<1x512xi32, #tpu.memory_space<vmem>> -> memref<512xi32, #tpu.memory_space<vmem>>
    %dma_wait3A_910 = tpu.memref_slice %arg3[%add3A_901] : memref<819200xi32, #tpu.memory_space<hbm>> -> memref<512xi32, #tpu.memory_space<hbm>>
    tpu.wait_dma2 semaphore(%arg10 : memref<!tpu.dma_semaphore, #tpu.memory_space<semaphore_mem>>) src(%dma_wait3A_910 : memref<512xi32, #tpu.memory_space<hbm>>) dst(%dma_wait3A_909 : memref<512xi32, #tpu.memory_space<vmem>>)
    %add3A_911 = arith.constant 442368 : i32
    %add3A_912 = arith.addi %add3A_911, %mul3A_2 : i32
    %dma_wait3A_913 = arith.constant 27 : i32
    %dma_wait3A_914 = arith.constant 0 : i32
    %dma_wait3A_915 = tpu.memref_slice %arg5[%dma_wait3A_913, %dma_wait3A_914] : memref<50x512xi32, #tpu.memory_space<vmem>> -> memref<1x512xi32, #tpu.memory_space<vmem>>
    %dma_wait3A_916 = tpu.memref_squeeze %dma_wait3A_915 : memref<1x512xi32, #tpu.memory_space<vmem>> -> memref<512xi32, #tpu.memory_space<vmem>>
    %dma_wait3A_917 = tpu.memref_slice %arg3[%add3A_912] : memref<819200xi32, #tpu.memory_space<hbm>> -> memref<512xi32, #tpu.memory_space<hbm>>
    %dma_wait3A_918 = arith.constant 0 : i32
    %dma_wait3A_919 = tpu.memref_slice %arg5[%dma_wait3A_913, %dma_wait3A_918] : memref<50x512xi32, #tpu.memory_space<vmem>> -> memref<1x512xi32, #tpu.memory_space<vmem>>
    %dma_wait3A_920 = tpu.memref_squeeze %dma_wait3A_919 : memref<1x512xi32, #tpu.memory_space<vmem>> -> memref<512xi32, #tpu.memory_space<vmem>>
    %dma_wait3A_921 = tpu.memref_slice %arg3[%add3A_912] : memref<819200xi32, #tpu.memory_space<hbm>> -> memref<512xi32, #tpu.memory_space<hbm>>
    tpu.wait_dma2 semaphore(%arg10 : memref<!tpu.dma_semaphore, #tpu.memory_space<semaphore_mem>>) src(%dma_wait3A_921 : memref<512xi32, #tpu.memory_space<hbm>>) dst(%dma_wait3A_920 : memref<512xi32, #tpu.memory_space<vmem>>)
    %add3A_922 = arith.constant 458752 : i32
    %add3A_923 = arith.addi %add3A_922, %mul3A_2 : i32
    %dma_wait3A_924 = arith.constant 28 : i32
    %dma_wait3A_925 = arith.constant 0 : i32
    %dma_wait3A_926 = tpu.memref_slice %arg5[%dma_wait3A_924, %dma_wait3A_925] : memref<50x512xi32, #tpu.memory_space<vmem>> -> memref<1x512xi32, #tpu.memory_space<vmem>>
    %dma_wait3A_927 = tpu.memref_squeeze %dma_wait3A_926 : memref<1x512xi32, #tpu.memory_space<vmem>> -> memref<512xi32, #tpu.memory_space<vmem>>
    %dma_wait3A_928 = tpu.memref_slice %arg3[%add3A_923] : memref<819200xi32, #tpu.memory_space<hbm>> -> memref<512xi32, #tpu.memory_space<hbm>>
    %dma_wait3A_929 = arith.constant 0 : i32
    %dma_wait3A_930 = tpu.memref_slice %arg5[%dma_wait3A_924, %dma_wait3A_929] : memref<50x512xi32, #tpu.memory_space<vmem>> -> memref<1x512xi32, #tpu.memory_space<vmem>>
    %dma_wait3A_931 = tpu.memref_squeeze %dma_wait3A_930 : memref<1x512xi32, #tpu.memory_space<vmem>> -> memref<512xi32, #tpu.memory_space<vmem>>
    %dma_wait3A_932 = tpu.memref_slice %arg3[%add3A_923] : memref<819200xi32, #tpu.memory_space<hbm>> -> memref<512xi32, #tpu.memory_space<hbm>>
    tpu.wait_dma2 semaphore(%arg10 : memref<!tpu.dma_semaphore, #tpu.memory_space<semaphore_mem>>) src(%dma_wait3A_932 : memref<512xi32, #tpu.memory_space<hbm>>) dst(%dma_wait3A_931 : memref<512xi32, #tpu.memory_space<vmem>>)
    %add3A_933 = arith.constant 475136 : i32
    %add3A_934 = arith.addi %add3A_933, %mul3A_2 : i32
    %dma_wait3A_935 = arith.constant 29 : i32
    %dma_wait3A_936 = arith.constant 0 : i32
    %dma_wait3A_937 = tpu.memref_slice %arg5[%dma_wait3A_935, %dma_wait3A_936] : memref<50x512xi32, #tpu.memory_space<vmem>> -> memref<1x512xi32, #tpu.memory_space<vmem>>
    %dma_wait3A_938 = tpu.memref_squeeze %dma_wait3A_937 : memref<1x512xi32, #tpu.memory_space<vmem>> -> memref<512xi32, #tpu.memory_space<vmem>>
    %dma_wait3A_939 = tpu.memref_slice %arg3[%add3A_934] : memref<819200xi32, #tpu.memory_space<hbm>> -> memref<512xi32, #tpu.memory_space<hbm>>
    %dma_wait3A_940 = arith.constant 0 : i32
    %dma_wait3A_941 = tpu.memref_slice %arg5[%dma_wait3A_935, %dma_wait3A_940] : memref<50x512xi32, #tpu.memory_space<vmem>> -> memref<1x512xi32, #tpu.memory_space<vmem>>
    %dma_wait3A_942 = tpu.memref_squeeze %dma_wait3A_941 : memref<1x512xi32, #tpu.memory_space<vmem>> -> memref<512xi32, #tpu.memory_space<vmem>>
    %dma_wait3A_943 = tpu.memref_slice %arg3[%add3A_934] : memref<819200xi32, #tpu.memory_space<hbm>> -> memref<512xi32, #tpu.memory_space<hbm>>
    tpu.wait_dma2 semaphore(%arg10 : memref<!tpu.dma_semaphore, #tpu.memory_space<semaphore_mem>>) src(%dma_wait3A_943 : memref<512xi32, #tpu.memory_space<hbm>>) dst(%dma_wait3A_942 : memref<512xi32, #tpu.memory_space<vmem>>)
    %add3A_944 = arith.constant 491520 : i32
    %add3A_945 = arith.addi %add3A_944, %mul3A_2 : i32
    %dma_wait3A_946 = arith.constant 30 : i32
    %dma_wait3A_947 = arith.constant 0 : i32
    %dma_wait3A_948 = tpu.memref_slice %arg5[%dma_wait3A_946, %dma_wait3A_947] : memref<50x512xi32, #tpu.memory_space<vmem>> -> memref<1x512xi32, #tpu.memory_space<vmem>>
    %dma_wait3A_949 = tpu.memref_squeeze %dma_wait3A_948 : memref<1x512xi32, #tpu.memory_space<vmem>> -> memref<512xi32, #tpu.memory_space<vmem>>
    %dma_wait3A_950 = tpu.memref_slice %arg3[%add3A_945] : memref<819200xi32, #tpu.memory_space<hbm>> -> memref<512xi32, #tpu.memory_space<hbm>>
    %dma_wait3A_951 = arith.constant 0 : i32
    %dma_wait3A_952 = tpu.memref_slice %arg5[%dma_wait3A_946, %dma_wait3A_951] : memref<50x512xi32, #tpu.memory_space<vmem>> -> memref<1x512xi32, #tpu.memory_space<vmem>>
    %dma_wait3A_953 = tpu.memref_squeeze %dma_wait3A_952 : memref<1x512xi32, #tpu.memory_space<vmem>> -> memref<512xi32, #tpu.memory_space<vmem>>
    %dma_wait3A_954 = tpu.memref_slice %arg3[%add3A_945] : memref<819200xi32, #tpu.memory_space<hbm>> -> memref<512xi32, #tpu.memory_space<hbm>>
    tpu.wait_dma2 semaphore(%arg10 : memref<!tpu.dma_semaphore, #tpu.memory_space<semaphore_mem>>) src(%dma_wait3A_954 : memref<512xi32, #tpu.memory_space<hbm>>) dst(%dma_wait3A_953 : memref<512xi32, #tpu.memory_space<vmem>>)
    %add3A_955 = arith.constant 507904 : i32
    %add3A_956 = arith.addi %add3A_955, %mul3A_2 : i32
    %dma_wait3A_957 = arith.constant 31 : i32
    %dma_wait3A_958 = arith.constant 0 : i32
    %dma_wait3A_959 = tpu.memref_slice %arg5[%dma_wait3A_957, %dma_wait3A_958] : memref<50x512xi32, #tpu.memory_space<vmem>> -> memref<1x512xi32, #tpu.memory_space<vmem>>
    %dma_wait3A_960 = tpu.memref_squeeze %dma_wait3A_959 : memref<1x512xi32, #tpu.memory_space<vmem>> -> memref<512xi32, #tpu.memory_space<vmem>>
    %dma_wait3A_961 = tpu.memref_slice %arg3[%add3A_956] : memref<819200xi32, #tpu.memory_space<hbm>> -> memref<512xi32, #tpu.memory_space<hbm>>
    %dma_wait3A_962 = arith.constant 0 : i32
    %dma_wait3A_963 = tpu.memref_slice %arg5[%dma_wait3A_957, %dma_wait3A_962] : memref<50x512xi32, #tpu.memory_space<vmem>> -> memref<1x512xi32, #tpu.memory_space<vmem>>
    %dma_wait3A_964 = tpu.memref_squeeze %dma_wait3A_963 : memref<1x512xi32, #tpu.memory_space<vmem>> -> memref<512xi32, #tpu.memory_space<vmem>>
    %dma_wait3A_965 = tpu.memref_slice %arg3[%add3A_956] : memref<819200xi32, #tpu.memory_space<hbm>> -> memref<512xi32, #tpu.memory_space<hbm>>
    tpu.wait_dma2 semaphore(%arg10 : memref<!tpu.dma_semaphore, #tpu.memory_space<semaphore_mem>>) src(%dma_wait3A_965 : memref<512xi32, #tpu.memory_space<hbm>>) dst(%dma_wait3A_964 : memref<512xi32, #tpu.memory_space<vmem>>)
    %add3A_966 = arith.constant 524288 : i32
    %add3A_967 = arith.addi %add3A_966, %mul3A_2 : i32
    %dma_wait3A_968 = arith.constant 32 : i32
    %dma_wait3A_969 = arith.constant 0 : i32
    %dma_wait3A_970 = tpu.memref_slice %arg5[%dma_wait3A_968, %dma_wait3A_969] : memref<50x512xi32, #tpu.memory_space<vmem>> -> memref<1x512xi32, #tpu.memory_space<vmem>>
    %dma_wait3A_971 = tpu.memref_squeeze %dma_wait3A_970 : memref<1x512xi32, #tpu.memory_space<vmem>> -> memref<512xi32, #tpu.memory_space<vmem>>
    %dma_wait3A_972 = tpu.memref_slice %arg3[%add3A_967] : memref<819200xi32, #tpu.memory_space<hbm>> -> memref<512xi32, #tpu.memory_space<hbm>>
    %dma_wait3A_973 = arith.constant 0 : i32
    %dma_wait3A_974 = tpu.memref_slice %arg5[%dma_wait3A_968, %dma_wait3A_973] : memref<50x512xi32, #tpu.memory_space<vmem>> -> memref<1x512xi32, #tpu.memory_space<vmem>>
    %dma_wait3A_975 = tpu.memref_squeeze %dma_wait3A_974 : memref<1x512xi32, #tpu.memory_space<vmem>> -> memref<512xi32, #tpu.memory_space<vmem>>
    %dma_wait3A_976 = tpu.memref_slice %arg3[%add3A_967] : memref<819200xi32, #tpu.memory_space<hbm>> -> memref<512xi32, #tpu.memory_space<hbm>>
    tpu.wait_dma2 semaphore(%arg10 : memref<!tpu.dma_semaphore, #tpu.memory_space<semaphore_mem>>) src(%dma_wait3A_976 : memref<512xi32, #tpu.memory_space<hbm>>) dst(%dma_wait3A_975 : memref<512xi32, #tpu.memory_space<vmem>>)
    %add3A_977 = arith.constant 540672 : i32
    %add3A_978 = arith.addi %add3A_977, %mul3A_2 : i32
    %dma_wait3A_979 = arith.constant 33 : i32
    %dma_wait3A_980 = arith.constant 0 : i32
    %dma_wait3A_981 = tpu.memref_slice %arg5[%dma_wait3A_979, %dma_wait3A_980] : memref<50x512xi32, #tpu.memory_space<vmem>> -> memref<1x512xi32, #tpu.memory_space<vmem>>
    %dma_wait3A_982 = tpu.memref_squeeze %dma_wait3A_981 : memref<1x512xi32, #tpu.memory_space<vmem>> -> memref<512xi32, #tpu.memory_space<vmem>>
    %dma_wait3A_983 = tpu.memref_slice %arg3[%add3A_978] : memref<819200xi32, #tpu.memory_space<hbm>> -> memref<512xi32, #tpu.memory_space<hbm>>
    %dma_wait3A_984 = arith.constant 0 : i32
    %dma_wait3A_985 = tpu.memref_slice %arg5[%dma_wait3A_979, %dma_wait3A_984] : memref<50x512xi32, #tpu.memory_space<vmem>> -> memref<1x512xi32, #tpu.memory_space<vmem>>
    %dma_wait3A_986 = tpu.memref_squeeze %dma_wait3A_985 : memref<1x512xi32, #tpu.memory_space<vmem>> -> memref<512xi32, #tpu.memory_space<vmem>>
    %dma_wait3A_987 = tpu.memref_slice %arg3[%add3A_978] : memref<819200xi32, #tpu.memory_space<hbm>> -> memref<512xi32, #tpu.memory_space<hbm>>
    tpu.wait_dma2 semaphore(%arg10 : memref<!tpu.dma_semaphore, #tpu.memory_space<semaphore_mem>>) src(%dma_wait3A_987 : memref<512xi32, #tpu.memory_space<hbm>>) dst(%dma_wait3A_986 : memref<512xi32, #tpu.memory_space<vmem>>)
    %add3A_988 = arith.constant 557056 : i32
    %add3A_989 = arith.addi %add3A_988, %mul3A_2 : i32
    %dma_wait3A_990 = arith.constant 34 : i32
    %dma_wait3A_991 = arith.constant 0 : i32
    %dma_wait3A_992 = tpu.memref_slice %arg5[%dma_wait3A_990, %dma_wait3A_991] : memref<50x512xi32, #tpu.memory_space<vmem>> -> memref<1x512xi32, #tpu.memory_space<vmem>>
    %dma_wait3A_993 = tpu.memref_squeeze %dma_wait3A_992 : memref<1x512xi32, #tpu.memory_space<vmem>> -> memref<512xi32, #tpu.memory_space<vmem>>
    %dma_wait3A_994 = tpu.memref_slice %arg3[%add3A_989] : memref<819200xi32, #tpu.memory_space<hbm>> -> memref<512xi32, #tpu.memory_space<hbm>>
    %dma_wait3A_995 = arith.constant 0 : i32
    %dma_wait3A_996 = tpu.memref_slice %arg5[%dma_wait3A_990, %dma_wait3A_995] : memref<50x512xi32, #tpu.memory_space<vmem>> -> memref<1x512xi32, #tpu.memory_space<vmem>>
    %dma_wait3A_997 = tpu.memref_squeeze %dma_wait3A_996 : memref<1x512xi32, #tpu.memory_space<vmem>> -> memref<512xi32, #tpu.memory_space<vmem>>
    %dma_wait3A_998 = tpu.memref_slice %arg3[%add3A_989] : memref<819200xi32, #tpu.memory_space<hbm>> -> memref<512xi32, #tpu.memory_space<hbm>>
    tpu.wait_dma2 semaphore(%arg10 : memref<!tpu.dma_semaphore, #tpu.memory_space<semaphore_mem>>) src(%dma_wait3A_998 : memref<512xi32, #tpu.memory_space<hbm>>) dst(%dma_wait3A_997 : memref<512xi32, #tpu.memory_space<vmem>>)
    %add3A_999 = arith.constant 573440 : i32
    %add3A_1000 = arith.addi %add3A_999, %mul3A_2 : i32
    %dma_wait3A_1001 = arith.constant 35 : i32
    %dma_wait3A_1002 = arith.constant 0 : i32
    %dma_wait3A_1003 = tpu.memref_slice %arg5[%dma_wait3A_1001, %dma_wait3A_1002] : memref<50x512xi32, #tpu.memory_space<vmem>> -> memref<1x512xi32, #tpu.memory_space<vmem>>
    %dma_wait3A_1004 = tpu.memref_squeeze %dma_wait3A_1003 : memref<1x512xi32, #tpu.memory_space<vmem>> -> memref<512xi32, #tpu.memory_space<vmem>>
    %dma_wait3A_1005 = tpu.memref_slice %arg3[%add3A_1000] : memref<819200xi32, #tpu.memory_space<hbm>> -> memref<512xi32, #tpu.memory_space<hbm>>
    %dma_wait3A_1006 = arith.constant 0 : i32
    %dma_wait3A_1007 = tpu.memref_slice %arg5[%dma_wait3A_1001, %dma_wait3A_1006] : memref<50x512xi32, #tpu.memory_space<vmem>> -> memref<1x512xi32, #tpu.memory_space<vmem>>
    %dma_wait3A_1008 = tpu.memref_squeeze %dma_wait3A_1007 : memref<1x512xi32, #tpu.memory_space<vmem>> -> memref<512xi32, #tpu.memory_space<vmem>>
    %dma_wait3A_1009 = tpu.memref_slice %arg3[%add3A_1000] : memref<819200xi32, #tpu.memory_space<hbm>> -> memref<512xi32, #tpu.memory_space<hbm>>
    tpu.wait_dma2 semaphore(%arg10 : memref<!tpu.dma_semaphore, #tpu.memory_space<semaphore_mem>>) src(%dma_wait3A_1009 : memref<512xi32, #tpu.memory_space<hbm>>) dst(%dma_wait3A_1008 : memref<512xi32, #tpu.memory_space<vmem>>)
    %add3A_1010 = arith.constant 589824 : i32
    %add3A_1011 = arith.addi %add3A_1010, %mul3A_2 : i32
    %dma_wait3A_1012 = arith.constant 36 : i32
    %dma_wait3A_1013 = arith.constant 0 : i32
    %dma_wait3A_1014 = tpu.memref_slice %arg5[%dma_wait3A_1012, %dma_wait3A_1013] : memref<50x512xi32, #tpu.memory_space<vmem>> -> memref<1x512xi32, #tpu.memory_space<vmem>>
    %dma_wait3A_1015 = tpu.memref_squeeze %dma_wait3A_1014 : memref<1x512xi32, #tpu.memory_space<vmem>> -> memref<512xi32, #tpu.memory_space<vmem>>
    %dma_wait3A_1016 = tpu.memref_slice %arg3[%add3A_1011] : memref<819200xi32, #tpu.memory_space<hbm>> -> memref<512xi32, #tpu.memory_space<hbm>>
    %dma_wait3A_1017 = arith.constant 0 : i32
    %dma_wait3A_1018 = tpu.memref_slice %arg5[%dma_wait3A_1012, %dma_wait3A_1017] : memref<50x512xi32, #tpu.memory_space<vmem>> -> memref<1x512xi32, #tpu.memory_space<vmem>>
    %dma_wait3A_1019 = tpu.memref_squeeze %dma_wait3A_1018 : memref<1x512xi32, #tpu.memory_space<vmem>> -> memref<512xi32, #tpu.memory_space<vmem>>
    %dma_wait3A_1020 = tpu.memref_slice %arg3[%add3A_1011] : memref<819200xi32, #tpu.memory_space<hbm>> -> memref<512xi32, #tpu.memory_space<hbm>>
    tpu.wait_dma2 semaphore(%arg10 : memref<!tpu.dma_semaphore, #tpu.memory_space<semaphore_mem>>) src(%dma_wait3A_1020 : memref<512xi32, #tpu.memory_space<hbm>>) dst(%dma_wait3A_1019 : memref<512xi32, #tpu.memory_space<vmem>>)
    %add3A_1021 = arith.constant 606208 : i32
    %add3A_1022 = arith.addi %add3A_1021, %mul3A_2 : i32
    %dma_wait3A_1023 = arith.constant 37 : i32
    %dma_wait3A_1024 = arith.constant 0 : i32
    %dma_wait3A_1025 = tpu.memref_slice %arg5[%dma_wait3A_1023, %dma_wait3A_1024] : memref<50x512xi32, #tpu.memory_space<vmem>> -> memref<1x512xi32, #tpu.memory_space<vmem>>
    %dma_wait3A_1026 = tpu.memref_squeeze %dma_wait3A_1025 : memref<1x512xi32, #tpu.memory_space<vmem>> -> memref<512xi32, #tpu.memory_space<vmem>>
    %dma_wait3A_1027 = tpu.memref_slice %arg3[%add3A_1022] : memref<819200xi32, #tpu.memory_space<hbm>> -> memref<512xi32, #tpu.memory_space<hbm>>
    %dma_wait3A_1028 = arith.constant 0 : i32
    %dma_wait3A_1029 = tpu.memref_slice %arg5[%dma_wait3A_1023, %dma_wait3A_1028] : memref<50x512xi32, #tpu.memory_space<vmem>> -> memref<1x512xi32, #tpu.memory_space<vmem>>
    %dma_wait3A_1030 = tpu.memref_squeeze %dma_wait3A_1029 : memref<1x512xi32, #tpu.memory_space<vmem>> -> memref<512xi32, #tpu.memory_space<vmem>>
    %dma_wait3A_1031 = tpu.memref_slice %arg3[%add3A_1022] : memref<819200xi32, #tpu.memory_space<hbm>> -> memref<512xi32, #tpu.memory_space<hbm>>
    tpu.wait_dma2 semaphore(%arg10 : memref<!tpu.dma_semaphore, #tpu.memory_space<semaphore_mem>>) src(%dma_wait3A_1031 : memref<512xi32, #tpu.memory_space<hbm>>) dst(%dma_wait3A_1030 : memref<512xi32, #tpu.memory_space<vmem>>)
    %add3A_1032 = arith.constant 622592 : i32
    %add3A_1033 = arith.addi %add3A_1032, %mul3A_2 : i32
    %dma_wait3A_1034 = arith.constant 38 : i32
    %dma_wait3A_1035 = arith.constant 0 : i32
    %dma_wait3A_1036 = tpu.memref_slice %arg5[%dma_wait3A_1034, %dma_wait3A_1035] : memref<50x512xi32, #tpu.memory_space<vmem>> -> memref<1x512xi32, #tpu.memory_space<vmem>>
    %dma_wait3A_1037 = tpu.memref_squeeze %dma_wait3A_1036 : memref<1x512xi32, #tpu.memory_space<vmem>> -> memref<512xi32, #tpu.memory_space<vmem>>
    %dma_wait3A_1038 = tpu.memref_slice %arg3[%add3A_1033] : memref<819200xi32, #tpu.memory_space<hbm>> -> memref<512xi32, #tpu.memory_space<hbm>>
    %dma_wait3A_1039 = arith.constant 0 : i32
    %dma_wait3A_1040 = tpu.memref_slice %arg5[%dma_wait3A_1034, %dma_wait3A_1039] : memref<50x512xi32, #tpu.memory_space<vmem>> -> memref<1x512xi32, #tpu.memory_space<vmem>>
    %dma_wait3A_1041 = tpu.memref_squeeze %dma_wait3A_1040 : memref<1x512xi32, #tpu.memory_space<vmem>> -> memref<512xi32, #tpu.memory_space<vmem>>
    %dma_wait3A_1042 = tpu.memref_slice %arg3[%add3A_1033] : memref<819200xi32, #tpu.memory_space<hbm>> -> memref<512xi32, #tpu.memory_space<hbm>>
    tpu.wait_dma2 semaphore(%arg10 : memref<!tpu.dma_semaphore, #tpu.memory_space<semaphore_mem>>) src(%dma_wait3A_1042 : memref<512xi32, #tpu.memory_space<hbm>>) dst(%dma_wait3A_1041 : memref<512xi32, #tpu.memory_space<vmem>>)
    %add3A_1043 = arith.constant 638976 : i32
    %add3A_1044 = arith.addi %add3A_1043, %mul3A_2 : i32
    %dma_wait3A_1045 = arith.constant 39 : i32
    %dma_wait3A_1046 = arith.constant 0 : i32
    %dma_wait3A_1047 = tpu.memref_slice %arg5[%dma_wait3A_1045, %dma_wait3A_1046] : memref<50x512xi32, #tpu.memory_space<vmem>> -> memref<1x512xi32, #tpu.memory_space<vmem>>
    %dma_wait3A_1048 = tpu.memref_squeeze %dma_wait3A_1047 : memref<1x512xi32, #tpu.memory_space<vmem>> -> memref<512xi32, #tpu.memory_space<vmem>>
    %dma_wait3A_1049 = tpu.memref_slice %arg3[%add3A_1044] : memref<819200xi32, #tpu.memory_space<hbm>> -> memref<512xi32, #tpu.memory_space<hbm>>
    %dma_wait3A_1050 = arith.constant 0 : i32
    %dma_wait3A_1051 = tpu.memref_slice %arg5[%dma_wait3A_1045, %dma_wait3A_1050] : memref<50x512xi32, #tpu.memory_space<vmem>> -> memref<1x512xi32, #tpu.memory_space<vmem>>
    %dma_wait3A_1052 = tpu.memref_squeeze %dma_wait3A_1051 : memref<1x512xi32, #tpu.memory_space<vmem>> -> memref<512xi32, #tpu.memory_space<vmem>>
    %dma_wait3A_1053 = tpu.memref_slice %arg3[%add3A_1044] : memref<819200xi32, #tpu.memory_space<hbm>> -> memref<512xi32, #tpu.memory_space<hbm>>
    tpu.wait_dma2 semaphore(%arg10 : memref<!tpu.dma_semaphore, #tpu.memory_space<semaphore_mem>>) src(%dma_wait3A_1053 : memref<512xi32, #tpu.memory_space<hbm>>) dst(%dma_wait3A_1052 : memref<512xi32, #tpu.memory_space<vmem>>)
    %add3A_1054 = arith.constant 655360 : i32
    %add3A_1055 = arith.addi %add3A_1054, %mul3A_2 : i32
    %dma_wait3A_1056 = arith.constant 40 : i32
    %dma_wait3A_1057 = arith.constant 0 : i32
    %dma_wait3A_1058 = tpu.memref_slice %arg5[%dma_wait3A_1056, %dma_wait3A_1057] : memref<50x512xi32, #tpu.memory_space<vmem>> -> memref<1x512xi32, #tpu.memory_space<vmem>>
    %dma_wait3A_1059 = tpu.memref_squeeze %dma_wait3A_1058 : memref<1x512xi32, #tpu.memory_space<vmem>> -> memref<512xi32, #tpu.memory_space<vmem>>
    %dma_wait3A_1060 = tpu.memref_slice %arg3[%add3A_1055] : memref<819200xi32, #tpu.memory_space<hbm>> -> memref<512xi32, #tpu.memory_space<hbm>>
    %dma_wait3A_1061 = arith.constant 0 : i32
    %dma_wait3A_1062 = tpu.memref_slice %arg5[%dma_wait3A_1056, %dma_wait3A_1061] : memref<50x512xi32, #tpu.memory_space<vmem>> -> memref<1x512xi32, #tpu.memory_space<vmem>>
    %dma_wait3A_1063 = tpu.memref_squeeze %dma_wait3A_1062 : memref<1x512xi32, #tpu.memory_space<vmem>> -> memref<512xi32, #tpu.memory_space<vmem>>
    %dma_wait3A_1064 = tpu.memref_slice %arg3[%add3A_1055] : memref<819200xi32, #tpu.memory_space<hbm>> -> memref<512xi32, #tpu.memory_space<hbm>>
    tpu.wait_dma2 semaphore(%arg10 : memref<!tpu.dma_semaphore, #tpu.memory_space<semaphore_mem>>) src(%dma_wait3A_1064 : memref<512xi32, #tpu.memory_space<hbm>>) dst(%dma_wait3A_1063 : memref<512xi32, #tpu.memory_space<vmem>>)
    %add3A_1065 = arith.constant 671744 : i32
    %add3A_1066 = arith.addi %add3A_1065, %mul3A_2 : i32
    %dma_wait3A_1067 = arith.constant 41 : i32
    %dma_wait3A_1068 = arith.constant 0 : i32
    %dma_wait3A_1069 = tpu.memref_slice %arg5[%dma_wait3A_1067, %dma_wait3A_1068] : memref<50x512xi32, #tpu.memory_space<vmem>> -> memref<1x512xi32, #tpu.memory_space<vmem>>
    %dma_wait3A_1070 = tpu.memref_squeeze %dma_wait3A_1069 : memref<1x512xi32, #tpu.memory_space<vmem>> -> memref<512xi32, #tpu.memory_space<vmem>>
    %dma_wait3A_1071 = tpu.memref_slice %arg3[%add3A_1066] : memref<819200xi32, #tpu.memory_space<hbm>> -> memref<512xi32, #tpu.memory_space<hbm>>
    %dma_wait3A_1072 = arith.constant 0 : i32
    %dma_wait3A_1073 = tpu.memref_slice %arg5[%dma_wait3A_1067, %dma_wait3A_1072] : memref<50x512xi32, #tpu.memory_space<vmem>> -> memref<1x512xi32, #tpu.memory_space<vmem>>
    %dma_wait3A_1074 = tpu.memref_squeeze %dma_wait3A_1073 : memref<1x512xi32, #tpu.memory_space<vmem>> -> memref<512xi32, #tpu.memory_space<vmem>>
    %dma_wait3A_1075 = tpu.memref_slice %arg3[%add3A_1066] : memref<819200xi32, #tpu.memory_space<hbm>> -> memref<512xi32, #tpu.memory_space<hbm>>
    tpu.wait_dma2 semaphore(%arg10 : memref<!tpu.dma_semaphore, #tpu.memory_space<semaphore_mem>>) src(%dma_wait3A_1075 : memref<512xi32, #tpu.memory_space<hbm>>) dst(%dma_wait3A_1074 : memref<512xi32, #tpu.memory_space<vmem>>)
    %add3A_1076 = arith.constant 688128 : i32
    %add3A_1077 = arith.addi %add3A_1076, %mul3A_2 : i32
    %dma_wait3A_1078 = arith.constant 42 : i32
    %dma_wait3A_1079 = arith.constant 0 : i32
    %dma_wait3A_1080 = tpu.memref_slice %arg5[%dma_wait3A_1078, %dma_wait3A_1079] : memref<50x512xi32, #tpu.memory_space<vmem>> -> memref<1x512xi32, #tpu.memory_space<vmem>>
    %dma_wait3A_1081 = tpu.memref_squeeze %dma_wait3A_1080 : memref<1x512xi32, #tpu.memory_space<vmem>> -> memref<512xi32, #tpu.memory_space<vmem>>
    %dma_wait3A_1082 = tpu.memref_slice %arg3[%add3A_1077] : memref<819200xi32, #tpu.memory_space<hbm>> -> memref<512xi32, #tpu.memory_space<hbm>>
    %dma_wait3A_1083 = arith.constant 0 : i32
    %dma_wait3A_1084 = tpu.memref_slice %arg5[%dma_wait3A_1078, %dma_wait3A_1083] : memref<50x512xi32, #tpu.memory_space<vmem>> -> memref<1x512xi32, #tpu.memory_space<vmem>>
    %dma_wait3A_1085 = tpu.memref_squeeze %dma_wait3A_1084 : memref<1x512xi32, #tpu.memory_space<vmem>> -> memref<512xi32, #tpu.memory_space<vmem>>
    %dma_wait3A_1086 = tpu.memref_slice %arg3[%add3A_1077] : memref<819200xi32, #tpu.memory_space<hbm>> -> memref<512xi32, #tpu.memory_space<hbm>>
    tpu.wait_dma2 semaphore(%arg10 : memref<!tpu.dma_semaphore, #tpu.memory_space<semaphore_mem>>) src(%dma_wait3A_1086 : memref<512xi32, #tpu.memory_space<hbm>>) dst(%dma_wait3A_1085 : memref<512xi32, #tpu.memory_space<vmem>>)
    %add3A_1087 = arith.constant 704512 : i32
    %add3A_1088 = arith.addi %add3A_1087, %mul3A_2 : i32
    %dma_wait3A_1089 = arith.constant 43 : i32
    %dma_wait3A_1090 = arith.constant 0 : i32
    %dma_wait3A_1091 = tpu.memref_slice %arg5[%dma_wait3A_1089, %dma_wait3A_1090] : memref<50x512xi32, #tpu.memory_space<vmem>> -> memref<1x512xi32, #tpu.memory_space<vmem>>
    %dma_wait3A_1092 = tpu.memref_squeeze %dma_wait3A_1091 : memref<1x512xi32, #tpu.memory_space<vmem>> -> memref<512xi32, #tpu.memory_space<vmem>>
    %dma_wait3A_1093 = tpu.memref_slice %arg3[%add3A_1088] : memref<819200xi32, #tpu.memory_space<hbm>> -> memref<512xi32, #tpu.memory_space<hbm>>
    %dma_wait3A_1094 = arith.constant 0 : i32
    %dma_wait3A_1095 = tpu.memref_slice %arg5[%dma_wait3A_1089, %dma_wait3A_1094] : memref<50x512xi32, #tpu.memory_space<vmem>> -> memref<1x512xi32, #tpu.memory_space<vmem>>
    %dma_wait3A_1096 = tpu.memref_squeeze %dma_wait3A_1095 : memref<1x512xi32, #tpu.memory_space<vmem>> -> memref<512xi32, #tpu.memory_space<vmem>>
    %dma_wait3A_1097 = tpu.memref_slice %arg3[%add3A_1088] : memref<819200xi32, #tpu.memory_space<hbm>> -> memref<512xi32, #tpu.memory_space<hbm>>
    tpu.wait_dma2 semaphore(%arg10 : memref<!tpu.dma_semaphore, #tpu.memory_space<semaphore_mem>>) src(%dma_wait3A_1097 : memref<512xi32, #tpu.memory_space<hbm>>) dst(%dma_wait3A_1096 : memref<512xi32, #tpu.memory_space<vmem>>)
    %add3A_1098 = arith.constant 720896 : i32
    %add3A_1099 = arith.addi %add3A_1098, %mul3A_2 : i32
    %dma_wait3A_1100 = arith.constant 44 : i32
    %dma_wait3A_1101 = arith.constant 0 : i32
    %dma_wait3A_1102 = tpu.memref_slice %arg5[%dma_wait3A_1100, %dma_wait3A_1101] : memref<50x512xi32, #tpu.memory_space<vmem>> -> memref<1x512xi32, #tpu.memory_space<vmem>>
    %dma_wait3A_1103 = tpu.memref_squeeze %dma_wait3A_1102 : memref<1x512xi32, #tpu.memory_space<vmem>> -> memref<512xi32, #tpu.memory_space<vmem>>
    %dma_wait3A_1104 = tpu.memref_slice %arg3[%add3A_1099] : memref<819200xi32, #tpu.memory_space<hbm>> -> memref<512xi32, #tpu.memory_space<hbm>>
    %dma_wait3A_1105 = arith.constant 0 : i32
    %dma_wait3A_1106 = tpu.memref_slice %arg5[%dma_wait3A_1100, %dma_wait3A_1105] : memref<50x512xi32, #tpu.memory_space<vmem>> -> memref<1x512xi32, #tpu.memory_space<vmem>>
    %dma_wait3A_1107 = tpu.memref_squeeze %dma_wait3A_1106 : memref<1x512xi32, #tpu.memory_space<vmem>> -> memref<512xi32, #tpu.memory_space<vmem>>
    %dma_wait3A_1108 = tpu.memref_slice %arg3[%add3A_1099] : memref<819200xi32, #tpu.memory_space<hbm>> -> memref<512xi32, #tpu.memory_space<hbm>>
    tpu.wait_dma2 semaphore(%arg10 : memref<!tpu.dma_semaphore, #tpu.memory_space<semaphore_mem>>) src(%dma_wait3A_1108 : memref<512xi32, #tpu.memory_space<hbm>>) dst(%dma_wait3A_1107 : memref<512xi32, #tpu.memory_space<vmem>>)
    %add3A_1109 = arith.constant 737280 : i32
    %add3A_1110 = arith.addi %add3A_1109, %mul3A_2 : i32
    %dma_wait3A_1111 = arith.constant 45 : i32
    %dma_wait3A_1112 = arith.constant 0 : i32
    %dma_wait3A_1113 = tpu.memref_slice %arg5[%dma_wait3A_1111, %dma_wait3A_1112] : memref<50x512xi32, #tpu.memory_space<vmem>> -> memref<1x512xi32, #tpu.memory_space<vmem>>
    %dma_wait3A_1114 = tpu.memref_squeeze %dma_wait3A_1113 : memref<1x512xi32, #tpu.memory_space<vmem>> -> memref<512xi32, #tpu.memory_space<vmem>>
    %dma_wait3A_1115 = tpu.memref_slice %arg3[%add3A_1110] : memref<819200xi32, #tpu.memory_space<hbm>> -> memref<512xi32, #tpu.memory_space<hbm>>
    %dma_wait3A_1116 = arith.constant 0 : i32
    %dma_wait3A_1117 = tpu.memref_slice %arg5[%dma_wait3A_1111, %dma_wait3A_1116] : memref<50x512xi32, #tpu.memory_space<vmem>> -> memref<1x512xi32, #tpu.memory_space<vmem>>
    %dma_wait3A_1118 = tpu.memref_squeeze %dma_wait3A_1117 : memref<1x512xi32, #tpu.memory_space<vmem>> -> memref<512xi32, #tpu.memory_space<vmem>>
    %dma_wait3A_1119 = tpu.memref_slice %arg3[%add3A_1110] : memref<819200xi32, #tpu.memory_space<hbm>> -> memref<512xi32, #tpu.memory_space<hbm>>
    tpu.wait_dma2 semaphore(%arg10 : memref<!tpu.dma_semaphore, #tpu.memory_space<semaphore_mem>>) src(%dma_wait3A_1119 : memref<512xi32, #tpu.memory_space<hbm>>) dst(%dma_wait3A_1118 : memref<512xi32, #tpu.memory_space<vmem>>)
    %add3A_1120 = arith.constant 753664 : i32
    %add3A_1121 = arith.addi %add3A_1120, %mul3A_2 : i32
    %dma_wait3A_1122 = arith.constant 46 : i32
    %dma_wait3A_1123 = arith.constant 0 : i32
    %dma_wait3A_1124 = tpu.memref_slice %arg5[%dma_wait3A_1122, %dma_wait3A_1123] : memref<50x512xi32, #tpu.memory_space<vmem>> -> memref<1x512xi32, #tpu.memory_space<vmem>>
    %dma_wait3A_1125 = tpu.memref_squeeze %dma_wait3A_1124 : memref<1x512xi32, #tpu.memory_space<vmem>> -> memref<512xi32, #tpu.memory_space<vmem>>
    %dma_wait3A_1126 = tpu.memref_slice %arg3[%add3A_1121] : memref<819200xi32, #tpu.memory_space<hbm>> -> memref<512xi32, #tpu.memory_space<hbm>>
    %dma_wait3A_1127 = arith.constant 0 : i32
    %dma_wait3A_1128 = tpu.memref_slice %arg5[%dma_wait3A_1122, %dma_wait3A_1127] : memref<50x512xi32, #tpu.memory_space<vmem>> -> memref<1x512xi32, #tpu.memory_space<vmem>>
    %dma_wait3A_1129 = tpu.memref_squeeze %dma_wait3A_1128 : memref<1x512xi32, #tpu.memory_space<vmem>> -> memref<512xi32, #tpu.memory_space<vmem>>
    %dma_wait3A_1130 = tpu.memref_slice %arg3[%add3A_1121] : memref<819200xi32, #tpu.memory_space<hbm>> -> memref<512xi32, #tpu.memory_space<hbm>>
    tpu.wait_dma2 semaphore(%arg10 : memref<!tpu.dma_semaphore, #tpu.memory_space<semaphore_mem>>) src(%dma_wait3A_1130 : memref<512xi32, #tpu.memory_space<hbm>>) dst(%dma_wait3A_1129 : memref<512xi32, #tpu.memory_space<vmem>>)
    %add3A_1131 = arith.constant 770048 : i32
    %add3A_1132 = arith.addi %add3A_1131, %mul3A_2 : i32
    %dma_wait3A_1133 = arith.constant 47 : i32
    %dma_wait3A_1134 = arith.constant 0 : i32
    %dma_wait3A_1135 = tpu.memref_slice %arg5[%dma_wait3A_1133, %dma_wait3A_1134] : memref<50x512xi32, #tpu.memory_space<vmem>> -> memref<1x512xi32, #tpu.memory_space<vmem>>
    %dma_wait3A_1136 = tpu.memref_squeeze %dma_wait3A_1135 : memref<1x512xi32, #tpu.memory_space<vmem>> -> memref<512xi32, #tpu.memory_space<vmem>>
    %dma_wait3A_1137 = tpu.memref_slice %arg3[%add3A_1132] : memref<819200xi32, #tpu.memory_space<hbm>> -> memref<512xi32, #tpu.memory_space<hbm>>
    %dma_wait3A_1138 = arith.constant 0 : i32
    %dma_wait3A_1139 = tpu.memref_slice %arg5[%dma_wait3A_1133, %dma_wait3A_1138] : memref<50x512xi32, #tpu.memory_space<vmem>> -> memref<1x512xi32, #tpu.memory_space<vmem>>
    %dma_wait3A_1140 = tpu.memref_squeeze %dma_wait3A_1139 : memref<1x512xi32, #tpu.memory_space<vmem>> -> memref<512xi32, #tpu.memory_space<vmem>>
    %dma_wait3A_1141 = tpu.memref_slice %arg3[%add3A_1132] : memref<819200xi32, #tpu.memory_space<hbm>> -> memref<512xi32, #tpu.memory_space<hbm>>
    tpu.wait_dma2 semaphore(%arg10 : memref<!tpu.dma_semaphore, #tpu.memory_space<semaphore_mem>>) src(%dma_wait3A_1141 : memref<512xi32, #tpu.memory_space<hbm>>) dst(%dma_wait3A_1140 : memref<512xi32, #tpu.memory_space<vmem>>)
    %add3A_1142 = arith.constant 786432 : i32
    %add3A_1143 = arith.addi %add3A_1142, %mul3A_2 : i32
    %dma_wait3A_1144 = arith.constant 48 : i32
    %dma_wait3A_1145 = arith.constant 0 : i32
    %dma_wait3A_1146 = tpu.memref_slice %arg5[%dma_wait3A_1144, %dma_wait3A_1145] : memref<50x512xi32, #tpu.memory_space<vmem>> -> memref<1x512xi32, #tpu.memory_space<vmem>>
    %dma_wait3A_1147 = tpu.memref_squeeze %dma_wait3A_1146 : memref<1x512xi32, #tpu.memory_space<vmem>> -> memref<512xi32, #tpu.memory_space<vmem>>
    %dma_wait3A_1148 = tpu.memref_slice %arg3[%add3A_1143] : memref<819200xi32, #tpu.memory_space<hbm>> -> memref<512xi32, #tpu.memory_space<hbm>>
    %dma_wait3A_1149 = arith.constant 0 : i32
    %dma_wait3A_1150 = tpu.memref_slice %arg5[%dma_wait3A_1144, %dma_wait3A_1149] : memref<50x512xi32, #tpu.memory_space<vmem>> -> memref<1x512xi32, #tpu.memory_space<vmem>>
    %dma_wait3A_1151 = tpu.memref_squeeze %dma_wait3A_1150 : memref<1x512xi32, #tpu.memory_space<vmem>> -> memref<512xi32, #tpu.memory_space<vmem>>
    %dma_wait3A_1152 = tpu.memref_slice %arg3[%add3A_1143] : memref<819200xi32, #tpu.memory_space<hbm>> -> memref<512xi32, #tpu.memory_space<hbm>>
    tpu.wait_dma2 semaphore(%arg10 : memref<!tpu.dma_semaphore, #tpu.memory_space<semaphore_mem>>) src(%dma_wait3A_1152 : memref<512xi32, #tpu.memory_space<hbm>>) dst(%dma_wait3A_1151 : memref<512xi32, #tpu.memory_space<vmem>>)
    %add3A_1153 = arith.constant 802816 : i32
    %add3A_1154 = arith.addi %add3A_1153, %mul3A_2 : i32
    %dma_wait3A_1155 = arith.constant 49 : i32
    %dma_wait3A_1156 = arith.constant 0 : i32
    %dma_wait3A_1157 = tpu.memref_slice %arg5[%dma_wait3A_1155, %dma_wait3A_1156] : memref<50x512xi32, #tpu.memory_space<vmem>> -> memref<1x512xi32, #tpu.memory_space<vmem>>
    %dma_wait3A_1158 = tpu.memref_squeeze %dma_wait3A_1157 : memref<1x512xi32, #tpu.memory_space<vmem>> -> memref<512xi32, #tpu.memory_space<vmem>>
    %dma_wait3A_1159 = tpu.memref_slice %arg3[%add3A_1154] : memref<819200xi32, #tpu.memory_space<hbm>> -> memref<512xi32, #tpu.memory_space<hbm>>
    %dma_wait3A_1160 = arith.constant 0 : i32
    %dma_wait3A_1161 = tpu.memref_slice %arg5[%dma_wait3A_1155, %dma_wait3A_1160] : memref<50x512xi32, #tpu.memory_space<vmem>> -> memref<1x512xi32, #tpu.memory_space<vmem>>
    %dma_wait3A_1162 = tpu.memref_squeeze %dma_wait3A_1161 : memref<1x512xi32, #tpu.memory_space<vmem>> -> memref<512xi32, #tpu.memory_space<vmem>>
    %dma_wait3A_1163 = tpu.memref_slice %arg3[%add3A_1154] : memref<819200xi32, #tpu.memory_space<hbm>> -> memref<512xi32, #tpu.memory_space<hbm>>
    tpu.wait_dma2 semaphore(%arg10 : memref<!tpu.dma_semaphore, #tpu.memory_space<semaphore_mem>>) src(%dma_wait3A_1163 : memref<512xi32, #tpu.memory_space<hbm>>) dst(%dma_wait3A_1162 : memref<512xi32, #tpu.memory_space<vmem>>)
    %dma_start3A_1164 = arith.constant 0 : i32
    %dma_start3A_1165 = arith.constant 0 : i32
    %dma_start3A_1166 = tpu.memref_slice %arg5[%dma_start3A_1164, %dma_start3A_1165] : memref<50x512xi32, #tpu.memory_space<vmem>> -> memref<1x512xi32, #tpu.memory_space<vmem>>
    %dma_start3A_1167 = tpu.memref_squeeze %dma_start3A_1166 : memref<1x512xi32, #tpu.memory_space<vmem>> -> memref<512xi32, #tpu.memory_space<vmem>>
    %dma_start3A_1168 = arith.constant 0 : i32
    %dma_start3A_1169 = arith.constant 0 : i32
    %dma_start3A_1170 = tpu.memref_slice %arg2[%dma_start3A_1168, %dma_start3A_1169] : memref<1000000x32xf32, #tpu.memory_space<hbm>> -> memref<1000000x32xf32, #tpu.memory_space<hbm>>
    tpu.enqueue_indirect_dma source(%dma_start3A_1170 : memref<1000000x32xf32, #tpu.memory_space<hbm>>) target(%arg6 : memref<512x32xf32, #tpu.memory_space<vmem>>) offsets(%dma_start3A_1167 : memref<512xi32, #tpu.memory_space<vmem>>) semaphore(%arg10 : memref<!tpu.dma_semaphore, #tpu.memory_space<semaphore_mem>>)
    %dma_start3A_1171 = arith.constant 1 : i32
    %dma_start3A_1172 = arith.constant 0 : i32
    %dma_start3A_1173 = tpu.memref_slice %arg5[%dma_start3A_1171, %dma_start3A_1172] : memref<50x512xi32, #tpu.memory_space<vmem>> -> memref<1x512xi32, #tpu.memory_space<vmem>>
    %dma_start3A_1174 = tpu.memref_squeeze %dma_start3A_1173 : memref<1x512xi32, #tpu.memory_space<vmem>> -> memref<512xi32, #tpu.memory_space<vmem>>
    %dma_start3A_1175 = arith.constant 0 : i32
    %dma_start3A_1176 = arith.constant 0 : i32
    %dma_start3A_1177 = tpu.memref_slice %arg2[%dma_start3A_1175, %dma_start3A_1176] : memref<1000000x32xf32, #tpu.memory_space<hbm>> -> memref<1000000x32xf32, #tpu.memory_space<hbm>>
    tpu.enqueue_indirect_dma source(%dma_start3A_1177 : memref<1000000x32xf32, #tpu.memory_space<hbm>>) target(%arg7 : memref<512x32xf32, #tpu.memory_space<vmem>>) offsets(%dma_start3A_1174 : memref<512xi32, #tpu.memory_space<vmem>>) semaphore(%arg11 : memref<!tpu.dma_semaphore, #tpu.memory_space<semaphore_mem>>)
    %scan3A = arith.constant 0 : i32
    %scan3A_1178 = arith.constant 0 : i32
    %scan3A_1179 = arith.constant 25 : i32
    %scan3A_1180 = arith.addi %scan3A_1178, %scan3A_1179 : i32
    %scan3A_1181 = arith.constant 1 : i32
    scf.for %scan3A_1197 = %scan3A_1178 to %scan3A_1180 step %scan3A_1181  : i32 {
      %mul3A_1198 = arith.constant 2 : i32
      %mul3A_1199 = arith.muli %scan3A_1197, %mul3A_1198 : i32
      %add3A_1200 = arith.constant 0 : i32
      %add3A_1201 = arith.addi %mul3A_1199, %add3A_1200 : i32
      %dma_wait3A_1202 = arith.constant 0 : i32
      %dma_wait3A_1203 = arith.constant 0 : i32
      %dma_wait3A_1204 = tpu.memref_slice %arg5[%dma_wait3A_1202, %dma_wait3A_1203] : memref<50x512xi32, #tpu.memory_space<vmem>> -> memref<1x512xi32, #tpu.memory_space<vmem>>
      %dma_wait3A_1205 = tpu.memref_squeeze %dma_wait3A_1204 : memref<1x512xi32, #tpu.memory_space<vmem>> -> memref<512xi32, #tpu.memory_space<vmem>>
      %dma_wait3A_1206 = arith.constant 0 : i32
      %dma_wait3A_1207 = arith.constant 0 : i32
      %dma_wait3A_1208 = tpu.memref_slice %arg2[%dma_wait3A_1206, %dma_wait3A_1207] : memref<1000000x32xf32, #tpu.memory_space<hbm>> -> memref<1000000x32xf32, #tpu.memory_space<hbm>>
      tpu.wait_indirect_dma semaphore(%arg10 : memref<!tpu.dma_semaphore, #tpu.memory_space<semaphore_mem>>) src(%dma_wait3A_1208 : memref<1000000x32xf32, #tpu.memory_space<hbm>>) dst(%arg6 : memref<512x32xf32, #tpu.memory_space<vmem>>)
      %gt3A = arith.constant 0 : i32
      %gt3A_1209 = arith.cmpi sgt, %scan3A_1197, %gt3A : i32
      %convert_element_type3A = arith.extui %gt3A_1209 : i1 to i32
      %cond3A = arith.constant 0 : i32
      %cond3A_1210 = arith.cmpi ne, %convert_element_type3A, %cond3A : i32
      scf.if %cond3A_1210 {
        %dma_wait3A_1264 = arith.constant 0 : i32
        %dma_wait3A_1265 = tpu.memref_slice %arg4[%add3A_1201, %dma_wait3A_1264, %mul3A_2] : memref<50x32x16384xf32, #tpu.memory_space<hbm>> -> memref<1x32x512xf32, #tpu.memory_space<hbm>>
        %dma_wait3A_1266 = tpu.memref_squeeze %dma_wait3A_1265 : memref<1x32x512xf32, #tpu.memory_space<hbm>> -> memref<32x512xf32, #tpu.memory_space<hbm>>
        %dma_wait3A_1267 = arith.constant 0 : i32
        %dma_wait3A_1268 = tpu.memref_slice %arg4[%add3A_1201, %dma_wait3A_1267, %mul3A_2] : memref<50x32x16384xf32, #tpu.memory_space<hbm>> -> memref<1x32x512xf32, #tpu.memory_space<hbm>>
        %dma_wait3A_1269 = tpu.memref_squeeze %dma_wait3A_1268 : memref<1x32x512xf32, #tpu.memory_space<hbm>> -> memref<32x512xf32, #tpu.memory_space<hbm>>
        tpu.wait_dma2 semaphore(%arg12 : memref<!tpu.dma_semaphore, #tpu.memory_space<semaphore_mem>>) src(%arg8 : memref<32x512xf32, #tpu.memory_space<vmem>>) dst(%dma_wait3A_1269 : memref<32x512xf32, #tpu.memory_space<hbm>>)
      } else {
      }
      %scan3A_1211 = arith.constant 0 : i32
      %scan3A_1212 = arith.constant 0 : i32
      %scan3A_1213 = arith.constant 8 : i32
      %scan3A_1214 = arith.addi %scan3A_1212, %scan3A_1213 : i32
      %scan3A_1215 = arith.constant 1 : i32
      scf.for %scan3A_1264 = %scan3A_1212 to %scan3A_1214 step %scan3A_1215  : i32 {
        %mul3A_1265 = arith.constant 4 : i32
        %mul3A_1266 = arith.muli %scan3A_1264, %mul3A_1265 : i32
        %add3A_1267 = arith.constant 0 : i32
        %add3A_1268 = arith.addi %mul3A_1266, %add3A_1267 : i32
        %mul3A_1269 = arith.constant 16 : i32
        %mul3A_1270 = arith.muli %add3A_1268, %mul3A_1269 : i32
        %add3A_1271 = vector.broadcast %mul3A_1270 : i32 to vector<16xi32>
        %add3A_1272 = arith.addi %add3A_1271, %iota3A : vector<16xi32>
        %gather3A = tpu.vector_load_idx %arg6[%add3A_1272, %broadcast_in_dim3A_3] : memref<512x32xf32, #tpu.memory_space<vmem>>[vector<16xi32>, vector<16xi32>], vector<16xf32>,
        %gather3A_1273 = tpu.vector_load_idx %arg6[%add3A_1272, %broadcast_in_dim3A_5] : memref<512x32xf32, #tpu.memory_space<vmem>>[vector<16xi32>, vector<16xi32>], vector<16xf32>,
        %gather3A_1274 = tpu.vector_load_idx %arg6[%add3A_1272, %broadcast_in_dim3A_7] : memref<512x32xf32, #tpu.memory_space<vmem>>[vector<16xi32>, vector<16xi32>], vector<16xf32>,
        %gather3A_1275 = tpu.vector_load_idx %arg6[%add3A_1272, %broadcast_in_dim3A_9] : memref<512x32xf32, #tpu.memory_space<vmem>>[vector<16xi32>, vector<16xi32>], vector<16xf32>,
        %gather3A_1276 = tpu.vector_load_idx %arg6[%add3A_1272, %broadcast_in_dim3A_11] : memref<512x32xf32, #tpu.memory_space<vmem>>[vector<16xi32>, vector<16xi32>], vector<16xf32>,
        %gather3A_1277 = tpu.vector_load_idx %arg6[%add3A_1272, %broadcast_in_dim3A_13] : memref<512x32xf32, #tpu.memory_space<vmem>>[vector<16xi32>, vector<16xi32>], vector<16xf32>,
        %gather3A_1278 = tpu.vector_load_idx %arg6[%add3A_1272, %broadcast_in_dim3A_15] : memref<512x32xf32, #tpu.memory_space<vmem>>[vector<16xi32>, vector<16xi32>], vector<16xf32>,
        %gather3A_1279 = tpu.vector_load_idx %arg6[%add3A_1272, %broadcast_in_dim3A_17] : memref<512x32xf32, #tpu.memory_space<vmem>>[vector<16xi32>, vector<16xi32>], vector<16xf32>,
        %gather3A_1280 = tpu.vector_load_idx %arg6[%add3A_1272, %broadcast_in_dim3A_19] : memref<512x32xf32, #tpu.memory_space<vmem>>[vector<16xi32>, vector<16xi32>], vector<16xf32>,
        %gather3A_1281 = tpu.vector_load_idx %arg6[%add3A_1272, %broadcast_in_dim3A_21] : memref<512x32xf32, #tpu.memory_space<vmem>>[vector<16xi32>, vector<16xi32>], vector<16xf32>,
        %gather3A_1282 = tpu.vector_load_idx %arg6[%add3A_1272, %broadcast_in_dim3A_23] : memref<512x32xf32, #tpu.memory_space<vmem>>[vector<16xi32>, vector<16xi32>], vector<16xf32>,
        %gather3A_1283 = tpu.vector_load_idx %arg6[%add3A_1272, %broadcast_in_dim3A_25] : memref<512x32xf32, #tpu.memory_space<vmem>>[vector<16xi32>, vector<16xi32>], vector<16xf32>,
        %gather3A_1284 = tpu.vector_load_idx %arg6[%add3A_1272, %broadcast_in_dim3A_27] : memref<512x32xf32, #tpu.memory_space<vmem>>[vector<16xi32>, vector<16xi32>], vector<16xf32>,
        %gather3A_1285 = tpu.vector_load_idx %arg6[%add3A_1272, %broadcast_in_dim3A_29] : memref<512x32xf32, #tpu.memory_space<vmem>>[vector<16xi32>, vector<16xi32>], vector<16xf32>,
        %gather3A_1286 = tpu.vector_load_idx %arg6[%add3A_1272, %broadcast_in_dim3A_31] : memref<512x32xf32, #tpu.memory_space<vmem>>[vector<16xi32>, vector<16xi32>], vector<16xf32>,
        %gather3A_1287 = tpu.vector_load_idx %arg6[%add3A_1272, %broadcast_in_dim3A_33] : memref<512x32xf32, #tpu.memory_space<vmem>>[vector<16xi32>, vector<16xi32>], vector<16xf32>,
        %gather3A_1288 = tpu.vector_load_idx %arg6[%add3A_1272, %broadcast_in_dim3A_35] : memref<512x32xf32, #tpu.memory_space<vmem>>[vector<16xi32>, vector<16xi32>], vector<16xf32>,
        %gather3A_1289 = tpu.vector_load_idx %arg6[%add3A_1272, %broadcast_in_dim3A_37] : memref<512x32xf32, #tpu.memory_space<vmem>>[vector<16xi32>, vector<16xi32>], vector<16xf32>,
        %gather3A_1290 = tpu.vector_load_idx %arg6[%add3A_1272, %broadcast_in_dim3A_39] : memref<512x32xf32, #tpu.memory_space<vmem>>[vector<16xi32>, vector<16xi32>], vector<16xf32>,
        %gather3A_1291 = tpu.vector_load_idx %arg6[%add3A_1272, %broadcast_in_dim3A_41] : memref<512x32xf32, #tpu.memory_space<vmem>>[vector<16xi32>, vector<16xi32>], vector<16xf32>,
        %gather3A_1292 = tpu.vector_load_idx %arg6[%add3A_1272, %broadcast_in_dim3A_43] : memref<512x32xf32, #tpu.memory_space<vmem>>[vector<16xi32>, vector<16xi32>], vector<16xf32>,
        %gather3A_1293 = tpu.vector_load_idx %arg6[%add3A_1272, %broadcast_in_dim3A_45] : memref<512x32xf32, #tpu.memory_space<vmem>>[vector<16xi32>, vector<16xi32>], vector<16xf32>,
        %gather3A_1294 = tpu.vector_load_idx %arg6[%add3A_1272, %broadcast_in_dim3A_47] : memref<512x32xf32, #tpu.memory_space<vmem>>[vector<16xi32>, vector<16xi32>], vector<16xf32>,
        %gather3A_1295 = tpu.vector_load_idx %arg6[%add3A_1272, %broadcast_in_dim3A_49] : memref<512x32xf32, #tpu.memory_space<vmem>>[vector<16xi32>, vector<16xi32>], vector<16xf32>,
        %gather3A_1296 = tpu.vector_load_idx %arg6[%add3A_1272, %broadcast_in_dim3A_51] : memref<512x32xf32, #tpu.memory_space<vmem>>[vector<16xi32>, vector<16xi32>], vector<16xf32>,
        %gather3A_1297 = tpu.vector_load_idx %arg6[%add3A_1272, %broadcast_in_dim3A_53] : memref<512x32xf32, #tpu.memory_space<vmem>>[vector<16xi32>, vector<16xi32>], vector<16xf32>,
        %gather3A_1298 = tpu.vector_load_idx %arg6[%add3A_1272, %broadcast_in_dim3A_55] : memref<512x32xf32, #tpu.memory_space<vmem>>[vector<16xi32>, vector<16xi32>], vector<16xf32>,
        %gather3A_1299 = tpu.vector_load_idx %arg6[%add3A_1272, %broadcast_in_dim3A_57] : memref<512x32xf32, #tpu.memory_space<vmem>>[vector<16xi32>, vector<16xi32>], vector<16xf32>,
        %gather3A_1300 = tpu.vector_load_idx %arg6[%add3A_1272, %broadcast_in_dim3A_59] : memref<512x32xf32, #tpu.memory_space<vmem>>[vector<16xi32>, vector<16xi32>], vector<16xf32>,
        %gather3A_1301 = tpu.vector_load_idx %arg6[%add3A_1272, %broadcast_in_dim3A_61] : memref<512x32xf32, #tpu.memory_space<vmem>>[vector<16xi32>, vector<16xi32>], vector<16xf32>,
        %gather3A_1302 = tpu.vector_load_idx %arg6[%add3A_1272, %broadcast_in_dim3A_63] : memref<512x32xf32, #tpu.memory_space<vmem>>[vector<16xi32>, vector<16xi32>], vector<16xf32>,
        %gather3A_1303 = tpu.vector_load_idx %arg6[%add3A_1272, %broadcast_in_dim3A_65] : memref<512x32xf32, #tpu.memory_space<vmem>>[vector<16xi32>, vector<16xi32>], vector<16xf32>,
        %mul3A_1304 = arith.constant 4 : i32
        %mul3A_1305 = arith.muli %scan3A_1264, %mul3A_1304 : i32
        %add3A_1306 = arith.constant 0 : i32
        %add3A_1307 = arith.addi %mul3A_1305, %add3A_1306 : i32
        %mul3A_1308 = arith.constant 16 : i32
        %mul3A_1309 = arith.muli %add3A_1307, %mul3A_1308 : i32
        %swap3A = arith.constant 0 : i32
        %swap3A_1310 = arith.index_cast %swap3A : i32 to index
        %swap3A_1311 = arith.index_cast %mul3A_1309 : i32 to index
        %swap3A_1312 = tpu.vector_load %arg8[%swap3A_1310, %swap3A_1311] {strides = array<i32>} : memref<32x512xf32, #tpu.memory_space<vmem>>, vector<16xf32>,
        tpu.vector_store %arg8[%swap3A_1310, %swap3A_1311], %gather3A {strides = array<i32>} : memref<32x512xf32, #tpu.memory_space<vmem>>, vector<16xf32>,
        %mul3A_1313 = arith.constant 4 : i32
        %mul3A_1314 = arith.muli %scan3A_1264, %mul3A_1313 : i32
        %add3A_1315 = arith.constant 0 : i32
        %add3A_1316 = arith.addi %mul3A_1314, %add3A_1315 : i32
        %mul3A_1317 = arith.constant 16 : i32
        %mul3A_1318 = arith.muli %add3A_1316, %mul3A_1317 : i32
        %swap3A_1319 = arith.constant 1 : i32
        %swap3A_1320 = arith.index_cast %swap3A_1319 : i32 to index
        %swap3A_1321 = arith.index_cast %mul3A_1318 : i32 to index
        %swap3A_1322 = tpu.vector_load %arg8[%swap3A_1320, %swap3A_1321] {strides = array<i32>} : memref<32x512xf32, #tpu.memory_space<vmem>>, vector<16xf32>,
        tpu.vector_store %arg8[%swap3A_1320, %swap3A_1321], %gather3A_1273 {strides = array<i32>} : memref<32x512xf32, #tpu.memory_space<vmem>>, vector<16xf32>,
        %mul3A_1323 = arith.constant 4 : i32
        %mul3A_1324 = arith.muli %scan3A_1264, %mul3A_1323 : i32
        %add3A_1325 = arith.constant 0 : i32
        %add3A_1326 = arith.addi %mul3A_1324, %add3A_1325 : i32
        %mul3A_1327 = arith.constant 16 : i32
        %mul3A_1328 = arith.muli %add3A_1326, %mul3A_1327 : i32
        %swap3A_1329 = arith.constant 2 : i32
        %swap3A_1330 = arith.index_cast %swap3A_1329 : i32 to index
        %swap3A_1331 = arith.index_cast %mul3A_1328 : i32 to index
        %swap3A_1332 = tpu.vector_load %arg8[%swap3A_1330, %swap3A_1331] {strides = array<i32>} : memref<32x512xf32, #tpu.memory_space<vmem>>, vector<16xf32>,
        tpu.vector_store %arg8[%swap3A_1330, %swap3A_1331], %gather3A_1274 {strides = array<i32>} : memref<32x512xf32, #tpu.memory_space<vmem>>, vector<16xf32>,
        %mul3A_1333 = arith.constant 4 : i32
        %mul3A_1334 = arith.muli %scan3A_1264, %mul3A_1333 : i32
        %add3A_1335 = arith.constant 0 : i32
        %add3A_1336 = arith.addi %mul3A_1334, %add3A_1335 : i32
        %mul3A_1337 = arith.constant 16 : i32
        %mul3A_1338 = arith.muli %add3A_1336, %mul3A_1337 : i32
        %swap3A_1339 = arith.constant 3 : i32
        %swap3A_1340 = arith.index_cast %swap3A_1339 : i32 to index
        %swap3A_1341 = arith.index_cast %mul3A_1338 : i32 to index
        %swap3A_1342 = tpu.vector_load %arg8[%swap3A_1340, %swap3A_1341] {strides = array<i32>} : memref<32x512xf32, #tpu.memory_space<vmem>>, vector<16xf32>,
        tpu.vector_store %arg8[%swap3A_1340, %swap3A_1341], %gather3A_1275 {strides = array<i32>} : memref<32x512xf32, #tpu.memory_space<vmem>>, vector<16xf32>,
        %mul3A_1343 = arith.constant 4 : i32
        %mul3A_1344 = arith.muli %scan3A_1264, %mul3A_1343 : i32
        %add3A_1345 = arith.constant 0 : i32
        %add3A_1346 = arith.addi %mul3A_1344, %add3A_1345 : i32
        %mul3A_1347 = arith.constant 16 : i32
        %mul3A_1348 = arith.muli %add3A_1346, %mul3A_1347 : i32
        %swap3A_1349 = arith.constant 4 : i32
        %swap3A_1350 = arith.index_cast %swap3A_1349 : i32 to index
        %swap3A_1351 = arith.index_cast %mul3A_1348 : i32 to index
        %swap3A_1352 = tpu.vector_load %arg8[%swap3A_1350, %swap3A_1351] {strides = array<i32>} : memref<32x512xf32, #tpu.memory_space<vmem>>, vector<16xf32>,
        tpu.vector_store %arg8[%swap3A_1350, %swap3A_1351], %gather3A_1276 {strides = array<i32>} : memref<32x512xf32, #tpu.memory_space<vmem>>, vector<16xf32>,
        %mul3A_1353 = arith.constant 4 : i32
        %mul3A_1354 = arith.muli %scan3A_1264, %mul3A_1353 : i32
        %add3A_1355 = arith.constant 0 : i32
        %add3A_1356 = arith.addi %mul3A_1354, %add3A_1355 : i32
        %mul3A_1357 = arith.constant 16 : i32
        %mul3A_1358 = arith.muli %add3A_1356, %mul3A_1357 : i32
        %swap3A_1359 = arith.constant 5 : i32
        %swap3A_1360 = arith.index_cast %swap3A_1359 : i32 to index
        %swap3A_1361 = arith.index_cast %mul3A_1358 : i32 to index
        %swap3A_1362 = tpu.vector_load %arg8[%swap3A_1360, %swap3A_1361] {strides = array<i32>} : memref<32x512xf32, #tpu.memory_space<vmem>>, vector<16xf32>,
        tpu.vector_store %arg8[%swap3A_1360, %swap3A_1361], %gather3A_1277 {strides = array<i32>} : memref<32x512xf32, #tpu.memory_space<vmem>>, vector<16xf32>,
        %mul3A_1363 = arith.constant 4 : i32
        %mul3A_1364 = arith.muli %scan3A_1264, %mul3A_1363 : i32
        %add3A_1365 = arith.constant 0 : i32
        %add3A_1366 = arith.addi %mul3A_1364, %add3A_1365 : i32
        %mul3A_1367 = arith.constant 16 : i32
        %mul3A_1368 = arith.muli %add3A_1366, %mul3A_1367 : i32
        %swap3A_1369 = arith.constant 6 : i32
        %swap3A_1370 = arith.index_cast %swap3A_1369 : i32 to index
        %swap3A_1371 = arith.index_cast %mul3A_1368 : i32 to index
        %swap3A_1372 = tpu.vector_load %arg8[%swap3A_1370, %swap3A_1371] {strides = array<i32>} : memref<32x512xf32, #tpu.memory_space<vmem>>, vector<16xf32>,
        tpu.vector_store %arg8[%swap3A_1370, %swap3A_1371], %gather3A_1278 {strides = array<i32>} : memref<32x512xf32, #tpu.memory_space<vmem>>, vector<16xf32>,
        %mul3A_1373 = arith.constant 4 : i32
        %mul3A_1374 = arith.muli %scan3A_1264, %mul3A_1373 : i32
        %add3A_1375 = arith.constant 0 : i32
        %add3A_1376 = arith.addi %mul3A_1374, %add3A_1375 : i32
        %mul3A_1377 = arith.constant 16 : i32
        %mul3A_1378 = arith.muli %add3A_1376, %mul3A_1377 : i32
        %swap3A_1379 = arith.constant 7 : i32
        %swap3A_1380 = arith.index_cast %swap3A_1379 : i32 to index
        %swap3A_1381 = arith.index_cast %mul3A_1378 : i32 to index
        %swap3A_1382 = tpu.vector_load %arg8[%swap3A_1380, %swap3A_1381] {strides = array<i32>} : memref<32x512xf32, #tpu.memory_space<vmem>>, vector<16xf32>,
        tpu.vector_store %arg8[%swap3A_1380, %swap3A_1381], %gather3A_1279 {strides = array<i32>} : memref<32x512xf32, #tpu.memory_space<vmem>>, vector<16xf32>,
        %mul3A_1383 = arith.constant 4 : i32
        %mul3A_1384 = arith.muli %scan3A_1264, %mul3A_1383 : i32
        %add3A_1385 = arith.constant 0 : i32
        %add3A_1386 = arith.addi %mul3A_1384, %add3A_1385 : i32
        %mul3A_1387 = arith.constant 16 : i32
        %mul3A_1388 = arith.muli %add3A_1386, %mul3A_1387 : i32
        %swap3A_1389 = arith.constant 8 : i32
        %swap3A_1390 = arith.index_cast %swap3A_1389 : i32 to index
        %swap3A_1391 = arith.index_cast %mul3A_1388 : i32 to index
        %swap3A_1392 = tpu.vector_load %arg8[%swap3A_1390, %swap3A_1391] {strides = array<i32>} : memref<32x512xf32, #tpu.memory_space<vmem>>, vector<16xf32>,
        tpu.vector_store %arg8[%swap3A_1390, %swap3A_1391], %gather3A_1280 {strides = array<i32>} : memref<32x512xf32, #tpu.memory_space<vmem>>, vector<16xf32>,
        %mul3A_1393 = arith.constant 4 : i32
        %mul3A_1394 = arith.muli %scan3A_1264, %mul3A_1393 : i32
        %add3A_1395 = arith.constant 0 : i32
        %add3A_1396 = arith.addi %mul3A_1394, %add3A_1395 : i32
        %mul3A_1397 = arith.constant 16 : i32
        %mul3A_1398 = arith.muli %add3A_1396, %mul3A_1397 : i32
        %swap3A_1399 = arith.constant 9 : i32
        %swap3A_1400 = arith.index_cast %swap3A_1399 : i32 to index
        %swap3A_1401 = arith.index_cast %mul3A_1398 : i32 to index
        %swap3A_1402 = tpu.vector_load %arg8[%swap3A_1400, %swap3A_1401] {strides = array<i32>} : memref<32x512xf32, #tpu.memory_space<vmem>>, vector<16xf32>,
        tpu.vector_store %arg8[%swap3A_1400, %swap3A_1401], %gather3A_1281 {strides = array<i32>} : memref<32x512xf32, #tpu.memory_space<vmem>>, vector<16xf32>,
        %mul3A_1403 = arith.constant 4 : i32
        %mul3A_1404 = arith.muli %scan3A_1264, %mul3A_1403 : i32
        %add3A_1405 = arith.constant 0 : i32
        %add3A_1406 = arith.addi %mul3A_1404, %add3A_1405 : i32
        %mul3A_1407 = arith.constant 16 : i32
        %mul3A_1408 = arith.muli %add3A_1406, %mul3A_1407 : i32
        %swap3A_1409 = arith.constant 10 : i32
        %swap3A_1410 = arith.index_cast %swap3A_1409 : i32 to index
        %swap3A_1411 = arith.index_cast %mul3A_1408 : i32 to index
        %swap3A_1412 = tpu.vector_load %arg8[%swap3A_1410, %swap3A_1411] {strides = array<i32>} : memref<32x512xf32, #tpu.memory_space<vmem>>, vector<16xf32>,
        tpu.vector_store %arg8[%swap3A_1410, %swap3A_1411], %gather3A_1282 {strides = array<i32>} : memref<32x512xf32, #tpu.memory_space<vmem>>, vector<16xf32>,
        %mul3A_1413 = arith.constant 4 : i32
        %mul3A_1414 = arith.muli %scan3A_1264, %mul3A_1413 : i32
        %add3A_1415 = arith.constant 0 : i32
        %add3A_1416 = arith.addi %mul3A_1414, %add3A_1415 : i32
        %mul3A_1417 = arith.constant 16 : i32
        %mul3A_1418 = arith.muli %add3A_1416, %mul3A_1417 : i32
        %swap3A_1419 = arith.constant 11 : i32
        %swap3A_1420 = arith.index_cast %swap3A_1419 : i32 to index
        %swap3A_1421 = arith.index_cast %mul3A_1418 : i32 to index
        %swap3A_1422 = tpu.vector_load %arg8[%swap3A_1420, %swap3A_1421] {strides = array<i32>} : memref<32x512xf32, #tpu.memory_space<vmem>>, vector<16xf32>,
        tpu.vector_store %arg8[%swap3A_1420, %swap3A_1421], %gather3A_1283 {strides = array<i32>} : memref<32x512xf32, #tpu.memory_space<vmem>>, vector<16xf32>,
        %mul3A_1423 = arith.constant 4 : i32
        %mul3A_1424 = arith.muli %scan3A_1264, %mul3A_1423 : i32
        %add3A_1425 = arith.constant 0 : i32
        %add3A_1426 = arith.addi %mul3A_1424, %add3A_1425 : i32
        %mul3A_1427 = arith.constant 16 : i32
        %mul3A_1428 = arith.muli %add3A_1426, %mul3A_1427 : i32
        %swap3A_1429 = arith.constant 12 : i32
        %swap3A_1430 = arith.index_cast %swap3A_1429 : i32 to index
        %swap3A_1431 = arith.index_cast %mul3A_1428 : i32 to index
        %swap3A_1432 = tpu.vector_load %arg8[%swap3A_1430, %swap3A_1431] {strides = array<i32>} : memref<32x512xf32, #tpu.memory_space<vmem>>, vector<16xf32>,
        tpu.vector_store %arg8[%swap3A_1430, %swap3A_1431], %gather3A_1284 {strides = array<i32>} : memref<32x512xf32, #tpu.memory_space<vmem>>, vector<16xf32>,
        %mul3A_1433 = arith.constant 4 : i32
        %mul3A_1434 = arith.muli %scan3A_1264, %mul3A_1433 : i32
        %add3A_1435 = arith.constant 0 : i32
        %add3A_1436 = arith.addi %mul3A_1434, %add3A_1435 : i32
        %mul3A_1437 = arith.constant 16 : i32
        %mul3A_1438 = arith.muli %add3A_1436, %mul3A_1437 : i32
        %swap3A_1439 = arith.constant 13 : i32
        %swap3A_1440 = arith.index_cast %swap3A_1439 : i32 to index
        %swap3A_1441 = arith.index_cast %mul3A_1438 : i32 to index
        %swap3A_1442 = tpu.vector_load %arg8[%swap3A_1440, %swap3A_1441] {strides = array<i32>} : memref<32x512xf32, #tpu.memory_space<vmem>>, vector<16xf32>,
        tpu.vector_store %arg8[%swap3A_1440, %swap3A_1441], %gather3A_1285 {strides = array<i32>} : memref<32x512xf32, #tpu.memory_space<vmem>>, vector<16xf32>,
        %mul3A_1443 = arith.constant 4 : i32
        %mul3A_1444 = arith.muli %scan3A_1264, %mul3A_1443 : i32
        %add3A_1445 = arith.constant 0 : i32
        %add3A_1446 = arith.addi %mul3A_1444, %add3A_1445 : i32
        %mul3A_1447 = arith.constant 16 : i32
        %mul3A_1448 = arith.muli %add3A_1446, %mul3A_1447 : i32
        %swap3A_1449 = arith.constant 14 : i32
        %swap3A_1450 = arith.index_cast %swap3A_1449 : i32 to index
        %swap3A_1451 = arith.index_cast %mul3A_1448 : i32 to index
        %swap3A_1452 = tpu.vector_load %arg8[%swap3A_1450, %swap3A_1451] {strides = array<i32>} : memref<32x512xf32, #tpu.memory_space<vmem>>, vector<16xf32>,
        tpu.vector_store %arg8[%swap3A_1450, %swap3A_1451], %gather3A_1286 {strides = array<i32>} : memref<32x512xf32, #tpu.memory_space<vmem>>, vector<16xf32>,
        %mul3A_1453 = arith.constant 4 : i32
        %mul3A_1454 = arith.muli %scan3A_1264, %mul3A_1453 : i32
        %add3A_1455 = arith.constant 0 : i32
        %add3A_1456 = arith.addi %mul3A_1454, %add3A_1455 : i32
        %mul3A_1457 = arith.constant 16 : i32
        %mul3A_1458 = arith.muli %add3A_1456, %mul3A_1457 : i32
        %swap3A_1459 = arith.constant 15 : i32
        %swap3A_1460 = arith.index_cast %swap3A_1459 : i32 to index
        %swap3A_1461 = arith.index_cast %mul3A_1458 : i32 to index
        %swap3A_1462 = tpu.vector_load %arg8[%swap3A_1460, %swap3A_1461] {strides = array<i32>} : memref<32x512xf32, #tpu.memory_space<vmem>>, vector<16xf32>,
        tpu.vector_store %arg8[%swap3A_1460, %swap3A_1461], %gather3A_1287 {strides = array<i32>} : memref<32x512xf32, #tpu.memory_space<vmem>>, vector<16xf32>,
        %mul3A_1463 = arith.constant 4 : i32
        %mul3A_1464 = arith.muli %scan3A_1264, %mul3A_1463 : i32
        %add3A_1465 = arith.constant 0 : i32
        %add3A_1466 = arith.addi %mul3A_1464, %add3A_1465 : i32
        %mul3A_1467 = arith.constant 16 : i32
        %mul3A_1468 = arith.muli %add3A_1466, %mul3A_1467 : i32
        %swap3A_1469 = arith.constant 16 : i32
        %swap3A_1470 = arith.index_cast %swap3A_1469 : i32 to index
        %swap3A_1471 = arith.index_cast %mul3A_1468 : i32 to index
        %swap3A_1472 = tpu.vector_load %arg8[%swap3A_1470, %swap3A_1471] {strides = array<i32>} : memref<32x512xf32, #tpu.memory_space<vmem>>, vector<16xf32>,
        tpu.vector_store %arg8[%swap3A_1470, %swap3A_1471], %gather3A_1288 {strides = array<i32>} : memref<32x512xf32, #tpu.memory_space<vmem>>, vector<16xf32>,
        %mul3A_1473 = arith.constant 4 : i32
        %mul3A_1474 = arith.muli %scan3A_1264, %mul3A_1473 : i32
        %add3A_1475 = arith.constant 0 : i32
        %add3A_1476 = arith.addi %mul3A_1474, %add3A_1475 : i32
        %mul3A_1477 = arith.constant 16 : i32
        %mul3A_1478 = arith.muli %add3A_1476, %mul3A_1477 : i32
        %swap3A_1479 = arith.constant 17 : i32
        %swap3A_1480 = arith.index_cast %swap3A_1479 : i32 to index
        %swap3A_1481 = arith.index_cast %mul3A_1478 : i32 to index
        %swap3A_1482 = tpu.vector_load %arg8[%swap3A_1480, %swap3A_1481] {strides = array<i32>} : memref<32x512xf32, #tpu.memory_space<vmem>>, vector<16xf32>,
        tpu.vector_store %arg8[%swap3A_1480, %swap3A_1481], %gather3A_1289 {strides = array<i32>} : memref<32x512xf32, #tpu.memory_space<vmem>>, vector<16xf32>,
        %mul3A_1483 = arith.constant 4 : i32
        %mul3A_1484 = arith.muli %scan3A_1264, %mul3A_1483 : i32
        %add3A_1485 = arith.constant 0 : i32
        %add3A_1486 = arith.addi %mul3A_1484, %add3A_1485 : i32
        %mul3A_1487 = arith.constant 16 : i32
        %mul3A_1488 = arith.muli %add3A_1486, %mul3A_1487 : i32
        %swap3A_1489 = arith.constant 18 : i32
        %swap3A_1490 = arith.index_cast %swap3A_1489 : i32 to index
        %swap3A_1491 = arith.index_cast %mul3A_1488 : i32 to index
        %swap3A_1492 = tpu.vector_load %arg8[%swap3A_1490, %swap3A_1491] {strides = array<i32>} : memref<32x512xf32, #tpu.memory_space<vmem>>, vector<16xf32>,
        tpu.vector_store %arg8[%swap3A_1490, %swap3A_1491], %gather3A_1290 {strides = array<i32>} : memref<32x512xf32, #tpu.memory_space<vmem>>, vector<16xf32>,
        %mul3A_1493 = arith.constant 4 : i32
        %mul3A_1494 = arith.muli %scan3A_1264, %mul3A_1493 : i32
        %add3A_1495 = arith.constant 0 : i32
        %add3A_1496 = arith.addi %mul3A_1494, %add3A_1495 : i32
        %mul3A_1497 = arith.constant 16 : i32
        %mul3A_1498 = arith.muli %add3A_1496, %mul3A_1497 : i32
        %swap3A_1499 = arith.constant 19 : i32
        %swap3A_1500 = arith.index_cast %swap3A_1499 : i32 to index
        %swap3A_1501 = arith.index_cast %mul3A_1498 : i32 to index
        %swap3A_1502 = tpu.vector_load %arg8[%swap3A_1500, %swap3A_1501] {strides = array<i32>} : memref<32x512xf32, #tpu.memory_space<vmem>>, vector<16xf32>,
        tpu.vector_store %arg8[%swap3A_1500, %swap3A_1501], %gather3A_1291 {strides = array<i32>} : memref<32x512xf32, #tpu.memory_space<vmem>>, vector<16xf32>,
        %mul3A_1503 = arith.constant 4 : i32
        %mul3A_1504 = arith.muli %scan3A_1264, %mul3A_1503 : i32
        %add3A_1505 = arith.constant 0 : i32
        %add3A_1506 = arith.addi %mul3A_1504, %add3A_1505 : i32
        %mul3A_1507 = arith.constant 16 : i32
        %mul3A_1508 = arith.muli %add3A_1506, %mul3A_1507 : i32
        %swap3A_1509 = arith.constant 20 : i32
        %swap3A_1510 = arith.index_cast %swap3A_1509 : i32 to index
        %swap3A_1511 = arith.index_cast %mul3A_1508 : i32 to index
        %swap3A_1512 = tpu.vector_load %arg8[%swap3A_1510, %swap3A_1511] {strides = array<i32>} : memref<32x512xf32, #tpu.memory_space<vmem>>, vector<16xf32>,
        tpu.vector_store %arg8[%swap3A_1510, %swap3A_1511], %gather3A_1292 {strides = array<i32>} : memref<32x512xf32, #tpu.memory_space<vmem>>, vector<16xf32>,
        %mul3A_1513 = arith.constant 4 : i32
        %mul3A_1514 = arith.muli %scan3A_1264, %mul3A_1513 : i32
        %add3A_1515 = arith.constant 0 : i32
        %add3A_1516 = arith.addi %mul3A_1514, %add3A_1515 : i32
        %mul3A_1517 = arith.constant 16 : i32
        %mul3A_1518 = arith.muli %add3A_1516, %mul3A_1517 : i32
        %swap3A_1519 = arith.constant 21 : i32
        %swap3A_1520 = arith.index_cast %swap3A_1519 : i32 to index
        %swap3A_1521 = arith.index_cast %mul3A_1518 : i32 to index
        %swap3A_1522 = tpu.vector_load %arg8[%swap3A_1520, %swap3A_1521] {strides = array<i32>} : memref<32x512xf32, #tpu.memory_space<vmem>>, vector<16xf32>,
        tpu.vector_store %arg8[%swap3A_1520, %swap3A_1521], %gather3A_1293 {strides = array<i32>} : memref<32x512xf32, #tpu.memory_space<vmem>>, vector<16xf32>,
        %mul3A_1523 = arith.constant 4 : i32
        %mul3A_1524 = arith.muli %scan3A_1264, %mul3A_1523 : i32
        %add3A_1525 = arith.constant 0 : i32
        %add3A_1526 = arith.addi %mul3A_1524, %add3A_1525 : i32
        %mul3A_1527 = arith.constant 16 : i32
        %mul3A_1528 = arith.muli %add3A_1526, %mul3A_1527 : i32
        %swap3A_1529 = arith.constant 22 : i32
        %swap3A_1530 = arith.index_cast %swap3A_1529 : i32 to index
        %swap3A_1531 = arith.index_cast %mul3A_1528 : i32 to index
        %swap3A_1532 = tpu.vector_load %arg8[%swap3A_1530, %swap3A_1531] {strides = array<i32>} : memref<32x512xf32, #tpu.memory_space<vmem>>, vector<16xf32>,
        tpu.vector_store %arg8[%swap3A_1530, %swap3A_1531], %gather3A_1294 {strides = array<i32>} : memref<32x512xf32, #tpu.memory_space<vmem>>, vector<16xf32>,
        %mul3A_1533 = arith.constant 4 : i32
        %mul3A_1534 = arith.muli %scan3A_1264, %mul3A_1533 : i32
        %add3A_1535 = arith.constant 0 : i32
        %add3A_1536 = arith.addi %mul3A_1534, %add3A_1535 : i32
        %mul3A_1537 = arith.constant 16 : i32
        %mul3A_1538 = arith.muli %add3A_1536, %mul3A_1537 : i32
        %swap3A_1539 = arith.constant 23 : i32
        %swap3A_1540 = arith.index_cast %swap3A_1539 : i32 to index
        %swap3A_1541 = arith.index_cast %mul3A_1538 : i32 to index
        %swap3A_1542 = tpu.vector_load %arg8[%swap3A_1540, %swap3A_1541] {strides = array<i32>} : memref<32x512xf32, #tpu.memory_space<vmem>>, vector<16xf32>,
        tpu.vector_store %arg8[%swap3A_1540, %swap3A_1541], %gather3A_1295 {strides = array<i32>} : memref<32x512xf32, #tpu.memory_space<vmem>>, vector<16xf32>,
        %mul3A_1543 = arith.constant 4 : i32
        %mul3A_1544 = arith.muli %scan3A_1264, %mul3A_1543 : i32
        %add3A_1545 = arith.constant 0 : i32
        %add3A_1546 = arith.addi %mul3A_1544, %add3A_1545 : i32
        %mul3A_1547 = arith.constant 16 : i32
        %mul3A_1548 = arith.muli %add3A_1546, %mul3A_1547 : i32
        %swap3A_1549 = arith.constant 24 : i32
        %swap3A_1550 = arith.index_cast %swap3A_1549 : i32 to index
        %swap3A_1551 = arith.index_cast %mul3A_1548 : i32 to index
        %swap3A_1552 = tpu.vector_load %arg8[%swap3A_1550, %swap3A_1551] {strides = array<i32>} : memref<32x512xf32, #tpu.memory_space<vmem>>, vector<16xf32>,
        tpu.vector_store %arg8[%swap3A_1550, %swap3A_1551], %gather3A_1296 {strides = array<i32>} : memref<32x512xf32, #tpu.memory_space<vmem>>, vector<16xf32>,
        %mul3A_1553 = arith.constant 4 : i32
        %mul3A_1554 = arith.muli %scan3A_1264, %mul3A_1553 : i32
        %add3A_1555 = arith.constant 0 : i32
        %add3A_1556 = arith.addi %mul3A_1554, %add3A_1555 : i32
        %mul3A_1557 = arith.constant 16 : i32
        %mul3A_1558 = arith.muli %add3A_1556, %mul3A_1557 : i32
        %swap3A_1559 = arith.constant 25 : i32
        %swap3A_1560 = arith.index_cast %swap3A_1559 : i32 to index
        %swap3A_1561 = arith.index_cast %mul3A_1558 : i32 to index
        %swap3A_1562 = tpu.vector_load %arg8[%swap3A_1560, %swap3A_1561] {strides = array<i32>} : memref<32x512xf32, #tpu.memory_space<vmem>>, vector<16xf32>,
        tpu.vector_store %arg8[%swap3A_1560, %swap3A_1561], %gather3A_1297 {strides = array<i32>} : memref<32x512xf32, #tpu.memory_space<vmem>>, vector<16xf32>,
        %mul3A_1563 = arith.constant 4 : i32
        %mul3A_1564 = arith.muli %scan3A_1264, %mul3A_1563 : i32
        %add3A_1565 = arith.constant 0 : i32
        %add3A_1566 = arith.addi %mul3A_1564, %add3A_1565 : i32
        %mul3A_1567 = arith.constant 16 : i32
        %mul3A_1568 = arith.muli %add3A_1566, %mul3A_1567 : i32
        %swap3A_1569 = arith.constant 26 : i32
        %swap3A_1570 = arith.index_cast %swap3A_1569 : i32 to index
        %swap3A_1571 = arith.index_cast %mul3A_1568 : i32 to index
        %swap3A_1572 = tpu.vector_load %arg8[%swap3A_1570, %swap3A_1571] {strides = array<i32>} : memref<32x512xf32, #tpu.memory_space<vmem>>, vector<16xf32>,
        tpu.vector_store %arg8[%swap3A_1570, %swap3A_1571], %gather3A_1298 {strides = array<i32>} : memref<32x512xf32, #tpu.memory_space<vmem>>, vector<16xf32>,
        %mul3A_1573 = arith.constant 4 : i32
        %mul3A_1574 = arith.muli %scan3A_1264, %mul3A_1573 : i32
        %add3A_1575 = arith.constant 0 : i32
        %add3A_1576 = arith.addi %mul3A_1574, %add3A_1575 : i32
        %mul3A_1577 = arith.constant 16 : i32
        %mul3A_1578 = arith.muli %add3A_1576, %mul3A_1577 : i32
        %swap3A_1579 = arith.constant 27 : i32
        %swap3A_1580 = arith.index_cast %swap3A_1579 : i32 to index
        %swap3A_1581 = arith.index_cast %mul3A_1578 : i32 to index
        %swap3A_1582 = tpu.vector_load %arg8[%swap3A_1580, %swap3A_1581] {strides = array<i32>} : memref<32x512xf32, #tpu.memory_space<vmem>>, vector<16xf32>,
        tpu.vector_store %arg8[%swap3A_1580, %swap3A_1581], %gather3A_1299 {strides = array<i32>} : memref<32x512xf32, #tpu.memory_space<vmem>>, vector<16xf32>,
        %mul3A_1583 = arith.constant 4 : i32
        %mul3A_1584 = arith.muli %scan3A_1264, %mul3A_1583 : i32
        %add3A_1585 = arith.constant 0 : i32
        %add3A_1586 = arith.addi %mul3A_1584, %add3A_1585 : i32
        %mul3A_1587 = arith.constant 16 : i32
        %mul3A_1588 = arith.muli %add3A_1586, %mul3A_1587 : i32
        %swap3A_1589 = arith.constant 28 : i32
        %swap3A_1590 = arith.index_cast %swap3A_1589 : i32 to index
        %swap3A_1591 = arith.index_cast %mul3A_1588 : i32 to index
        %swap3A_1592 = tpu.vector_load %arg8[%swap3A_1590, %swap3A_1591] {strides = array<i32>} : memref<32x512xf32, #tpu.memory_space<vmem>>, vector<16xf32>,
        tpu.vector_store %arg8[%swap3A_1590, %swap3A_1591], %gather3A_1300 {strides = array<i32>} : memref<32x512xf32, #tpu.memory_space<vmem>>, vector<16xf32>,
        %mul3A_1593 = arith.constant 4 : i32
        %mul3A_1594 = arith.muli %scan3A_1264, %mul3A_1593 : i32
        %add3A_1595 = arith.constant 0 : i32
        %add3A_1596 = arith.addi %mul3A_1594, %add3A_1595 : i32
        %mul3A_1597 = arith.constant 16 : i32
        %mul3A_1598 = arith.muli %add3A_1596, %mul3A_1597 : i32
        %swap3A_1599 = arith.constant 29 : i32
        %swap3A_1600 = arith.index_cast %swap3A_1599 : i32 to index
        %swap3A_1601 = arith.index_cast %mul3A_1598 : i32 to index
        %swap3A_1602 = tpu.vector_load %arg8[%swap3A_1600, %swap3A_1601] {strides = array<i32>} : memref<32x512xf32, #tpu.memory_space<vmem>>, vector<16xf32>,
        tpu.vector_store %arg8[%swap3A_1600, %swap3A_1601], %gather3A_1301 {strides = array<i32>} : memref<32x512xf32, #tpu.memory_space<vmem>>, vector<16xf32>,
        %mul3A_1603 = arith.constant 4 : i32
        %mul3A_1604 = arith.muli %scan3A_1264, %mul3A_1603 : i32
        %add3A_1605 = arith.constant 0 : i32
        %add3A_1606 = arith.addi %mul3A_1604, %add3A_1605 : i32
        %mul3A_1607 = arith.constant 16 : i32
        %mul3A_1608 = arith.muli %add3A_1606, %mul3A_1607 : i32
        %swap3A_1609 = arith.constant 30 : i32
        %swap3A_1610 = arith.index_cast %swap3A_1609 : i32 to index
        %swap3A_1611 = arith.index_cast %mul3A_1608 : i32 to index
        %swap3A_1612 = tpu.vector_load %arg8[%swap3A_1610, %swap3A_1611] {strides = array<i32>} : memref<32x512xf32, #tpu.memory_space<vmem>>, vector<16xf32>,
        tpu.vector_store %arg8[%swap3A_1610, %swap3A_1611], %gather3A_1302 {strides = array<i32>} : memref<32x512xf32, #tpu.memory_space<vmem>>, vector<16xf32>,
        %mul3A_1613 = arith.constant 4 : i32
        %mul3A_1614 = arith.muli %scan3A_1264, %mul3A_1613 : i32
        %add3A_1615 = arith.constant 0 : i32
        %add3A_1616 = arith.addi %mul3A_1614, %add3A_1615 : i32
        %mul3A_1617 = arith.constant 16 : i32
        %mul3A_1618 = arith.muli %add3A_1616, %mul3A_1617 : i32
        %swap3A_1619 = arith.constant 31 : i32
        %swap3A_1620 = arith.index_cast %swap3A_1619 : i32 to index
        %swap3A_1621 = arith.index_cast %mul3A_1618 : i32 to index
        %swap3A_1622 = tpu.vector_load %arg8[%swap3A_1620, %swap3A_1621] {strides = array<i32>} : memref<32x512xf32, #tpu.memory_space<vmem>>, vector<16xf32>,
        tpu.vector_store %arg8[%swap3A_1620, %swap3A_1621], %gather3A_1303 {strides = array<i32>} : memref<32x512xf32, #tpu.memory_space<vmem>>, vector<16xf32>,
        %mul3A_1623 = arith.constant 4 : i32
        %mul3A_1624 = arith.muli %scan3A_1264, %mul3A_1623 : i32
        %add3A_1625 = arith.constant 1 : i32
        %add3A_1626 = arith.addi %mul3A_1624, %add3A_1625 : i32
        %mul3A_1627 = arith.constant 16 : i32
        %mul3A_1628 = arith.muli %add3A_1626, %mul3A_1627 : i32
        %add3A_1629 = vector.broadcast %mul3A_1628 : i32 to vector<16xi32>
        %add3A_1630 = arith.addi %add3A_1629, %iota3A : vector<16xi32>
        %gather3A_1631 = tpu.vector_load_idx %arg6[%add3A_1630, %broadcast_in_dim3A_3] : memref<512x32xf32, #tpu.memory_space<vmem>>[vector<16xi32>, vector<16xi32>], vector<16xf32>,
        %gather3A_1632 = tpu.vector_load_idx %arg6[%add3A_1630, %broadcast_in_dim3A_5] : memref<512x32xf32, #tpu.memory_space<vmem>>[vector<16xi32>, vector<16xi32>], vector<16xf32>,
        %gather3A_1633 = tpu.vector_load_idx %arg6[%add3A_1630, %broadcast_in_dim3A_7] : memref<512x32xf32, #tpu.memory_space<vmem>>[vector<16xi32>, vector<16xi32>], vector<16xf32>,
        %gather3A_1634 = tpu.vector_load_idx %arg6[%add3A_1630, %broadcast_in_dim3A_9] : memref<512x32xf32, #tpu.memory_space<vmem>>[vector<16xi32>, vector<16xi32>], vector<16xf32>,
        %gather3A_1635 = tpu.vector_load_idx %arg6[%add3A_1630, %broadcast_in_dim3A_11] : memref<512x32xf32, #tpu.memory_space<vmem>>[vector<16xi32>, vector<16xi32>], vector<16xf32>,
        %gather3A_1636 = tpu.vector_load_idx %arg6[%add3A_1630, %broadcast_in_dim3A_13] : memref<512x32xf32, #tpu.memory_space<vmem>>[vector<16xi32>, vector<16xi32>], vector<16xf32>,
        %gather3A_1637 = tpu.vector_load_idx %arg6[%add3A_1630, %broadcast_in_dim3A_15] : memref<512x32xf32, #tpu.memory_space<vmem>>[vector<16xi32>, vector<16xi32>], vector<16xf32>,
        %gather3A_1638 = tpu.vector_load_idx %arg6[%add3A_1630, %broadcast_in_dim3A_17] : memref<512x32xf32, #tpu.memory_space<vmem>>[vector<16xi32>, vector<16xi32>], vector<16xf32>,
        %gather3A_1639 = tpu.vector_load_idx %arg6[%add3A_1630, %broadcast_in_dim3A_19] : memref<512x32xf32, #tpu.memory_space<vmem>>[vector<16xi32>, vector<16xi32>], vector<16xf32>,
        %gather3A_1640 = tpu.vector_load_idx %arg6[%add3A_1630, %broadcast_in_dim3A_21] : memref<512x32xf32, #tpu.memory_space<vmem>>[vector<16xi32>, vector<16xi32>], vector<16xf32>,
        %gather3A_1641 = tpu.vector_load_idx %arg6[%add3A_1630, %broadcast_in_dim3A_23] : memref<512x32xf32, #tpu.memory_space<vmem>>[vector<16xi32>, vector<16xi32>], vector<16xf32>,
        %gather3A_1642 = tpu.vector_load_idx %arg6[%add3A_1630, %broadcast_in_dim3A_25] : memref<512x32xf32, #tpu.memory_space<vmem>>[vector<16xi32>, vector<16xi32>], vector<16xf32>,
        %gather3A_1643 = tpu.vector_load_idx %arg6[%add3A_1630, %broadcast_in_dim3A_27] : memref<512x32xf32, #tpu.memory_space<vmem>>[vector<16xi32>, vector<16xi32>], vector<16xf32>,
        %gather3A_1644 = tpu.vector_load_idx %arg6[%add3A_1630, %broadcast_in_dim3A_29] : memref<512x32xf32, #tpu.memory_space<vmem>>[vector<16xi32>, vector<16xi32>], vector<16xf32>,
        %gather3A_1645 = tpu.vector_load_idx %arg6[%add3A_1630, %broadcast_in_dim3A_31] : memref<512x32xf32, #tpu.memory_space<vmem>>[vector<16xi32>, vector<16xi32>], vector<16xf32>,
        %gather3A_1646 = tpu.vector_load_idx %arg6[%add3A_1630, %broadcast_in_dim3A_33] : memref<512x32xf32, #tpu.memory_space<vmem>>[vector<16xi32>, vector<16xi32>], vector<16xf32>,
        %gather3A_1647 = tpu.vector_load_idx %arg6[%add3A_1630, %broadcast_in_dim3A_35] : memref<512x32xf32, #tpu.memory_space<vmem>>[vector<16xi32>, vector<16xi32>], vector<16xf32>,
        %gather3A_1648 = tpu.vector_load_idx %arg6[%add3A_1630, %broadcast_in_dim3A_37] : memref<512x32xf32, #tpu.memory_space<vmem>>[vector<16xi32>, vector<16xi32>], vector<16xf32>,
        %gather3A_1649 = tpu.vector_load_idx %arg6[%add3A_1630, %broadcast_in_dim3A_39] : memref<512x32xf32, #tpu.memory_space<vmem>>[vector<16xi32>, vector<16xi32>], vector<16xf32>,
        %gather3A_1650 = tpu.vector_load_idx %arg6[%add3A_1630, %broadcast_in_dim3A_41] : memref<512x32xf32, #tpu.memory_space<vmem>>[vector<16xi32>, vector<16xi32>], vector<16xf32>,
        %gather3A_1651 = tpu.vector_load_idx %arg6[%add3A_1630, %broadcast_in_dim3A_43] : memref<512x32xf32, #tpu.memory_space<vmem>>[vector<16xi32>, vector<16xi32>], vector<16xf32>,
        %gather3A_1652 = tpu.vector_load_idx %arg6[%add3A_1630, %broadcast_in_dim3A_45] : memref<512x32xf32, #tpu.memory_space<vmem>>[vector<16xi32>, vector<16xi32>], vector<16xf32>,
        %gather3A_1653 = tpu.vector_load_idx %arg6[%add3A_1630, %broadcast_in_dim3A_47] : memref<512x32xf32, #tpu.memory_space<vmem>>[vector<16xi32>, vector<16xi32>], vector<16xf32>,
        %gather3A_1654 = tpu.vector_load_idx %arg6[%add3A_1630, %broadcast_in_dim3A_49] : memref<512x32xf32, #tpu.memory_space<vmem>>[vector<16xi32>, vector<16xi32>], vector<16xf32>,
        %gather3A_1655 = tpu.vector_load_idx %arg6[%add3A_1630, %broadcast_in_dim3A_51] : memref<512x32xf32, #tpu.memory_space<vmem>>[vector<16xi32>, vector<16xi32>], vector<16xf32>,
        %gather3A_1656 = tpu.vector_load_idx %arg6[%add3A_1630, %broadcast_in_dim3A_53] : memref<512x32xf32, #tpu.memory_space<vmem>>[vector<16xi32>, vector<16xi32>], vector<16xf32>,
        %gather3A_1657 = tpu.vector_load_idx %arg6[%add3A_1630, %broadcast_in_dim3A_55] : memref<512x32xf32, #tpu.memory_space<vmem>>[vector<16xi32>, vector<16xi32>], vector<16xf32>,
        %gather3A_1658 = tpu.vector_load_idx %arg6[%add3A_1630, %broadcast_in_dim3A_57] : memref<512x32xf32, #tpu.memory_space<vmem>>[vector<16xi32>, vector<16xi32>], vector<16xf32>,
        %gather3A_1659 = tpu.vector_load_idx %arg6[%add3A_1630, %broadcast_in_dim3A_59] : memref<512x32xf32, #tpu.memory_space<vmem>>[vector<16xi32>, vector<16xi32>], vector<16xf32>,
        %gather3A_1660 = tpu.vector_load_idx %arg6[%add3A_1630, %broadcast_in_dim3A_61] : memref<512x32xf32, #tpu.memory_space<vmem>>[vector<16xi32>, vector<16xi32>], vector<16xf32>,
        %gather3A_1661 = tpu.vector_load_idx %arg6[%add3A_1630, %broadcast_in_dim3A_63] : memref<512x32xf32, #tpu.memory_space<vmem>>[vector<16xi32>, vector<16xi32>], vector<16xf32>,
        %gather3A_1662 = tpu.vector_load_idx %arg6[%add3A_1630, %broadcast_in_dim3A_65] : memref<512x32xf32, #tpu.memory_space<vmem>>[vector<16xi32>, vector<16xi32>], vector<16xf32>,
        %mul3A_1663 = arith.constant 4 : i32
        %mul3A_1664 = arith.muli %scan3A_1264, %mul3A_1663 : i32
        %add3A_1665 = arith.constant 1 : i32
        %add3A_1666 = arith.addi %mul3A_1664, %add3A_1665 : i32
        %mul3A_1667 = arith.constant 16 : i32
        %mul3A_1668 = arith.muli %add3A_1666, %mul3A_1667 : i32
        %swap3A_1669 = arith.constant 0 : i32
        %swap3A_1670 = arith.index_cast %swap3A_1669 : i32 to index
        %swap3A_1671 = arith.index_cast %mul3A_1668 : i32 to index
        %swap3A_1672 = tpu.vector_load %arg8[%swap3A_1670, %swap3A_1671] {strides = array<i32>} : memref<32x512xf32, #tpu.memory_space<vmem>>, vector<16xf32>,
        tpu.vector_store %arg8[%swap3A_1670, %swap3A_1671], %gather3A_1631 {strides = array<i32>} : memref<32x512xf32, #tpu.memory_space<vmem>>, vector<16xf32>,
        %mul3A_1673 = arith.constant 4 : i32
        %mul3A_1674 = arith.muli %scan3A_1264, %mul3A_1673 : i32
        %add3A_1675 = arith.constant 1 : i32
        %add3A_1676 = arith.addi %mul3A_1674, %add3A_1675 : i32
        %mul3A_1677 = arith.constant 16 : i32
        %mul3A_1678 = arith.muli %add3A_1676, %mul3A_1677 : i32
        %swap3A_1679 = arith.constant 1 : i32
        %swap3A_1680 = arith.index_cast %swap3A_1679 : i32 to index
        %swap3A_1681 = arith.index_cast %mul3A_1678 : i32 to index
        %swap3A_1682 = tpu.vector_load %arg8[%swap3A_1680, %swap3A_1681] {strides = array<i32>} : memref<32x512xf32, #tpu.memory_space<vmem>>, vector<16xf32>,
        tpu.vector_store %arg8[%swap3A_1680, %swap3A_1681], %gather3A_1632 {strides = array<i32>} : memref<32x512xf32, #tpu.memory_space<vmem>>, vector<16xf32>,
        %mul3A_1683 = arith.constant 4 : i32
        %mul3A_1684 = arith.muli %scan3A_1264, %mul3A_1683 : i32
        %add3A_1685 = arith.constant 1 : i32
        %add3A_1686 = arith.addi %mul3A_1684, %add3A_1685 : i32
        %mul3A_1687 = arith.constant 16 : i32
        %mul3A_1688 = arith.muli %add3A_1686, %mul3A_1687 : i32
        %swap3A_1689 = arith.constant 2 : i32
        %swap3A_1690 = arith.index_cast %swap3A_1689 : i32 to index
        %swap3A_1691 = arith.index_cast %mul3A_1688 : i32 to index
        %swap3A_1692 = tpu.vector_load %arg8[%swap3A_1690, %swap3A_1691] {strides = array<i32>} : memref<32x512xf32, #tpu.memory_space<vmem>>, vector<16xf32>,
        tpu.vector_store %arg8[%swap3A_1690, %swap3A_1691], %gather3A_1633 {strides = array<i32>} : memref<32x512xf32, #tpu.memory_space<vmem>>, vector<16xf32>,
        %mul3A_1693 = arith.constant 4 : i32
        %mul3A_1694 = arith.muli %scan3A_1264, %mul3A_1693 : i32
        %add3A_1695 = arith.constant 1 : i32
        %add3A_1696 = arith.addi %mul3A_1694, %add3A_1695 : i32
        %mul3A_1697 = arith.constant 16 : i32
        %mul3A_1698 = arith.muli %add3A_1696, %mul3A_1697 : i32
        %swap3A_1699 = arith.constant 3 : i32
        %swap3A_1700 = arith.index_cast %swap3A_1699 : i32 to index
        %swap3A_1701 = arith.index_cast %mul3A_1698 : i32 to index
        %swap3A_1702 = tpu.vector_load %arg8[%swap3A_1700, %swap3A_1701] {strides = array<i32>} : memref<32x512xf32, #tpu.memory_space<vmem>>, vector<16xf32>,
        tpu.vector_store %arg8[%swap3A_1700, %swap3A_1701], %gather3A_1634 {strides = array<i32>} : memref<32x512xf32, #tpu.memory_space<vmem>>, vector<16xf32>,
        %mul3A_1703 = arith.constant 4 : i32
        %mul3A_1704 = arith.muli %scan3A_1264, %mul3A_1703 : i32
        %add3A_1705 = arith.constant 1 : i32
        %add3A_1706 = arith.addi %mul3A_1704, %add3A_1705 : i32
        %mul3A_1707 = arith.constant 16 : i32
        %mul3A_1708 = arith.muli %add3A_1706, %mul3A_1707 : i32
        %swap3A_1709 = arith.constant 4 : i32
        %swap3A_1710 = arith.index_cast %swap3A_1709 : i32 to index
        %swap3A_1711 = arith.index_cast %mul3A_1708 : i32 to index
        %swap3A_1712 = tpu.vector_load %arg8[%swap3A_1710, %swap3A_1711] {strides = array<i32>} : memref<32x512xf32, #tpu.memory_space<vmem>>, vector<16xf32>,
        tpu.vector_store %arg8[%swap3A_1710, %swap3A_1711], %gather3A_1635 {strides = array<i32>} : memref<32x512xf32, #tpu.memory_space<vmem>>, vector<16xf32>,
        %mul3A_1713 = arith.constant 4 : i32
        %mul3A_1714 = arith.muli %scan3A_1264, %mul3A_1713 : i32
        %add3A_1715 = arith.constant 1 : i32
        %add3A_1716 = arith.addi %mul3A_1714, %add3A_1715 : i32
        %mul3A_1717 = arith.constant 16 : i32
        %mul3A_1718 = arith.muli %add3A_1716, %mul3A_1717 : i32
        %swap3A_1719 = arith.constant 5 : i32
        %swap3A_1720 = arith.index_cast %swap3A_1719 : i32 to index
        %swap3A_1721 = arith.index_cast %mul3A_1718 : i32 to index
        %swap3A_1722 = tpu.vector_load %arg8[%swap3A_1720, %swap3A_1721] {strides = array<i32>} : memref<32x512xf32, #tpu.memory_space<vmem>>, vector<16xf32>,
        tpu.vector_store %arg8[%swap3A_1720, %swap3A_1721], %gather3A_1636 {strides = array<i32>} : memref<32x512xf32, #tpu.memory_space<vmem>>, vector<16xf32>,
        %mul3A_1723 = arith.constant 4 : i32
        %mul3A_1724 = arith.muli %scan3A_1264, %mul3A_1723 : i32
        %add3A_1725 = arith.constant 1 : i32
        %add3A_1726 = arith.addi %mul3A_1724, %add3A_1725 : i32
        %mul3A_1727 = arith.constant 16 : i32
        %mul3A_1728 = arith.muli %add3A_1726, %mul3A_1727 : i32
        %swap3A_1729 = arith.constant 6 : i32
        %swap3A_1730 = arith.index_cast %swap3A_1729 : i32 to index
        %swap3A_1731 = arith.index_cast %mul3A_1728 : i32 to index
        %swap3A_1732 = tpu.vector_load %arg8[%swap3A_1730, %swap3A_1731] {strides = array<i32>} : memref<32x512xf32, #tpu.memory_space<vmem>>, vector<16xf32>,
        tpu.vector_store %arg8[%swap3A_1730, %swap3A_1731], %gather3A_1637 {strides = array<i32>} : memref<32x512xf32, #tpu.memory_space<vmem>>, vector<16xf32>,
        %mul3A_1733 = arith.constant 4 : i32
        %mul3A_1734 = arith.muli %scan3A_1264, %mul3A_1733 : i32
        %add3A_1735 = arith.constant 1 : i32
        %add3A_1736 = arith.addi %mul3A_1734, %add3A_1735 : i32
        %mul3A_1737 = arith.constant 16 : i32
        %mul3A_1738 = arith.muli %add3A_1736, %mul3A_1737 : i32
        %swap3A_1739 = arith.constant 7 : i32
        %swap3A_1740 = arith.index_cast %swap3A_1739 : i32 to index
        %swap3A_1741 = arith.index_cast %mul3A_1738 : i32 to index
        %swap3A_1742 = tpu.vector_load %arg8[%swap3A_1740, %swap3A_1741] {strides = array<i32>} : memref<32x512xf32, #tpu.memory_space<vmem>>, vector<16xf32>,
        tpu.vector_store %arg8[%swap3A_1740, %swap3A_1741], %gather3A_1638 {strides = array<i32>} : memref<32x512xf32, #tpu.memory_space<vmem>>, vector<16xf32>,
        %mul3A_1743 = arith.constant 4 : i32
        %mul3A_1744 = arith.muli %scan3A_1264, %mul3A_1743 : i32
        %add3A_1745 = arith.constant 1 : i32
        %add3A_1746 = arith.addi %mul3A_1744, %add3A_1745 : i32
        %mul3A_1747 = arith.constant 16 : i32
        %mul3A_1748 = arith.muli %add3A_1746, %mul3A_1747 : i32
        %swap3A_1749 = arith.constant 8 : i32
        %swap3A_1750 = arith.index_cast %swap3A_1749 : i32 to index
        %swap3A_1751 = arith.index_cast %mul3A_1748 : i32 to index
        %swap3A_1752 = tpu.vector_load %arg8[%swap3A_1750, %swap3A_1751] {strides = array<i32>} : memref<32x512xf32, #tpu.memory_space<vmem>>, vector<16xf32>,
        tpu.vector_store %arg8[%swap3A_1750, %swap3A_1751], %gather3A_1639 {strides = array<i32>} : memref<32x512xf32, #tpu.memory_space<vmem>>, vector<16xf32>,
        %mul3A_1753 = arith.constant 4 : i32
        %mul3A_1754 = arith.muli %scan3A_1264, %mul3A_1753 : i32
        %add3A_1755 = arith.constant 1 : i32
        %add3A_1756 = arith.addi %mul3A_1754, %add3A_1755 : i32
        %mul3A_1757 = arith.constant 16 : i32
        %mul3A_1758 = arith.muli %add3A_1756, %mul3A_1757 : i32
        %swap3A_1759 = arith.constant 9 : i32
        %swap3A_1760 = arith.index_cast %swap3A_1759 : i32 to index
        %swap3A_1761 = arith.index_cast %mul3A_1758 : i32 to index
        %swap3A_1762 = tpu.vector_load %arg8[%swap3A_1760, %swap3A_1761] {strides = array<i32>} : memref<32x512xf32, #tpu.memory_space<vmem>>, vector<16xf32>,
        tpu.vector_store %arg8[%swap3A_1760, %swap3A_1761], %gather3A_1640 {strides = array<i32>} : memref<32x512xf32, #tpu.memory_space<vmem>>, vector<16xf32>,
        %mul3A_1763 = arith.constant 4 : i32
        %mul3A_1764 = arith.muli %scan3A_1264, %mul3A_1763 : i32
        %add3A_1765 = arith.constant 1 : i32
        %add3A_1766 = arith.addi %mul3A_1764, %add3A_1765 : i32
        %mul3A_1767 = arith.constant 16 : i32
        %mul3A_1768 = arith.muli %add3A_1766, %mul3A_1767 : i32
        %swap3A_1769 = arith.constant 10 : i32
        %swap3A_1770 = arith.index_cast %swap3A_1769 : i32 to index
        %swap3A_1771 = arith.index_cast %mul3A_1768 : i32 to index
        %swap3A_1772 = tpu.vector_load %arg8[%swap3A_1770, %swap3A_1771] {strides = array<i32>} : memref<32x512xf32, #tpu.memory_space<vmem>>, vector<16xf32>,
        tpu.vector_store %arg8[%swap3A_1770, %swap3A_1771], %gather3A_1641 {strides = array<i32>} : memref<32x512xf32, #tpu.memory_space<vmem>>, vector<16xf32>,
        %mul3A_1773 = arith.constant 4 : i32
        %mul3A_1774 = arith.muli %scan3A_1264, %mul3A_1773 : i32
        %add3A_1775 = arith.constant 1 : i32
        %add3A_1776 = arith.addi %mul3A_1774, %add3A_1775 : i32
        %mul3A_1777 = arith.constant 16 : i32
        %mul3A_1778 = arith.muli %add3A_1776, %mul3A_1777 : i32
        %swap3A_1779 = arith.constant 11 : i32
        %swap3A_1780 = arith.index_cast %swap3A_1779 : i32 to index
        %swap3A_1781 = arith.index_cast %mul3A_1778 : i32 to index
        %swap3A_1782 = tpu.vector_load %arg8[%swap3A_1780, %swap3A_1781] {strides = array<i32>} : memref<32x512xf32, #tpu.memory_space<vmem>>, vector<16xf32>,
        tpu.vector_store %arg8[%swap3A_1780, %swap3A_1781], %gather3A_1642 {strides = array<i32>} : memref<32x512xf32, #tpu.memory_space<vmem>>, vector<16xf32>,
        %mul3A_1783 = arith.constant 4 : i32
        %mul3A_1784 = arith.muli %scan3A_1264, %mul3A_1783 : i32
        %add3A_1785 = arith.constant 1 : i32
        %add3A_1786 = arith.addi %mul3A_1784, %add3A_1785 : i32
        %mul3A_1787 = arith.constant 16 : i32
        %mul3A_1788 = arith.muli %add3A_1786, %mul3A_1787 : i32
        %swap3A_1789 = arith.constant 12 : i32
        %swap3A_1790 = arith.index_cast %swap3A_1789 : i32 to index
        %swap3A_1791 = arith.index_cast %mul3A_1788 : i32 to index
        %swap3A_1792 = tpu.vector_load %arg8[%swap3A_1790, %swap3A_1791] {strides = array<i32>} : memref<32x512xf32, #tpu.memory_space<vmem>>, vector<16xf32>,
        tpu.vector_store %arg8[%swap3A_1790, %swap3A_1791], %gather3A_1643 {strides = array<i32>} : memref<32x512xf32, #tpu.memory_space<vmem>>, vector<16xf32>,
        %mul3A_1793 = arith.constant 4 : i32
        %mul3A_1794 = arith.muli %scan3A_1264, %mul3A_1793 : i32
        %add3A_1795 = arith.constant 1 : i32
        %add3A_1796 = arith.addi %mul3A_1794, %add3A_1795 : i32
        %mul3A_1797 = arith.constant 16 : i32
        %mul3A_1798 = arith.muli %add3A_1796, %mul3A_1797 : i32
        %swap3A_1799 = arith.constant 13 : i32
        %swap3A_1800 = arith.index_cast %swap3A_1799 : i32 to index
        %swap3A_1801 = arith.index_cast %mul3A_1798 : i32 to index
        %swap3A_1802 = tpu.vector_load %arg8[%swap3A_1800, %swap3A_1801] {strides = array<i32>} : memref<32x512xf32, #tpu.memory_space<vmem>>, vector<16xf32>,
        tpu.vector_store %arg8[%swap3A_1800, %swap3A_1801], %gather3A_1644 {strides = array<i32>} : memref<32x512xf32, #tpu.memory_space<vmem>>, vector<16xf32>,
        %mul3A_1803 = arith.constant 4 : i32
        %mul3A_1804 = arith.muli %scan3A_1264, %mul3A_1803 : i32
        %add3A_1805 = arith.constant 1 : i32
        %add3A_1806 = arith.addi %mul3A_1804, %add3A_1805 : i32
        %mul3A_1807 = arith.constant 16 : i32
        %mul3A_1808 = arith.muli %add3A_1806, %mul3A_1807 : i32
        %swap3A_1809 = arith.constant 14 : i32
        %swap3A_1810 = arith.index_cast %swap3A_1809 : i32 to index
        %swap3A_1811 = arith.index_cast %mul3A_1808 : i32 to index
        %swap3A_1812 = tpu.vector_load %arg8[%swap3A_1810, %swap3A_1811] {strides = array<i32>} : memref<32x512xf32, #tpu.memory_space<vmem>>, vector<16xf32>,
        tpu.vector_store %arg8[%swap3A_1810, %swap3A_1811], %gather3A_1645 {strides = array<i32>} : memref<32x512xf32, #tpu.memory_space<vmem>>, vector<16xf32>,
        %mul3A_1813 = arith.constant 4 : i32
        %mul3A_1814 = arith.muli %scan3A_1264, %mul3A_1813 : i32
        %add3A_1815 = arith.constant 1 : i32
        %add3A_1816 = arith.addi %mul3A_1814, %add3A_1815 : i32
        %mul3A_1817 = arith.constant 16 : i32
        %mul3A_1818 = arith.muli %add3A_1816, %mul3A_1817 : i32
        %swap3A_1819 = arith.constant 15 : i32
        %swap3A_1820 = arith.index_cast %swap3A_1819 : i32 to index
        %swap3A_1821 = arith.index_cast %mul3A_1818 : i32 to index
        %swap3A_1822 = tpu.vector_load %arg8[%swap3A_1820, %swap3A_1821] {strides = array<i32>} : memref<32x512xf32, #tpu.memory_space<vmem>>, vector<16xf32>,
        tpu.vector_store %arg8[%swap3A_1820, %swap3A_1821], %gather3A_1646 {strides = array<i32>} : memref<32x512xf32, #tpu.memory_space<vmem>>, vector<16xf32>,
        %mul3A_1823 = arith.constant 4 : i32
        %mul3A_1824 = arith.muli %scan3A_1264, %mul3A_1823 : i32
        %add3A_1825 = arith.constant 1 : i32
        %add3A_1826 = arith.addi %mul3A_1824, %add3A_1825 : i32
        %mul3A_1827 = arith.constant 16 : i32
        %mul3A_1828 = arith.muli %add3A_1826, %mul3A_1827 : i32
        %swap3A_1829 = arith.constant 16 : i32
        %swap3A_1830 = arith.index_cast %swap3A_1829 : i32 to index
        %swap3A_1831 = arith.index_cast %mul3A_1828 : i32 to index
        %swap3A_1832 = tpu.vector_load %arg8[%swap3A_1830, %swap3A_1831] {strides = array<i32>} : memref<32x512xf32, #tpu.memory_space<vmem>>, vector<16xf32>,
        tpu.vector_store %arg8[%swap3A_1830, %swap3A_1831], %gather3A_1647 {strides = array<i32>} : memref<32x512xf32, #tpu.memory_space<vmem>>, vector<16xf32>,
        %mul3A_1833 = arith.constant 4 : i32
        %mul3A_1834 = arith.muli %scan3A_1264, %mul3A_1833 : i32
        %add3A_1835 = arith.constant 1 : i32
        %add3A_1836 = arith.addi %mul3A_1834, %add3A_1835 : i32
        %mul3A_1837 = arith.constant 16 : i32
        %mul3A_1838 = arith.muli %add3A_1836, %mul3A_1837 : i32
        %swap3A_1839 = arith.constant 17 : i32
        %swap3A_1840 = arith.index_cast %swap3A_1839 : i32 to index
        %swap3A_1841 = arith.index_cast %mul3A_1838 : i32 to index
        %swap3A_1842 = tpu.vector_load %arg8[%swap3A_1840, %swap3A_1841] {strides = array<i32>} : memref<32x512xf32, #tpu.memory_space<vmem>>, vector<16xf32>,
        tpu.vector_store %arg8[%swap3A_1840, %swap3A_1841], %gather3A_1648 {strides = array<i32>} : memref<32x512xf32, #tpu.memory_space<vmem>>, vector<16xf32>,
        %mul3A_1843 = arith.constant 4 : i32
        %mul3A_1844 = arith.muli %scan3A_1264, %mul3A_1843 : i32
        %add3A_1845 = arith.constant 1 : i32
        %add3A_1846 = arith.addi %mul3A_1844, %add3A_1845 : i32
        %mul3A_1847 = arith.constant 16 : i32
        %mul3A_1848 = arith.muli %add3A_1846, %mul3A_1847 : i32
        %swap3A_1849 = arith.constant 18 : i32
        %swap3A_1850 = arith.index_cast %swap3A_1849 : i32 to index
        %swap3A_1851 = arith.index_cast %mul3A_1848 : i32 to index
        %swap3A_1852 = tpu.vector_load %arg8[%swap3A_1850, %swap3A_1851] {strides = array<i32>} : memref<32x512xf32, #tpu.memory_space<vmem>>, vector<16xf32>,
        tpu.vector_store %arg8[%swap3A_1850, %swap3A_1851], %gather3A_1649 {strides = array<i32>} : memref<32x512xf32, #tpu.memory_space<vmem>>, vector<16xf32>,
        %mul3A_1853 = arith.constant 4 : i32
        %mul3A_1854 = arith.muli %scan3A_1264, %mul3A_1853 : i32
        %add3A_1855 = arith.constant 1 : i32
        %add3A_1856 = arith.addi %mul3A_1854, %add3A_1855 : i32
        %mul3A_1857 = arith.constant 16 : i32
        %mul3A_1858 = arith.muli %add3A_1856, %mul3A_1857 : i32
        %swap3A_1859 = arith.constant 19 : i32
        %swap3A_1860 = arith.index_cast %swap3A_1859 : i32 to index
        %swap3A_1861 = arith.index_cast %mul3A_1858 : i32 to index
        %swap3A_1862 = tpu.vector_load %arg8[%swap3A_1860, %swap3A_1861] {strides = array<i32>} : memref<32x512xf32, #tpu.memory_space<vmem>>, vector<16xf32>,
        tpu.vector_store %arg8[%swap3A_1860, %swap3A_1861], %gather3A_1650 {strides = array<i32>} : memref<32x512xf32, #tpu.memory_space<vmem>>, vector<16xf32>,
        %mul3A_1863 = arith.constant 4 : i32
        %mul3A_1864 = arith.muli %scan3A_1264, %mul3A_1863 : i32
        %add3A_1865 = arith.constant 1 : i32
        %add3A_1866 = arith.addi %mul3A_1864, %add3A_1865 : i32
        %mul3A_1867 = arith.constant 16 : i32
        %mul3A_1868 = arith.muli %add3A_1866, %mul3A_1867 : i32
        %swap3A_1869 = arith.constant 20 : i32
        %swap3A_1870 = arith.index_cast %swap3A_1869 : i32 to index
        %swap3A_1871 = arith.index_cast %mul3A_1868 : i32 to index
        %swap3A_1872 = tpu.vector_load %arg8[%swap3A_1870, %swap3A_1871] {strides = array<i32>} : memref<32x512xf32, #tpu.memory_space<vmem>>, vector<16xf32>,
        tpu.vector_store %arg8[%swap3A_1870, %swap3A_1871], %gather3A_1651 {strides = array<i32>} : memref<32x512xf32, #tpu.memory_space<vmem>>, vector<16xf32>,
        %mul3A_1873 = arith.constant 4 : i32
        %mul3A_1874 = arith.muli %scan3A_1264, %mul3A_1873 : i32
        %add3A_1875 = arith.constant 1 : i32
        %add3A_1876 = arith.addi %mul3A_1874, %add3A_1875 : i32
        %mul3A_1877 = arith.constant 16 : i32
        %mul3A_1878 = arith.muli %add3A_1876, %mul3A_1877 : i32
        %swap3A_1879 = arith.constant 21 : i32
        %swap3A_1880 = arith.index_cast %swap3A_1879 : i32 to index
        %swap3A_1881 = arith.index_cast %mul3A_1878 : i32 to index
        %swap3A_1882 = tpu.vector_load %arg8[%swap3A_1880, %swap3A_1881] {strides = array<i32>} : memref<32x512xf32, #tpu.memory_space<vmem>>, vector<16xf32>,
        tpu.vector_store %arg8[%swap3A_1880, %swap3A_1881], %gather3A_1652 {strides = array<i32>} : memref<32x512xf32, #tpu.memory_space<vmem>>, vector<16xf32>,
        %mul3A_1883 = arith.constant 4 : i32
        %mul3A_1884 = arith.muli %scan3A_1264, %mul3A_1883 : i32
        %add3A_1885 = arith.constant 1 : i32
        %add3A_1886 = arith.addi %mul3A_1884, %add3A_1885 : i32
        %mul3A_1887 = arith.constant 16 : i32
        %mul3A_1888 = arith.muli %add3A_1886, %mul3A_1887 : i32
        %swap3A_1889 = arith.constant 22 : i32
        %swap3A_1890 = arith.index_cast %swap3A_1889 : i32 to index
        %swap3A_1891 = arith.index_cast %mul3A_1888 : i32 to index
        %swap3A_1892 = tpu.vector_load %arg8[%swap3A_1890, %swap3A_1891] {strides = array<i32>} : memref<32x512xf32, #tpu.memory_space<vmem>>, vector<16xf32>,
        tpu.vector_store %arg8[%swap3A_1890, %swap3A_1891], %gather3A_1653 {strides = array<i32>} : memref<32x512xf32, #tpu.memory_space<vmem>>, vector<16xf32>,
        %mul3A_1893 = arith.constant 4 : i32
        %mul3A_1894 = arith.muli %scan3A_1264, %mul3A_1893 : i32
        %add3A_1895 = arith.constant 1 : i32
        %add3A_1896 = arith.addi %mul3A_1894, %add3A_1895 : i32
        %mul3A_1897 = arith.constant 16 : i32
        %mul3A_1898 = arith.muli %add3A_1896, %mul3A_1897 : i32
        %swap3A_1899 = arith.constant 23 : i32
        %swap3A_1900 = arith.index_cast %swap3A_1899 : i32 to index
        %swap3A_1901 = arith.index_cast %mul3A_1898 : i32 to index
        %swap3A_1902 = tpu.vector_load %arg8[%swap3A_1900, %swap3A_1901] {strides = array<i32>} : memref<32x512xf32, #tpu.memory_space<vmem>>, vector<16xf32>,
        tpu.vector_store %arg8[%swap3A_1900, %swap3A_1901], %gather3A_1654 {strides = array<i32>} : memref<32x512xf32, #tpu.memory_space<vmem>>, vector<16xf32>,
        %mul3A_1903 = arith.constant 4 : i32
        %mul3A_1904 = arith.muli %scan3A_1264, %mul3A_1903 : i32
        %add3A_1905 = arith.constant 1 : i32
        %add3A_1906 = arith.addi %mul3A_1904, %add3A_1905 : i32
        %mul3A_1907 = arith.constant 16 : i32
        %mul3A_1908 = arith.muli %add3A_1906, %mul3A_1907 : i32
        %swap3A_1909 = arith.constant 24 : i32
        %swap3A_1910 = arith.index_cast %swap3A_1909 : i32 to index
        %swap3A_1911 = arith.index_cast %mul3A_1908 : i32 to index
        %swap3A_1912 = tpu.vector_load %arg8[%swap3A_1910, %swap3A_1911] {strides = array<i32>} : memref<32x512xf32, #tpu.memory_space<vmem>>, vector<16xf32>,
        tpu.vector_store %arg8[%swap3A_1910, %swap3A_1911], %gather3A_1655 {strides = array<i32>} : memref<32x512xf32, #tpu.memory_space<vmem>>, vector<16xf32>,
        %mul3A_1913 = arith.constant 4 : i32
        %mul3A_1914 = arith.muli %scan3A_1264, %mul3A_1913 : i32
        %add3A_1915 = arith.constant 1 : i32
        %add3A_1916 = arith.addi %mul3A_1914, %add3A_1915 : i32
        %mul3A_1917 = arith.constant 16 : i32
        %mul3A_1918 = arith.muli %add3A_1916, %mul3A_1917 : i32
        %swap3A_1919 = arith.constant 25 : i32
        %swap3A_1920 = arith.index_cast %swap3A_1919 : i32 to index
        %swap3A_1921 = arith.index_cast %mul3A_1918 : i32 to index
        %swap3A_1922 = tpu.vector_load %arg8[%swap3A_1920, %swap3A_1921] {strides = array<i32>} : memref<32x512xf32, #tpu.memory_space<vmem>>, vector<16xf32>,
        tpu.vector_store %arg8[%swap3A_1920, %swap3A_1921], %gather3A_1656 {strides = array<i32>} : memref<32x512xf32, #tpu.memory_space<vmem>>, vector<16xf32>,
        %mul3A_1923 = arith.constant 4 : i32
        %mul3A_1924 = arith.muli %scan3A_1264, %mul3A_1923 : i32
        %add3A_1925 = arith.constant 1 : i32
        %add3A_1926 = arith.addi %mul3A_1924, %add3A_1925 : i32
        %mul3A_1927 = arith.constant 16 : i32
        %mul3A_1928 = arith.muli %add3A_1926, %mul3A_1927 : i32
        %swap3A_1929 = arith.constant 26 : i32
        %swap3A_1930 = arith.index_cast %swap3A_1929 : i32 to index
        %swap3A_1931 = arith.index_cast %mul3A_1928 : i32 to index
        %swap3A_1932 = tpu.vector_load %arg8[%swap3A_1930, %swap3A_1931] {strides = array<i32>} : memref<32x512xf32, #tpu.memory_space<vmem>>, vector<16xf32>,
        tpu.vector_store %arg8[%swap3A_1930, %swap3A_1931], %gather3A_1657 {strides = array<i32>} : memref<32x512xf32, #tpu.memory_space<vmem>>, vector<16xf32>,
        %mul3A_1933 = arith.constant 4 : i32
        %mul3A_1934 = arith.muli %scan3A_1264, %mul3A_1933 : i32
        %add3A_1935 = arith.constant 1 : i32
        %add3A_1936 = arith.addi %mul3A_1934, %add3A_1935 : i32
        %mul3A_1937 = arith.constant 16 : i32
        %mul3A_1938 = arith.muli %add3A_1936, %mul3A_1937 : i32
        %swap3A_1939 = arith.constant 27 : i32
        %swap3A_1940 = arith.index_cast %swap3A_1939 : i32 to index
        %swap3A_1941 = arith.index_cast %mul3A_1938 : i32 to index
        %swap3A_1942 = tpu.vector_load %arg8[%swap3A_1940, %swap3A_1941] {strides = array<i32>} : memref<32x512xf32, #tpu.memory_space<vmem>>, vector<16xf32>,
        tpu.vector_store %arg8[%swap3A_1940, %swap3A_1941], %gather3A_1658 {strides = array<i32>} : memref<32x512xf32, #tpu.memory_space<vmem>>, vector<16xf32>,
        %mul3A_1943 = arith.constant 4 : i32
        %mul3A_1944 = arith.muli %scan3A_1264, %mul3A_1943 : i32
        %add3A_1945 = arith.constant 1 : i32
        %add3A_1946 = arith.addi %mul3A_1944, %add3A_1945 : i32
        %mul3A_1947 = arith.constant 16 : i32
        %mul3A_1948 = arith.muli %add3A_1946, %mul3A_1947 : i32
        %swap3A_1949 = arith.constant 28 : i32
        %swap3A_1950 = arith.index_cast %swap3A_1949 : i32 to index
        %swap3A_1951 = arith.index_cast %mul3A_1948 : i32 to index
        %swap3A_1952 = tpu.vector_load %arg8[%swap3A_1950, %swap3A_1951] {strides = array<i32>} : memref<32x512xf32, #tpu.memory_space<vmem>>, vector<16xf32>,
        tpu.vector_store %arg8[%swap3A_1950, %swap3A_1951], %gather3A_1659 {strides = array<i32>} : memref<32x512xf32, #tpu.memory_space<vmem>>, vector<16xf32>,
        %mul3A_1953 = arith.constant 4 : i32
        %mul3A_1954 = arith.muli %scan3A_1264, %mul3A_1953 : i32
        %add3A_1955 = arith.constant 1 : i32
        %add3A_1956 = arith.addi %mul3A_1954, %add3A_1955 : i32
        %mul3A_1957 = arith.constant 16 : i32
        %mul3A_1958 = arith.muli %add3A_1956, %mul3A_1957 : i32
        %swap3A_1959 = arith.constant 29 : i32
        %swap3A_1960 = arith.index_cast %swap3A_1959 : i32 to index
        %swap3A_1961 = arith.index_cast %mul3A_1958 : i32 to index
        %swap3A_1962 = tpu.vector_load %arg8[%swap3A_1960, %swap3A_1961] {strides = array<i32>} : memref<32x512xf32, #tpu.memory_space<vmem>>, vector<16xf32>,
        tpu.vector_store %arg8[%swap3A_1960, %swap3A_1961], %gather3A_1660 {strides = array<i32>} : memref<32x512xf32, #tpu.memory_space<vmem>>, vector<16xf32>,
        %mul3A_1963 = arith.constant 4 : i32
        %mul3A_1964 = arith.muli %scan3A_1264, %mul3A_1963 : i32
        %add3A_1965 = arith.constant 1 : i32
        %add3A_1966 = arith.addi %mul3A_1964, %add3A_1965 : i32
        %mul3A_1967 = arith.constant 16 : i32
        %mul3A_1968 = arith.muli %add3A_1966, %mul3A_1967 : i32
        %swap3A_1969 = arith.constant 30 : i32
        %swap3A_1970 = arith.index_cast %swap3A_1969 : i32 to index
        %swap3A_1971 = arith.index_cast %mul3A_1968 : i32 to index
        %swap3A_1972 = tpu.vector_load %arg8[%swap3A_1970, %swap3A_1971] {strides = array<i32>} : memref<32x512xf32, #tpu.memory_space<vmem>>, vector<16xf32>,
        tpu.vector_store %arg8[%swap3A_1970, %swap3A_1971], %gather3A_1661 {strides = array<i32>} : memref<32x512xf32, #tpu.memory_space<vmem>>, vector<16xf32>,
        %mul3A_1973 = arith.constant 4 : i32
        %mul3A_1974 = arith.muli %scan3A_1264, %mul3A_1973 : i32
        %add3A_1975 = arith.constant 1 : i32
        %add3A_1976 = arith.addi %mul3A_1974, %add3A_1975 : i32
        %mul3A_1977 = arith.constant 16 : i32
        %mul3A_1978 = arith.muli %add3A_1976, %mul3A_1977 : i32
        %swap3A_1979 = arith.constant 31 : i32
        %swap3A_1980 = arith.index_cast %swap3A_1979 : i32 to index
        %swap3A_1981 = arith.index_cast %mul3A_1978 : i32 to index
        %swap3A_1982 = tpu.vector_load %arg8[%swap3A_1980, %swap3A_1981] {strides = array<i32>} : memref<32x512xf32, #tpu.memory_space<vmem>>, vector<16xf32>,
        tpu.vector_store %arg8[%swap3A_1980, %swap3A_1981], %gather3A_1662 {strides = array<i32>} : memref<32x512xf32, #tpu.memory_space<vmem>>, vector<16xf32>,
        %mul3A_1983 = arith.constant 4 : i32
        %mul3A_1984 = arith.muli %scan3A_1264, %mul3A_1983 : i32
        %add3A_1985 = arith.constant 2 : i32
        %add3A_1986 = arith.addi %mul3A_1984, %add3A_1985 : i32
        %mul3A_1987 = arith.constant 16 : i32
        %mul3A_1988 = arith.muli %add3A_1986, %mul3A_1987 : i32
        %add3A_1989 = vector.broadcast %mul3A_1988 : i32 to vector<16xi32>
        %add3A_1990 = arith.addi %add3A_1989, %iota3A : vector<16xi32>
        %gather3A_1991 = tpu.vector_load_idx %arg6[%add3A_1990, %broadcast_in_dim3A_3] : memref<512x32xf32, #tpu.memory_space<vmem>>[vector<16xi32>, vector<16xi32>], vector<16xf32>,
        %gather3A_1992 = tpu.vector_load_idx %arg6[%add3A_1990, %broadcast_in_dim3A_5] : memref<512x32xf32, #tpu.memory_space<vmem>>[vector<16xi32>, vector<16xi32>], vector<16xf32>,
        %gather3A_1993 = tpu.vector_load_idx %arg6[%add3A_1990, %broadcast_in_dim3A_7] : memref<512x32xf32, #tpu.memory_space<vmem>>[vector<16xi32>, vector<16xi32>], vector<16xf32>,
        %gather3A_1994 = tpu.vector_load_idx %arg6[%add3A_1990, %broadcast_in_dim3A_9] : memref<512x32xf32, #tpu.memory_space<vmem>>[vector<16xi32>, vector<16xi32>], vector<16xf32>,
        %gather3A_1995 = tpu.vector_load_idx %arg6[%add3A_1990, %broadcast_in_dim3A_11] : memref<512x32xf32, #tpu.memory_space<vmem>>[vector<16xi32>, vector<16xi32>], vector<16xf32>,
        %gather3A_1996 = tpu.vector_load_idx %arg6[%add3A_1990, %broadcast_in_dim3A_13] : memref<512x32xf32, #tpu.memory_space<vmem>>[vector<16xi32>, vector<16xi32>], vector<16xf32>,
        %gather3A_1997 = tpu.vector_load_idx %arg6[%add3A_1990, %broadcast_in_dim3A_15] : memref<512x32xf32, #tpu.memory_space<vmem>>[vector<16xi32>, vector<16xi32>], vector<16xf32>,
        %gather3A_1998 = tpu.vector_load_idx %arg6[%add3A_1990, %broadcast_in_dim3A_17] : memref<512x32xf32, #tpu.memory_space<vmem>>[vector<16xi32>, vector<16xi32>], vector<16xf32>,
        %gather3A_1999 = tpu.vector_load_idx %arg6[%add3A_1990, %broadcast_in_dim3A_19] : memref<512x32xf32, #tpu.memory_space<vmem>>[vector<16xi32>, vector<16xi32>], vector<16xf32>,
        %gather3A_2000 = tpu.vector_load_idx %arg6[%add3A_1990, %broadcast_in_dim3A_21] : memref<512x32xf32, #tpu.memory_space<vmem>>[vector<16xi32>, vector<16xi32>], vector<16xf32>,
        %gather3A_2001 = tpu.vector_load_idx %arg6[%add3A_1990, %broadcast_in_dim3A_23] : memref<512x32xf32, #tpu.memory_space<vmem>>[vector<16xi32>, vector<16xi32>], vector<16xf32>,
        %gather3A_2002 = tpu.vector_load_idx %arg6[%add3A_1990, %broadcast_in_dim3A_25] : memref<512x32xf32, #tpu.memory_space<vmem>>[vector<16xi32>, vector<16xi32>], vector<16xf32>,
        %gather3A_2003 = tpu.vector_load_idx %arg6[%add3A_1990, %broadcast_in_dim3A_27] : memref<512x32xf32, #tpu.memory_space<vmem>>[vector<16xi32>, vector<16xi32>], vector<16xf32>,
        %gather3A_2004 = tpu.vector_load_idx %arg6[%add3A_1990, %broadcast_in_dim3A_29] : memref<512x32xf32, #tpu.memory_space<vmem>>[vector<16xi32>, vector<16xi32>], vector<16xf32>,
        %gather3A_2005 = tpu.vector_load_idx %arg6[%add3A_1990, %broadcast_in_dim3A_31] : memref<512x32xf32, #tpu.memory_space<vmem>>[vector<16xi32>, vector<16xi32>], vector<16xf32>,
        %gather3A_2006 = tpu.vector_load_idx %arg6[%add3A_1990, %broadcast_in_dim3A_33] : memref<512x32xf32, #tpu.memory_space<vmem>>[vector<16xi32>, vector<16xi32>], vector<16xf32>,
        %gather3A_2007 = tpu.vector_load_idx %arg6[%add3A_1990, %broadcast_in_dim3A_35] : memref<512x32xf32, #tpu.memory_space<vmem>>[vector<16xi32>, vector<16xi32>], vector<16xf32>,
        %gather3A_2008 = tpu.vector_load_idx %arg6[%add3A_1990, %broadcast_in_dim3A_37] : memref<512x32xf32, #tpu.memory_space<vmem>>[vector<16xi32>, vector<16xi32>], vector<16xf32>,
        %gather3A_2009 = tpu.vector_load_idx %arg6[%add3A_1990, %broadcast_in_dim3A_39] : memref<512x32xf32, #tpu.memory_space<vmem>>[vector<16xi32>, vector<16xi32>], vector<16xf32>,
        %gather3A_2010 = tpu.vector_load_idx %arg6[%add3A_1990, %broadcast_in_dim3A_41] : memref<512x32xf32, #tpu.memory_space<vmem>>[vector<16xi32>, vector<16xi32>], vector<16xf32>,
        %gather3A_2011 = tpu.vector_load_idx %arg6[%add3A_1990, %broadcast_in_dim3A_43] : memref<512x32xf32, #tpu.memory_space<vmem>>[vector<16xi32>, vector<16xi32>], vector<16xf32>,
        %gather3A_2012 = tpu.vector_load_idx %arg6[%add3A_1990, %broadcast_in_dim3A_45] : memref<512x32xf32, #tpu.memory_space<vmem>>[vector<16xi32>, vector<16xi32>], vector<16xf32>,
        %gather3A_2013 = tpu.vector_load_idx %arg6[%add3A_1990, %broadcast_in_dim3A_47] : memref<512x32xf32, #tpu.memory_space<vmem>>[vector<16xi32>, vector<16xi32>], vector<16xf32>,
        %gather3A_2014 = tpu.vector_load_idx %arg6[%add3A_1990, %broadcast_in_dim3A_49] : memref<512x32xf32, #tpu.memory_space<vmem>>[vector<16xi32>, vector<16xi32>], vector<16xf32>,
        %gather3A_2015 = tpu.vector_load_idx %arg6[%add3A_1990, %broadcast_in_dim3A_51] : memref<512x32xf32, #tpu.memory_space<vmem>>[vector<16xi32>, vector<16xi32>], vector<16xf32>,
        %gather3A_2016 = tpu.vector_load_idx %arg6[%add3A_1990, %broadcast_in_dim3A_53] : memref<512x32xf32, #tpu.memory_space<vmem>>[vector<16xi32>, vector<16xi32>], vector<16xf32>,
        %gather3A_2017 = tpu.vector_load_idx %arg6[%add3A_1990, %broadcast_in_dim3A_55] : memref<512x32xf32, #tpu.memory_space<vmem>>[vector<16xi32>, vector<16xi32>], vector<16xf32>,
        %gather3A_2018 = tpu.vector_load_idx %arg6[%add3A_1990, %broadcast_in_dim3A_57] : memref<512x32xf32, #tpu.memory_space<vmem>>[vector<16xi32>, vector<16xi32>], vector<16xf32>,
        %gather3A_2019 = tpu.vector_load_idx %arg6[%add3A_1990, %broadcast_in_dim3A_59] : memref<512x32xf32, #tpu.memory_space<vmem>>[vector<16xi32>, vector<16xi32>], vector<16xf32>,
        %gather3A_2020 = tpu.vector_load_idx %arg6[%add3A_1990, %broadcast_in_dim3A_61] : memref<512x32xf32, #tpu.memory_space<vmem>>[vector<16xi32>, vector<16xi32>], vector<16xf32>,
        %gather3A_2021 = tpu.vector_load_idx %arg6[%add3A_1990, %broadcast_in_dim3A_63] : memref<512x32xf32, #tpu.memory_space<vmem>>[vector<16xi32>, vector<16xi32>], vector<16xf32>,
        %gather3A_2022 = tpu.vector_load_idx %arg6[%add3A_1990, %broadcast_in_dim3A_65] : memref<512x32xf32, #tpu.memory_space<vmem>>[vector<16xi32>, vector<16xi32>], vector<16xf32>,
        %mul3A_2023 = arith.constant 4 : i32
        %mul3A_2024 = arith.muli %scan3A_1264, %mul3A_2023 : i32
        %add3A_2025 = arith.constant 2 : i32
        %add3A_2026 = arith.addi %mul3A_2024, %add3A_2025 : i32
        %mul3A_2027 = arith.constant 16 : i32
        %mul3A_2028 = arith.muli %add3A_2026, %mul3A_2027 : i32
        %swap3A_2029 = arith.constant 0 : i32
        %swap3A_2030 = arith.index_cast %swap3A_2029 : i32 to index
        %swap3A_2031 = arith.index_cast %mul3A_2028 : i32 to index
        %swap3A_2032 = tpu.vector_load %arg8[%swap3A_2030, %swap3A_2031] {strides = array<i32>} : memref<32x512xf32, #tpu.memory_space<vmem>>, vector<16xf32>,
        tpu.vector_store %arg8[%swap3A_2030, %swap3A_2031], %gather3A_1991 {strides = array<i32>} : memref<32x512xf32, #tpu.memory_space<vmem>>, vector<16xf32>,
        %mul3A_2033 = arith.constant 4 : i32
        %mul3A_2034 = arith.muli %scan3A_1264, %mul3A_2033 : i32
        %add3A_2035 = arith.constant 2 : i32
        %add3A_2036 = arith.addi %mul3A_2034, %add3A_2035 : i32
        %mul3A_2037 = arith.constant 16 : i32
        %mul3A_2038 = arith.muli %add3A_2036, %mul3A_2037 : i32
        %swap3A_2039 = arith.constant 1 : i32
        %swap3A_2040 = arith.index_cast %swap3A_2039 : i32 to index
        %swap3A_2041 = arith.index_cast %mul3A_2038 : i32 to index
        %swap3A_2042 = tpu.vector_load %arg8[%swap3A_2040, %swap3A_2041] {strides = array<i32>} : memref<32x512xf32, #tpu.memory_space<vmem>>, vector<16xf32>,
        tpu.vector_store %arg8[%swap3A_2040, %swap3A_2041], %gather3A_1992 {strides = array<i32>} : memref<32x512xf32, #tpu.memory_space<vmem>>, vector<16xf32>,
        %mul3A_2043 = arith.constant 4 : i32
        %mul3A_2044 = arith.muli %scan3A_1264, %mul3A_2043 : i32
        %add3A_2045 = arith.constant 2 : i32
        %add3A_2046 = arith.addi %mul3A_2044, %add3A_2045 : i32
        %mul3A_2047 = arith.constant 16 : i32
        %mul3A_2048 = arith.muli %add3A_2046, %mul3A_2047 : i32
        %swap3A_2049 = arith.constant 2 : i32
        %swap3A_2050 = arith.index_cast %swap3A_2049 : i32 to index
        %swap3A_2051 = arith.index_cast %mul3A_2048 : i32 to index
        %swap3A_2052 = tpu.vector_load %arg8[%swap3A_2050, %swap3A_2051] {strides = array<i32>} : memref<32x512xf32, #tpu.memory_space<vmem>>, vector<16xf32>,
        tpu.vector_store %arg8[%swap3A_2050, %swap3A_2051], %gather3A_1993 {strides = array<i32>} : memref<32x512xf32, #tpu.memory_space<vmem>>, vector<16xf32>,
        %mul3A_2053 = arith.constant 4 : i32
        %mul3A_2054 = arith.muli %scan3A_1264, %mul3A_2053 : i32
        %add3A_2055 = arith.constant 2 : i32
        %add3A_2056 = arith.addi %mul3A_2054, %add3A_2055 : i32
        %mul3A_2057 = arith.constant 16 : i32
        %mul3A_2058 = arith.muli %add3A_2056, %mul3A_2057 : i32
        %swap3A_2059 = arith.constant 3 : i32
        %swap3A_2060 = arith.index_cast %swap3A_2059 : i32 to index
        %swap3A_2061 = arith.index_cast %mul3A_2058 : i32 to index
        %swap3A_2062 = tpu.vector_load %arg8[%swap3A_2060, %swap3A_2061] {strides = array<i32>} : memref<32x512xf32, #tpu.memory_space<vmem>>, vector<16xf32>,
        tpu.vector_store %arg8[%swap3A_2060, %swap3A_2061], %gather3A_1994 {strides = array<i32>} : memref<32x512xf32, #tpu.memory_space<vmem>>, vector<16xf32>,
        %mul3A_2063 = arith.constant 4 : i32
        %mul3A_2064 = arith.muli %scan3A_1264, %mul3A_2063 : i32
        %add3A_2065 = arith.constant 2 : i32
        %add3A_2066 = arith.addi %mul3A_2064, %add3A_2065 : i32
        %mul3A_2067 = arith.constant 16 : i32
        %mul3A_2068 = arith.muli %add3A_2066, %mul3A_2067 : i32
        %swap3A_2069 = arith.constant 4 : i32
        %swap3A_2070 = arith.index_cast %swap3A_2069 : i32 to index
        %swap3A_2071 = arith.index_cast %mul3A_2068 : i32 to index
        %swap3A_2072 = tpu.vector_load %arg8[%swap3A_2070, %swap3A_2071] {strides = array<i32>} : memref<32x512xf32, #tpu.memory_space<vmem>>, vector<16xf32>,
        tpu.vector_store %arg8[%swap3A_2070, %swap3A_2071], %gather3A_1995 {strides = array<i32>} : memref<32x512xf32, #tpu.memory_space<vmem>>, vector<16xf32>,
        %mul3A_2073 = arith.constant 4 : i32
        %mul3A_2074 = arith.muli %scan3A_1264, %mul3A_2073 : i32
        %add3A_2075 = arith.constant 2 : i32
        %add3A_2076 = arith.addi %mul3A_2074, %add3A_2075 : i32
        %mul3A_2077 = arith.constant 16 : i32
        %mul3A_2078 = arith.muli %add3A_2076, %mul3A_2077 : i32
        %swap3A_2079 = arith.constant 5 : i32
        %swap3A_2080 = arith.index_cast %swap3A_2079 : i32 to index
        %swap3A_2081 = arith.index_cast %mul3A_2078 : i32 to index
        %swap3A_2082 = tpu.vector_load %arg8[%swap3A_2080, %swap3A_2081] {strides = array<i32>} : memref<32x512xf32, #tpu.memory_space<vmem>>, vector<16xf32>,
        tpu.vector_store %arg8[%swap3A_2080, %swap3A_2081], %gather3A_1996 {strides = array<i32>} : memref<32x512xf32, #tpu.memory_space<vmem>>, vector<16xf32>,
        %mul3A_2083 = arith.constant 4 : i32
        %mul3A_2084 = arith.muli %scan3A_1264, %mul3A_2083 : i32
        %add3A_2085 = arith.constant 2 : i32
        %add3A_2086 = arith.addi %mul3A_2084, %add3A_2085 : i32
        %mul3A_2087 = arith.constant 16 : i32
        %mul3A_2088 = arith.muli %add3A_2086, %mul3A_2087 : i32
        %swap3A_2089 = arith.constant 6 : i32
        %swap3A_2090 = arith.index_cast %swap3A_2089 : i32 to index
        %swap3A_2091 = arith.index_cast %mul3A_2088 : i32 to index
        %swap3A_2092 = tpu.vector_load %arg8[%swap3A_2090, %swap3A_2091] {strides = array<i32>} : memref<32x512xf32, #tpu.memory_space<vmem>>, vector<16xf32>,
        tpu.vector_store %arg8[%swap3A_2090, %swap3A_2091], %gather3A_1997 {strides = array<i32>} : memref<32x512xf32, #tpu.memory_space<vmem>>, vector<16xf32>,
        %mul3A_2093 = arith.constant 4 : i32
        %mul3A_2094 = arith.muli %scan3A_1264, %mul3A_2093 : i32
        %add3A_2095 = arith.constant 2 : i32
        %add3A_2096 = arith.addi %mul3A_2094, %add3A_2095 : i32
        %mul3A_2097 = arith.constant 16 : i32
        %mul3A_2098 = arith.muli %add3A_2096, %mul3A_2097 : i32
        %swap3A_2099 = arith.constant 7 : i32
        %swap3A_2100 = arith.index_cast %swap3A_2099 : i32 to index
        %swap3A_2101 = arith.index_cast %mul3A_2098 : i32 to index
        %swap3A_2102 = tpu.vector_load %arg8[%swap3A_2100, %swap3A_2101] {strides = array<i32>} : memref<32x512xf32, #tpu.memory_space<vmem>>, vector<16xf32>,
        tpu.vector_store %arg8[%swap3A_2100, %swap3A_2101], %gather3A_1998 {strides = array<i32>} : memref<32x512xf32, #tpu.memory_space<vmem>>, vector<16xf32>,
        %mul3A_2103 = arith.constant 4 : i32
        %mul3A_2104 = arith.muli %scan3A_1264, %mul3A_2103 : i32
        %add3A_2105 = arith.constant 2 : i32
        %add3A_2106 = arith.addi %mul3A_2104, %add3A_2105 : i32
        %mul3A_2107 = arith.constant 16 : i32
        %mul3A_2108 = arith.muli %add3A_2106, %mul3A_2107 : i32
        %swap3A_2109 = arith.constant 8 : i32
        %swap3A_2110 = arith.index_cast %swap3A_2109 : i32 to index
        %swap3A_2111 = arith.index_cast %mul3A_2108 : i32 to index
        %swap3A_2112 = tpu.vector_load %arg8[%swap3A_2110, %swap3A_2111] {strides = array<i32>} : memref<32x512xf32, #tpu.memory_space<vmem>>, vector<16xf32>,
        tpu.vector_store %arg8[%swap3A_2110, %swap3A_2111], %gather3A_1999 {strides = array<i32>} : memref<32x512xf32, #tpu.memory_space<vmem>>, vector<16xf32>,
        %mul3A_2113 = arith.constant 4 : i32
        %mul3A_2114 = arith.muli %scan3A_1264, %mul3A_2113 : i32
        %add3A_2115 = arith.constant 2 : i32
        %add3A_2116 = arith.addi %mul3A_2114, %add3A_2115 : i32
        %mul3A_2117 = arith.constant 16 : i32
        %mul3A_2118 = arith.muli %add3A_2116, %mul3A_2117 : i32
        %swap3A_2119 = arith.constant 9 : i32
        %swap3A_2120 = arith.index_cast %swap3A_2119 : i32 to index
        %swap3A_2121 = arith.index_cast %mul3A_2118 : i32 to index
        %swap3A_2122 = tpu.vector_load %arg8[%swap3A_2120, %swap3A_2121] {strides = array<i32>} : memref<32x512xf32, #tpu.memory_space<vmem>>, vector<16xf32>,
        tpu.vector_store %arg8[%swap3A_2120, %swap3A_2121], %gather3A_2000 {strides = array<i32>} : memref<32x512xf32, #tpu.memory_space<vmem>>, vector<16xf32>,
        %mul3A_2123 = arith.constant 4 : i32
        %mul3A_2124 = arith.muli %scan3A_1264, %mul3A_2123 : i32
        %add3A_2125 = arith.constant 2 : i32
        %add3A_2126 = arith.addi %mul3A_2124, %add3A_2125 : i32
        %mul3A_2127 = arith.constant 16 : i32
        %mul3A_2128 = arith.muli %add3A_2126, %mul3A_2127 : i32
        %swap3A_2129 = arith.constant 10 : i32
        %swap3A_2130 = arith.index_cast %swap3A_2129 : i32 to index
        %swap3A_2131 = arith.index_cast %mul3A_2128 : i32 to index
        %swap3A_2132 = tpu.vector_load %arg8[%swap3A_2130, %swap3A_2131] {strides = array<i32>} : memref<32x512xf32, #tpu.memory_space<vmem>>, vector<16xf32>,
        tpu.vector_store %arg8[%swap3A_2130, %swap3A_2131], %gather3A_2001 {strides = array<i32>} : memref<32x512xf32, #tpu.memory_space<vmem>>, vector<16xf32>,
        %mul3A_2133 = arith.constant 4 : i32
        %mul3A_2134 = arith.muli %scan3A_1264, %mul3A_2133 : i32
        %add3A_2135 = arith.constant 2 : i32
        %add3A_2136 = arith.addi %mul3A_2134, %add3A_2135 : i32
        %mul3A_2137 = arith.constant 16 : i32
        %mul3A_2138 = arith.muli %add3A_2136, %mul3A_2137 : i32
        %swap3A_2139 = arith.constant 11 : i32
        %swap3A_2140 = arith.index_cast %swap3A_2139 : i32 to index
        %swap3A_2141 = arith.index_cast %mul3A_2138 : i32 to index
        %swap3A_2142 = tpu.vector_load %arg8[%swap3A_2140, %swap3A_2141] {strides = array<i32>} : memref<32x512xf32, #tpu.memory_space<vmem>>, vector<16xf32>,
        tpu.vector_store %arg8[%swap3A_2140, %swap3A_2141], %gather3A_2002 {strides = array<i32>} : memref<32x512xf32, #tpu.memory_space<vmem>>, vector<16xf32>,
        %mul3A_2143 = arith.constant 4 : i32
        %mul3A_2144 = arith.muli %scan3A_1264, %mul3A_2143 : i32
        %add3A_2145 = arith.constant 2 : i32
        %add3A_2146 = arith.addi %mul3A_2144, %add3A_2145 : i32
        %mul3A_2147 = arith.constant 16 : i32
        %mul3A_2148 = arith.muli %add3A_2146, %mul3A_2147 : i32
        %swap3A_2149 = arith.constant 12 : i32
        %swap3A_2150 = arith.index_cast %swap3A_2149 : i32 to index
        %swap3A_2151 = arith.index_cast %mul3A_2148 : i32 to index
        %swap3A_2152 = tpu.vector_load %arg8[%swap3A_2150, %swap3A_2151] {strides = array<i32>} : memref<32x512xf32, #tpu.memory_space<vmem>>, vector<16xf32>,
        tpu.vector_store %arg8[%swap3A_2150, %swap3A_2151], %gather3A_2003 {strides = array<i32>} : memref<32x512xf32, #tpu.memory_space<vmem>>, vector<16xf32>,
        %mul3A_2153 = arith.constant 4 : i32
        %mul3A_2154 = arith.muli %scan3A_1264, %mul3A_2153 : i32
        %add3A_2155 = arith.constant 2 : i32
        %add3A_2156 = arith.addi %mul3A_2154, %add3A_2155 : i32
        %mul3A_2157 = arith.constant 16 : i32
        %mul3A_2158 = arith.muli %add3A_2156, %mul3A_2157 : i32
        %swap3A_2159 = arith.constant 13 : i32
        %swap3A_2160 = arith.index_cast %swap3A_2159 : i32 to index
        %swap3A_2161 = arith.index_cast %mul3A_2158 : i32 to index
        %swap3A_2162 = tpu.vector_load %arg8[%swap3A_2160, %swap3A_2161] {strides = array<i32>} : memref<32x512xf32, #tpu.memory_space<vmem>>, vector<16xf32>,
        tpu.vector_store %arg8[%swap3A_2160, %swap3A_2161], %gather3A_2004 {strides = array<i32>} : memref<32x512xf32, #tpu.memory_space<vmem>>, vector<16xf32>,
        %mul3A_2163 = arith.constant 4 : i32
        %mul3A_2164 = arith.muli %scan3A_1264, %mul3A_2163 : i32
        %add3A_2165 = arith.constant 2 : i32
        %add3A_2166 = arith.addi %mul3A_2164, %add3A_2165 : i32
        %mul3A_2167 = arith.constant 16 : i32
        %mul3A_2168 = arith.muli %add3A_2166, %mul3A_2167 : i32
        %swap3A_2169 = arith.constant 14 : i32
        %swap3A_2170 = arith.index_cast %swap3A_2169 : i32 to index
        %swap3A_2171 = arith.index_cast %mul3A_2168 : i32 to index
        %swap3A_2172 = tpu.vector_load %arg8[%swap3A_2170, %swap3A_2171] {strides = array<i32>} : memref<32x512xf32, #tpu.memory_space<vmem>>, vector<16xf32>,
        tpu.vector_store %arg8[%swap3A_2170, %swap3A_2171], %gather3A_2005 {strides = array<i32>} : memref<32x512xf32, #tpu.memory_space<vmem>>, vector<16xf32>,
        %mul3A_2173 = arith.constant 4 : i32
        %mul3A_2174 = arith.muli %scan3A_1264, %mul3A_2173 : i32
        %add3A_2175 = arith.constant 2 : i32
        %add3A_2176 = arith.addi %mul3A_2174, %add3A_2175 : i32
        %mul3A_2177 = arith.constant 16 : i32
        %mul3A_2178 = arith.muli %add3A_2176, %mul3A_2177 : i32
        %swap3A_2179 = arith.constant 15 : i32
        %swap3A_2180 = arith.index_cast %swap3A_2179 : i32 to index
        %swap3A_2181 = arith.index_cast %mul3A_2178 : i32 to index
        %swap3A_2182 = tpu.vector_load %arg8[%swap3A_2180, %swap3A_2181] {strides = array<i32>} : memref<32x512xf32, #tpu.memory_space<vmem>>, vector<16xf32>,
        tpu.vector_store %arg8[%swap3A_2180, %swap3A_2181], %gather3A_2006 {strides = array<i32>} : memref<32x512xf32, #tpu.memory_space<vmem>>, vector<16xf32>,
        %mul3A_2183 = arith.constant 4 : i32
        %mul3A_2184 = arith.muli %scan3A_1264, %mul3A_2183 : i32
        %add3A_2185 = arith.constant 2 : i32
        %add3A_2186 = arith.addi %mul3A_2184, %add3A_2185 : i32
        %mul3A_2187 = arith.constant 16 : i32
        %mul3A_2188 = arith.muli %add3A_2186, %mul3A_2187 : i32
        %swap3A_2189 = arith.constant 16 : i32
        %swap3A_2190 = arith.index_cast %swap3A_2189 : i32 to index
        %swap3A_2191 = arith.index_cast %mul3A_2188 : i32 to index
        %swap3A_2192 = tpu.vector_load %arg8[%swap3A_2190, %swap3A_2191] {strides = array<i32>} : memref<32x512xf32, #tpu.memory_space<vmem>>, vector<16xf32>,
        tpu.vector_store %arg8[%swap3A_2190, %swap3A_2191], %gather3A_2007 {strides = array<i32>} : memref<32x512xf32, #tpu.memory_space<vmem>>, vector<16xf32>,
        %mul3A_2193 = arith.constant 4 : i32
        %mul3A_2194 = arith.muli %scan3A_1264, %mul3A_2193 : i32
        %add3A_2195 = arith.constant 2 : i32
        %add3A_2196 = arith.addi %mul3A_2194, %add3A_2195 : i32
        %mul3A_2197 = arith.constant 16 : i32
        %mul3A_2198 = arith.muli %add3A_2196, %mul3A_2197 : i32
        %swap3A_2199 = arith.constant 17 : i32
        %swap3A_2200 = arith.index_cast %swap3A_2199 : i32 to index
        %swap3A_2201 = arith.index_cast %mul3A_2198 : i32 to index
        %swap3A_2202 = tpu.vector_load %arg8[%swap3A_2200, %swap3A_2201] {strides = array<i32>} : memref<32x512xf32, #tpu.memory_space<vmem>>, vector<16xf32>,
        tpu.vector_store %arg8[%swap3A_2200, %swap3A_2201], %gather3A_2008 {strides = array<i32>} : memref<32x512xf32, #tpu.memory_space<vmem>>, vector<16xf32>,
        %mul3A_2203 = arith.constant 4 : i32
        %mul3A_2204 = arith.muli %scan3A_1264, %mul3A_2203 : i32
        %add3A_2205 = arith.constant 2 : i32
        %add3A_2206 = arith.addi %mul3A_2204, %add3A_2205 : i32
        %mul3A_2207 = arith.constant 16 : i32
        %mul3A_2208 = arith.muli %add3A_2206, %mul3A_2207 : i32
        %swap3A_2209 = arith.constant 18 : i32
        %swap3A_2210 = arith.index_cast %swap3A_2209 : i32 to index
        %swap3A_2211 = arith.index_cast %mul3A_2208 : i32 to index
        %swap3A_2212 = tpu.vector_load %arg8[%swap3A_2210, %swap3A_2211] {strides = array<i32>} : memref<32x512xf32, #tpu.memory_space<vmem>>, vector<16xf32>,
        tpu.vector_store %arg8[%swap3A_2210, %swap3A_2211], %gather3A_2009 {strides = array<i32>} : memref<32x512xf32, #tpu.memory_space<vmem>>, vector<16xf32>,
        %mul3A_2213 = arith.constant 4 : i32
        %mul3A_2214 = arith.muli %scan3A_1264, %mul3A_2213 : i32
        %add3A_2215 = arith.constant 2 : i32
        %add3A_2216 = arith.addi %mul3A_2214, %add3A_2215 : i32
        %mul3A_2217 = arith.constant 16 : i32
        %mul3A_2218 = arith.muli %add3A_2216, %mul3A_2217 : i32
        %swap3A_2219 = arith.constant 19 : i32
        %swap3A_2220 = arith.index_cast %swap3A_2219 : i32 to index
        %swap3A_2221 = arith.index_cast %mul3A_2218 : i32 to index
        %swap3A_2222 = tpu.vector_load %arg8[%swap3A_2220, %swap3A_2221] {strides = array<i32>} : memref<32x512xf32, #tpu.memory_space<vmem>>, vector<16xf32>,
        tpu.vector_store %arg8[%swap3A_2220, %swap3A_2221], %gather3A_2010 {strides = array<i32>} : memref<32x512xf32, #tpu.memory_space<vmem>>, vector<16xf32>,
        %mul3A_2223 = arith.constant 4 : i32
        %mul3A_2224 = arith.muli %scan3A_1264, %mul3A_2223 : i32
        %add3A_2225 = arith.constant 2 : i32
        %add3A_2226 = arith.addi %mul3A_2224, %add3A_2225 : i32
        %mul3A_2227 = arith.constant 16 : i32
        %mul3A_2228 = arith.muli %add3A_2226, %mul3A_2227 : i32
        %swap3A_2229 = arith.constant 20 : i32
        %swap3A_2230 = arith.index_cast %swap3A_2229 : i32 to index
        %swap3A_2231 = arith.index_cast %mul3A_2228 : i32 to index
        %swap3A_2232 = tpu.vector_load %arg8[%swap3A_2230, %swap3A_2231] {strides = array<i32>} : memref<32x512xf32, #tpu.memory_space<vmem>>, vector<16xf32>,
        tpu.vector_store %arg8[%swap3A_2230, %swap3A_2231], %gather3A_2011 {strides = array<i32>} : memref<32x512xf32, #tpu.memory_space<vmem>>, vector<16xf32>,
        %mul3A_2233 = arith.constant 4 : i32
        %mul3A_2234 = arith.muli %scan3A_1264, %mul3A_2233 : i32
        %add3A_2235 = arith.constant 2 : i32
        %add3A_2236 = arith.addi %mul3A_2234, %add3A_2235 : i32
        %mul3A_2237 = arith.constant 16 : i32
        %mul3A_2238 = arith.muli %add3A_2236, %mul3A_2237 : i32
        %swap3A_2239 = arith.constant 21 : i32
        %swap3A_2240 = arith.index_cast %swap3A_2239 : i32 to index
        %swap3A_2241 = arith.index_cast %mul3A_2238 : i32 to index
        %swap3A_2242 = tpu.vector_load %arg8[%swap3A_2240, %swap3A_2241] {strides = array<i32>} : memref<32x512xf32, #tpu.memory_space<vmem>>, vector<16xf32>,
        tpu.vector_store %arg8[%swap3A_2240, %swap3A_2241], %gather3A_2012 {strides = array<i32>} : memref<32x512xf32, #tpu.memory_space<vmem>>, vector<16xf32>,
        %mul3A_2243 = arith.constant 4 : i32
        %mul3A_2244 = arith.muli %scan3A_1264, %mul3A_2243 : i32
        %add3A_2245 = arith.constant 2 : i32
        %add3A_2246 = arith.addi %mul3A_2244, %add3A_2245 : i32
        %mul3A_2247 = arith.constant 16 : i32
        %mul3A_2248 = arith.muli %add3A_2246, %mul3A_2247 : i32
        %swap3A_2249 = arith.constant 22 : i32
        %swap3A_2250 = arith.index_cast %swap3A_2249 : i32 to index
        %swap3A_2251 = arith.index_cast %mul3A_2248 : i32 to index
        %swap3A_2252 = tpu.vector_load %arg8[%swap3A_2250, %swap3A_2251] {strides = array<i32>} : memref<32x512xf32, #tpu.memory_space<vmem>>, vector<16xf32>,
        tpu.vector_store %arg8[%swap3A_2250, %swap3A_2251], %gather3A_2013 {strides = array<i32>} : memref<32x512xf32, #tpu.memory_space<vmem>>, vector<16xf32>,
        %mul3A_2253 = arith.constant 4 : i32
        %mul3A_2254 = arith.muli %scan3A_1264, %mul3A_2253 : i32
        %add3A_2255 = arith.constant 2 : i32
        %add3A_2256 = arith.addi %mul3A_2254, %add3A_2255 : i32
        %mul3A_2257 = arith.constant 16 : i32
        %mul3A_2258 = arith.muli %add3A_2256, %mul3A_2257 : i32
        %swap3A_2259 = arith.constant 23 : i32
        %swap3A_2260 = arith.index_cast %swap3A_2259 : i32 to index
        %swap3A_2261 = arith.index_cast %mul3A_2258 : i32 to index
        %swap3A_2262 = tpu.vector_load %arg8[%swap3A_2260, %swap3A_2261] {strides = array<i32>} : memref<32x512xf32, #tpu.memory_space<vmem>>, vector<16xf32>,
        tpu.vector_store %arg8[%swap3A_2260, %swap3A_2261], %gather3A_2014 {strides = array<i32>} : memref<32x512xf32, #tpu.memory_space<vmem>>, vector<16xf32>,
        %mul3A_2263 = arith.constant 4 : i32
        %mul3A_2264 = arith.muli %scan3A_1264, %mul3A_2263 : i32
        %add3A_2265 = arith.constant 2 : i32
        %add3A_2266 = arith.addi %mul3A_2264, %add3A_2265 : i32
        %mul3A_2267 = arith.constant 16 : i32
        %mul3A_2268 = arith.muli %add3A_2266, %mul3A_2267 : i32
        %swap3A_2269 = arith.constant 24 : i32
        %swap3A_2270 = arith.index_cast %swap3A_2269 : i32 to index
        %swap3A_2271 = arith.index_cast %mul3A_2268 : i32 to index
        %swap3A_2272 = tpu.vector_load %arg8[%swap3A_2270, %swap3A_2271] {strides = array<i32>} : memref<32x512xf32, #tpu.memory_space<vmem>>, vector<16xf32>,
        tpu.vector_store %arg8[%swap3A_2270, %swap3A_2271], %gather3A_2015 {strides = array<i32>} : memref<32x512xf32, #tpu.memory_space<vmem>>, vector<16xf32>,
        %mul3A_2273 = arith.constant 4 : i32
        %mul3A_2274 = arith.muli %scan3A_1264, %mul3A_2273 : i32
        %add3A_2275 = arith.constant 2 : i32
        %add3A_2276 = arith.addi %mul3A_2274, %add3A_2275 : i32
        %mul3A_2277 = arith.constant 16 : i32
        %mul3A_2278 = arith.muli %add3A_2276, %mul3A_2277 : i32
        %swap3A_2279 = arith.constant 25 : i32
        %swap3A_2280 = arith.index_cast %swap3A_2279 : i32 to index
        %swap3A_2281 = arith.index_cast %mul3A_2278 : i32 to index
        %swap3A_2282 = tpu.vector_load %arg8[%swap3A_2280, %swap3A_2281] {strides = array<i32>} : memref<32x512xf32, #tpu.memory_space<vmem>>, vector<16xf32>,
        tpu.vector_store %arg8[%swap3A_2280, %swap3A_2281], %gather3A_2016 {strides = array<i32>} : memref<32x512xf32, #tpu.memory_space<vmem>>, vector<16xf32>,
        %mul3A_2283 = arith.constant 4 : i32
        %mul3A_2284 = arith.muli %scan3A_1264, %mul3A_2283 : i32
        %add3A_2285 = arith.constant 2 : i32
        %add3A_2286 = arith.addi %mul3A_2284, %add3A_2285 : i32
        %mul3A_2287 = arith.constant 16 : i32
        %mul3A_2288 = arith.muli %add3A_2286, %mul3A_2287 : i32
        %swap3A_2289 = arith.constant 26 : i32
        %swap3A_2290 = arith.index_cast %swap3A_2289 : i32 to index
        %swap3A_2291 = arith.index_cast %mul3A_2288 : i32 to index
        %swap3A_2292 = tpu.vector_load %arg8[%swap3A_2290, %swap3A_2291] {strides = array<i32>} : memref<32x512xf32, #tpu.memory_space<vmem>>, vector<16xf32>,
        tpu.vector_store %arg8[%swap3A_2290, %swap3A_2291], %gather3A_2017 {strides = array<i32>} : memref<32x512xf32, #tpu.memory_space<vmem>>, vector<16xf32>,
        %mul3A_2293 = arith.constant 4 : i32
        %mul3A_2294 = arith.muli %scan3A_1264, %mul3A_2293 : i32
        %add3A_2295 = arith.constant 2 : i32
        %add3A_2296 = arith.addi %mul3A_2294, %add3A_2295 : i32
        %mul3A_2297 = arith.constant 16 : i32
        %mul3A_2298 = arith.muli %add3A_2296, %mul3A_2297 : i32
        %swap3A_2299 = arith.constant 27 : i32
        %swap3A_2300 = arith.index_cast %swap3A_2299 : i32 to index
        %swap3A_2301 = arith.index_cast %mul3A_2298 : i32 to index
        %swap3A_2302 = tpu.vector_load %arg8[%swap3A_2300, %swap3A_2301] {strides = array<i32>} : memref<32x512xf32, #tpu.memory_space<vmem>>, vector<16xf32>,
        tpu.vector_store %arg8[%swap3A_2300, %swap3A_2301], %gather3A_2018 {strides = array<i32>} : memref<32x512xf32, #tpu.memory_space<vmem>>, vector<16xf32>,
        %mul3A_2303 = arith.constant 4 : i32
        %mul3A_2304 = arith.muli %scan3A_1264, %mul3A_2303 : i32
        %add3A_2305 = arith.constant 2 : i32
        %add3A_2306 = arith.addi %mul3A_2304, %add3A_2305 : i32
        %mul3A_2307 = arith.constant 16 : i32
        %mul3A_2308 = arith.muli %add3A_2306, %mul3A_2307 : i32
        %swap3A_2309 = arith.constant 28 : i32
        %swap3A_2310 = arith.index_cast %swap3A_2309 : i32 to index
        %swap3A_2311 = arith.index_cast %mul3A_2308 : i32 to index
        %swap3A_2312 = tpu.vector_load %arg8[%swap3A_2310, %swap3A_2311] {strides = array<i32>} : memref<32x512xf32, #tpu.memory_space<vmem>>, vector<16xf32>,
        tpu.vector_store %arg8[%swap3A_2310, %swap3A_2311], %gather3A_2019 {strides = array<i32>} : memref<32x512xf32, #tpu.memory_space<vmem>>, vector<16xf32>,
        %mul3A_2313 = arith.constant 4 : i32
        %mul3A_2314 = arith.muli %scan3A_1264, %mul3A_2313 : i32
        %add3A_2315 = arith.constant 2 : i32
        %add3A_2316 = arith.addi %mul3A_2314, %add3A_2315 : i32
        %mul3A_2317 = arith.constant 16 : i32
        %mul3A_2318 = arith.muli %add3A_2316, %mul3A_2317 : i32
        %swap3A_2319 = arith.constant 29 : i32
        %swap3A_2320 = arith.index_cast %swap3A_2319 : i32 to index
        %swap3A_2321 = arith.index_cast %mul3A_2318 : i32 to index
        %swap3A_2322 = tpu.vector_load %arg8[%swap3A_2320, %swap3A_2321] {strides = array<i32>} : memref<32x512xf32, #tpu.memory_space<vmem>>, vector<16xf32>,
        tpu.vector_store %arg8[%swap3A_2320, %swap3A_2321], %gather3A_2020 {strides = array<i32>} : memref<32x512xf32, #tpu.memory_space<vmem>>, vector<16xf32>,
        %mul3A_2323 = arith.constant 4 : i32
        %mul3A_2324 = arith.muli %scan3A_1264, %mul3A_2323 : i32
        %add3A_2325 = arith.constant 2 : i32
        %add3A_2326 = arith.addi %mul3A_2324, %add3A_2325 : i32
        %mul3A_2327 = arith.constant 16 : i32
        %mul3A_2328 = arith.muli %add3A_2326, %mul3A_2327 : i32
        %swap3A_2329 = arith.constant 30 : i32
        %swap3A_2330 = arith.index_cast %swap3A_2329 : i32 to index
        %swap3A_2331 = arith.index_cast %mul3A_2328 : i32 to index
        %swap3A_2332 = tpu.vector_load %arg8[%swap3A_2330, %swap3A_2331] {strides = array<i32>} : memref<32x512xf32, #tpu.memory_space<vmem>>, vector<16xf32>,
        tpu.vector_store %arg8[%swap3A_2330, %swap3A_2331], %gather3A_2021 {strides = array<i32>} : memref<32x512xf32, #tpu.memory_space<vmem>>, vector<16xf32>,
        %mul3A_2333 = arith.constant 4 : i32
        %mul3A_2334 = arith.muli %scan3A_1264, %mul3A_2333 : i32
        %add3A_2335 = arith.constant 2 : i32
        %add3A_2336 = arith.addi %mul3A_2334, %add3A_2335 : i32
        %mul3A_2337 = arith.constant 16 : i32
        %mul3A_2338 = arith.muli %add3A_2336, %mul3A_2337 : i32
        %swap3A_2339 = arith.constant 31 : i32
        %swap3A_2340 = arith.index_cast %swap3A_2339 : i32 to index
        %swap3A_2341 = arith.index_cast %mul3A_2338 : i32 to index
        %swap3A_2342 = tpu.vector_load %arg8[%swap3A_2340, %swap3A_2341] {strides = array<i32>} : memref<32x512xf32, #tpu.memory_space<vmem>>, vector<16xf32>,
        tpu.vector_store %arg8[%swap3A_2340, %swap3A_2341], %gather3A_2022 {strides = array<i32>} : memref<32x512xf32, #tpu.memory_space<vmem>>, vector<16xf32>,
        %mul3A_2343 = arith.constant 4 : i32
        %mul3A_2344 = arith.muli %scan3A_1264, %mul3A_2343 : i32
        %add3A_2345 = arith.constant 3 : i32
        %add3A_2346 = arith.addi %mul3A_2344, %add3A_2345 : i32
        %mul3A_2347 = arith.constant 16 : i32
        %mul3A_2348 = arith.muli %add3A_2346, %mul3A_2347 : i32
        %add3A_2349 = vector.broadcast %mul3A_2348 : i32 to vector<16xi32>
        %add3A_2350 = arith.addi %add3A_2349, %iota3A : vector<16xi32>
        %gather3A_2351 = tpu.vector_load_idx %arg6[%add3A_2350, %broadcast_in_dim3A_3] : memref<512x32xf32, #tpu.memory_space<vmem>>[vector<16xi32>, vector<16xi32>], vector<16xf32>,
        %gather3A_2352 = tpu.vector_load_idx %arg6[%add3A_2350, %broadcast_in_dim3A_5] : memref<512x32xf32, #tpu.memory_space<vmem>>[vector<16xi32>, vector<16xi32>], vector<16xf32>,
        %gather3A_2353 = tpu.vector_load_idx %arg6[%add3A_2350, %broadcast_in_dim3A_7] : memref<512x32xf32, #tpu.memory_space<vmem>>[vector<16xi32>, vector<16xi32>], vector<16xf32>,
        %gather3A_2354 = tpu.vector_load_idx %arg6[%add3A_2350, %broadcast_in_dim3A_9] : memref<512x32xf32, #tpu.memory_space<vmem>>[vector<16xi32>, vector<16xi32>], vector<16xf32>,
        %gather3A_2355 = tpu.vector_load_idx %arg6[%add3A_2350, %broadcast_in_dim3A_11] : memref<512x32xf32, #tpu.memory_space<vmem>>[vector<16xi32>, vector<16xi32>], vector<16xf32>,
        %gather3A_2356 = tpu.vector_load_idx %arg6[%add3A_2350, %broadcast_in_dim3A_13] : memref<512x32xf32, #tpu.memory_space<vmem>>[vector<16xi32>, vector<16xi32>], vector<16xf32>,
        %gather3A_2357 = tpu.vector_load_idx %arg6[%add3A_2350, %broadcast_in_dim3A_15] : memref<512x32xf32, #tpu.memory_space<vmem>>[vector<16xi32>, vector<16xi32>], vector<16xf32>,
        %gather3A_2358 = tpu.vector_load_idx %arg6[%add3A_2350, %broadcast_in_dim3A_17] : memref<512x32xf32, #tpu.memory_space<vmem>>[vector<16xi32>, vector<16xi32>], vector<16xf32>,
        %gather3A_2359 = tpu.vector_load_idx %arg6[%add3A_2350, %broadcast_in_dim3A_19] : memref<512x32xf32, #tpu.memory_space<vmem>>[vector<16xi32>, vector<16xi32>], vector<16xf32>,
        %gather3A_2360 = tpu.vector_load_idx %arg6[%add3A_2350, %broadcast_in_dim3A_21] : memref<512x32xf32, #tpu.memory_space<vmem>>[vector<16xi32>, vector<16xi32>], vector<16xf32>,
        %gather3A_2361 = tpu.vector_load_idx %arg6[%add3A_2350, %broadcast_in_dim3A_23] : memref<512x32xf32, #tpu.memory_space<vmem>>[vector<16xi32>, vector<16xi32>], vector<16xf32>,
        %gather3A_2362 = tpu.vector_load_idx %arg6[%add3A_2350, %broadcast_in_dim3A_25] : memref<512x32xf32, #tpu.memory_space<vmem>>[vector<16xi32>, vector<16xi32>], vector<16xf32>,
        %gather3A_2363 = tpu.vector_load_idx %arg6[%add3A_2350, %broadcast_in_dim3A_27] : memref<512x32xf32, #tpu.memory_space<vmem>>[vector<16xi32>, vector<16xi32>], vector<16xf32>,
        %gather3A_2364 = tpu.vector_load_idx %arg6[%add3A_2350, %broadcast_in_dim3A_29] : memref<512x32xf32, #tpu.memory_space<vmem>>[vector<16xi32>, vector<16xi32>], vector<16xf32>,
        %gather3A_2365 = tpu.vector_load_idx %arg6[%add3A_2350, %broadcast_in_dim3A_31] : memref<512x32xf32, #tpu.memory_space<vmem>>[vector<16xi32>, vector<16xi32>], vector<16xf32>,
        %gather3A_2366 = tpu.vector_load_idx %arg6[%add3A_2350, %broadcast_in_dim3A_33] : memref<512x32xf32, #tpu.memory_space<vmem>>[vector<16xi32>, vector<16xi32>], vector<16xf32>,
        %gather3A_2367 = tpu.vector_load_idx %arg6[%add3A_2350, %broadcast_in_dim3A_35] : memref<512x32xf32, #tpu.memory_space<vmem>>[vector<16xi32>, vector<16xi32>], vector<16xf32>,
        %gather3A_2368 = tpu.vector_load_idx %arg6[%add3A_2350, %broadcast_in_dim3A_37] : memref<512x32xf32, #tpu.memory_space<vmem>>[vector<16xi32>, vector<16xi32>], vector<16xf32>,
        %gather3A_2369 = tpu.vector_load_idx %arg6[%add3A_2350, %broadcast_in_dim3A_39] : memref<512x32xf32, #tpu.memory_space<vmem>>[vector<16xi32>, vector<16xi32>], vector<16xf32>,
        %gather3A_2370 = tpu.vector_load_idx %arg6[%add3A_2350, %broadcast_in_dim3A_41] : memref<512x32xf32, #tpu.memory_space<vmem>>[vector<16xi32>, vector<16xi32>], vector<16xf32>,
        %gather3A_2371 = tpu.vector_load_idx %arg6[%add3A_2350, %broadcast_in_dim3A_43] : memref<512x32xf32, #tpu.memory_space<vmem>>[vector<16xi32>, vector<16xi32>], vector<16xf32>,
        %gather3A_2372 = tpu.vector_load_idx %arg6[%add3A_2350, %broadcast_in_dim3A_45] : memref<512x32xf32, #tpu.memory_space<vmem>>[vector<16xi32>, vector<16xi32>], vector<16xf32>,
        %gather3A_2373 = tpu.vector_load_idx %arg6[%add3A_2350, %broadcast_in_dim3A_47] : memref<512x32xf32, #tpu.memory_space<vmem>>[vector<16xi32>, vector<16xi32>], vector<16xf32>,
        %gather3A_2374 = tpu.vector_load_idx %arg6[%add3A_2350, %broadcast_in_dim3A_49] : memref<512x32xf32, #tpu.memory_space<vmem>>[vector<16xi32>, vector<16xi32>], vector<16xf32>,
        %gather3A_2375 = tpu.vector_load_idx %arg6[%add3A_2350, %broadcast_in_dim3A_51] : memref<512x32xf32, #tpu.memory_space<vmem>>[vector<16xi32>, vector<16xi32>], vector<16xf32>,
        %gather3A_2376 = tpu.vector_load_idx %arg6[%add3A_2350, %broadcast_in_dim3A_53] : memref<512x32xf32, #tpu.memory_space<vmem>>[vector<16xi32>, vector<16xi32>], vector<16xf32>,
        %gather3A_2377 = tpu.vector_load_idx %arg6[%add3A_2350, %broadcast_in_dim3A_55] : memref<512x32xf32, #tpu.memory_space<vmem>>[vector<16xi32>, vector<16xi32>], vector<16xf32>,
        %gather3A_2378 = tpu.vector_load_idx %arg6[%add3A_2350, %broadcast_in_dim3A_57] : memref<512x32xf32, #tpu.memory_space<vmem>>[vector<16xi32>, vector<16xi32>], vector<16xf32>,
        %gather3A_2379 = tpu.vector_load_idx %arg6[%add3A_2350, %broadcast_in_dim3A_59] : memref<512x32xf32, #tpu.memory_space<vmem>>[vector<16xi32>, vector<16xi32>], vector<16xf32>,
        %gather3A_2380 = tpu.vector_load_idx %arg6[%add3A_2350, %broadcast_in_dim3A_61] : memref<512x32xf32, #tpu.memory_space<vmem>>[vector<16xi32>, vector<16xi32>], vector<16xf32>,
        %gather3A_2381 = tpu.vector_load_idx %arg6[%add3A_2350, %broadcast_in_dim3A_63] : memref<512x32xf32, #tpu.memory_space<vmem>>[vector<16xi32>, vector<16xi32>], vector<16xf32>,
        %gather3A_2382 = tpu.vector_load_idx %arg6[%add3A_2350, %broadcast_in_dim3A_65] : memref<512x32xf32, #tpu.memory_space<vmem>>[vector<16xi32>, vector<16xi32>], vector<16xf32>,
        %mul3A_2383 = arith.constant 4 : i32
        %mul3A_2384 = arith.muli %scan3A_1264, %mul3A_2383 : i32
        %add3A_2385 = arith.constant 3 : i32
        %add3A_2386 = arith.addi %mul3A_2384, %add3A_2385 : i32
        %mul3A_2387 = arith.constant 16 : i32
        %mul3A_2388 = arith.muli %add3A_2386, %mul3A_2387 : i32
        %swap3A_2389 = arith.constant 0 : i32
        %swap3A_2390 = arith.index_cast %swap3A_2389 : i32 to index
        %swap3A_2391 = arith.index_cast %mul3A_2388 : i32 to index
        %swap3A_2392 = tpu.vector_load %arg8[%swap3A_2390, %swap3A_2391] {strides = array<i32>} : memref<32x512xf32, #tpu.memory_space<vmem>>, vector<16xf32>,
        tpu.vector_store %arg8[%swap3A_2390, %swap3A_2391], %gather3A_2351 {strides = array<i32>} : memref<32x512xf32, #tpu.memory_space<vmem>>, vector<16xf32>,
        %mul3A_2393 = arith.constant 4 : i32
        %mul3A_2394 = arith.muli %scan3A_1264, %mul3A_2393 : i32
        %add3A_2395 = arith.constant 3 : i32
        %add3A_2396 = arith.addi %mul3A_2394, %add3A_2395 : i32
        %mul3A_2397 = arith.constant 16 : i32
        %mul3A_2398 = arith.muli %add3A_2396, %mul3A_2397 : i32
        %swap3A_2399 = arith.constant 1 : i32
        %swap3A_2400 = arith.index_cast %swap3A_2399 : i32 to index
        %swap3A_2401 = arith.index_cast %mul3A_2398 : i32 to index
        %swap3A_2402 = tpu.vector_load %arg8[%swap3A_2400, %swap3A_2401] {strides = array<i32>} : memref<32x512xf32, #tpu.memory_space<vmem>>, vector<16xf32>,
        tpu.vector_store %arg8[%swap3A_2400, %swap3A_2401], %gather3A_2352 {strides = array<i32>} : memref<32x512xf32, #tpu.memory_space<vmem>>, vector<16xf32>,
        %mul3A_2403 = arith.constant 4 : i32
        %mul3A_2404 = arith.muli %scan3A_1264, %mul3A_2403 : i32
        %add3A_2405 = arith.constant 3 : i32
        %add3A_2406 = arith.addi %mul3A_2404, %add3A_2405 : i32
        %mul3A_2407 = arith.constant 16 : i32
        %mul3A_2408 = arith.muli %add3A_2406, %mul3A_2407 : i32
        %swap3A_2409 = arith.constant 2 : i32
        %swap3A_2410 = arith.index_cast %swap3A_2409 : i32 to index
        %swap3A_2411 = arith.index_cast %mul3A_2408 : i32 to index
        %swap3A_2412 = tpu.vector_load %arg8[%swap3A_2410, %swap3A_2411] {strides = array<i32>} : memref<32x512xf32, #tpu.memory_space<vmem>>, vector<16xf32>,
        tpu.vector_store %arg8[%swap3A_2410, %swap3A_2411], %gather3A_2353 {strides = array<i32>} : memref<32x512xf32, #tpu.memory_space<vmem>>, vector<16xf32>,
        %mul3A_2413 = arith.constant 4 : i32
        %mul3A_2414 = arith.muli %scan3A_1264, %mul3A_2413 : i32
        %add3A_2415 = arith.constant 3 : i32
        %add3A_2416 = arith.addi %mul3A_2414, %add3A_2415 : i32
        %mul3A_2417 = arith.constant 16 : i32
        %mul3A_2418 = arith.muli %add3A_2416, %mul3A_2417 : i32
        %swap3A_2419 = arith.constant 3 : i32
        %swap3A_2420 = arith.index_cast %swap3A_2419 : i32 to index
        %swap3A_2421 = arith.index_cast %mul3A_2418 : i32 to index
        %swap3A_2422 = tpu.vector_load %arg8[%swap3A_2420, %swap3A_2421] {strides = array<i32>} : memref<32x512xf32, #tpu.memory_space<vmem>>, vector<16xf32>,
        tpu.vector_store %arg8[%swap3A_2420, %swap3A_2421], %gather3A_2354 {strides = array<i32>} : memref<32x512xf32, #tpu.memory_space<vmem>>, vector<16xf32>,
        %mul3A_2423 = arith.constant 4 : i32
        %mul3A_2424 = arith.muli %scan3A_1264, %mul3A_2423 : i32
        %add3A_2425 = arith.constant 3 : i32
        %add3A_2426 = arith.addi %mul3A_2424, %add3A_2425 : i32
        %mul3A_2427 = arith.constant 16 : i32
        %mul3A_2428 = arith.muli %add3A_2426, %mul3A_2427 : i32
        %swap3A_2429 = arith.constant 4 : i32
        %swap3A_2430 = arith.index_cast %swap3A_2429 : i32 to index
        %swap3A_2431 = arith.index_cast %mul3A_2428 : i32 to index
        %swap3A_2432 = tpu.vector_load %arg8[%swap3A_2430, %swap3A_2431] {strides = array<i32>} : memref<32x512xf32, #tpu.memory_space<vmem>>, vector<16xf32>,
        tpu.vector_store %arg8[%swap3A_2430, %swap3A_2431], %gather3A_2355 {strides = array<i32>} : memref<32x512xf32, #tpu.memory_space<vmem>>, vector<16xf32>,
        %mul3A_2433 = arith.constant 4 : i32
        %mul3A_2434 = arith.muli %scan3A_1264, %mul3A_2433 : i32
        %add3A_2435 = arith.constant 3 : i32
        %add3A_2436 = arith.addi %mul3A_2434, %add3A_2435 : i32
        %mul3A_2437 = arith.constant 16 : i32
        %mul3A_2438 = arith.muli %add3A_2436, %mul3A_2437 : i32
        %swap3A_2439 = arith.constant 5 : i32
        %swap3A_2440 = arith.index_cast %swap3A_2439 : i32 to index
        %swap3A_2441 = arith.index_cast %mul3A_2438 : i32 to index
        %swap3A_2442 = tpu.vector_load %arg8[%swap3A_2440, %swap3A_2441] {strides = array<i32>} : memref<32x512xf32, #tpu.memory_space<vmem>>, vector<16xf32>,
        tpu.vector_store %arg8[%swap3A_2440, %swap3A_2441], %gather3A_2356 {strides = array<i32>} : memref<32x512xf32, #tpu.memory_space<vmem>>, vector<16xf32>,
        %mul3A_2443 = arith.constant 4 : i32
        %mul3A_2444 = arith.muli %scan3A_1264, %mul3A_2443 : i32
        %add3A_2445 = arith.constant 3 : i32
        %add3A_2446 = arith.addi %mul3A_2444, %add3A_2445 : i32
        %mul3A_2447 = arith.constant 16 : i32
        %mul3A_2448 = arith.muli %add3A_2446, %mul3A_2447 : i32
        %swap3A_2449 = arith.constant 6 : i32
        %swap3A_2450 = arith.index_cast %swap3A_2449 : i32 to index
        %swap3A_2451 = arith.index_cast %mul3A_2448 : i32 to index
        %swap3A_2452 = tpu.vector_load %arg8[%swap3A_2450, %swap3A_2451] {strides = array<i32>} : memref<32x512xf32, #tpu.memory_space<vmem>>, vector<16xf32>,
        tpu.vector_store %arg8[%swap3A_2450, %swap3A_2451], %gather3A_2357 {strides = array<i32>} : memref<32x512xf32, #tpu.memory_space<vmem>>, vector<16xf32>,
        %mul3A_2453 = arith.constant 4 : i32
        %mul3A_2454 = arith.muli %scan3A_1264, %mul3A_2453 : i32
        %add3A_2455 = arith.constant 3 : i32
        %add3A_2456 = arith.addi %mul3A_2454, %add3A_2455 : i32
        %mul3A_2457 = arith.constant 16 : i32
        %mul3A_2458 = arith.muli %add3A_2456, %mul3A_2457 : i32
        %swap3A_2459 = arith.constant 7 : i32
        %swap3A_2460 = arith.index_cast %swap3A_2459 : i32 to index
        %swap3A_2461 = arith.index_cast %mul3A_2458 : i32 to index
        %swap3A_2462 = tpu.vector_load %arg8[%swap3A_2460, %swap3A_2461] {strides = array<i32>} : memref<32x512xf32, #tpu.memory_space<vmem>>, vector<16xf32>,
        tpu.vector_store %arg8[%swap3A_2460, %swap3A_2461], %gather3A_2358 {strides = array<i32>} : memref<32x512xf32, #tpu.memory_space<vmem>>, vector<16xf32>,
        %mul3A_2463 = arith.constant 4 : i32
        %mul3A_2464 = arith.muli %scan3A_1264, %mul3A_2463 : i32
        %add3A_2465 = arith.constant 3 : i32
        %add3A_2466 = arith.addi %mul3A_2464, %add3A_2465 : i32
        %mul3A_2467 = arith.constant 16 : i32
        %mul3A_2468 = arith.muli %add3A_2466, %mul3A_2467 : i32
        %swap3A_2469 = arith.constant 8 : i32
        %swap3A_2470 = arith.index_cast %swap3A_2469 : i32 to index
        %swap3A_2471 = arith.index_cast %mul3A_2468 : i32 to index
        %swap3A_2472 = tpu.vector_load %arg8[%swap3A_2470, %swap3A_2471] {strides = array<i32>} : memref<32x512xf32, #tpu.memory_space<vmem>>, vector<16xf32>,
        tpu.vector_store %arg8[%swap3A_2470, %swap3A_2471], %gather3A_2359 {strides = array<i32>} : memref<32x512xf32, #tpu.memory_space<vmem>>, vector<16xf32>,
        %mul3A_2473 = arith.constant 4 : i32
        %mul3A_2474 = arith.muli %scan3A_1264, %mul3A_2473 : i32
        %add3A_2475 = arith.constant 3 : i32
        %add3A_2476 = arith.addi %mul3A_2474, %add3A_2475 : i32
        %mul3A_2477 = arith.constant 16 : i32
        %mul3A_2478 = arith.muli %add3A_2476, %mul3A_2477 : i32
        %swap3A_2479 = arith.constant 9 : i32
        %swap3A_2480 = arith.index_cast %swap3A_2479 : i32 to index
        %swap3A_2481 = arith.index_cast %mul3A_2478 : i32 to index
        %swap3A_2482 = tpu.vector_load %arg8[%swap3A_2480, %swap3A_2481] {strides = array<i32>} : memref<32x512xf32, #tpu.memory_space<vmem>>, vector<16xf32>,
        tpu.vector_store %arg8[%swap3A_2480, %swap3A_2481], %gather3A_2360 {strides = array<i32>} : memref<32x512xf32, #tpu.memory_space<vmem>>, vector<16xf32>,
        %mul3A_2483 = arith.constant 4 : i32
        %mul3A_2484 = arith.muli %scan3A_1264, %mul3A_2483 : i32
        %add3A_2485 = arith.constant 3 : i32
        %add3A_2486 = arith.addi %mul3A_2484, %add3A_2485 : i32
        %mul3A_2487 = arith.constant 16 : i32
        %mul3A_2488 = arith.muli %add3A_2486, %mul3A_2487 : i32
        %swap3A_2489 = arith.constant 10 : i32
        %swap3A_2490 = arith.index_cast %swap3A_2489 : i32 to index
        %swap3A_2491 = arith.index_cast %mul3A_2488 : i32 to index
        %swap3A_2492 = tpu.vector_load %arg8[%swap3A_2490, %swap3A_2491] {strides = array<i32>} : memref<32x512xf32, #tpu.memory_space<vmem>>, vector<16xf32>,
        tpu.vector_store %arg8[%swap3A_2490, %swap3A_2491], %gather3A_2361 {strides = array<i32>} : memref<32x512xf32, #tpu.memory_space<vmem>>, vector<16xf32>,
        %mul3A_2493 = arith.constant 4 : i32
        %mul3A_2494 = arith.muli %scan3A_1264, %mul3A_2493 : i32
        %add3A_2495 = arith.constant 3 : i32
        %add3A_2496 = arith.addi %mul3A_2494, %add3A_2495 : i32
        %mul3A_2497 = arith.constant 16 : i32
        %mul3A_2498 = arith.muli %add3A_2496, %mul3A_2497 : i32
        %swap3A_2499 = arith.constant 11 : i32
        %swap3A_2500 = arith.index_cast %swap3A_2499 : i32 to index
        %swap3A_2501 = arith.index_cast %mul3A_2498 : i32 to index
        %swap3A_2502 = tpu.vector_load %arg8[%swap3A_2500, %swap3A_2501] {strides = array<i32>} : memref<32x512xf32, #tpu.memory_space<vmem>>, vector<16xf32>,
        tpu.vector_store %arg8[%swap3A_2500, %swap3A_2501], %gather3A_2362 {strides = array<i32>} : memref<32x512xf32, #tpu.memory_space<vmem>>, vector<16xf32>,
        %mul3A_2503 = arith.constant 4 : i32
        %mul3A_2504 = arith.muli %scan3A_1264, %mul3A_2503 : i32
        %add3A_2505 = arith.constant 3 : i32
        %add3A_2506 = arith.addi %mul3A_2504, %add3A_2505 : i32
        %mul3A_2507 = arith.constant 16 : i32
        %mul3A_2508 = arith.muli %add3A_2506, %mul3A_2507 : i32
        %swap3A_2509 = arith.constant 12 : i32
        %swap3A_2510 = arith.index_cast %swap3A_2509 : i32 to index
        %swap3A_2511 = arith.index_cast %mul3A_2508 : i32 to index
        %swap3A_2512 = tpu.vector_load %arg8[%swap3A_2510, %swap3A_2511] {strides = array<i32>} : memref<32x512xf32, #tpu.memory_space<vmem>>, vector<16xf32>,
        tpu.vector_store %arg8[%swap3A_2510, %swap3A_2511], %gather3A_2363 {strides = array<i32>} : memref<32x512xf32, #tpu.memory_space<vmem>>, vector<16xf32>,
        %mul3A_2513 = arith.constant 4 : i32
        %mul3A_2514 = arith.muli %scan3A_1264, %mul3A_2513 : i32
        %add3A_2515 = arith.constant 3 : i32
        %add3A_2516 = arith.addi %mul3A_2514, %add3A_2515 : i32
        %mul3A_2517 = arith.constant 16 : i32
        %mul3A_2518 = arith.muli %add3A_2516, %mul3A_2517 : i32
        %swap3A_2519 = arith.constant 13 : i32
        %swap3A_2520 = arith.index_cast %swap3A_2519 : i32 to index
        %swap3A_2521 = arith.index_cast %mul3A_2518 : i32 to index
        %swap3A_2522 = tpu.vector_load %arg8[%swap3A_2520, %swap3A_2521] {strides = array<i32>} : memref<32x512xf32, #tpu.memory_space<vmem>>, vector<16xf32>,
        tpu.vector_store %arg8[%swap3A_2520, %swap3A_2521], %gather3A_2364 {strides = array<i32>} : memref<32x512xf32, #tpu.memory_space<vmem>>, vector<16xf32>,
        %mul3A_2523 = arith.constant 4 : i32
        %mul3A_2524 = arith.muli %scan3A_1264, %mul3A_2523 : i32
        %add3A_2525 = arith.constant 3 : i32
        %add3A_2526 = arith.addi %mul3A_2524, %add3A_2525 : i32
        %mul3A_2527 = arith.constant 16 : i32
        %mul3A_2528 = arith.muli %add3A_2526, %mul3A_2527 : i32
        %swap3A_2529 = arith.constant 14 : i32
        %swap3A_2530 = arith.index_cast %swap3A_2529 : i32 to index
        %swap3A_2531 = arith.index_cast %mul3A_2528 : i32 to index
        %swap3A_2532 = tpu.vector_load %arg8[%swap3A_2530, %swap3A_2531] {strides = array<i32>} : memref<32x512xf32, #tpu.memory_space<vmem>>, vector<16xf32>,
        tpu.vector_store %arg8[%swap3A_2530, %swap3A_2531], %gather3A_2365 {strides = array<i32>} : memref<32x512xf32, #tpu.memory_space<vmem>>, vector<16xf32>,
        %mul3A_2533 = arith.constant 4 : i32
        %mul3A_2534 = arith.muli %scan3A_1264, %mul3A_2533 : i32
        %add3A_2535 = arith.constant 3 : i32
        %add3A_2536 = arith.addi %mul3A_2534, %add3A_2535 : i32
        %mul3A_2537 = arith.constant 16 : i32
        %mul3A_2538 = arith.muli %add3A_2536, %mul3A_2537 : i32
        %swap3A_2539 = arith.constant 15 : i32
        %swap3A_2540 = arith.index_cast %swap3A_2539 : i32 to index
        %swap3A_2541 = arith.index_cast %mul3A_2538 : i32 to index
        %swap3A_2542 = tpu.vector_load %arg8[%swap3A_2540, %swap3A_2541] {strides = array<i32>} : memref<32x512xf32, #tpu.memory_space<vmem>>, vector<16xf32>,
        tpu.vector_store %arg8[%swap3A_2540, %swap3A_2541], %gather3A_2366 {strides = array<i32>} : memref<32x512xf32, #tpu.memory_space<vmem>>, vector<16xf32>,
        %mul3A_2543 = arith.constant 4 : i32
        %mul3A_2544 = arith.muli %scan3A_1264, %mul3A_2543 : i32
        %add3A_2545 = arith.constant 3 : i32
        %add3A_2546 = arith.addi %mul3A_2544, %add3A_2545 : i32
        %mul3A_2547 = arith.constant 16 : i32
        %mul3A_2548 = arith.muli %add3A_2546, %mul3A_2547 : i32
        %swap3A_2549 = arith.constant 16 : i32
        %swap3A_2550 = arith.index_cast %swap3A_2549 : i32 to index
        %swap3A_2551 = arith.index_cast %mul3A_2548 : i32 to index
        %swap3A_2552 = tpu.vector_load %arg8[%swap3A_2550, %swap3A_2551] {strides = array<i32>} : memref<32x512xf32, #tpu.memory_space<vmem>>, vector<16xf32>,
        tpu.vector_store %arg8[%swap3A_2550, %swap3A_2551], %gather3A_2367 {strides = array<i32>} : memref<32x512xf32, #tpu.memory_space<vmem>>, vector<16xf32>,
        %mul3A_2553 = arith.constant 4 : i32
        %mul3A_2554 = arith.muli %scan3A_1264, %mul3A_2553 : i32
        %add3A_2555 = arith.constant 3 : i32
        %add3A_2556 = arith.addi %mul3A_2554, %add3A_2555 : i32
        %mul3A_2557 = arith.constant 16 : i32
        %mul3A_2558 = arith.muli %add3A_2556, %mul3A_2557 : i32
        %swap3A_2559 = arith.constant 17 : i32
        %swap3A_2560 = arith.index_cast %swap3A_2559 : i32 to index
        %swap3A_2561 = arith.index_cast %mul3A_2558 : i32 to index
        %swap3A_2562 = tpu.vector_load %arg8[%swap3A_2560, %swap3A_2561] {strides = array<i32>} : memref<32x512xf32, #tpu.memory_space<vmem>>, vector<16xf32>,
        tpu.vector_store %arg8[%swap3A_2560, %swap3A_2561], %gather3A_2368 {strides = array<i32>} : memref<32x512xf32, #tpu.memory_space<vmem>>, vector<16xf32>,
        %mul3A_2563 = arith.constant 4 : i32
        %mul3A_2564 = arith.muli %scan3A_1264, %mul3A_2563 : i32
        %add3A_2565 = arith.constant 3 : i32
        %add3A_2566 = arith.addi %mul3A_2564, %add3A_2565 : i32
        %mul3A_2567 = arith.constant 16 : i32
        %mul3A_2568 = arith.muli %add3A_2566, %mul3A_2567 : i32
        %swap3A_2569 = arith.constant 18 : i32
        %swap3A_2570 = arith.index_cast %swap3A_2569 : i32 to index
        %swap3A_2571 = arith.index_cast %mul3A_2568 : i32 to index
        %swap3A_2572 = tpu.vector_load %arg8[%swap3A_2570, %swap3A_2571] {strides = array<i32>} : memref<32x512xf32, #tpu.memory_space<vmem>>, vector<16xf32>,
        tpu.vector_store %arg8[%swap3A_2570, %swap3A_2571], %gather3A_2369 {strides = array<i32>} : memref<32x512xf32, #tpu.memory_space<vmem>>, vector<16xf32>,
        %mul3A_2573 = arith.constant 4 : i32
        %mul3A_2574 = arith.muli %scan3A_1264, %mul3A_2573 : i32
        %add3A_2575 = arith.constant 3 : i32
        %add3A_2576 = arith.addi %mul3A_2574, %add3A_2575 : i32
        %mul3A_2577 = arith.constant 16 : i32
        %mul3A_2578 = arith.muli %add3A_2576, %mul3A_2577 : i32
        %swap3A_2579 = arith.constant 19 : i32
        %swap3A_2580 = arith.index_cast %swap3A_2579 : i32 to index
        %swap3A_2581 = arith.index_cast %mul3A_2578 : i32 to index
        %swap3A_2582 = tpu.vector_load %arg8[%swap3A_2580, %swap3A_2581] {strides = array<i32>} : memref<32x512xf32, #tpu.memory_space<vmem>>, vector<16xf32>,
        tpu.vector_store %arg8[%swap3A_2580, %swap3A_2581], %gather3A_2370 {strides = array<i32>} : memref<32x512xf32, #tpu.memory_space<vmem>>, vector<16xf32>,
        %mul3A_2583 = arith.constant 4 : i32
        %mul3A_2584 = arith.muli %scan3A_1264, %mul3A_2583 : i32
        %add3A_2585 = arith.constant 3 : i32
        %add3A_2586 = arith.addi %mul3A_2584, %add3A_2585 : i32
        %mul3A_2587 = arith.constant 16 : i32
        %mul3A_2588 = arith.muli %add3A_2586, %mul3A_2587 : i32
        %swap3A_2589 = arith.constant 20 : i32
        %swap3A_2590 = arith.index_cast %swap3A_2589 : i32 to index
        %swap3A_2591 = arith.index_cast %mul3A_2588 : i32 to index
        %swap3A_2592 = tpu.vector_load %arg8[%swap3A_2590, %swap3A_2591] {strides = array<i32>} : memref<32x512xf32, #tpu.memory_space<vmem>>, vector<16xf32>,
        tpu.vector_store %arg8[%swap3A_2590, %swap3A_2591], %gather3A_2371 {strides = array<i32>} : memref<32x512xf32, #tpu.memory_space<vmem>>, vector<16xf32>,
        %mul3A_2593 = arith.constant 4 : i32
        %mul3A_2594 = arith.muli %scan3A_1264, %mul3A_2593 : i32
        %add3A_2595 = arith.constant 3 : i32
        %add3A_2596 = arith.addi %mul3A_2594, %add3A_2595 : i32
        %mul3A_2597 = arith.constant 16 : i32
        %mul3A_2598 = arith.muli %add3A_2596, %mul3A_2597 : i32
        %swap3A_2599 = arith.constant 21 : i32
        %swap3A_2600 = arith.index_cast %swap3A_2599 : i32 to index
        %swap3A_2601 = arith.index_cast %mul3A_2598 : i32 to index
        %swap3A_2602 = tpu.vector_load %arg8[%swap3A_2600, %swap3A_2601] {strides = array<i32>} : memref<32x512xf32, #tpu.memory_space<vmem>>, vector<16xf32>,
        tpu.vector_store %arg8[%swap3A_2600, %swap3A_2601], %gather3A_2372 {strides = array<i32>} : memref<32x512xf32, #tpu.memory_space<vmem>>, vector<16xf32>,
        %mul3A_2603 = arith.constant 4 : i32
        %mul3A_2604 = arith.muli %scan3A_1264, %mul3A_2603 : i32
        %add3A_2605 = arith.constant 3 : i32
        %add3A_2606 = arith.addi %mul3A_2604, %add3A_2605 : i32
        %mul3A_2607 = arith.constant 16 : i32
        %mul3A_2608 = arith.muli %add3A_2606, %mul3A_2607 : i32
        %swap3A_2609 = arith.constant 22 : i32
        %swap3A_2610 = arith.index_cast %swap3A_2609 : i32 to index
        %swap3A_2611 = arith.index_cast %mul3A_2608 : i32 to index
        %swap3A_2612 = tpu.vector_load %arg8[%swap3A_2610, %swap3A_2611] {strides = array<i32>} : memref<32x512xf32, #tpu.memory_space<vmem>>, vector<16xf32>,
        tpu.vector_store %arg8[%swap3A_2610, %swap3A_2611], %gather3A_2373 {strides = array<i32>} : memref<32x512xf32, #tpu.memory_space<vmem>>, vector<16xf32>,
        %mul3A_2613 = arith.constant 4 : i32
        %mul3A_2614 = arith.muli %scan3A_1264, %mul3A_2613 : i32
        %add3A_2615 = arith.constant 3 : i32
        %add3A_2616 = arith.addi %mul3A_2614, %add3A_2615 : i32
        %mul3A_2617 = arith.constant 16 : i32
        %mul3A_2618 = arith.muli %add3A_2616, %mul3A_2617 : i32
        %swap3A_2619 = arith.constant 23 : i32
        %swap3A_2620 = arith.index_cast %swap3A_2619 : i32 to index
        %swap3A_2621 = arith.index_cast %mul3A_2618 : i32 to index
        %swap3A_2622 = tpu.vector_load %arg8[%swap3A_2620, %swap3A_2621] {strides = array<i32>} : memref<32x512xf32, #tpu.memory_space<vmem>>, vector<16xf32>,
        tpu.vector_store %arg8[%swap3A_2620, %swap3A_2621], %gather3A_2374 {strides = array<i32>} : memref<32x512xf32, #tpu.memory_space<vmem>>, vector<16xf32>,
        %mul3A_2623 = arith.constant 4 : i32
        %mul3A_2624 = arith.muli %scan3A_1264, %mul3A_2623 : i32
        %add3A_2625 = arith.constant 3 : i32
        %add3A_2626 = arith.addi %mul3A_2624, %add3A_2625 : i32
        %mul3A_2627 = arith.constant 16 : i32
        %mul3A_2628 = arith.muli %add3A_2626, %mul3A_2627 : i32
        %swap3A_2629 = arith.constant 24 : i32
        %swap3A_2630 = arith.index_cast %swap3A_2629 : i32 to index
        %swap3A_2631 = arith.index_cast %mul3A_2628 : i32 to index
        %swap3A_2632 = tpu.vector_load %arg8[%swap3A_2630, %swap3A_2631] {strides = array<i32>} : memref<32x512xf32, #tpu.memory_space<vmem>>, vector<16xf32>,
        tpu.vector_store %arg8[%swap3A_2630, %swap3A_2631], %gather3A_2375 {strides = array<i32>} : memref<32x512xf32, #tpu.memory_space<vmem>>, vector<16xf32>,
        %mul3A_2633 = arith.constant 4 : i32
        %mul3A_2634 = arith.muli %scan3A_1264, %mul3A_2633 : i32
        %add3A_2635 = arith.constant 3 : i32
        %add3A_2636 = arith.addi %mul3A_2634, %add3A_2635 : i32
        %mul3A_2637 = arith.constant 16 : i32
        %mul3A_2638 = arith.muli %add3A_2636, %mul3A_2637 : i32
        %swap3A_2639 = arith.constant 25 : i32
        %swap3A_2640 = arith.index_cast %swap3A_2639 : i32 to index
        %swap3A_2641 = arith.index_cast %mul3A_2638 : i32 to index
        %swap3A_2642 = tpu.vector_load %arg8[%swap3A_2640, %swap3A_2641] {strides = array<i32>} : memref<32x512xf32, #tpu.memory_space<vmem>>, vector<16xf32>,
        tpu.vector_store %arg8[%swap3A_2640, %swap3A_2641], %gather3A_2376 {strides = array<i32>} : memref<32x512xf32, #tpu.memory_space<vmem>>, vector<16xf32>,
        %mul3A_2643 = arith.constant 4 : i32
        %mul3A_2644 = arith.muli %scan3A_1264, %mul3A_2643 : i32
        %add3A_2645 = arith.constant 3 : i32
        %add3A_2646 = arith.addi %mul3A_2644, %add3A_2645 : i32
        %mul3A_2647 = arith.constant 16 : i32
        %mul3A_2648 = arith.muli %add3A_2646, %mul3A_2647 : i32
        %swap3A_2649 = arith.constant 26 : i32
        %swap3A_2650 = arith.index_cast %swap3A_2649 : i32 to index
        %swap3A_2651 = arith.index_cast %mul3A_2648 : i32 to index
        %swap3A_2652 = tpu.vector_load %arg8[%swap3A_2650, %swap3A_2651] {strides = array<i32>} : memref<32x512xf32, #tpu.memory_space<vmem>>, vector<16xf32>,
        tpu.vector_store %arg8[%swap3A_2650, %swap3A_2651], %gather3A_2377 {strides = array<i32>} : memref<32x512xf32, #tpu.memory_space<vmem>>, vector<16xf32>,
        %mul3A_2653 = arith.constant 4 : i32
        %mul3A_2654 = arith.muli %scan3A_1264, %mul3A_2653 : i32
        %add3A_2655 = arith.constant 3 : i32
        %add3A_2656 = arith.addi %mul3A_2654, %add3A_2655 : i32
        %mul3A_2657 = arith.constant 16 : i32
        %mul3A_2658 = arith.muli %add3A_2656, %mul3A_2657 : i32
        %swap3A_2659 = arith.constant 27 : i32
        %swap3A_2660 = arith.index_cast %swap3A_2659 : i32 to index
        %swap3A_2661 = arith.index_cast %mul3A_2658 : i32 to index
        %swap3A_2662 = tpu.vector_load %arg8[%swap3A_2660, %swap3A_2661] {strides = array<i32>} : memref<32x512xf32, #tpu.memory_space<vmem>>, vector<16xf32>,
        tpu.vector_store %arg8[%swap3A_2660, %swap3A_2661], %gather3A_2378 {strides = array<i32>} : memref<32x512xf32, #tpu.memory_space<vmem>>, vector<16xf32>,
        %mul3A_2663 = arith.constant 4 : i32
        %mul3A_2664 = arith.muli %scan3A_1264, %mul3A_2663 : i32
        %add3A_2665 = arith.constant 3 : i32
        %add3A_2666 = arith.addi %mul3A_2664, %add3A_2665 : i32
        %mul3A_2667 = arith.constant 16 : i32
        %mul3A_2668 = arith.muli %add3A_2666, %mul3A_2667 : i32
        %swap3A_2669 = arith.constant 28 : i32
        %swap3A_2670 = arith.index_cast %swap3A_2669 : i32 to index
        %swap3A_2671 = arith.index_cast %mul3A_2668 : i32 to index
        %swap3A_2672 = tpu.vector_load %arg8[%swap3A_2670, %swap3A_2671] {strides = array<i32>} : memref<32x512xf32, #tpu.memory_space<vmem>>, vector<16xf32>,
        tpu.vector_store %arg8[%swap3A_2670, %swap3A_2671], %gather3A_2379 {strides = array<i32>} : memref<32x512xf32, #tpu.memory_space<vmem>>, vector<16xf32>,
        %mul3A_2673 = arith.constant 4 : i32
        %mul3A_2674 = arith.muli %scan3A_1264, %mul3A_2673 : i32
        %add3A_2675 = arith.constant 3 : i32
        %add3A_2676 = arith.addi %mul3A_2674, %add3A_2675 : i32
        %mul3A_2677 = arith.constant 16 : i32
        %mul3A_2678 = arith.muli %add3A_2676, %mul3A_2677 : i32
        %swap3A_2679 = arith.constant 29 : i32
        %swap3A_2680 = arith.index_cast %swap3A_2679 : i32 to index
        %swap3A_2681 = arith.index_cast %mul3A_2678 : i32 to index
        %swap3A_2682 = tpu.vector_load %arg8[%swap3A_2680, %swap3A_2681] {strides = array<i32>} : memref<32x512xf32, #tpu.memory_space<vmem>>, vector<16xf32>,
        tpu.vector_store %arg8[%swap3A_2680, %swap3A_2681], %gather3A_2380 {strides = array<i32>} : memref<32x512xf32, #tpu.memory_space<vmem>>, vector<16xf32>,
        %mul3A_2683 = arith.constant 4 : i32
        %mul3A_2684 = arith.muli %scan3A_1264, %mul3A_2683 : i32
        %add3A_2685 = arith.constant 3 : i32
        %add3A_2686 = arith.addi %mul3A_2684, %add3A_2685 : i32
        %mul3A_2687 = arith.constant 16 : i32
        %mul3A_2688 = arith.muli %add3A_2686, %mul3A_2687 : i32
        %swap3A_2689 = arith.constant 30 : i32
        %swap3A_2690 = arith.index_cast %swap3A_2689 : i32 to index
        %swap3A_2691 = arith.index_cast %mul3A_2688 : i32 to index
        %swap3A_2692 = tpu.vector_load %arg8[%swap3A_2690, %swap3A_2691] {strides = array<i32>} : memref<32x512xf32, #tpu.memory_space<vmem>>, vector<16xf32>,
        tpu.vector_store %arg8[%swap3A_2690, %swap3A_2691], %gather3A_2381 {strides = array<i32>} : memref<32x512xf32, #tpu.memory_space<vmem>>, vector<16xf32>,
        %mul3A_2693 = arith.constant 4 : i32
        %mul3A_2694 = arith.muli %scan3A_1264, %mul3A_2693 : i32
        %add3A_2695 = arith.constant 3 : i32
        %add3A_2696 = arith.addi %mul3A_2694, %add3A_2695 : i32
        %mul3A_2697 = arith.constant 16 : i32
        %mul3A_2698 = arith.muli %add3A_2696, %mul3A_2697 : i32
        %swap3A_2699 = arith.constant 31 : i32
        %swap3A_2700 = arith.index_cast %swap3A_2699 : i32 to index
        %swap3A_2701 = arith.index_cast %mul3A_2698 : i32 to index
        %swap3A_2702 = tpu.vector_load %arg8[%swap3A_2700, %swap3A_2701] {strides = array<i32>} : memref<32x512xf32, #tpu.memory_space<vmem>>, vector<16xf32>,
        tpu.vector_store %arg8[%swap3A_2700, %swap3A_2701], %gather3A_2382 {strides = array<i32>} : memref<32x512xf32, #tpu.memory_space<vmem>>, vector<16xf32>,
      }
      %scan3A_1216 = arith.constant 8 : i32
      %dma_start3A_1217 = arith.constant 0 : i32
      %dma_start3A_1218 = tpu.memref_slice %arg4[%add3A_1201, %dma_start3A_1217, %mul3A_2] : memref<50x32x16384xf32, #tpu.memory_space<hbm>> -> memref<1x32x512xf32, #tpu.memory_space<hbm>>
      %dma_start3A_1219 = tpu.memref_squeeze %dma_start3A_1218 : memref<1x32x512xf32, #tpu.memory_space<hbm>> -> memref<32x512xf32, #tpu.memory_space<hbm>>
      %dma_start3A_1220 = arith.constant 0 : i32
      %dma_start3A_1221 = tpu.memref_slice %arg4[%add3A_1201, %dma_start3A_1220, %mul3A_2] : memref<50x32x16384xf32, #tpu.memory_space<hbm>> -> memref<1x32x512xf32, #tpu.memory_space<hbm>>
      %dma_start3A_1222 = tpu.memref_squeeze %dma_start3A_1221 : memref<1x32x512xf32, #tpu.memory_space<hbm>> -> memref<32x512xf32, #tpu.memory_space<hbm>>
      tpu.enqueue_dma source(%arg8 : memref<32x512xf32, #tpu.memory_space<vmem>>) target(%dma_start3A_1222 : memref<32x512xf32, #tpu.memory_space<hbm>>) target_semaphore(%arg12 : memref<!tpu.dma_semaphore, #tpu.memory_space<semaphore_mem>>)
      %add3A_1223 = arith.constant 2 : i32
      %add3A_1224 = arith.addi %add3A_1201, %add3A_1223 : i32
      %lt3A = arith.constant 50 : i32
      %lt3A_1225 = arith.cmpi slt, %add3A_1224, %lt3A : i32
      %convert_element_type3A_1226 = arith.extui %lt3A_1225 : i1 to i32
      %cond3A_1227 = arith.constant 0 : i32
      %cond3A_1228 = arith.cmpi ne, %convert_element_type3A_1226, %cond3A_1227 : i32
      scf.if %cond3A_1228 {
        %add3A_1264 = arith.constant 2 : i32
        %add3A_1265 = arith.addi %add3A_1201, %add3A_1264 : i32
        %dma_start3A_1266 = arith.constant 0 : i32
        %dma_start3A_1267 = tpu.memref_slice %arg5[%add3A_1265, %dma_start3A_1266] : memref<50x512xi32, #tpu.memory_space<vmem>> -> memref<1x512xi32, #tpu.memory_space<vmem>>
        %dma_start3A_1268 = tpu.memref_squeeze %dma_start3A_1267 : memref<1x512xi32, #tpu.memory_space<vmem>> -> memref<512xi32, #tpu.memory_space<vmem>>
        %dma_start3A_1269 = arith.constant 0 : i32
        %dma_start3A_1270 = arith.constant 0 : i32
        %dma_start3A_1271 = tpu.memref_slice %arg2[%dma_start3A_1269, %dma_start3A_1270] : memref<1000000x32xf32, #tpu.memory_space<hbm>> -> memref<1000000x32xf32, #tpu.memory_space<hbm>>
        tpu.enqueue_indirect_dma source(%dma_start3A_1271 : memref<1000000x32xf32, #tpu.memory_space<hbm>>) target(%arg6 : memref<512x32xf32, #tpu.memory_space<vmem>>) offsets(%dma_start3A_1268 : memref<512xi32, #tpu.memory_space<vmem>>) semaphore(%arg10 : memref<!tpu.dma_semaphore, #tpu.memory_space<semaphore_mem>>)
      } else {
      }
      %mul3A_1229 = arith.constant 2 : i32
      %mul3A_1230 = arith.muli %scan3A_1197, %mul3A_1229 : i32
      %add3A_1231 = arith.constant 1 : i32
      %add3A_1232 = arith.addi %mul3A_1230, %add3A_1231 : i32
      %dma_wait3A_1233 = arith.constant 1 : i32
      %dma_wait3A_1234 = arith.constant 0 : i32
      %dma_wait3A_1235 = tpu.memref_slice %arg5[%dma_wait3A_1233, %dma_wait3A_1234] : memref<50x512xi32, #tpu.memory_space<vmem>> -> memref<1x512xi32, #tpu.memory_space<vmem>>
      %dma_wait3A_1236 = tpu.memref_squeeze %dma_wait3A_1235 : memref<1x512xi32, #tpu.memory_space<vmem>> -> memref<512xi32, #tpu.memory_space<vmem>>
      %dma_wait3A_1237 = arith.constant 0 : i32
      %dma_wait3A_1238 = arith.constant 0 : i32
      %dma_wait3A_1239 = tpu.memref_slice %arg2[%dma_wait3A_1237, %dma_wait3A_1238] : memref<1000000x32xf32, #tpu.memory_space<hbm>> -> memref<1000000x32xf32, #tpu.memory_space<hbm>>
      tpu.wait_indirect_dma semaphore(%arg11 : memref<!tpu.dma_semaphore, #tpu.memory_space<semaphore_mem>>) src(%dma_wait3A_1239 : memref<1000000x32xf32, #tpu.memory_space<hbm>>) dst(%arg7 : memref<512x32xf32, #tpu.memory_space<vmem>>)
      %gt3A_1240 = arith.constant 0 : i32
      %gt3A_1241 = arith.cmpi sgt, %scan3A_1197, %gt3A_1240 : i32
      %convert_element_type3A_1242 = arith.extui %gt3A_1241 : i1 to i32
      %cond3A_1243 = arith.constant 0 : i32
      %cond3A_1244 = arith.cmpi ne, %convert_element_type3A_1242, %cond3A_1243 : i32
      scf.if %cond3A_1244 {
        %dma_wait3A_1264 = arith.constant 0 : i32
        %dma_wait3A_1265 = tpu.memref_slice %arg4[%add3A_1232, %dma_wait3A_1264, %mul3A_2] : memref<50x32x16384xf32, #tpu.memory_space<hbm>> -> memref<1x32x512xf32, #tpu.memory_space<hbm>>
        %dma_wait3A_1266 = tpu.memref_squeeze %dma_wait3A_1265 : memref<1x32x512xf32, #tpu.memory_space<hbm>> -> memref<32x512xf32, #tpu.memory_space<hbm>>
        %dma_wait3A_1267 = arith.constant 0 : i32
        %dma_wait3A_1268 = tpu.memref_slice %arg4[%add3A_1232, %dma_wait3A_1267, %mul3A_2] : memref<50x32x16384xf32, #tpu.memory_space<hbm>> -> memref<1x32x512xf32, #tpu.memory_space<hbm>>
        %dma_wait3A_1269 = tpu.memref_squeeze %dma_wait3A_1268 : memref<1x32x512xf32, #tpu.memory_space<hbm>> -> memref<32x512xf32, #tpu.memory_space<hbm>>
        tpu.wait_dma2 semaphore(%arg13 : memref<!tpu.dma_semaphore, #tpu.memory_space<semaphore_mem>>) src(%arg9 : memref<32x512xf32, #tpu.memory_space<vmem>>) dst(%dma_wait3A_1269 : memref<32x512xf32, #tpu.memory_space<hbm>>)
      } else {
      }
      %scan3A_1245 = arith.constant 0 : i32
      %scan3A_1246 = arith.constant 0 : i32
      %scan3A_1247 = arith.constant 8 : i32
      %scan3A_1248 = arith.addi %scan3A_1246, %scan3A_1247 : i32
      %scan3A_1249 = arith.constant 1 : i32
      scf.for %scan3A_1264 = %scan3A_1246 to %scan3A_1248 step %scan3A_1249  : i32 {
        %mul3A_1265 = arith.constant 4 : i32
        %mul3A_1266 = arith.muli %scan3A_1264, %mul3A_1265 : i32
        %add3A_1267 = arith.constant 0 : i32
        %add3A_1268 = arith.addi %mul3A_1266, %add3A_1267 : i32
        %mul3A_1269 = arith.constant 16 : i32
        %mul3A_1270 = arith.muli %add3A_1268, %mul3A_1269 : i32
        %add3A_1271 = vector.broadcast %mul3A_1270 : i32 to vector<16xi32>
        %add3A_1272 = arith.addi %add3A_1271, %iota3A : vector<16xi32>
        %gather3A = tpu.vector_load_idx %arg7[%add3A_1272, %broadcast_in_dim3A_3] : memref<512x32xf32, #tpu.memory_space<vmem>>[vector<16xi32>, vector<16xi32>], vector<16xf32>,
        %gather3A_1273 = tpu.vector_load_idx %arg7[%add3A_1272, %broadcast_in_dim3A_5] : memref<512x32xf32, #tpu.memory_space<vmem>>[vector<16xi32>, vector<16xi32>], vector<16xf32>,
        %gather3A_1274 = tpu.vector_load_idx %arg7[%add3A_1272, %broadcast_in_dim3A_7] : memref<512x32xf32, #tpu.memory_space<vmem>>[vector<16xi32>, vector<16xi32>], vector<16xf32>,
        %gather3A_1275 = tpu.vector_load_idx %arg7[%add3A_1272, %broadcast_in_dim3A_9] : memref<512x32xf32, #tpu.memory_space<vmem>>[vector<16xi32>, vector<16xi32>], vector<16xf32>,
        %gather3A_1276 = tpu.vector_load_idx %arg7[%add3A_1272, %broadcast_in_dim3A_11] : memref<512x32xf32, #tpu.memory_space<vmem>>[vector<16xi32>, vector<16xi32>], vector<16xf32>,
        %gather3A_1277 = tpu.vector_load_idx %arg7[%add3A_1272, %broadcast_in_dim3A_13] : memref<512x32xf32, #tpu.memory_space<vmem>>[vector<16xi32>, vector<16xi32>], vector<16xf32>,
        %gather3A_1278 = tpu.vector_load_idx %arg7[%add3A_1272, %broadcast_in_dim3A_15] : memref<512x32xf32, #tpu.memory_space<vmem>>[vector<16xi32>, vector<16xi32>], vector<16xf32>,
        %gather3A_1279 = tpu.vector_load_idx %arg7[%add3A_1272, %broadcast_in_dim3A_17] : memref<512x32xf32, #tpu.memory_space<vmem>>[vector<16xi32>, vector<16xi32>], vector<16xf32>,
        %gather3A_1280 = tpu.vector_load_idx %arg7[%add3A_1272, %broadcast_in_dim3A_19] : memref<512x32xf32, #tpu.memory_space<vmem>>[vector<16xi32>, vector<16xi32>], vector<16xf32>,
        %gather3A_1281 = tpu.vector_load_idx %arg7[%add3A_1272, %broadcast_in_dim3A_21] : memref<512x32xf32, #tpu.memory_space<vmem>>[vector<16xi32>, vector<16xi32>], vector<16xf32>,
        %gather3A_1282 = tpu.vector_load_idx %arg7[%add3A_1272, %broadcast_in_dim3A_23] : memref<512x32xf32, #tpu.memory_space<vmem>>[vector<16xi32>, vector<16xi32>], vector<16xf32>,
        %gather3A_1283 = tpu.vector_load_idx %arg7[%add3A_1272, %broadcast_in_dim3A_25] : memref<512x32xf32, #tpu.memory_space<vmem>>[vector<16xi32>, vector<16xi32>], vector<16xf32>,
        %gather3A_1284 = tpu.vector_load_idx %arg7[%add3A_1272, %broadcast_in_dim3A_27] : memref<512x32xf32, #tpu.memory_space<vmem>>[vector<16xi32>, vector<16xi32>], vector<16xf32>,
        %gather3A_1285 = tpu.vector_load_idx %arg7[%add3A_1272, %broadcast_in_dim3A_29] : memref<512x32xf32, #tpu.memory_space<vmem>>[vector<16xi32>, vector<16xi32>], vector<16xf32>,
        %gather3A_1286 = tpu.vector_load_idx %arg7[%add3A_1272, %broadcast_in_dim3A_31] : memref<512x32xf32, #tpu.memory_space<vmem>>[vector<16xi32>, vector<16xi32>], vector<16xf32>,
        %gather3A_1287 = tpu.vector_load_idx %arg7[%add3A_1272, %broadcast_in_dim3A_33] : memref<512x32xf32, #tpu.memory_space<vmem>>[vector<16xi32>, vector<16xi32>], vector<16xf32>,
        %gather3A_1288 = tpu.vector_load_idx %arg7[%add3A_1272, %broadcast_in_dim3A_35] : memref<512x32xf32, #tpu.memory_space<vmem>>[vector<16xi32>, vector<16xi32>], vector<16xf32>,
        %gather3A_1289 = tpu.vector_load_idx %arg7[%add3A_1272, %broadcast_in_dim3A_37] : memref<512x32xf32, #tpu.memory_space<vmem>>[vector<16xi32>, vector<16xi32>], vector<16xf32>,
        %gather3A_1290 = tpu.vector_load_idx %arg7[%add3A_1272, %broadcast_in_dim3A_39] : memref<512x32xf32, #tpu.memory_space<vmem>>[vector<16xi32>, vector<16xi32>], vector<16xf32>,
        %gather3A_1291 = tpu.vector_load_idx %arg7[%add3A_1272, %broadcast_in_dim3A_41] : memref<512x32xf32, #tpu.memory_space<vmem>>[vector<16xi32>, vector<16xi32>], vector<16xf32>,
        %gather3A_1292 = tpu.vector_load_idx %arg7[%add3A_1272, %broadcast_in_dim3A_43] : memref<512x32xf32, #tpu.memory_space<vmem>>[vector<16xi32>, vector<16xi32>], vector<16xf32>,
        %gather3A_1293 = tpu.vector_load_idx %arg7[%add3A_1272, %broadcast_in_dim3A_45] : memref<512x32xf32, #tpu.memory_space<vmem>>[vector<16xi32>, vector<16xi32>], vector<16xf32>,
        %gather3A_1294 = tpu.vector_load_idx %arg7[%add3A_1272, %broadcast_in_dim3A_47] : memref<512x32xf32, #tpu.memory_space<vmem>>[vector<16xi32>, vector<16xi32>], vector<16xf32>,
        %gather3A_1295 = tpu.vector_load_idx %arg7[%add3A_1272, %broadcast_in_dim3A_49] : memref<512x32xf32, #tpu.memory_space<vmem>>[vector<16xi32>, vector<16xi32>], vector<16xf32>,
        %gather3A_1296 = tpu.vector_load_idx %arg7[%add3A_1272, %broadcast_in_dim3A_51] : memref<512x32xf32, #tpu.memory_space<vmem>>[vector<16xi32>, vector<16xi32>], vector<16xf32>,
        %gather3A_1297 = tpu.vector_load_idx %arg7[%add3A_1272, %broadcast_in_dim3A_53] : memref<512x32xf32, #tpu.memory_space<vmem>>[vector<16xi32>, vector<16xi32>], vector<16xf32>,
        %gather3A_1298 = tpu.vector_load_idx %arg7[%add3A_1272, %broadcast_in_dim3A_55] : memref<512x32xf32, #tpu.memory_space<vmem>>[vector<16xi32>, vector<16xi32>], vector<16xf32>,
        %gather3A_1299 = tpu.vector_load_idx %arg7[%add3A_1272, %broadcast_in_dim3A_57] : memref<512x32xf32, #tpu.memory_space<vmem>>[vector<16xi32>, vector<16xi32>], vector<16xf32>,
        %gather3A_1300 = tpu.vector_load_idx %arg7[%add3A_1272, %broadcast_in_dim3A_59] : memref<512x32xf32, #tpu.memory_space<vmem>>[vector<16xi32>, vector<16xi32>], vector<16xf32>,
        %gather3A_1301 = tpu.vector_load_idx %arg7[%add3A_1272, %broadcast_in_dim3A_61] : memref<512x32xf32, #tpu.memory_space<vmem>>[vector<16xi32>, vector<16xi32>], vector<16xf32>,
        %gather3A_1302 = tpu.vector_load_idx %arg7[%add3A_1272, %broadcast_in_dim3A_63] : memref<512x32xf32, #tpu.memory_space<vmem>>[vector<16xi32>, vector<16xi32>], vector<16xf32>,
        %gather3A_1303 = tpu.vector_load_idx %arg7[%add3A_1272, %broadcast_in_dim3A_65] : memref<512x32xf32, #tpu.memory_space<vmem>>[vector<16xi32>, vector<16xi32>], vector<16xf32>,
        %mul3A_1304 = arith.constant 4 : i32
        %mul3A_1305 = arith.muli %scan3A_1264, %mul3A_1304 : i32
        %add3A_1306 = arith.constant 0 : i32
        %add3A_1307 = arith.addi %mul3A_1305, %add3A_1306 : i32
        %mul3A_1308 = arith.constant 16 : i32
        %mul3A_1309 = arith.muli %add3A_1307, %mul3A_1308 : i32
        %swap3A = arith.constant 0 : i32
        %swap3A_1310 = arith.index_cast %swap3A : i32 to index
        %swap3A_1311 = arith.index_cast %mul3A_1309 : i32 to index
        %swap3A_1312 = tpu.vector_load %arg9[%swap3A_1310, %swap3A_1311] {strides = array<i32>} : memref<32x512xf32, #tpu.memory_space<vmem>>, vector<16xf32>,
        tpu.vector_store %arg9[%swap3A_1310, %swap3A_1311], %gather3A {strides = array<i32>} : memref<32x512xf32, #tpu.memory_space<vmem>>, vector<16xf32>,
        %mul3A_1313 = arith.constant 4 : i32
        %mul3A_1314 = arith.muli %scan3A_1264, %mul3A_1313 : i32
        %add3A_1315 = arith.constant 0 : i32
        %add3A_1316 = arith.addi %mul3A_1314, %add3A_1315 : i32
        %mul3A_1317 = arith.constant 16 : i32
        %mul3A_1318 = arith.muli %add3A_1316, %mul3A_1317 : i32
        %swap3A_1319 = arith.constant 1 : i32
        %swap3A_1320 = arith.index_cast %swap3A_1319 : i32 to index
        %swap3A_1321 = arith.index_cast %mul3A_1318 : i32 to index
        %swap3A_1322 = tpu.vector_load %arg9[%swap3A_1320, %swap3A_1321] {strides = array<i32>} : memref<32x512xf32, #tpu.memory_space<vmem>>, vector<16xf32>,
        tpu.vector_store %arg9[%swap3A_1320, %swap3A_1321], %gather3A_1273 {strides = array<i32>} : memref<32x512xf32, #tpu.memory_space<vmem>>, vector<16xf32>,
        %mul3A_1323 = arith.constant 4 : i32
        %mul3A_1324 = arith.muli %scan3A_1264, %mul3A_1323 : i32
        %add3A_1325 = arith.constant 0 : i32
        %add3A_1326 = arith.addi %mul3A_1324, %add3A_1325 : i32
        %mul3A_1327 = arith.constant 16 : i32
        %mul3A_1328 = arith.muli %add3A_1326, %mul3A_1327 : i32
        %swap3A_1329 = arith.constant 2 : i32
        %swap3A_1330 = arith.index_cast %swap3A_1329 : i32 to index
        %swap3A_1331 = arith.index_cast %mul3A_1328 : i32 to index
        %swap3A_1332 = tpu.vector_load %arg9[%swap3A_1330, %swap3A_1331] {strides = array<i32>} : memref<32x512xf32, #tpu.memory_space<vmem>>, vector<16xf32>,
        tpu.vector_store %arg9[%swap3A_1330, %swap3A_1331], %gather3A_1274 {strides = array<i32>} : memref<32x512xf32, #tpu.memory_space<vmem>>, vector<16xf32>,
        %mul3A_1333 = arith.constant 4 : i32
        %mul3A_1334 = arith.muli %scan3A_1264, %mul3A_1333 : i32
        %add3A_1335 = arith.constant 0 : i32
        %add3A_1336 = arith.addi %mul3A_1334, %add3A_1335 : i32
        %mul3A_1337 = arith.constant 16 : i32
        %mul3A_1338 = arith.muli %add3A_1336, %mul3A_1337 : i32
        %swap3A_1339 = arith.constant 3 : i32
        %swap3A_1340 = arith.index_cast %swap3A_1339 : i32 to index
        %swap3A_1341 = arith.index_cast %mul3A_1338 : i32 to index
        %swap3A_1342 = tpu.vector_load %arg9[%swap3A_1340, %swap3A_1341] {strides = array<i32>} : memref<32x512xf32, #tpu.memory_space<vmem>>, vector<16xf32>,
        tpu.vector_store %arg9[%swap3A_1340, %swap3A_1341], %gather3A_1275 {strides = array<i32>} : memref<32x512xf32, #tpu.memory_space<vmem>>, vector<16xf32>,
        %mul3A_1343 = arith.constant 4 : i32
        %mul3A_1344 = arith.muli %scan3A_1264, %mul3A_1343 : i32
        %add3A_1345 = arith.constant 0 : i32
        %add3A_1346 = arith.addi %mul3A_1344, %add3A_1345 : i32
        %mul3A_1347 = arith.constant 16 : i32
        %mul3A_1348 = arith.muli %add3A_1346, %mul3A_1347 : i32
        %swap3A_1349 = arith.constant 4 : i32
        %swap3A_1350 = arith.index_cast %swap3A_1349 : i32 to index
        %swap3A_1351 = arith.index_cast %mul3A_1348 : i32 to index
        %swap3A_1352 = tpu.vector_load %arg9[%swap3A_1350, %swap3A_1351] {strides = array<i32>} : memref<32x512xf32, #tpu.memory_space<vmem>>, vector<16xf32>,
        tpu.vector_store %arg9[%swap3A_1350, %swap3A_1351], %gather3A_1276 {strides = array<i32>} : memref<32x512xf32, #tpu.memory_space<vmem>>, vector<16xf32>,
        %mul3A_1353 = arith.constant 4 : i32
        %mul3A_1354 = arith.muli %scan3A_1264, %mul3A_1353 : i32
        %add3A_1355 = arith.constant 0 : i32
        %add3A_1356 = arith.addi %mul3A_1354, %add3A_1355 : i32
        %mul3A_1357 = arith.constant 16 : i32
        %mul3A_1358 = arith.muli %add3A_1356, %mul3A_1357 : i32
        %swap3A_1359 = arith.constant 5 : i32
        %swap3A_1360 = arith.index_cast %swap3A_1359 : i32 to index
        %swap3A_1361 = arith.index_cast %mul3A_1358 : i32 to index
        %swap3A_1362 = tpu.vector_load %arg9[%swap3A_1360, %swap3A_1361] {strides = array<i32>} : memref<32x512xf32, #tpu.memory_space<vmem>>, vector<16xf32>,
        tpu.vector_store %arg9[%swap3A_1360, %swap3A_1361], %gather3A_1277 {strides = array<i32>} : memref<32x512xf32, #tpu.memory_space<vmem>>, vector<16xf32>,
        %mul3A_1363 = arith.constant 4 : i32
        %mul3A_1364 = arith.muli %scan3A_1264, %mul3A_1363 : i32
        %add3A_1365 = arith.constant 0 : i32
        %add3A_1366 = arith.addi %mul3A_1364, %add3A_1365 : i32
        %mul3A_1367 = arith.constant 16 : i32
        %mul3A_1368 = arith.muli %add3A_1366, %mul3A_1367 : i32
        %swap3A_1369 = arith.constant 6 : i32
        %swap3A_1370 = arith.index_cast %swap3A_1369 : i32 to index
        %swap3A_1371 = arith.index_cast %mul3A_1368 : i32 to index
        %swap3A_1372 = tpu.vector_load %arg9[%swap3A_1370, %swap3A_1371] {strides = array<i32>} : memref<32x512xf32, #tpu.memory_space<vmem>>, vector<16xf32>,
        tpu.vector_store %arg9[%swap3A_1370, %swap3A_1371], %gather3A_1278 {strides = array<i32>} : memref<32x512xf32, #tpu.memory_space<vmem>>, vector<16xf32>,
        %mul3A_1373 = arith.constant 4 : i32
        %mul3A_1374 = arith.muli %scan3A_1264, %mul3A_1373 : i32
        %add3A_1375 = arith.constant 0 : i32
        %add3A_1376 = arith.addi %mul3A_1374, %add3A_1375 : i32
        %mul3A_1377 = arith.constant 16 : i32
        %mul3A_1378 = arith.muli %add3A_1376, %mul3A_1377 : i32
        %swap3A_1379 = arith.constant 7 : i32
        %swap3A_1380 = arith.index_cast %swap3A_1379 : i32 to index
        %swap3A_1381 = arith.index_cast %mul3A_1378 : i32 to index
        %swap3A_1382 = tpu.vector_load %arg9[%swap3A_1380, %swap3A_1381] {strides = array<i32>} : memref<32x512xf32, #tpu.memory_space<vmem>>, vector<16xf32>,
        tpu.vector_store %arg9[%swap3A_1380, %swap3A_1381], %gather3A_1279 {strides = array<i32>} : memref<32x512xf32, #tpu.memory_space<vmem>>, vector<16xf32>,
        %mul3A_1383 = arith.constant 4 : i32
        %mul3A_1384 = arith.muli %scan3A_1264, %mul3A_1383 : i32
        %add3A_1385 = arith.constant 0 : i32
        %add3A_1386 = arith.addi %mul3A_1384, %add3A_1385 : i32
        %mul3A_1387 = arith.constant 16 : i32
        %mul3A_1388 = arith.muli %add3A_1386, %mul3A_1387 : i32
        %swap3A_1389 = arith.constant 8 : i32
        %swap3A_1390 = arith.index_cast %swap3A_1389 : i32 to index
        %swap3A_1391 = arith.index_cast %mul3A_1388 : i32 to index
        %swap3A_1392 = tpu.vector_load %arg9[%swap3A_1390, %swap3A_1391] {strides = array<i32>} : memref<32x512xf32, #tpu.memory_space<vmem>>, vector<16xf32>,
        tpu.vector_store %arg9[%swap3A_1390, %swap3A_1391], %gather3A_1280 {strides = array<i32>} : memref<32x512xf32, #tpu.memory_space<vmem>>, vector<16xf32>,
        %mul3A_1393 = arith.constant 4 : i32
        %mul3A_1394 = arith.muli %scan3A_1264, %mul3A_1393 : i32
        %add3A_1395 = arith.constant 0 : i32
        %add3A_1396 = arith.addi %mul3A_1394, %add3A_1395 : i32
        %mul3A_1397 = arith.constant 16 : i32
        %mul3A_1398 = arith.muli %add3A_1396, %mul3A_1397 : i32
        %swap3A_1399 = arith.constant 9 : i32
        %swap3A_1400 = arith.index_cast %swap3A_1399 : i32 to index
        %swap3A_1401 = arith.index_cast %mul3A_1398 : i32 to index
        %swap3A_1402 = tpu.vector_load %arg9[%swap3A_1400, %swap3A_1401] {strides = array<i32>} : memref<32x512xf32, #tpu.memory_space<vmem>>, vector<16xf32>,
        tpu.vector_store %arg9[%swap3A_1400, %swap3A_1401], %gather3A_1281 {strides = array<i32>} : memref<32x512xf32, #tpu.memory_space<vmem>>, vector<16xf32>,
        %mul3A_1403 = arith.constant 4 : i32
        %mul3A_1404 = arith.muli %scan3A_1264, %mul3A_1403 : i32
        %add3A_1405 = arith.constant 0 : i32
        %add3A_1406 = arith.addi %mul3A_1404, %add3A_1405 : i32
        %mul3A_1407 = arith.constant 16 : i32
        %mul3A_1408 = arith.muli %add3A_1406, %mul3A_1407 : i32
        %swap3A_1409 = arith.constant 10 : i32
        %swap3A_1410 = arith.index_cast %swap3A_1409 : i32 to index
        %swap3A_1411 = arith.index_cast %mul3A_1408 : i32 to index
        %swap3A_1412 = tpu.vector_load %arg9[%swap3A_1410, %swap3A_1411] {strides = array<i32>} : memref<32x512xf32, #tpu.memory_space<vmem>>, vector<16xf32>,
        tpu.vector_store %arg9[%swap3A_1410, %swap3A_1411], %gather3A_1282 {strides = array<i32>} : memref<32x512xf32, #tpu.memory_space<vmem>>, vector<16xf32>,
        %mul3A_1413 = arith.constant 4 : i32
        %mul3A_1414 = arith.muli %scan3A_1264, %mul3A_1413 : i32
        %add3A_1415 = arith.constant 0 : i32
        %add3A_1416 = arith.addi %mul3A_1414, %add3A_1415 : i32
        %mul3A_1417 = arith.constant 16 : i32
        %mul3A_1418 = arith.muli %add3A_1416, %mul3A_1417 : i32
        %swap3A_1419 = arith.constant 11 : i32
        %swap3A_1420 = arith.index_cast %swap3A_1419 : i32 to index
        %swap3A_1421 = arith.index_cast %mul3A_1418 : i32 to index
        %swap3A_1422 = tpu.vector_load %arg9[%swap3A_1420, %swap3A_1421] {strides = array<i32>} : memref<32x512xf32, #tpu.memory_space<vmem>>, vector<16xf32>,
        tpu.vector_store %arg9[%swap3A_1420, %swap3A_1421], %gather3A_1283 {strides = array<i32>} : memref<32x512xf32, #tpu.memory_space<vmem>>, vector<16xf32>,
        %mul3A_1423 = arith.constant 4 : i32
        %mul3A_1424 = arith.muli %scan3A_1264, %mul3A_1423 : i32
        %add3A_1425 = arith.constant 0 : i32
        %add3A_1426 = arith.addi %mul3A_1424, %add3A_1425 : i32
        %mul3A_1427 = arith.constant 16 : i32
        %mul3A_1428 = arith.muli %add3A_1426, %mul3A_1427 : i32
        %swap3A_1429 = arith.constant 12 : i32
        %swap3A_1430 = arith.index_cast %swap3A_1429 : i32 to index
        %swap3A_1431 = arith.index_cast %mul3A_1428 : i32 to index
        %swap3A_1432 = tpu.vector_load %arg9[%swap3A_1430, %swap3A_1431] {strides = array<i32>} : memref<32x512xf32, #tpu.memory_space<vmem>>, vector<16xf32>,
        tpu.vector_store %arg9[%swap3A_1430, %swap3A_1431], %gather3A_1284 {strides = array<i32>} : memref<32x512xf32, #tpu.memory_space<vmem>>, vector<16xf32>,
        %mul3A_1433 = arith.constant 4 : i32
        %mul3A_1434 = arith.muli %scan3A_1264, %mul3A_1433 : i32
        %add3A_1435 = arith.constant 0 : i32
        %add3A_1436 = arith.addi %mul3A_1434, %add3A_1435 : i32
        %mul3A_1437 = arith.constant 16 : i32
        %mul3A_1438 = arith.muli %add3A_1436, %mul3A_1437 : i32
        %swap3A_1439 = arith.constant 13 : i32
        %swap3A_1440 = arith.index_cast %swap3A_1439 : i32 to index
        %swap3A_1441 = arith.index_cast %mul3A_1438 : i32 to index
        %swap3A_1442 = tpu.vector_load %arg9[%swap3A_1440, %swap3A_1441] {strides = array<i32>} : memref<32x512xf32, #tpu.memory_space<vmem>>, vector<16xf32>,
        tpu.vector_store %arg9[%swap3A_1440, %swap3A_1441], %gather3A_1285 {strides = array<i32>} : memref<32x512xf32, #tpu.memory_space<vmem>>, vector<16xf32>,
        %mul3A_1443 = arith.constant 4 : i32
        %mul3A_1444 = arith.muli %scan3A_1264, %mul3A_1443 : i32
        %add3A_1445 = arith.constant 0 : i32
        %add3A_1446 = arith.addi %mul3A_1444, %add3A_1445 : i32
        %mul3A_1447 = arith.constant 16 : i32
        %mul3A_1448 = arith.muli %add3A_1446, %mul3A_1447 : i32
        %swap3A_1449 = arith.constant 14 : i32
        %swap3A_1450 = arith.index_cast %swap3A_1449 : i32 to index
        %swap3A_1451 = arith.index_cast %mul3A_1448 : i32 to index
        %swap3A_1452 = tpu.vector_load %arg9[%swap3A_1450, %swap3A_1451] {strides = array<i32>} : memref<32x512xf32, #tpu.memory_space<vmem>>, vector<16xf32>,
        tpu.vector_store %arg9[%swap3A_1450, %swap3A_1451], %gather3A_1286 {strides = array<i32>} : memref<32x512xf32, #tpu.memory_space<vmem>>, vector<16xf32>,
        %mul3A_1453 = arith.constant 4 : i32
        %mul3A_1454 = arith.muli %scan3A_1264, %mul3A_1453 : i32
        %add3A_1455 = arith.constant 0 : i32
        %add3A_1456 = arith.addi %mul3A_1454, %add3A_1455 : i32
        %mul3A_1457 = arith.constant 16 : i32
        %mul3A_1458 = arith.muli %add3A_1456, %mul3A_1457 : i32
        %swap3A_1459 = arith.constant 15 : i32
        %swap3A_1460 = arith.index_cast %swap3A_1459 : i32 to index
        %swap3A_1461 = arith.index_cast %mul3A_1458 : i32 to index
        %swap3A_1462 = tpu.vector_load %arg9[%swap3A_1460, %swap3A_1461] {strides = array<i32>} : memref<32x512xf32, #tpu.memory_space<vmem>>, vector<16xf32>,
        tpu.vector_store %arg9[%swap3A_1460, %swap3A_1461], %gather3A_1287 {strides = array<i32>} : memref<32x512xf32, #tpu.memory_space<vmem>>, vector<16xf32>,
        %mul3A_1463 = arith.constant 4 : i32
        %mul3A_1464 = arith.muli %scan3A_1264, %mul3A_1463 : i32
        %add3A_1465 = arith.constant 0 : i32
        %add3A_1466 = arith.addi %mul3A_1464, %add3A_1465 : i32
        %mul3A_1467 = arith.constant 16 : i32
        %mul3A_1468 = arith.muli %add3A_1466, %mul3A_1467 : i32
        %swap3A_1469 = arith.constant 16 : i32
        %swap3A_1470 = arith.index_cast %swap3A_1469 : i32 to index
        %swap3A_1471 = arith.index_cast %mul3A_1468 : i32 to index
        %swap3A_1472 = tpu.vector_load %arg9[%swap3A_1470, %swap3A_1471] {strides = array<i32>} : memref<32x512xf32, #tpu.memory_space<vmem>>, vector<16xf32>,
        tpu.vector_store %arg9[%swap3A_1470, %swap3A_1471], %gather3A_1288 {strides = array<i32>} : memref<32x512xf32, #tpu.memory_space<vmem>>, vector<16xf32>,
        %mul3A_1473 = arith.constant 4 : i32
        %mul3A_1474 = arith.muli %scan3A_1264, %mul3A_1473 : i32
        %add3A_1475 = arith.constant 0 : i32
        %add3A_1476 = arith.addi %mul3A_1474, %add3A_1475 : i32
        %mul3A_1477 = arith.constant 16 : i32
        %mul3A_1478 = arith.muli %add3A_1476, %mul3A_1477 : i32
        %swap3A_1479 = arith.constant 17 : i32
        %swap3A_1480 = arith.index_cast %swap3A_1479 : i32 to index
        %swap3A_1481 = arith.index_cast %mul3A_1478 : i32 to index
        %swap3A_1482 = tpu.vector_load %arg9[%swap3A_1480, %swap3A_1481] {strides = array<i32>} : memref<32x512xf32, #tpu.memory_space<vmem>>, vector<16xf32>,
        tpu.vector_store %arg9[%swap3A_1480, %swap3A_1481], %gather3A_1289 {strides = array<i32>} : memref<32x512xf32, #tpu.memory_space<vmem>>, vector<16xf32>,
        %mul3A_1483 = arith.constant 4 : i32
        %mul3A_1484 = arith.muli %scan3A_1264, %mul3A_1483 : i32
        %add3A_1485 = arith.constant 0 : i32
        %add3A_1486 = arith.addi %mul3A_1484, %add3A_1485 : i32
        %mul3A_1487 = arith.constant 16 : i32
        %mul3A_1488 = arith.muli %add3A_1486, %mul3A_1487 : i32
        %swap3A_1489 = arith.constant 18 : i32
        %swap3A_1490 = arith.index_cast %swap3A_1489 : i32 to index
        %swap3A_1491 = arith.index_cast %mul3A_1488 : i32 to index
        %swap3A_1492 = tpu.vector_load %arg9[%swap3A_1490, %swap3A_1491] {strides = array<i32>} : memref<32x512xf32, #tpu.memory_space<vmem>>, vector<16xf32>,
        tpu.vector_store %arg9[%swap3A_1490, %swap3A_1491], %gather3A_1290 {strides = array<i32>} : memref<32x512xf32, #tpu.memory_space<vmem>>, vector<16xf32>,
        %mul3A_1493 = arith.constant 4 : i32
        %mul3A_1494 = arith.muli %scan3A_1264, %mul3A_1493 : i32
        %add3A_1495 = arith.constant 0 : i32
        %add3A_1496 = arith.addi %mul3A_1494, %add3A_1495 : i32
        %mul3A_1497 = arith.constant 16 : i32
        %mul3A_1498 = arith.muli %add3A_1496, %mul3A_1497 : i32
        %swap3A_1499 = arith.constant 19 : i32
        %swap3A_1500 = arith.index_cast %swap3A_1499 : i32 to index
        %swap3A_1501 = arith.index_cast %mul3A_1498 : i32 to index
        %swap3A_1502 = tpu.vector_load %arg9[%swap3A_1500, %swap3A_1501] {strides = array<i32>} : memref<32x512xf32, #tpu.memory_space<vmem>>, vector<16xf32>,
        tpu.vector_store %arg9[%swap3A_1500, %swap3A_1501], %gather3A_1291 {strides = array<i32>} : memref<32x512xf32, #tpu.memory_space<vmem>>, vector<16xf32>,
        %mul3A_1503 = arith.constant 4 : i32
        %mul3A_1504 = arith.muli %scan3A_1264, %mul3A_1503 : i32
        %add3A_1505 = arith.constant 0 : i32
        %add3A_1506 = arith.addi %mul3A_1504, %add3A_1505 : i32
        %mul3A_1507 = arith.constant 16 : i32
        %mul3A_1508 = arith.muli %add3A_1506, %mul3A_1507 : i32
        %swap3A_1509 = arith.constant 20 : i32
        %swap3A_1510 = arith.index_cast %swap3A_1509 : i32 to index
        %swap3A_1511 = arith.index_cast %mul3A_1508 : i32 to index
        %swap3A_1512 = tpu.vector_load %arg9[%swap3A_1510, %swap3A_1511] {strides = array<i32>} : memref<32x512xf32, #tpu.memory_space<vmem>>, vector<16xf32>,
        tpu.vector_store %arg9[%swap3A_1510, %swap3A_1511], %gather3A_1292 {strides = array<i32>} : memref<32x512xf32, #tpu.memory_space<vmem>>, vector<16xf32>,
        %mul3A_1513 = arith.constant 4 : i32
        %mul3A_1514 = arith.muli %scan3A_1264, %mul3A_1513 : i32
        %add3A_1515 = arith.constant 0 : i32
        %add3A_1516 = arith.addi %mul3A_1514, %add3A_1515 : i32
        %mul3A_1517 = arith.constant 16 : i32
        %mul3A_1518 = arith.muli %add3A_1516, %mul3A_1517 : i32
        %swap3A_1519 = arith.constant 21 : i32
        %swap3A_1520 = arith.index_cast %swap3A_1519 : i32 to index
        %swap3A_1521 = arith.index_cast %mul3A_1518 : i32 to index
        %swap3A_1522 = tpu.vector_load %arg9[%swap3A_1520, %swap3A_1521] {strides = array<i32>} : memref<32x512xf32, #tpu.memory_space<vmem>>, vector<16xf32>,
        tpu.vector_store %arg9[%swap3A_1520, %swap3A_1521], %gather3A_1293 {strides = array<i32>} : memref<32x512xf32, #tpu.memory_space<vmem>>, vector<16xf32>,
        %mul3A_1523 = arith.constant 4 : i32
        %mul3A_1524 = arith.muli %scan3A_1264, %mul3A_1523 : i32
        %add3A_1525 = arith.constant 0 : i32
        %add3A_1526 = arith.addi %mul3A_1524, %add3A_1525 : i32
        %mul3A_1527 = arith.constant 16 : i32
        %mul3A_1528 = arith.muli %add3A_1526, %mul3A_1527 : i32
        %swap3A_1529 = arith.constant 22 : i32
        %swap3A_1530 = arith.index_cast %swap3A_1529 : i32 to index
        %swap3A_1531 = arith.index_cast %mul3A_1528 : i32 to index
        %swap3A_1532 = tpu.vector_load %arg9[%swap3A_1530, %swap3A_1531] {strides = array<i32>} : memref<32x512xf32, #tpu.memory_space<vmem>>, vector<16xf32>,
        tpu.vector_store %arg9[%swap3A_1530, %swap3A_1531], %gather3A_1294 {strides = array<i32>} : memref<32x512xf32, #tpu.memory_space<vmem>>, vector<16xf32>,
        %mul3A_1533 = arith.constant 4 : i32
        %mul3A_1534 = arith.muli %scan3A_1264, %mul3A_1533 : i32
        %add3A_1535 = arith.constant 0 : i32
        %add3A_1536 = arith.addi %mul3A_1534, %add3A_1535 : i32
        %mul3A_1537 = arith.constant 16 : i32
        %mul3A_1538 = arith.muli %add3A_1536, %mul3A_1537 : i32
        %swap3A_1539 = arith.constant 23 : i32
        %swap3A_1540 = arith.index_cast %swap3A_1539 : i32 to index
        %swap3A_1541 = arith.index_cast %mul3A_1538 : i32 to index
        %swap3A_1542 = tpu.vector_load %arg9[%swap3A_1540, %swap3A_1541] {strides = array<i32>} : memref<32x512xf32, #tpu.memory_space<vmem>>, vector<16xf32>,
        tpu.vector_store %arg9[%swap3A_1540, %swap3A_1541], %gather3A_1295 {strides = array<i32>} : memref<32x512xf32, #tpu.memory_space<vmem>>, vector<16xf32>,
        %mul3A_1543 = arith.constant 4 : i32
        %mul3A_1544 = arith.muli %scan3A_1264, %mul3A_1543 : i32
        %add3A_1545 = arith.constant 0 : i32
        %add3A_1546 = arith.addi %mul3A_1544, %add3A_1545 : i32
        %mul3A_1547 = arith.constant 16 : i32
        %mul3A_1548 = arith.muli %add3A_1546, %mul3A_1547 : i32
        %swap3A_1549 = arith.constant 24 : i32
        %swap3A_1550 = arith.index_cast %swap3A_1549 : i32 to index
        %swap3A_1551 = arith.index_cast %mul3A_1548 : i32 to index
        %swap3A_1552 = tpu.vector_load %arg9[%swap3A_1550, %swap3A_1551] {strides = array<i32>} : memref<32x512xf32, #tpu.memory_space<vmem>>, vector<16xf32>,
        tpu.vector_store %arg9[%swap3A_1550, %swap3A_1551], %gather3A_1296 {strides = array<i32>} : memref<32x512xf32, #tpu.memory_space<vmem>>, vector<16xf32>,
        %mul3A_1553 = arith.constant 4 : i32
        %mul3A_1554 = arith.muli %scan3A_1264, %mul3A_1553 : i32
        %add3A_1555 = arith.constant 0 : i32
        %add3A_1556 = arith.addi %mul3A_1554, %add3A_1555 : i32
        %mul3A_1557 = arith.constant 16 : i32
        %mul3A_1558 = arith.muli %add3A_1556, %mul3A_1557 : i32
        %swap3A_1559 = arith.constant 25 : i32
        %swap3A_1560 = arith.index_cast %swap3A_1559 : i32 to index
        %swap3A_1561 = arith.index_cast %mul3A_1558 : i32 to index
        %swap3A_1562 = tpu.vector_load %arg9[%swap3A_1560, %swap3A_1561] {strides = array<i32>} : memref<32x512xf32, #tpu.memory_space<vmem>>, vector<16xf32>,
        tpu.vector_store %arg9[%swap3A_1560, %swap3A_1561], %gather3A_1297 {strides = array<i32>} : memref<32x512xf32, #tpu.memory_space<vmem>>, vector<16xf32>,
        %mul3A_1563 = arith.constant 4 : i32
        %mul3A_1564 = arith.muli %scan3A_1264, %mul3A_1563 : i32
        %add3A_1565 = arith.constant 0 : i32
        %add3A_1566 = arith.addi %mul3A_1564, %add3A_1565 : i32
        %mul3A_1567 = arith.constant 16 : i32
        %mul3A_1568 = arith.muli %add3A_1566, %mul3A_1567 : i32
        %swap3A_1569 = arith.constant 26 : i32
        %swap3A_1570 = arith.index_cast %swap3A_1569 : i32 to index
        %swap3A_1571 = arith.index_cast %mul3A_1568 : i32 to index
        %swap3A_1572 = tpu.vector_load %arg9[%swap3A_1570, %swap3A_1571] {strides = array<i32>} : memref<32x512xf32, #tpu.memory_space<vmem>>, vector<16xf32>,
        tpu.vector_store %arg9[%swap3A_1570, %swap3A_1571], %gather3A_1298 {strides = array<i32>} : memref<32x512xf32, #tpu.memory_space<vmem>>, vector<16xf32>,
        %mul3A_1573 = arith.constant 4 : i32
        %mul3A_1574 = arith.muli %scan3A_1264, %mul3A_1573 : i32
        %add3A_1575 = arith.constant 0 : i32
        %add3A_1576 = arith.addi %mul3A_1574, %add3A_1575 : i32
        %mul3A_1577 = arith.constant 16 : i32
        %mul3A_1578 = arith.muli %add3A_1576, %mul3A_1577 : i32
        %swap3A_1579 = arith.constant 27 : i32
        %swap3A_1580 = arith.index_cast %swap3A_1579 : i32 to index
        %swap3A_1581 = arith.index_cast %mul3A_1578 : i32 to index
        %swap3A_1582 = tpu.vector_load %arg9[%swap3A_1580, %swap3A_1581] {strides = array<i32>} : memref<32x512xf32, #tpu.memory_space<vmem>>, vector<16xf32>,
        tpu.vector_store %arg9[%swap3A_1580, %swap3A_1581], %gather3A_1299 {strides = array<i32>} : memref<32x512xf32, #tpu.memory_space<vmem>>, vector<16xf32>,
        %mul3A_1583 = arith.constant 4 : i32
        %mul3A_1584 = arith.muli %scan3A_1264, %mul3A_1583 : i32
        %add3A_1585 = arith.constant 0 : i32
        %add3A_1586 = arith.addi %mul3A_1584, %add3A_1585 : i32
        %mul3A_1587 = arith.constant 16 : i32
        %mul3A_1588 = arith.muli %add3A_1586, %mul3A_1587 : i32
        %swap3A_1589 = arith.constant 28 : i32
        %swap3A_1590 = arith.index_cast %swap3A_1589 : i32 to index
        %swap3A_1591 = arith.index_cast %mul3A_1588 : i32 to index
        %swap3A_1592 = tpu.vector_load %arg9[%swap3A_1590, %swap3A_1591] {strides = array<i32>} : memref<32x512xf32, #tpu.memory_space<vmem>>, vector<16xf32>,
        tpu.vector_store %arg9[%swap3A_1590, %swap3A_1591], %gather3A_1300 {strides = array<i32>} : memref<32x512xf32, #tpu.memory_space<vmem>>, vector<16xf32>,
        %mul3A_1593 = arith.constant 4 : i32
        %mul3A_1594 = arith.muli %scan3A_1264, %mul3A_1593 : i32
        %add3A_1595 = arith.constant 0 : i32
        %add3A_1596 = arith.addi %mul3A_1594, %add3A_1595 : i32
        %mul3A_1597 = arith.constant 16 : i32
        %mul3A_1598 = arith.muli %add3A_1596, %mul3A_1597 : i32
        %swap3A_1599 = arith.constant 29 : i32
        %swap3A_1600 = arith.index_cast %swap3A_1599 : i32 to index
        %swap3A_1601 = arith.index_cast %mul3A_1598 : i32 to index
        %swap3A_1602 = tpu.vector_load %arg9[%swap3A_1600, %swap3A_1601] {strides = array<i32>} : memref<32x512xf32, #tpu.memory_space<vmem>>, vector<16xf32>,
        tpu.vector_store %arg9[%swap3A_1600, %swap3A_1601], %gather3A_1301 {strides = array<i32>} : memref<32x512xf32, #tpu.memory_space<vmem>>, vector<16xf32>,
        %mul3A_1603 = arith.constant 4 : i32
        %mul3A_1604 = arith.muli %scan3A_1264, %mul3A_1603 : i32
        %add3A_1605 = arith.constant 0 : i32
        %add3A_1606 = arith.addi %mul3A_1604, %add3A_1605 : i32
        %mul3A_1607 = arith.constant 16 : i32
        %mul3A_1608 = arith.muli %add3A_1606, %mul3A_1607 : i32
        %swap3A_1609 = arith.constant 30 : i32
        %swap3A_1610 = arith.index_cast %swap3A_1609 : i32 to index
        %swap3A_1611 = arith.index_cast %mul3A_1608 : i32 to index
        %swap3A_1612 = tpu.vector_load %arg9[%swap3A_1610, %swap3A_1611] {strides = array<i32>} : memref<32x512xf32, #tpu.memory_space<vmem>>, vector<16xf32>,
        tpu.vector_store %arg9[%swap3A_1610, %swap3A_1611], %gather3A_1302 {strides = array<i32>} : memref<32x512xf32, #tpu.memory_space<vmem>>, vector<16xf32>,
        %mul3A_1613 = arith.constant 4 : i32
        %mul3A_1614 = arith.muli %scan3A_1264, %mul3A_1613 : i32
        %add3A_1615 = arith.constant 0 : i32
        %add3A_1616 = arith.addi %mul3A_1614, %add3A_1615 : i32
        %mul3A_1617 = arith.constant 16 : i32
        %mul3A_1618 = arith.muli %add3A_1616, %mul3A_1617 : i32
        %swap3A_1619 = arith.constant 31 : i32
        %swap3A_1620 = arith.index_cast %swap3A_1619 : i32 to index
        %swap3A_1621 = arith.index_cast %mul3A_1618 : i32 to index
        %swap3A_1622 = tpu.vector_load %arg9[%swap3A_1620, %swap3A_1621] {strides = array<i32>} : memref<32x512xf32, #tpu.memory_space<vmem>>, vector<16xf32>,
        tpu.vector_store %arg9[%swap3A_1620, %swap3A_1621], %gather3A_1303 {strides = array<i32>} : memref<32x512xf32, #tpu.memory_space<vmem>>, vector<16xf32>,
        %mul3A_1623 = arith.constant 4 : i32
        %mul3A_1624 = arith.muli %scan3A_1264, %mul3A_1623 : i32
        %add3A_1625 = arith.constant 1 : i32
        %add3A_1626 = arith.addi %mul3A_1624, %add3A_1625 : i32
        %mul3A_1627 = arith.constant 16 : i32
        %mul3A_1628 = arith.muli %add3A_1626, %mul3A_1627 : i32
        %add3A_1629 = vector.broadcast %mul3A_1628 : i32 to vector<16xi32>
        %add3A_1630 = arith.addi %add3A_1629, %iota3A : vector<16xi32>
        %gather3A_1631 = tpu.vector_load_idx %arg7[%add3A_1630, %broadcast_in_dim3A_3] : memref<512x32xf32, #tpu.memory_space<vmem>>[vector<16xi32>, vector<16xi32>], vector<16xf32>,
        %gather3A_1632 = tpu.vector_load_idx %arg7[%add3A_1630, %broadcast_in_dim3A_5] : memref<512x32xf32, #tpu.memory_space<vmem>>[vector<16xi32>, vector<16xi32>], vector<16xf32>,
        %gather3A_1633 = tpu.vector_load_idx %arg7[%add3A_1630, %broadcast_in_dim3A_7] : memref<512x32xf32, #tpu.memory_space<vmem>>[vector<16xi32>, vector<16xi32>], vector<16xf32>,
        %gather3A_1634 = tpu.vector_load_idx %arg7[%add3A_1630, %broadcast_in_dim3A_9] : memref<512x32xf32, #tpu.memory_space<vmem>>[vector<16xi32>, vector<16xi32>], vector<16xf32>,
        %gather3A_1635 = tpu.vector_load_idx %arg7[%add3A_1630, %broadcast_in_dim3A_11] : memref<512x32xf32, #tpu.memory_space<vmem>>[vector<16xi32>, vector<16xi32>], vector<16xf32>,
        %gather3A_1636 = tpu.vector_load_idx %arg7[%add3A_1630, %broadcast_in_dim3A_13] : memref<512x32xf32, #tpu.memory_space<vmem>>[vector<16xi32>, vector<16xi32>], vector<16xf32>,
        %gather3A_1637 = tpu.vector_load_idx %arg7[%add3A_1630, %broadcast_in_dim3A_15] : memref<512x32xf32, #tpu.memory_space<vmem>>[vector<16xi32>, vector<16xi32>], vector<16xf32>,
        %gather3A_1638 = tpu.vector_load_idx %arg7[%add3A_1630, %broadcast_in_dim3A_17] : memref<512x32xf32, #tpu.memory_space<vmem>>[vector<16xi32>, vector<16xi32>], vector<16xf32>,
        %gather3A_1639 = tpu.vector_load_idx %arg7[%add3A_1630, %broadcast_in_dim3A_19] : memref<512x32xf32, #tpu.memory_space<vmem>>[vector<16xi32>, vector<16xi32>], vector<16xf32>,
        %gather3A_1640 = tpu.vector_load_idx %arg7[%add3A_1630, %broadcast_in_dim3A_21] : memref<512x32xf32, #tpu.memory_space<vmem>>[vector<16xi32>, vector<16xi32>], vector<16xf32>,
        %gather3A_1641 = tpu.vector_load_idx %arg7[%add3A_1630, %broadcast_in_dim3A_23] : memref<512x32xf32, #tpu.memory_space<vmem>>[vector<16xi32>, vector<16xi32>], vector<16xf32>,
        %gather3A_1642 = tpu.vector_load_idx %arg7[%add3A_1630, %broadcast_in_dim3A_25] : memref<512x32xf32, #tpu.memory_space<vmem>>[vector<16xi32>, vector<16xi32>], vector<16xf32>,
        %gather3A_1643 = tpu.vector_load_idx %arg7[%add3A_1630, %broadcast_in_dim3A_27] : memref<512x32xf32, #tpu.memory_space<vmem>>[vector<16xi32>, vector<16xi32>], vector<16xf32>,
        %gather3A_1644 = tpu.vector_load_idx %arg7[%add3A_1630, %broadcast_in_dim3A_29] : memref<512x32xf32, #tpu.memory_space<vmem>>[vector<16xi32>, vector<16xi32>], vector<16xf32>,
        %gather3A_1645 = tpu.vector_load_idx %arg7[%add3A_1630, %broadcast_in_dim3A_31] : memref<512x32xf32, #tpu.memory_space<vmem>>[vector<16xi32>, vector<16xi32>], vector<16xf32>,
        %gather3A_1646 = tpu.vector_load_idx %arg7[%add3A_1630, %broadcast_in_dim3A_33] : memref<512x32xf32, #tpu.memory_space<vmem>>[vector<16xi32>, vector<16xi32>], vector<16xf32>,
        %gather3A_1647 = tpu.vector_load_idx %arg7[%add3A_1630, %broadcast_in_dim3A_35] : memref<512x32xf32, #tpu.memory_space<vmem>>[vector<16xi32>, vector<16xi32>], vector<16xf32>,
        %gather3A_1648 = tpu.vector_load_idx %arg7[%add3A_1630, %broadcast_in_dim3A_37] : memref<512x32xf32, #tpu.memory_space<vmem>>[vector<16xi32>, vector<16xi32>], vector<16xf32>,
        %gather3A_1649 = tpu.vector_load_idx %arg7[%add3A_1630, %broadcast_in_dim3A_39] : memref<512x32xf32, #tpu.memory_space<vmem>>[vector<16xi32>, vector<16xi32>], vector<16xf32>,
        %gather3A_1650 = tpu.vector_load_idx %arg7[%add3A_1630, %broadcast_in_dim3A_41] : memref<512x32xf32, #tpu.memory_space<vmem>>[vector<16xi32>, vector<16xi32>], vector<16xf32>,
        %gather3A_1651 = tpu.vector_load_idx %arg7[%add3A_1630, %broadcast_in_dim3A_43] : memref<512x32xf32, #tpu.memory_space<vmem>>[vector<16xi32>, vector<16xi32>], vector<16xf32>,
        %gather3A_1652 = tpu.vector_load_idx %arg7[%add3A_1630, %broadcast_in_dim3A_45] : memref<512x32xf32, #tpu.memory_space<vmem>>[vector<16xi32>, vector<16xi32>], vector<16xf32>,
        %gather3A_1653 = tpu.vector_load_idx %arg7[%add3A_1630, %broadcast_in_dim3A_47] : memref<512x32xf32, #tpu.memory_space<vmem>>[vector<16xi32>, vector<16xi32>], vector<16xf32>,
        %gather3A_1654 = tpu.vector_load_idx %arg7[%add3A_1630, %broadcast_in_dim3A_49] : memref<512x32xf32, #tpu.memory_space<vmem>>[vector<16xi32>, vector<16xi32>], vector<16xf32>,
        %gather3A_1655 = tpu.vector_load_idx %arg7[%add3A_1630, %broadcast_in_dim3A_51] : memref<512x32xf32, #tpu.memory_space<vmem>>[vector<16xi32>, vector<16xi32>], vector<16xf32>,
        %gather3A_1656 = tpu.vector_load_idx %arg7[%add3A_1630, %broadcast_in_dim3A_53] : memref<512x32xf32, #tpu.memory_space<vmem>>[vector<16xi32>, vector<16xi32>], vector<16xf32>,
        %gather3A_1657 = tpu.vector_load_idx %arg7[%add3A_1630, %broadcast_in_dim3A_55] : memref<512x32xf32, #tpu.memory_space<vmem>>[vector<16xi32>, vector<16xi32>], vector<16xf32>,
        %gather3A_1658 = tpu.vector_load_idx %arg7[%add3A_1630, %broadcast_in_dim3A_57] : memref<512x32xf32, #tpu.memory_space<vmem>>[vector<16xi32>, vector<16xi32>], vector<16xf32>,
        %gather3A_1659 = tpu.vector_load_idx %arg7[%add3A_1630, %broadcast_in_dim3A_59] : memref<512x32xf32, #tpu.memory_space<vmem>>[vector<16xi32>, vector<16xi32>], vector<16xf32>,
        %gather3A_1660 = tpu.vector_load_idx %arg7[%add3A_1630, %broadcast_in_dim3A_61] : memref<512x32xf32, #tpu.memory_space<vmem>>[vector<16xi32>, vector<16xi32>], vector<16xf32>,
        %gather3A_1661 = tpu.vector_load_idx %arg7[%add3A_1630, %broadcast_in_dim3A_63] : memref<512x32xf32, #tpu.memory_space<vmem>>[vector<16xi32>, vector<16xi32>], vector<16xf32>,
        %gather3A_1662 = tpu.vector_load_idx %arg7[%add3A_1630, %broadcast_in_dim3A_65] : memref<512x32xf32, #tpu.memory_space<vmem>>[vector<16xi32>, vector<16xi32>], vector<16xf32>,
        %mul3A_1663 = arith.constant 4 : i32
        %mul3A_1664 = arith.muli %scan3A_1264, %mul3A_1663 : i32
        %add3A_1665 = arith.constant 1 : i32
        %add3A_1666 = arith.addi %mul3A_1664, %add3A_1665 : i32
        %mul3A_1667 = arith.constant 16 : i32
        %mul3A_1668 = arith.muli %add3A_1666, %mul3A_1667 : i32
        %swap3A_1669 = arith.constant 0 : i32
        %swap3A_1670 = arith.index_cast %swap3A_1669 : i32 to index
        %swap3A_1671 = arith.index_cast %mul3A_1668 : i32 to index
        %swap3A_1672 = tpu.vector_load %arg9[%swap3A_1670, %swap3A_1671] {strides = array<i32>} : memref<32x512xf32, #tpu.memory_space<vmem>>, vector<16xf32>,
        tpu.vector_store %arg9[%swap3A_1670, %swap3A_1671], %gather3A_1631 {strides = array<i32>} : memref<32x512xf32, #tpu.memory_space<vmem>>, vector<16xf32>,
        %mul3A_1673 = arith.constant 4 : i32
        %mul3A_1674 = arith.muli %scan3A_1264, %mul3A_1673 : i32
        %add3A_1675 = arith.constant 1 : i32
        %add3A_1676 = arith.addi %mul3A_1674, %add3A_1675 : i32
        %mul3A_1677 = arith.constant 16 : i32
        %mul3A_1678 = arith.muli %add3A_1676, %mul3A_1677 : i32
        %swap3A_1679 = arith.constant 1 : i32
        %swap3A_1680 = arith.index_cast %swap3A_1679 : i32 to index
        %swap3A_1681 = arith.index_cast %mul3A_1678 : i32 to index
        %swap3A_1682 = tpu.vector_load %arg9[%swap3A_1680, %swap3A_1681] {strides = array<i32>} : memref<32x512xf32, #tpu.memory_space<vmem>>, vector<16xf32>,
        tpu.vector_store %arg9[%swap3A_1680, %swap3A_1681], %gather3A_1632 {strides = array<i32>} : memref<32x512xf32, #tpu.memory_space<vmem>>, vector<16xf32>,
        %mul3A_1683 = arith.constant 4 : i32
        %mul3A_1684 = arith.muli %scan3A_1264, %mul3A_1683 : i32
        %add3A_1685 = arith.constant 1 : i32
        %add3A_1686 = arith.addi %mul3A_1684, %add3A_1685 : i32
        %mul3A_1687 = arith.constant 16 : i32
        %mul3A_1688 = arith.muli %add3A_1686, %mul3A_1687 : i32
        %swap3A_1689 = arith.constant 2 : i32
        %swap3A_1690 = arith.index_cast %swap3A_1689 : i32 to index
        %swap3A_1691 = arith.index_cast %mul3A_1688 : i32 to index
        %swap3A_1692 = tpu.vector_load %arg9[%swap3A_1690, %swap3A_1691] {strides = array<i32>} : memref<32x512xf32, #tpu.memory_space<vmem>>, vector<16xf32>,
        tpu.vector_store %arg9[%swap3A_1690, %swap3A_1691], %gather3A_1633 {strides = array<i32>} : memref<32x512xf32, #tpu.memory_space<vmem>>, vector<16xf32>,
        %mul3A_1693 = arith.constant 4 : i32
        %mul3A_1694 = arith.muli %scan3A_1264, %mul3A_1693 : i32
        %add3A_1695 = arith.constant 1 : i32
        %add3A_1696 = arith.addi %mul3A_1694, %add3A_1695 : i32
        %mul3A_1697 = arith.constant 16 : i32
        %mul3A_1698 = arith.muli %add3A_1696, %mul3A_1697 : i32
        %swap3A_1699 = arith.constant 3 : i32
        %swap3A_1700 = arith.index_cast %swap3A_1699 : i32 to index
        %swap3A_1701 = arith.index_cast %mul3A_1698 : i32 to index
        %swap3A_1702 = tpu.vector_load %arg9[%swap3A_1700, %swap3A_1701] {strides = array<i32>} : memref<32x512xf32, #tpu.memory_space<vmem>>, vector<16xf32>,
        tpu.vector_store %arg9[%swap3A_1700, %swap3A_1701], %gather3A_1634 {strides = array<i32>} : memref<32x512xf32, #tpu.memory_space<vmem>>, vector<16xf32>,
        %mul3A_1703 = arith.constant 4 : i32
        %mul3A_1704 = arith.muli %scan3A_1264, %mul3A_1703 : i32
        %add3A_1705 = arith.constant 1 : i32
        %add3A_1706 = arith.addi %mul3A_1704, %add3A_1705 : i32
        %mul3A_1707 = arith.constant 16 : i32
        %mul3A_1708 = arith.muli %add3A_1706, %mul3A_1707 : i32
        %swap3A_1709 = arith.constant 4 : i32
        %swap3A_1710 = arith.index_cast %swap3A_1709 : i32 to index
        %swap3A_1711 = arith.index_cast %mul3A_1708 : i32 to index
        %swap3A_1712 = tpu.vector_load %arg9[%swap3A_1710, %swap3A_1711] {strides = array<i32>} : memref<32x512xf32, #tpu.memory_space<vmem>>, vector<16xf32>,
        tpu.vector_store %arg9[%swap3A_1710, %swap3A_1711], %gather3A_1635 {strides = array<i32>} : memref<32x512xf32, #tpu.memory_space<vmem>>, vector<16xf32>,
        %mul3A_1713 = arith.constant 4 : i32
        %mul3A_1714 = arith.muli %scan3A_1264, %mul3A_1713 : i32
        %add3A_1715 = arith.constant 1 : i32
        %add3A_1716 = arith.addi %mul3A_1714, %add3A_1715 : i32
        %mul3A_1717 = arith.constant 16 : i32
        %mul3A_1718 = arith.muli %add3A_1716, %mul3A_1717 : i32
        %swap3A_1719 = arith.constant 5 : i32
        %swap3A_1720 = arith.index_cast %swap3A_1719 : i32 to index
        %swap3A_1721 = arith.index_cast %mul3A_1718 : i32 to index
        %swap3A_1722 = tpu.vector_load %arg9[%swap3A_1720, %swap3A_1721] {strides = array<i32>} : memref<32x512xf32, #tpu.memory_space<vmem>>, vector<16xf32>,
        tpu.vector_store %arg9[%swap3A_1720, %swap3A_1721], %gather3A_1636 {strides = array<i32>} : memref<32x512xf32, #tpu.memory_space<vmem>>, vector<16xf32>,
        %mul3A_1723 = arith.constant 4 : i32
        %mul3A_1724 = arith.muli %scan3A_1264, %mul3A_1723 : i32
        %add3A_1725 = arith.constant 1 : i32
        %add3A_1726 = arith.addi %mul3A_1724, %add3A_1725 : i32
        %mul3A_1727 = arith.constant 16 : i32
        %mul3A_1728 = arith.muli %add3A_1726, %mul3A_1727 : i32
        %swap3A_1729 = arith.constant 6 : i32
        %swap3A_1730 = arith.index_cast %swap3A_1729 : i32 to index
        %swap3A_1731 = arith.index_cast %mul3A_1728 : i32 to index
        %swap3A_1732 = tpu.vector_load %arg9[%swap3A_1730, %swap3A_1731] {strides = array<i32>} : memref<32x512xf32, #tpu.memory_space<vmem>>, vector<16xf32>,
        tpu.vector_store %arg9[%swap3A_1730, %swap3A_1731], %gather3A_1637 {strides = array<i32>} : memref<32x512xf32, #tpu.memory_space<vmem>>, vector<16xf32>,
        %mul3A_1733 = arith.constant 4 : i32
        %mul3A_1734 = arith.muli %scan3A_1264, %mul3A_1733 : i32
        %add3A_1735 = arith.constant 1 : i32
        %add3A_1736 = arith.addi %mul3A_1734, %add3A_1735 : i32
        %mul3A_1737 = arith.constant 16 : i32
        %mul3A_1738 = arith.muli %add3A_1736, %mul3A_1737 : i32
        %swap3A_1739 = arith.constant 7 : i32
        %swap3A_1740 = arith.index_cast %swap3A_1739 : i32 to index
        %swap3A_1741 = arith.index_cast %mul3A_1738 : i32 to index
        %swap3A_1742 = tpu.vector_load %arg9[%swap3A_1740, %swap3A_1741] {strides = array<i32>} : memref<32x512xf32, #tpu.memory_space<vmem>>, vector<16xf32>,
        tpu.vector_store %arg9[%swap3A_1740, %swap3A_1741], %gather3A_1638 {strides = array<i32>} : memref<32x512xf32, #tpu.memory_space<vmem>>, vector<16xf32>,
        %mul3A_1743 = arith.constant 4 : i32
        %mul3A_1744 = arith.muli %scan3A_1264, %mul3A_1743 : i32
        %add3A_1745 = arith.constant 1 : i32
        %add3A_1746 = arith.addi %mul3A_1744, %add3A_1745 : i32
        %mul3A_1747 = arith.constant 16 : i32
        %mul3A_1748 = arith.muli %add3A_1746, %mul3A_1747 : i32
        %swap3A_1749 = arith.constant 8 : i32
        %swap3A_1750 = arith.index_cast %swap3A_1749 : i32 to index
        %swap3A_1751 = arith.index_cast %mul3A_1748 : i32 to index
        %swap3A_1752 = tpu.vector_load %arg9[%swap3A_1750, %swap3A_1751] {strides = array<i32>} : memref<32x512xf32, #tpu.memory_space<vmem>>, vector<16xf32>,
        tpu.vector_store %arg9[%swap3A_1750, %swap3A_1751], %gather3A_1639 {strides = array<i32>} : memref<32x512xf32, #tpu.memory_space<vmem>>, vector<16xf32>,
        %mul3A_1753 = arith.constant 4 : i32
        %mul3A_1754 = arith.muli %scan3A_1264, %mul3A_1753 : i32
        %add3A_1755 = arith.constant 1 : i32
        %add3A_1756 = arith.addi %mul3A_1754, %add3A_1755 : i32
        %mul3A_1757 = arith.constant 16 : i32
        %mul3A_1758 = arith.muli %add3A_1756, %mul3A_1757 : i32
        %swap3A_1759 = arith.constant 9 : i32
        %swap3A_1760 = arith.index_cast %swap3A_1759 : i32 to index
        %swap3A_1761 = arith.index_cast %mul3A_1758 : i32 to index
        %swap3A_1762 = tpu.vector_load %arg9[%swap3A_1760, %swap3A_1761] {strides = array<i32>} : memref<32x512xf32, #tpu.memory_space<vmem>>, vector<16xf32>,
        tpu.vector_store %arg9[%swap3A_1760, %swap3A_1761], %gather3A_1640 {strides = array<i32>} : memref<32x512xf32, #tpu.memory_space<vmem>>, vector<16xf32>,
        %mul3A_1763 = arith.constant 4 : i32
        %mul3A_1764 = arith.muli %scan3A_1264, %mul3A_1763 : i32
        %add3A_1765 = arith.constant 1 : i32
        %add3A_1766 = arith.addi %mul3A_1764, %add3A_1765 : i32
        %mul3A_1767 = arith.constant 16 : i32
        %mul3A_1768 = arith.muli %add3A_1766, %mul3A_1767 : i32
        %swap3A_1769 = arith.constant 10 : i32
        %swap3A_1770 = arith.index_cast %swap3A_1769 : i32 to index
        %swap3A_1771 = arith.index_cast %mul3A_1768 : i32 to index
        %swap3A_1772 = tpu.vector_load %arg9[%swap3A_1770, %swap3A_1771] {strides = array<i32>} : memref<32x512xf32, #tpu.memory_space<vmem>>, vector<16xf32>,
        tpu.vector_store %arg9[%swap3A_1770, %swap3A_1771], %gather3A_1641 {strides = array<i32>} : memref<32x512xf32, #tpu.memory_space<vmem>>, vector<16xf32>,
        %mul3A_1773 = arith.constant 4 : i32
        %mul3A_1774 = arith.muli %scan3A_1264, %mul3A_1773 : i32
        %add3A_1775 = arith.constant 1 : i32
        %add3A_1776 = arith.addi %mul3A_1774, %add3A_1775 : i32
        %mul3A_1777 = arith.constant 16 : i32
        %mul3A_1778 = arith.muli %add3A_1776, %mul3A_1777 : i32
        %swap3A_1779 = arith.constant 11 : i32
        %swap3A_1780 = arith.index_cast %swap3A_1779 : i32 to index
        %swap3A_1781 = arith.index_cast %mul3A_1778 : i32 to index
        %swap3A_1782 = tpu.vector_load %arg9[%swap3A_1780, %swap3A_1781] {strides = array<i32>} : memref<32x512xf32, #tpu.memory_space<vmem>>, vector<16xf32>,
        tpu.vector_store %arg9[%swap3A_1780, %swap3A_1781], %gather3A_1642 {strides = array<i32>} : memref<32x512xf32, #tpu.memory_space<vmem>>, vector<16xf32>,
        %mul3A_1783 = arith.constant 4 : i32
        %mul3A_1784 = arith.muli %scan3A_1264, %mul3A_1783 : i32
        %add3A_1785 = arith.constant 1 : i32
        %add3A_1786 = arith.addi %mul3A_1784, %add3A_1785 : i32
        %mul3A_1787 = arith.constant 16 : i32
        %mul3A_1788 = arith.muli %add3A_1786, %mul3A_1787 : i32
        %swap3A_1789 = arith.constant 12 : i32
        %swap3A_1790 = arith.index_cast %swap3A_1789 : i32 to index
        %swap3A_1791 = arith.index_cast %mul3A_1788 : i32 to index
        %swap3A_1792 = tpu.vector_load %arg9[%swap3A_1790, %swap3A_1791] {strides = array<i32>} : memref<32x512xf32, #tpu.memory_space<vmem>>, vector<16xf32>,
        tpu.vector_store %arg9[%swap3A_1790, %swap3A_1791], %gather3A_1643 {strides = array<i32>} : memref<32x512xf32, #tpu.memory_space<vmem>>, vector<16xf32>,
        %mul3A_1793 = arith.constant 4 : i32
        %mul3A_1794 = arith.muli %scan3A_1264, %mul3A_1793 : i32
        %add3A_1795 = arith.constant 1 : i32
        %add3A_1796 = arith.addi %mul3A_1794, %add3A_1795 : i32
        %mul3A_1797 = arith.constant 16 : i32
        %mul3A_1798 = arith.muli %add3A_1796, %mul3A_1797 : i32
        %swap3A_1799 = arith.constant 13 : i32
        %swap3A_1800 = arith.index_cast %swap3A_1799 : i32 to index
        %swap3A_1801 = arith.index_cast %mul3A_1798 : i32 to index
        %swap3A_1802 = tpu.vector_load %arg9[%swap3A_1800, %swap3A_1801] {strides = array<i32>} : memref<32x512xf32, #tpu.memory_space<vmem>>, vector<16xf32>,
        tpu.vector_store %arg9[%swap3A_1800, %swap3A_1801], %gather3A_1644 {strides = array<i32>} : memref<32x512xf32, #tpu.memory_space<vmem>>, vector<16xf32>,
        %mul3A_1803 = arith.constant 4 : i32
        %mul3A_1804 = arith.muli %scan3A_1264, %mul3A_1803 : i32
        %add3A_1805 = arith.constant 1 : i32
        %add3A_1806 = arith.addi %mul3A_1804, %add3A_1805 : i32
        %mul3A_1807 = arith.constant 16 : i32
        %mul3A_1808 = arith.muli %add3A_1806, %mul3A_1807 : i32
        %swap3A_1809 = arith.constant 14 : i32
        %swap3A_1810 = arith.index_cast %swap3A_1809 : i32 to index
        %swap3A_1811 = arith.index_cast %mul3A_1808 : i32 to index
        %swap3A_1812 = tpu.vector_load %arg9[%swap3A_1810, %swap3A_1811] {strides = array<i32>} : memref<32x512xf32, #tpu.memory_space<vmem>>, vector<16xf32>,
        tpu.vector_store %arg9[%swap3A_1810, %swap3A_1811], %gather3A_1645 {strides = array<i32>} : memref<32x512xf32, #tpu.memory_space<vmem>>, vector<16xf32>,
        %mul3A_1813 = arith.constant 4 : i32
        %mul3A_1814 = arith.muli %scan3A_1264, %mul3A_1813 : i32
        %add3A_1815 = arith.constant 1 : i32
        %add3A_1816 = arith.addi %mul3A_1814, %add3A_1815 : i32
        %mul3A_1817 = arith.constant 16 : i32
        %mul3A_1818 = arith.muli %add3A_1816, %mul3A_1817 : i32
        %swap3A_1819 = arith.constant 15 : i32
        %swap3A_1820 = arith.index_cast %swap3A_1819 : i32 to index
        %swap3A_1821 = arith.index_cast %mul3A_1818 : i32 to index
        %swap3A_1822 = tpu.vector_load %arg9[%swap3A_1820, %swap3A_1821] {strides = array<i32>} : memref<32x512xf32, #tpu.memory_space<vmem>>, vector<16xf32>,
        tpu.vector_store %arg9[%swap3A_1820, %swap3A_1821], %gather3A_1646 {strides = array<i32>} : memref<32x512xf32, #tpu.memory_space<vmem>>, vector<16xf32>,
        %mul3A_1823 = arith.constant 4 : i32
        %mul3A_1824 = arith.muli %scan3A_1264, %mul3A_1823 : i32
        %add3A_1825 = arith.constant 1 : i32
        %add3A_1826 = arith.addi %mul3A_1824, %add3A_1825 : i32
        %mul3A_1827 = arith.constant 16 : i32
        %mul3A_1828 = arith.muli %add3A_1826, %mul3A_1827 : i32
        %swap3A_1829 = arith.constant 16 : i32
        %swap3A_1830 = arith.index_cast %swap3A_1829 : i32 to index
        %swap3A_1831 = arith.index_cast %mul3A_1828 : i32 to index
        %swap3A_1832 = tpu.vector_load %arg9[%swap3A_1830, %swap3A_1831] {strides = array<i32>} : memref<32x512xf32, #tpu.memory_space<vmem>>, vector<16xf32>,
        tpu.vector_store %arg9[%swap3A_1830, %swap3A_1831], %gather3A_1647 {strides = array<i32>} : memref<32x512xf32, #tpu.memory_space<vmem>>, vector<16xf32>,
        %mul3A_1833 = arith.constant 4 : i32
        %mul3A_1834 = arith.muli %scan3A_1264, %mul3A_1833 : i32
        %add3A_1835 = arith.constant 1 : i32
        %add3A_1836 = arith.addi %mul3A_1834, %add3A_1835 : i32
        %mul3A_1837 = arith.constant 16 : i32
        %mul3A_1838 = arith.muli %add3A_1836, %mul3A_1837 : i32
        %swap3A_1839 = arith.constant 17 : i32
        %swap3A_1840 = arith.index_cast %swap3A_1839 : i32 to index
        %swap3A_1841 = arith.index_cast %mul3A_1838 : i32 to index
        %swap3A_1842 = tpu.vector_load %arg9[%swap3A_1840, %swap3A_1841] {strides = array<i32>} : memref<32x512xf32, #tpu.memory_space<vmem>>, vector<16xf32>,
        tpu.vector_store %arg9[%swap3A_1840, %swap3A_1841], %gather3A_1648 {strides = array<i32>} : memref<32x512xf32, #tpu.memory_space<vmem>>, vector<16xf32>,
        %mul3A_1843 = arith.constant 4 : i32
        %mul3A_1844 = arith.muli %scan3A_1264, %mul3A_1843 : i32
        %add3A_1845 = arith.constant 1 : i32
        %add3A_1846 = arith.addi %mul3A_1844, %add3A_1845 : i32
        %mul3A_1847 = arith.constant 16 : i32
        %mul3A_1848 = arith.muli %add3A_1846, %mul3A_1847 : i32
        %swap3A_1849 = arith.constant 18 : i32
        %swap3A_1850 = arith.index_cast %swap3A_1849 : i32 to index
        %swap3A_1851 = arith.index_cast %mul3A_1848 : i32 to index
        %swap3A_1852 = tpu.vector_load %arg9[%swap3A_1850, %swap3A_1851] {strides = array<i32>} : memref<32x512xf32, #tpu.memory_space<vmem>>, vector<16xf32>,
        tpu.vector_store %arg9[%swap3A_1850, %swap3A_1851], %gather3A_1649 {strides = array<i32>} : memref<32x512xf32, #tpu.memory_space<vmem>>, vector<16xf32>,
        %mul3A_1853 = arith.constant 4 : i32
        %mul3A_1854 = arith.muli %scan3A_1264, %mul3A_1853 : i32
        %add3A_1855 = arith.constant 1 : i32
        %add3A_1856 = arith.addi %mul3A_1854, %add3A_1855 : i32
        %mul3A_1857 = arith.constant 16 : i32
        %mul3A_1858 = arith.muli %add3A_1856, %mul3A_1857 : i32
        %swap3A_1859 = arith.constant 19 : i32
        %swap3A_1860 = arith.index_cast %swap3A_1859 : i32 to index
        %swap3A_1861 = arith.index_cast %mul3A_1858 : i32 to index
        %swap3A_1862 = tpu.vector_load %arg9[%swap3A_1860, %swap3A_1861] {strides = array<i32>} : memref<32x512xf32, #tpu.memory_space<vmem>>, vector<16xf32>,
        tpu.vector_store %arg9[%swap3A_1860, %swap3A_1861], %gather3A_1650 {strides = array<i32>} : memref<32x512xf32, #tpu.memory_space<vmem>>, vector<16xf32>,
        %mul3A_1863 = arith.constant 4 : i32
        %mul3A_1864 = arith.muli %scan3A_1264, %mul3A_1863 : i32
        %add3A_1865 = arith.constant 1 : i32
        %add3A_1866 = arith.addi %mul3A_1864, %add3A_1865 : i32
        %mul3A_1867 = arith.constant 16 : i32
        %mul3A_1868 = arith.muli %add3A_1866, %mul3A_1867 : i32
        %swap3A_1869 = arith.constant 20 : i32
        %swap3A_1870 = arith.index_cast %swap3A_1869 : i32 to index
        %swap3A_1871 = arith.index_cast %mul3A_1868 : i32 to index
        %swap3A_1872 = tpu.vector_load %arg9[%swap3A_1870, %swap3A_1871] {strides = array<i32>} : memref<32x512xf32, #tpu.memory_space<vmem>>, vector<16xf32>,
        tpu.vector_store %arg9[%swap3A_1870, %swap3A_1871], %gather3A_1651 {strides = array<i32>} : memref<32x512xf32, #tpu.memory_space<vmem>>, vector<16xf32>,
        %mul3A_1873 = arith.constant 4 : i32
        %mul3A_1874 = arith.muli %scan3A_1264, %mul3A_1873 : i32
        %add3A_1875 = arith.constant 1 : i32
        %add3A_1876 = arith.addi %mul3A_1874, %add3A_1875 : i32
        %mul3A_1877 = arith.constant 16 : i32
        %mul3A_1878 = arith.muli %add3A_1876, %mul3A_1877 : i32
        %swap3A_1879 = arith.constant 21 : i32
        %swap3A_1880 = arith.index_cast %swap3A_1879 : i32 to index
        %swap3A_1881 = arith.index_cast %mul3A_1878 : i32 to index
        %swap3A_1882 = tpu.vector_load %arg9[%swap3A_1880, %swap3A_1881] {strides = array<i32>} : memref<32x512xf32, #tpu.memory_space<vmem>>, vector<16xf32>,
        tpu.vector_store %arg9[%swap3A_1880, %swap3A_1881], %gather3A_1652 {strides = array<i32>} : memref<32x512xf32, #tpu.memory_space<vmem>>, vector<16xf32>,
        %mul3A_1883 = arith.constant 4 : i32
        %mul3A_1884 = arith.muli %scan3A_1264, %mul3A_1883 : i32
        %add3A_1885 = arith.constant 1 : i32
        %add3A_1886 = arith.addi %mul3A_1884, %add3A_1885 : i32
        %mul3A_1887 = arith.constant 16 : i32
        %mul3A_1888 = arith.muli %add3A_1886, %mul3A_1887 : i32
        %swap3A_1889 = arith.constant 22 : i32
        %swap3A_1890 = arith.index_cast %swap3A_1889 : i32 to index
        %swap3A_1891 = arith.index_cast %mul3A_1888 : i32 to index
        %swap3A_1892 = tpu.vector_load %arg9[%swap3A_1890, %swap3A_1891] {strides = array<i32>} : memref<32x512xf32, #tpu.memory_space<vmem>>, vector<16xf32>,
        tpu.vector_store %arg9[%swap3A_1890, %swap3A_1891], %gather3A_1653 {strides = array<i32>} : memref<32x512xf32, #tpu.memory_space<vmem>>, vector<16xf32>,
        %mul3A_1893 = arith.constant 4 : i32
        %mul3A_1894 = arith.muli %scan3A_1264, %mul3A_1893 : i32
        %add3A_1895 = arith.constant 1 : i32
        %add3A_1896 = arith.addi %mul3A_1894, %add3A_1895 : i32
        %mul3A_1897 = arith.constant 16 : i32
        %mul3A_1898 = arith.muli %add3A_1896, %mul3A_1897 : i32
        %swap3A_1899 = arith.constant 23 : i32
        %swap3A_1900 = arith.index_cast %swap3A_1899 : i32 to index
        %swap3A_1901 = arith.index_cast %mul3A_1898 : i32 to index
        %swap3A_1902 = tpu.vector_load %arg9[%swap3A_1900, %swap3A_1901] {strides = array<i32>} : memref<32x512xf32, #tpu.memory_space<vmem>>, vector<16xf32>,
        tpu.vector_store %arg9[%swap3A_1900, %swap3A_1901], %gather3A_1654 {strides = array<i32>} : memref<32x512xf32, #tpu.memory_space<vmem>>, vector<16xf32>,
        %mul3A_1903 = arith.constant 4 : i32
        %mul3A_1904 = arith.muli %scan3A_1264, %mul3A_1903 : i32
        %add3A_1905 = arith.constant 1 : i32
        %add3A_1906 = arith.addi %mul3A_1904, %add3A_1905 : i32
        %mul3A_1907 = arith.constant 16 : i32
        %mul3A_1908 = arith.muli %add3A_1906, %mul3A_1907 : i32
        %swap3A_1909 = arith.constant 24 : i32
        %swap3A_1910 = arith.index_cast %swap3A_1909 : i32 to index
        %swap3A_1911 = arith.index_cast %mul3A_1908 : i32 to index
        %swap3A_1912 = tpu.vector_load %arg9[%swap3A_1910, %swap3A_1911] {strides = array<i32>} : memref<32x512xf32, #tpu.memory_space<vmem>>, vector<16xf32>,
        tpu.vector_store %arg9[%swap3A_1910, %swap3A_1911], %gather3A_1655 {strides = array<i32>} : memref<32x512xf32, #tpu.memory_space<vmem>>, vector<16xf32>,
        %mul3A_1913 = arith.constant 4 : i32
        %mul3A_1914 = arith.muli %scan3A_1264, %mul3A_1913 : i32
        %add3A_1915 = arith.constant 1 : i32
        %add3A_1916 = arith.addi %mul3A_1914, %add3A_1915 : i32
        %mul3A_1917 = arith.constant 16 : i32
        %mul3A_1918 = arith.muli %add3A_1916, %mul3A_1917 : i32
        %swap3A_1919 = arith.constant 25 : i32
        %swap3A_1920 = arith.index_cast %swap3A_1919 : i32 to index
        %swap3A_1921 = arith.index_cast %mul3A_1918 : i32 to index
        %swap3A_1922 = tpu.vector_load %arg9[%swap3A_1920, %swap3A_1921] {strides = array<i32>} : memref<32x512xf32, #tpu.memory_space<vmem>>, vector<16xf32>,
        tpu.vector_store %arg9[%swap3A_1920, %swap3A_1921], %gather3A_1656 {strides = array<i32>} : memref<32x512xf32, #tpu.memory_space<vmem>>, vector<16xf32>,
        %mul3A_1923 = arith.constant 4 : i32
        %mul3A_1924 = arith.muli %scan3A_1264, %mul3A_1923 : i32
        %add3A_1925 = arith.constant 1 : i32
        %add3A_1926 = arith.addi %mul3A_1924, %add3A_1925 : i32
        %mul3A_1927 = arith.constant 16 : i32
        %mul3A_1928 = arith.muli %add3A_1926, %mul3A_1927 : i32
        %swap3A_1929 = arith.constant 26 : i32
        %swap3A_1930 = arith.index_cast %swap3A_1929 : i32 to index
        %swap3A_1931 = arith.index_cast %mul3A_1928 : i32 to index
        %swap3A_1932 = tpu.vector_load %arg9[%swap3A_1930, %swap3A_1931] {strides = array<i32>} : memref<32x512xf32, #tpu.memory_space<vmem>>, vector<16xf32>,
        tpu.vector_store %arg9[%swap3A_1930, %swap3A_1931], %gather3A_1657 {strides = array<i32>} : memref<32x512xf32, #tpu.memory_space<vmem>>, vector<16xf32>,
        %mul3A_1933 = arith.constant 4 : i32
        %mul3A_1934 = arith.muli %scan3A_1264, %mul3A_1933 : i32
        %add3A_1935 = arith.constant 1 : i32
        %add3A_1936 = arith.addi %mul3A_1934, %add3A_1935 : i32
        %mul3A_1937 = arith.constant 16 : i32
        %mul3A_1938 = arith.muli %add3A_1936, %mul3A_1937 : i32
        %swap3A_1939 = arith.constant 27 : i32
        %swap3A_1940 = arith.index_cast %swap3A_1939 : i32 to index
        %swap3A_1941 = arith.index_cast %mul3A_1938 : i32 to index
        %swap3A_1942 = tpu.vector_load %arg9[%swap3A_1940, %swap3A_1941] {strides = array<i32>} : memref<32x512xf32, #tpu.memory_space<vmem>>, vector<16xf32>,
        tpu.vector_store %arg9[%swap3A_1940, %swap3A_1941], %gather3A_1658 {strides = array<i32>} : memref<32x512xf32, #tpu.memory_space<vmem>>, vector<16xf32>,
        %mul3A_1943 = arith.constant 4 : i32
        %mul3A_1944 = arith.muli %scan3A_1264, %mul3A_1943 : i32
        %add3A_1945 = arith.constant 1 : i32
        %add3A_1946 = arith.addi %mul3A_1944, %add3A_1945 : i32
        %mul3A_1947 = arith.constant 16 : i32
        %mul3A_1948 = arith.muli %add3A_1946, %mul3A_1947 : i32
        %swap3A_1949 = arith.constant 28 : i32
        %swap3A_1950 = arith.index_cast %swap3A_1949 : i32 to index
        %swap3A_1951 = arith.index_cast %mul3A_1948 : i32 to index
        %swap3A_1952 = tpu.vector_load %arg9[%swap3A_1950, %swap3A_1951] {strides = array<i32>} : memref<32x512xf32, #tpu.memory_space<vmem>>, vector<16xf32>,
        tpu.vector_store %arg9[%swap3A_1950, %swap3A_1951], %gather3A_1659 {strides = array<i32>} : memref<32x512xf32, #tpu.memory_space<vmem>>, vector<16xf32>,
        %mul3A_1953 = arith.constant 4 : i32
        %mul3A_1954 = arith.muli %scan3A_1264, %mul3A_1953 : i32
        %add3A_1955 = arith.constant 1 : i32
        %add3A_1956 = arith.addi %mul3A_1954, %add3A_1955 : i32
        %mul3A_1957 = arith.constant 16 : i32
        %mul3A_1958 = arith.muli %add3A_1956, %mul3A_1957 : i32
        %swap3A_1959 = arith.constant 29 : i32
        %swap3A_1960 = arith.index_cast %swap3A_1959 : i32 to index
        %swap3A_1961 = arith.index_cast %mul3A_1958 : i32 to index
        %swap3A_1962 = tpu.vector_load %arg9[%swap3A_1960, %swap3A_1961] {strides = array<i32>} : memref<32x512xf32, #tpu.memory_space<vmem>>, vector<16xf32>,
        tpu.vector_store %arg9[%swap3A_1960, %swap3A_1961], %gather3A_1660 {strides = array<i32>} : memref<32x512xf32, #tpu.memory_space<vmem>>, vector<16xf32>,
        %mul3A_1963 = arith.constant 4 : i32
        %mul3A_1964 = arith.muli %scan3A_1264, %mul3A_1963 : i32
        %add3A_1965 = arith.constant 1 : i32
        %add3A_1966 = arith.addi %mul3A_1964, %add3A_1965 : i32
        %mul3A_1967 = arith.constant 16 : i32
        %mul3A_1968 = arith.muli %add3A_1966, %mul3A_1967 : i32
        %swap3A_1969 = arith.constant 30 : i32
        %swap3A_1970 = arith.index_cast %swap3A_1969 : i32 to index
        %swap3A_1971 = arith.index_cast %mul3A_1968 : i32 to index
        %swap3A_1972 = tpu.vector_load %arg9[%swap3A_1970, %swap3A_1971] {strides = array<i32>} : memref<32x512xf32, #tpu.memory_space<vmem>>, vector<16xf32>,
        tpu.vector_store %arg9[%swap3A_1970, %swap3A_1971], %gather3A_1661 {strides = array<i32>} : memref<32x512xf32, #tpu.memory_space<vmem>>, vector<16xf32>,
        %mul3A_1973 = arith.constant 4 : i32
        %mul3A_1974 = arith.muli %scan3A_1264, %mul3A_1973 : i32
        %add3A_1975 = arith.constant 1 : i32
        %add3A_1976 = arith.addi %mul3A_1974, %add3A_1975 : i32
        %mul3A_1977 = arith.constant 16 : i32
        %mul3A_1978 = arith.muli %add3A_1976, %mul3A_1977 : i32
        %swap3A_1979 = arith.constant 31 : i32
        %swap3A_1980 = arith.index_cast %swap3A_1979 : i32 to index
        %swap3A_1981 = arith.index_cast %mul3A_1978 : i32 to index
        %swap3A_1982 = tpu.vector_load %arg9[%swap3A_1980, %swap3A_1981] {strides = array<i32>} : memref<32x512xf32, #tpu.memory_space<vmem>>, vector<16xf32>,
        tpu.vector_store %arg9[%swap3A_1980, %swap3A_1981], %gather3A_1662 {strides = array<i32>} : memref<32x512xf32, #tpu.memory_space<vmem>>, vector<16xf32>,
        %mul3A_1983 = arith.constant 4 : i32
        %mul3A_1984 = arith.muli %scan3A_1264, %mul3A_1983 : i32
        %add3A_1985 = arith.constant 2 : i32
        %add3A_1986 = arith.addi %mul3A_1984, %add3A_1985 : i32
        %mul3A_1987 = arith.constant 16 : i32
        %mul3A_1988 = arith.muli %add3A_1986, %mul3A_1987 : i32
        %add3A_1989 = vector.broadcast %mul3A_1988 : i32 to vector<16xi32>
        %add3A_1990 = arith.addi %add3A_1989, %iota3A : vector<16xi32>
        %gather3A_1991 = tpu.vector_load_idx %arg7[%add3A_1990, %broadcast_in_dim3A_3] : memref<512x32xf32, #tpu.memory_space<vmem>>[vector<16xi32>, vector<16xi32>], vector<16xf32>,
        %gather3A_1992 = tpu.vector_load_idx %arg7[%add3A_1990, %broadcast_in_dim3A_5] : memref<512x32xf32, #tpu.memory_space<vmem>>[vector<16xi32>, vector<16xi32>], vector<16xf32>,
        %gather3A_1993 = tpu.vector_load_idx %arg7[%add3A_1990, %broadcast_in_dim3A_7] : memref<512x32xf32, #tpu.memory_space<vmem>>[vector<16xi32>, vector<16xi32>], vector<16xf32>,
        %gather3A_1994 = tpu.vector_load_idx %arg7[%add3A_1990, %broadcast_in_dim3A_9] : memref<512x32xf32, #tpu.memory_space<vmem>>[vector<16xi32>, vector<16xi32>], vector<16xf32>,
        %gather3A_1995 = tpu.vector_load_idx %arg7[%add3A_1990, %broadcast_in_dim3A_11] : memref<512x32xf32, #tpu.memory_space<vmem>>[vector<16xi32>, vector<16xi32>], vector<16xf32>,
        %gather3A_1996 = tpu.vector_load_idx %arg7[%add3A_1990, %broadcast_in_dim3A_13] : memref<512x32xf32, #tpu.memory_space<vmem>>[vector<16xi32>, vector<16xi32>], vector<16xf32>,
        %gather3A_1997 = tpu.vector_load_idx %arg7[%add3A_1990, %broadcast_in_dim3A_15] : memref<512x32xf32, #tpu.memory_space<vmem>>[vector<16xi32>, vector<16xi32>], vector<16xf32>,
        %gather3A_1998 = tpu.vector_load_idx %arg7[%add3A_1990, %broadcast_in_dim3A_17] : memref<512x32xf32, #tpu.memory_space<vmem>>[vector<16xi32>, vector<16xi32>], vector<16xf32>,
        %gather3A_1999 = tpu.vector_load_idx %arg7[%add3A_1990, %broadcast_in_dim3A_19] : memref<512x32xf32, #tpu.memory_space<vmem>>[vector<16xi32>, vector<16xi32>], vector<16xf32>,
        %gather3A_2000 = tpu.vector_load_idx %arg7[%add3A_1990, %broadcast_in_dim3A_21] : memref<512x32xf32, #tpu.memory_space<vmem>>[vector<16xi32>, vector<16xi32>], vector<16xf32>,
        %gather3A_2001 = tpu.vector_load_idx %arg7[%add3A_1990, %broadcast_in_dim3A_23] : memref<512x32xf32, #tpu.memory_space<vmem>>[vector<16xi32>, vector<16xi32>], vector<16xf32>,
        %gather3A_2002 = tpu.vector_load_idx %arg7[%add3A_1990, %broadcast_in_dim3A_25] : memref<512x32xf32, #tpu.memory_space<vmem>>[vector<16xi32>, vector<16xi32>], vector<16xf32>,
        %gather3A_2003 = tpu.vector_load_idx %arg7[%add3A_1990, %broadcast_in_dim3A_27] : memref<512x32xf32, #tpu.memory_space<vmem>>[vector<16xi32>, vector<16xi32>], vector<16xf32>,
        %gather3A_2004 = tpu.vector_load_idx %arg7[%add3A_1990, %broadcast_in_dim3A_29] : memref<512x32xf32, #tpu.memory_space<vmem>>[vector<16xi32>, vector<16xi32>], vector<16xf32>,
        %gather3A_2005 = tpu.vector_load_idx %arg7[%add3A_1990, %broadcast_in_dim3A_31] : memref<512x32xf32, #tpu.memory_space<vmem>>[vector<16xi32>, vector<16xi32>], vector<16xf32>,
        %gather3A_2006 = tpu.vector_load_idx %arg7[%add3A_1990, %broadcast_in_dim3A_33] : memref<512x32xf32, #tpu.memory_space<vmem>>[vector<16xi32>, vector<16xi32>], vector<16xf32>,
        %gather3A_2007 = tpu.vector_load_idx %arg7[%add3A_1990, %broadcast_in_dim3A_35] : memref<512x32xf32, #tpu.memory_space<vmem>>[vector<16xi32>, vector<16xi32>], vector<16xf32>,
        %gather3A_2008 = tpu.vector_load_idx %arg7[%add3A_1990, %broadcast_in_dim3A_37] : memref<512x32xf32, #tpu.memory_space<vmem>>[vector<16xi32>, vector<16xi32>], vector<16xf32>,
        %gather3A_2009 = tpu.vector_load_idx %arg7[%add3A_1990, %broadcast_in_dim3A_39] : memref<512x32xf32, #tpu.memory_space<vmem>>[vector<16xi32>, vector<16xi32>], vector<16xf32>,
        %gather3A_2010 = tpu.vector_load_idx %arg7[%add3A_1990, %broadcast_in_dim3A_41] : memref<512x32xf32, #tpu.memory_space<vmem>>[vector<16xi32>, vector<16xi32>], vector<16xf32>,
        %gather3A_2011 = tpu.vector_load_idx %arg7[%add3A_1990, %broadcast_in_dim3A_43] : memref<512x32xf32, #tpu.memory_space<vmem>>[vector<16xi32>, vector<16xi32>], vector<16xf32>,
        %gather3A_2012 = tpu.vector_load_idx %arg7[%add3A_1990, %broadcast_in_dim3A_45] : memref<512x32xf32, #tpu.memory_space<vmem>>[vector<16xi32>, vector<16xi32>], vector<16xf32>,
        %gather3A_2013 = tpu.vector_load_idx %arg7[%add3A_1990, %broadcast_in_dim3A_47] : memref<512x32xf32, #tpu.memory_space<vmem>>[vector<16xi32>, vector<16xi32>], vector<16xf32>,
        %gather3A_2014 = tpu.vector_load_idx %arg7[%add3A_1990, %broadcast_in_dim3A_49] : memref<512x32xf32, #tpu.memory_space<vmem>>[vector<16xi32>, vector<16xi32>], vector<16xf32>,
        %gather3A_2015 = tpu.vector_load_idx %arg7[%add3A_1990, %broadcast_in_dim3A_51] : memref<512x32xf32, #tpu.memory_space<vmem>>[vector<16xi32>, vector<16xi32>], vector<16xf32>,
        %gather3A_2016 = tpu.vector_load_idx %arg7[%add3A_1990, %broadcast_in_dim3A_53] : memref<512x32xf32, #tpu.memory_space<vmem>>[vector<16xi32>, vector<16xi32>], vector<16xf32>,
        %gather3A_2017 = tpu.vector_load_idx %arg7[%add3A_1990, %broadcast_in_dim3A_55] : memref<512x32xf32, #tpu.memory_space<vmem>>[vector<16xi32>, vector<16xi32>], vector<16xf32>,
        %gather3A_2018 = tpu.vector_load_idx %arg7[%add3A_1990, %broadcast_in_dim3A_57] : memref<512x32xf32, #tpu.memory_space<vmem>>[vector<16xi32>, vector<16xi32>], vector<16xf32>,
        %gather3A_2019 = tpu.vector_load_idx %arg7[%add3A_1990, %broadcast_in_dim3A_59] : memref<512x32xf32, #tpu.memory_space<vmem>>[vector<16xi32>, vector<16xi32>], vector<16xf32>,
        %gather3A_2020 = tpu.vector_load_idx %arg7[%add3A_1990, %broadcast_in_dim3A_61] : memref<512x32xf32, #tpu.memory_space<vmem>>[vector<16xi32>, vector<16xi32>], vector<16xf32>,
        %gather3A_2021 = tpu.vector_load_idx %arg7[%add3A_1990, %broadcast_in_dim3A_63] : memref<512x32xf32, #tpu.memory_space<vmem>>[vector<16xi32>, vector<16xi32>], vector<16xf32>,
        %gather3A_2022 = tpu.vector_load_idx %arg7[%add3A_1990, %broadcast_in_dim3A_65] : memref<512x32xf32, #tpu.memory_space<vmem>>[vector<16xi32>, vector<16xi32>], vector<16xf32>,
        %mul3A_2023 = arith.constant 4 : i32
        %mul3A_2024 = arith.muli %scan3A_1264, %mul3A_2023 : i32
        %add3A_2025 = arith.constant 2 : i32
        %add3A_2026 = arith.addi %mul3A_2024, %add3A_2025 : i32
        %mul3A_2027 = arith.constant 16 : i32
        %mul3A_2028 = arith.muli %add3A_2026, %mul3A_2027 : i32
        %swap3A_2029 = arith.constant 0 : i32
        %swap3A_2030 = arith.index_cast %swap3A_2029 : i32 to index
        %swap3A_2031 = arith.index_cast %mul3A_2028 : i32 to index
        %swap3A_2032 = tpu.vector_load %arg9[%swap3A_2030, %swap3A_2031] {strides = array<i32>} : memref<32x512xf32, #tpu.memory_space<vmem>>, vector<16xf32>,
        tpu.vector_store %arg9[%swap3A_2030, %swap3A_2031], %gather3A_1991 {strides = array<i32>} : memref<32x512xf32, #tpu.memory_space<vmem>>, vector<16xf32>,
        %mul3A_2033 = arith.constant 4 : i32
        %mul3A_2034 = arith.muli %scan3A_1264, %mul3A_2033 : i32
        %add3A_2035 = arith.constant 2 : i32
        %add3A_2036 = arith.addi %mul3A_2034, %add3A_2035 : i32
        %mul3A_2037 = arith.constant 16 : i32
        %mul3A_2038 = arith.muli %add3A_2036, %mul3A_2037 : i32
        %swap3A_2039 = arith.constant 1 : i32
        %swap3A_2040 = arith.index_cast %swap3A_2039 : i32 to index
        %swap3A_2041 = arith.index_cast %mul3A_2038 : i32 to index
        %swap3A_2042 = tpu.vector_load %arg9[%swap3A_2040, %swap3A_2041] {strides = array<i32>} : memref<32x512xf32, #tpu.memory_space<vmem>>, vector<16xf32>,
        tpu.vector_store %arg9[%swap3A_2040, %swap3A_2041], %gather3A_1992 {strides = array<i32>} : memref<32x512xf32, #tpu.memory_space<vmem>>, vector<16xf32>,
        %mul3A_2043 = arith.constant 4 : i32
        %mul3A_2044 = arith.muli %scan3A_1264, %mul3A_2043 : i32
        %add3A_2045 = arith.constant 2 : i32
        %add3A_2046 = arith.addi %mul3A_2044, %add3A_2045 : i32
        %mul3A_2047 = arith.constant 16 : i32
        %mul3A_2048 = arith.muli %add3A_2046, %mul3A_2047 : i32
        %swap3A_2049 = arith.constant 2 : i32
        %swap3A_2050 = arith.index_cast %swap3A_2049 : i32 to index
        %swap3A_2051 = arith.index_cast %mul3A_2048 : i32 to index
        %swap3A_2052 = tpu.vector_load %arg9[%swap3A_2050, %swap3A_2051] {strides = array<i32>} : memref<32x512xf32, #tpu.memory_space<vmem>>, vector<16xf32>,
        tpu.vector_store %arg9[%swap3A_2050, %swap3A_2051], %gather3A_1993 {strides = array<i32>} : memref<32x512xf32, #tpu.memory_space<vmem>>, vector<16xf32>,
        %mul3A_2053 = arith.constant 4 : i32
        %mul3A_2054 = arith.muli %scan3A_1264, %mul3A_2053 : i32
        %add3A_2055 = arith.constant 2 : i32
        %add3A_2056 = arith.addi %mul3A_2054, %add3A_2055 : i32
        %mul3A_2057 = arith.constant 16 : i32
        %mul3A_2058 = arith.muli %add3A_2056, %mul3A_2057 : i32
        %swap3A_2059 = arith.constant 3 : i32
        %swap3A_2060 = arith.index_cast %swap3A_2059 : i32 to index
        %swap3A_2061 = arith.index_cast %mul3A_2058 : i32 to index
        %swap3A_2062 = tpu.vector_load %arg9[%swap3A_2060, %swap3A_2061] {strides = array<i32>} : memref<32x512xf32, #tpu.memory_space<vmem>>, vector<16xf32>,
        tpu.vector_store %arg9[%swap3A_2060, %swap3A_2061], %gather3A_1994 {strides = array<i32>} : memref<32x512xf32, #tpu.memory_space<vmem>>, vector<16xf32>,
        %mul3A_2063 = arith.constant 4 : i32
        %mul3A_2064 = arith.muli %scan3A_1264, %mul3A_2063 : i32
        %add3A_2065 = arith.constant 2 : i32
        %add3A_2066 = arith.addi %mul3A_2064, %add3A_2065 : i32
        %mul3A_2067 = arith.constant 16 : i32
        %mul3A_2068 = arith.muli %add3A_2066, %mul3A_2067 : i32
        %swap3A_2069 = arith.constant 4 : i32
        %swap3A_2070 = arith.index_cast %swap3A_2069 : i32 to index
        %swap3A_2071 = arith.index_cast %mul3A_2068 : i32 to index
        %swap3A_2072 = tpu.vector_load %arg9[%swap3A_2070, %swap3A_2071] {strides = array<i32>} : memref<32x512xf32, #tpu.memory_space<vmem>>, vector<16xf32>,
        tpu.vector_store %arg9[%swap3A_2070, %swap3A_2071], %gather3A_1995 {strides = array<i32>} : memref<32x512xf32, #tpu.memory_space<vmem>>, vector<16xf32>,
        %mul3A_2073 = arith.constant 4 : i32
        %mul3A_2074 = arith.muli %scan3A_1264, %mul3A_2073 : i32
        %add3A_2075 = arith.constant 2 : i32
        %add3A_2076 = arith.addi %mul3A_2074, %add3A_2075 : i32
        %mul3A_2077 = arith.constant 16 : i32
        %mul3A_2078 = arith.muli %add3A_2076, %mul3A_2077 : i32
        %swap3A_2079 = arith.constant 5 : i32
        %swap3A_2080 = arith.index_cast %swap3A_2079 : i32 to index
        %swap3A_2081 = arith.index_cast %mul3A_2078 : i32 to index
        %swap3A_2082 = tpu.vector_load %arg9[%swap3A_2080, %swap3A_2081] {strides = array<i32>} : memref<32x512xf32, #tpu.memory_space<vmem>>, vector<16xf32>,
        tpu.vector_store %arg9[%swap3A_2080, %swap3A_2081], %gather3A_1996 {strides = array<i32>} : memref<32x512xf32, #tpu.memory_space<vmem>>, vector<16xf32>,
        %mul3A_2083 = arith.constant 4 : i32
        %mul3A_2084 = arith.muli %scan3A_1264, %mul3A_2083 : i32
        %add3A_2085 = arith.constant 2 : i32
        %add3A_2086 = arith.addi %mul3A_2084, %add3A_2085 : i32
        %mul3A_2087 = arith.constant 16 : i32
        %mul3A_2088 = arith.muli %add3A_2086, %mul3A_2087 : i32
        %swap3A_2089 = arith.constant 6 : i32
        %swap3A_2090 = arith.index_cast %swap3A_2089 : i32 to index
        %swap3A_2091 = arith.index_cast %mul3A_2088 : i32 to index
        %swap3A_2092 = tpu.vector_load %arg9[%swap3A_2090, %swap3A_2091] {strides = array<i32>} : memref<32x512xf32, #tpu.memory_space<vmem>>, vector<16xf32>,
        tpu.vector_store %arg9[%swap3A_2090, %swap3A_2091], %gather3A_1997 {strides = array<i32>} : memref<32x512xf32, #tpu.memory_space<vmem>>, vector<16xf32>,
        %mul3A_2093 = arith.constant 4 : i32
        %mul3A_2094 = arith.muli %scan3A_1264, %mul3A_2093 : i32
        %add3A_2095 = arith.constant 2 : i32
        %add3A_2096 = arith.addi %mul3A_2094, %add3A_2095 : i32
        %mul3A_2097 = arith.constant 16 : i32
        %mul3A_2098 = arith.muli %add3A_2096, %mul3A_2097 : i32
        %swap3A_2099 = arith.constant 7 : i32
        %swap3A_2100 = arith.index_cast %swap3A_2099 : i32 to index
        %swap3A_2101 = arith.index_cast %mul3A_2098 : i32 to index
        %swap3A_2102 = tpu.vector_load %arg9[%swap3A_2100, %swap3A_2101] {strides = array<i32>} : memref<32x512xf32, #tpu.memory_space<vmem>>, vector<16xf32>,
        tpu.vector_store %arg9[%swap3A_2100, %swap3A_2101], %gather3A_1998 {strides = array<i32>} : memref<32x512xf32, #tpu.memory_space<vmem>>, vector<16xf32>,
        %mul3A_2103 = arith.constant 4 : i32
        %mul3A_2104 = arith.muli %scan3A_1264, %mul3A_2103 : i32
        %add3A_2105 = arith.constant 2 : i32
        %add3A_2106 = arith.addi %mul3A_2104, %add3A_2105 : i32
        %mul3A_2107 = arith.constant 16 : i32
        %mul3A_2108 = arith.muli %add3A_2106, %mul3A_2107 : i32
        %swap3A_2109 = arith.constant 8 : i32
        %swap3A_2110 = arith.index_cast %swap3A_2109 : i32 to index
        %swap3A_2111 = arith.index_cast %mul3A_2108 : i32 to index
        %swap3A_2112 = tpu.vector_load %arg9[%swap3A_2110, %swap3A_2111] {strides = array<i32>} : memref<32x512xf32, #tpu.memory_space<vmem>>, vector<16xf32>,
        tpu.vector_store %arg9[%swap3A_2110, %swap3A_2111], %gather3A_1999 {strides = array<i32>} : memref<32x512xf32, #tpu.memory_space<vmem>>, vector<16xf32>,
        %mul3A_2113 = arith.constant 4 : i32
        %mul3A_2114 = arith.muli %scan3A_1264, %mul3A_2113 : i32
        %add3A_2115 = arith.constant 2 : i32
        %add3A_2116 = arith.addi %mul3A_2114, %add3A_2115 : i32
        %mul3A_2117 = arith.constant 16 : i32
        %mul3A_2118 = arith.muli %add3A_2116, %mul3A_2117 : i32
        %swap3A_2119 = arith.constant 9 : i32
        %swap3A_2120 = arith.index_cast %swap3A_2119 : i32 to index
        %swap3A_2121 = arith.index_cast %mul3A_2118 : i32 to index
        %swap3A_2122 = tpu.vector_load %arg9[%swap3A_2120, %swap3A_2121] {strides = array<i32>} : memref<32x512xf32, #tpu.memory_space<vmem>>, vector<16xf32>,
        tpu.vector_store %arg9[%swap3A_2120, %swap3A_2121], %gather3A_2000 {strides = array<i32>} : memref<32x512xf32, #tpu.memory_space<vmem>>, vector<16xf32>,
        %mul3A_2123 = arith.constant 4 : i32
        %mul3A_2124 = arith.muli %scan3A_1264, %mul3A_2123 : i32
        %add3A_2125 = arith.constant 2 : i32
        %add3A_2126 = arith.addi %mul3A_2124, %add3A_2125 : i32
        %mul3A_2127 = arith.constant 16 : i32
        %mul3A_2128 = arith.muli %add3A_2126, %mul3A_2127 : i32
        %swap3A_2129 = arith.constant 10 : i32
        %swap3A_2130 = arith.index_cast %swap3A_2129 : i32 to index
        %swap3A_2131 = arith.index_cast %mul3A_2128 : i32 to index
        %swap3A_2132 = tpu.vector_load %arg9[%swap3A_2130, %swap3A_2131] {strides = array<i32>} : memref<32x512xf32, #tpu.memory_space<vmem>>, vector<16xf32>,
        tpu.vector_store %arg9[%swap3A_2130, %swap3A_2131], %gather3A_2001 {strides = array<i32>} : memref<32x512xf32, #tpu.memory_space<vmem>>, vector<16xf32>,
        %mul3A_2133 = arith.constant 4 : i32
        %mul3A_2134 = arith.muli %scan3A_1264, %mul3A_2133 : i32
        %add3A_2135 = arith.constant 2 : i32
        %add3A_2136 = arith.addi %mul3A_2134, %add3A_2135 : i32
        %mul3A_2137 = arith.constant 16 : i32
        %mul3A_2138 = arith.muli %add3A_2136, %mul3A_2137 : i32
        %swap3A_2139 = arith.constant 11 : i32
        %swap3A_2140 = arith.index_cast %swap3A_2139 : i32 to index
        %swap3A_2141 = arith.index_cast %mul3A_2138 : i32 to index
        %swap3A_2142 = tpu.vector_load %arg9[%swap3A_2140, %swap3A_2141] {strides = array<i32>} : memref<32x512xf32, #tpu.memory_space<vmem>>, vector<16xf32>,
        tpu.vector_store %arg9[%swap3A_2140, %swap3A_2141], %gather3A_2002 {strides = array<i32>} : memref<32x512xf32, #tpu.memory_space<vmem>>, vector<16xf32>,
        %mul3A_2143 = arith.constant 4 : i32
        %mul3A_2144 = arith.muli %scan3A_1264, %mul3A_2143 : i32
        %add3A_2145 = arith.constant 2 : i32
        %add3A_2146 = arith.addi %mul3A_2144, %add3A_2145 : i32
        %mul3A_2147 = arith.constant 16 : i32
        %mul3A_2148 = arith.muli %add3A_2146, %mul3A_2147 : i32
        %swap3A_2149 = arith.constant 12 : i32
        %swap3A_2150 = arith.index_cast %swap3A_2149 : i32 to index
        %swap3A_2151 = arith.index_cast %mul3A_2148 : i32 to index
        %swap3A_2152 = tpu.vector_load %arg9[%swap3A_2150, %swap3A_2151] {strides = array<i32>} : memref<32x512xf32, #tpu.memory_space<vmem>>, vector<16xf32>,
        tpu.vector_store %arg9[%swap3A_2150, %swap3A_2151], %gather3A_2003 {strides = array<i32>} : memref<32x512xf32, #tpu.memory_space<vmem>>, vector<16xf32>,
        %mul3A_2153 = arith.constant 4 : i32
        %mul3A_2154 = arith.muli %scan3A_1264, %mul3A_2153 : i32
        %add3A_2155 = arith.constant 2 : i32
        %add3A_2156 = arith.addi %mul3A_2154, %add3A_2155 : i32
        %mul3A_2157 = arith.constant 16 : i32
        %mul3A_2158 = arith.muli %add3A_2156, %mul3A_2157 : i32
        %swap3A_2159 = arith.constant 13 : i32
        %swap3A_2160 = arith.index_cast %swap3A_2159 : i32 to index
        %swap3A_2161 = arith.index_cast %mul3A_2158 : i32 to index
        %swap3A_2162 = tpu.vector_load %arg9[%swap3A_2160, %swap3A_2161] {strides = array<i32>} : memref<32x512xf32, #tpu.memory_space<vmem>>, vector<16xf32>,
        tpu.vector_store %arg9[%swap3A_2160, %swap3A_2161], %gather3A_2004 {strides = array<i32>} : memref<32x512xf32, #tpu.memory_space<vmem>>, vector<16xf32>,
        %mul3A_2163 = arith.constant 4 : i32
        %mul3A_2164 = arith.muli %scan3A_1264, %mul3A_2163 : i32
        %add3A_2165 = arith.constant 2 : i32
        %add3A_2166 = arith.addi %mul3A_2164, %add3A_2165 : i32
        %mul3A_2167 = arith.constant 16 : i32
        %mul3A_2168 = arith.muli %add3A_2166, %mul3A_2167 : i32
        %swap3A_2169 = arith.constant 14 : i32
        %swap3A_2170 = arith.index_cast %swap3A_2169 : i32 to index
        %swap3A_2171 = arith.index_cast %mul3A_2168 : i32 to index
        %swap3A_2172 = tpu.vector_load %arg9[%swap3A_2170, %swap3A_2171] {strides = array<i32>} : memref<32x512xf32, #tpu.memory_space<vmem>>, vector<16xf32>,
        tpu.vector_store %arg9[%swap3A_2170, %swap3A_2171], %gather3A_2005 {strides = array<i32>} : memref<32x512xf32, #tpu.memory_space<vmem>>, vector<16xf32>,
        %mul3A_2173 = arith.constant 4 : i32
        %mul3A_2174 = arith.muli %scan3A_1264, %mul3A_2173 : i32
        %add3A_2175 = arith.constant 2 : i32
        %add3A_2176 = arith.addi %mul3A_2174, %add3A_2175 : i32
        %mul3A_2177 = arith.constant 16 : i32
        %mul3A_2178 = arith.muli %add3A_2176, %mul3A_2177 : i32
        %swap3A_2179 = arith.constant 15 : i32
        %swap3A_2180 = arith.index_cast %swap3A_2179 : i32 to index
        %swap3A_2181 = arith.index_cast %mul3A_2178 : i32 to index
        %swap3A_2182 = tpu.vector_load %arg9[%swap3A_2180, %swap3A_2181] {strides = array<i32>} : memref<32x512xf32, #tpu.memory_space<vmem>>, vector<16xf32>,
        tpu.vector_store %arg9[%swap3A_2180, %swap3A_2181], %gather3A_2006 {strides = array<i32>} : memref<32x512xf32, #tpu.memory_space<vmem>>, vector<16xf32>,
        %mul3A_2183 = arith.constant 4 : i32
        %mul3A_2184 = arith.muli %scan3A_1264, %mul3A_2183 : i32
        %add3A_2185 = arith.constant 2 : i32
        %add3A_2186 = arith.addi %mul3A_2184, %add3A_2185 : i32
        %mul3A_2187 = arith.constant 16 : i32
        %mul3A_2188 = arith.muli %add3A_2186, %mul3A_2187 : i32
        %swap3A_2189 = arith.constant 16 : i32
        %swap3A_2190 = arith.index_cast %swap3A_2189 : i32 to index
        %swap3A_2191 = arith.index_cast %mul3A_2188 : i32 to index
        %swap3A_2192 = tpu.vector_load %arg9[%swap3A_2190, %swap3A_2191] {strides = array<i32>} : memref<32x512xf32, #tpu.memory_space<vmem>>, vector<16xf32>,
        tpu.vector_store %arg9[%swap3A_2190, %swap3A_2191], %gather3A_2007 {strides = array<i32>} : memref<32x512xf32, #tpu.memory_space<vmem>>, vector<16xf32>,
        %mul3A_2193 = arith.constant 4 : i32
        %mul3A_2194 = arith.muli %scan3A_1264, %mul3A_2193 : i32
        %add3A_2195 = arith.constant 2 : i32
        %add3A_2196 = arith.addi %mul3A_2194, %add3A_2195 : i32
        %mul3A_2197 = arith.constant 16 : i32
        %mul3A_2198 = arith.muli %add3A_2196, %mul3A_2197 : i32
        %swap3A_2199 = arith.constant 17 : i32
        %swap3A_2200 = arith.index_cast %swap3A_2199 : i32 to index
        %swap3A_2201 = arith.index_cast %mul3A_2198 : i32 to index
        %swap3A_2202 = tpu.vector_load %arg9[%swap3A_2200, %swap3A_2201] {strides = array<i32>} : memref<32x512xf32, #tpu.memory_space<vmem>>, vector<16xf32>,
        tpu.vector_store %arg9[%swap3A_2200, %swap3A_2201], %gather3A_2008 {strides = array<i32>} : memref<32x512xf32, #tpu.memory_space<vmem>>, vector<16xf32>,
        %mul3A_2203 = arith.constant 4 : i32
        %mul3A_2204 = arith.muli %scan3A_1264, %mul3A_2203 : i32
        %add3A_2205 = arith.constant 2 : i32
        %add3A_2206 = arith.addi %mul3A_2204, %add3A_2205 : i32
        %mul3A_2207 = arith.constant 16 : i32
        %mul3A_2208 = arith.muli %add3A_2206, %mul3A_2207 : i32
        %swap3A_2209 = arith.constant 18 : i32
        %swap3A_2210 = arith.index_cast %swap3A_2209 : i32 to index
        %swap3A_2211 = arith.index_cast %mul3A_2208 : i32 to index
        %swap3A_2212 = tpu.vector_load %arg9[%swap3A_2210, %swap3A_2211] {strides = array<i32>} : memref<32x512xf32, #tpu.memory_space<vmem>>, vector<16xf32>,
        tpu.vector_store %arg9[%swap3A_2210, %swap3A_2211], %gather3A_2009 {strides = array<i32>} : memref<32x512xf32, #tpu.memory_space<vmem>>, vector<16xf32>,
        %mul3A_2213 = arith.constant 4 : i32
        %mul3A_2214 = arith.muli %scan3A_1264, %mul3A_2213 : i32
        %add3A_2215 = arith.constant 2 : i32
        %add3A_2216 = arith.addi %mul3A_2214, %add3A_2215 : i32
        %mul3A_2217 = arith.constant 16 : i32
        %mul3A_2218 = arith.muli %add3A_2216, %mul3A_2217 : i32
        %swap3A_2219 = arith.constant 19 : i32
        %swap3A_2220 = arith.index_cast %swap3A_2219 : i32 to index
        %swap3A_2221 = arith.index_cast %mul3A_2218 : i32 to index
        %swap3A_2222 = tpu.vector_load %arg9[%swap3A_2220, %swap3A_2221] {strides = array<i32>} : memref<32x512xf32, #tpu.memory_space<vmem>>, vector<16xf32>,
        tpu.vector_store %arg9[%swap3A_2220, %swap3A_2221], %gather3A_2010 {strides = array<i32>} : memref<32x512xf32, #tpu.memory_space<vmem>>, vector<16xf32>,
        %mul3A_2223 = arith.constant 4 : i32
        %mul3A_2224 = arith.muli %scan3A_1264, %mul3A_2223 : i32
        %add3A_2225 = arith.constant 2 : i32
        %add3A_2226 = arith.addi %mul3A_2224, %add3A_2225 : i32
        %mul3A_2227 = arith.constant 16 : i32
        %mul3A_2228 = arith.muli %add3A_2226, %mul3A_2227 : i32
        %swap3A_2229 = arith.constant 20 : i32
        %swap3A_2230 = arith.index_cast %swap3A_2229 : i32 to index
        %swap3A_2231 = arith.index_cast %mul3A_2228 : i32 to index
        %swap3A_2232 = tpu.vector_load %arg9[%swap3A_2230, %swap3A_2231] {strides = array<i32>} : memref<32x512xf32, #tpu.memory_space<vmem>>, vector<16xf32>,
        tpu.vector_store %arg9[%swap3A_2230, %swap3A_2231], %gather3A_2011 {strides = array<i32>} : memref<32x512xf32, #tpu.memory_space<vmem>>, vector<16xf32>,
        %mul3A_2233 = arith.constant 4 : i32
        %mul3A_2234 = arith.muli %scan3A_1264, %mul3A_2233 : i32
        %add3A_2235 = arith.constant 2 : i32
        %add3A_2236 = arith.addi %mul3A_2234, %add3A_2235 : i32
        %mul3A_2237 = arith.constant 16 : i32
        %mul3A_2238 = arith.muli %add3A_2236, %mul3A_2237 : i32
        %swap3A_2239 = arith.constant 21 : i32
        %swap3A_2240 = arith.index_cast %swap3A_2239 : i32 to index
        %swap3A_2241 = arith.index_cast %mul3A_2238 : i32 to index
        %swap3A_2242 = tpu.vector_load %arg9[%swap3A_2240, %swap3A_2241] {strides = array<i32>} : memref<32x512xf32, #tpu.memory_space<vmem>>, vector<16xf32>,
        tpu.vector_store %arg9[%swap3A_2240, %swap3A_2241], %gather3A_2012 {strides = array<i32>} : memref<32x512xf32, #tpu.memory_space<vmem>>, vector<16xf32>,
        %mul3A_2243 = arith.constant 4 : i32
        %mul3A_2244 = arith.muli %scan3A_1264, %mul3A_2243 : i32
        %add3A_2245 = arith.constant 2 : i32
        %add3A_2246 = arith.addi %mul3A_2244, %add3A_2245 : i32
        %mul3A_2247 = arith.constant 16 : i32
        %mul3A_2248 = arith.muli %add3A_2246, %mul3A_2247 : i32
        %swap3A_2249 = arith.constant 22 : i32
        %swap3A_2250 = arith.index_cast %swap3A_2249 : i32 to index
        %swap3A_2251 = arith.index_cast %mul3A_2248 : i32 to index
        %swap3A_2252 = tpu.vector_load %arg9[%swap3A_2250, %swap3A_2251] {strides = array<i32>} : memref<32x512xf32, #tpu.memory_space<vmem>>, vector<16xf32>,
        tpu.vector_store %arg9[%swap3A_2250, %swap3A_2251], %gather3A_2013 {strides = array<i32>} : memref<32x512xf32, #tpu.memory_space<vmem>>, vector<16xf32>,
        %mul3A_2253 = arith.constant 4 : i32
        %mul3A_2254 = arith.muli %scan3A_1264, %mul3A_2253 : i32
        %add3A_2255 = arith.constant 2 : i32
        %add3A_2256 = arith.addi %mul3A_2254, %add3A_2255 : i32
        %mul3A_2257 = arith.constant 16 : i32
        %mul3A_2258 = arith.muli %add3A_2256, %mul3A_2257 : i32
        %swap3A_2259 = arith.constant 23 : i32
        %swap3A_2260 = arith.index_cast %swap3A_2259 : i32 to index
        %swap3A_2261 = arith.index_cast %mul3A_2258 : i32 to index
        %swap3A_2262 = tpu.vector_load %arg9[%swap3A_2260, %swap3A_2261] {strides = array<i32>} : memref<32x512xf32, #tpu.memory_space<vmem>>, vector<16xf32>,
        tpu.vector_store %arg9[%swap3A_2260, %swap3A_2261], %gather3A_2014 {strides = array<i32>} : memref<32x512xf32, #tpu.memory_space<vmem>>, vector<16xf32>,
        %mul3A_2263 = arith.constant 4 : i32
        %mul3A_2264 = arith.muli %scan3A_1264, %mul3A_2263 : i32
        %add3A_2265 = arith.constant 2 : i32
        %add3A_2266 = arith.addi %mul3A_2264, %add3A_2265 : i32
        %mul3A_2267 = arith.constant 16 : i32
        %mul3A_2268 = arith.muli %add3A_2266, %mul3A_2267 : i32
        %swap3A_2269 = arith.constant 24 : i32
        %swap3A_2270 = arith.index_cast %swap3A_2269 : i32 to index
        %swap3A_2271 = arith.index_cast %mul3A_2268 : i32 to index
        %swap3A_2272 = tpu.vector_load %arg9[%swap3A_2270, %swap3A_2271] {strides = array<i32>} : memref<32x512xf32, #tpu.memory_space<vmem>>, vector<16xf32>,
        tpu.vector_store %arg9[%swap3A_2270, %swap3A_2271], %gather3A_2015 {strides = array<i32>} : memref<32x512xf32, #tpu.memory_space<vmem>>, vector<16xf32>,
        %mul3A_2273 = arith.constant 4 : i32
        %mul3A_2274 = arith.muli %scan3A_1264, %mul3A_2273 : i32
        %add3A_2275 = arith.constant 2 : i32
        %add3A_2276 = arith.addi %mul3A_2274, %add3A_2275 : i32
        %mul3A_2277 = arith.constant 16 : i32
        %mul3A_2278 = arith.muli %add3A_2276, %mul3A_2277 : i32
        %swap3A_2279 = arith.constant 25 : i32
        %swap3A_2280 = arith.index_cast %swap3A_2279 : i32 to index
        %swap3A_2281 = arith.index_cast %mul3A_2278 : i32 to index
        %swap3A_2282 = tpu.vector_load %arg9[%swap3A_2280, %swap3A_2281] {strides = array<i32>} : memref<32x512xf32, #tpu.memory_space<vmem>>, vector<16xf32>,
        tpu.vector_store %arg9[%swap3A_2280, %swap3A_2281], %gather3A_2016 {strides = array<i32>} : memref<32x512xf32, #tpu.memory_space<vmem>>, vector<16xf32>,
        %mul3A_2283 = arith.constant 4 : i32
        %mul3A_2284 = arith.muli %scan3A_1264, %mul3A_2283 : i32
        %add3A_2285 = arith.constant 2 : i32
        %add3A_2286 = arith.addi %mul3A_2284, %add3A_2285 : i32
        %mul3A_2287 = arith.constant 16 : i32
        %mul3A_2288 = arith.muli %add3A_2286, %mul3A_2287 : i32
        %swap3A_2289 = arith.constant 26 : i32
        %swap3A_2290 = arith.index_cast %swap3A_2289 : i32 to index
        %swap3A_2291 = arith.index_cast %mul3A_2288 : i32 to index
        %swap3A_2292 = tpu.vector_load %arg9[%swap3A_2290, %swap3A_2291] {strides = array<i32>} : memref<32x512xf32, #tpu.memory_space<vmem>>, vector<16xf32>,
        tpu.vector_store %arg9[%swap3A_2290, %swap3A_2291], %gather3A_2017 {strides = array<i32>} : memref<32x512xf32, #tpu.memory_space<vmem>>, vector<16xf32>,
        %mul3A_2293 = arith.constant 4 : i32
        %mul3A_2294 = arith.muli %scan3A_1264, %mul3A_2293 : i32
        %add3A_2295 = arith.constant 2 : i32
        %add3A_2296 = arith.addi %mul3A_2294, %add3A_2295 : i32
        %mul3A_2297 = arith.constant 16 : i32
        %mul3A_2298 = arith.muli %add3A_2296, %mul3A_2297 : i32
        %swap3A_2299 = arith.constant 27 : i32
        %swap3A_2300 = arith.index_cast %swap3A_2299 : i32 to index
        %swap3A_2301 = arith.index_cast %mul3A_2298 : i32 to index
        %swap3A_2302 = tpu.vector_load %arg9[%swap3A_2300, %swap3A_2301] {strides = array<i32>} : memref<32x512xf32, #tpu.memory_space<vmem>>, vector<16xf32>,
        tpu.vector_store %arg9[%swap3A_2300, %swap3A_2301], %gather3A_2018 {strides = array<i32>} : memref<32x512xf32, #tpu.memory_space<vmem>>, vector<16xf32>,
        %mul3A_2303 = arith.constant 4 : i32
        %mul3A_2304 = arith.muli %scan3A_1264, %mul3A_2303 : i32
        %add3A_2305 = arith.constant 2 : i32
        %add3A_2306 = arith.addi %mul3A_2304, %add3A_2305 : i32
        %mul3A_2307 = arith.constant 16 : i32
        %mul3A_2308 = arith.muli %add3A_2306, %mul3A_2307 : i32
        %swap3A_2309 = arith.constant 28 : i32
        %swap3A_2310 = arith.index_cast %swap3A_2309 : i32 to index
        %swap3A_2311 = arith.index_cast %mul3A_2308 : i32 to index
        %swap3A_2312 = tpu.vector_load %arg9[%swap3A_2310, %swap3A_2311] {strides = array<i32>} : memref<32x512xf32, #tpu.memory_space<vmem>>, vector<16xf32>,
        tpu.vector_store %arg9[%swap3A_2310, %swap3A_2311], %gather3A_2019 {strides = array<i32>} : memref<32x512xf32, #tpu.memory_space<vmem>>, vector<16xf32>,
        %mul3A_2313 = arith.constant 4 : i32
        %mul3A_2314 = arith.muli %scan3A_1264, %mul3A_2313 : i32
        %add3A_2315 = arith.constant 2 : i32
        %add3A_2316 = arith.addi %mul3A_2314, %add3A_2315 : i32
        %mul3A_2317 = arith.constant 16 : i32
        %mul3A_2318 = arith.muli %add3A_2316, %mul3A_2317 : i32
        %swap3A_2319 = arith.constant 29 : i32
        %swap3A_2320 = arith.index_cast %swap3A_2319 : i32 to index
        %swap3A_2321 = arith.index_cast %mul3A_2318 : i32 to index
        %swap3A_2322 = tpu.vector_load %arg9[%swap3A_2320, %swap3A_2321] {strides = array<i32>} : memref<32x512xf32, #tpu.memory_space<vmem>>, vector<16xf32>,
        tpu.vector_store %arg9[%swap3A_2320, %swap3A_2321], %gather3A_2020 {strides = array<i32>} : memref<32x512xf32, #tpu.memory_space<vmem>>, vector<16xf32>,
        %mul3A_2323 = arith.constant 4 : i32
        %mul3A_2324 = arith.muli %scan3A_1264, %mul3A_2323 : i32
        %add3A_2325 = arith.constant 2 : i32
        %add3A_2326 = arith.addi %mul3A_2324, %add3A_2325 : i32
        %mul3A_2327 = arith.constant 16 : i32
        %mul3A_2328 = arith.muli %add3A_2326, %mul3A_2327 : i32
        %swap3A_2329 = arith.constant 30 : i32
        %swap3A_2330 = arith.index_cast %swap3A_2329 : i32 to index
        %swap3A_2331 = arith.index_cast %mul3A_2328 : i32 to index
        %swap3A_2332 = tpu.vector_load %arg9[%swap3A_2330, %swap3A_2331] {strides = array<i32>} : memref<32x512xf32, #tpu.memory_space<vmem>>, vector<16xf32>,
        tpu.vector_store %arg9[%swap3A_2330, %swap3A_2331], %gather3A_2021 {strides = array<i32>} : memref<32x512xf32, #tpu.memory_space<vmem>>, vector<16xf32>,
        %mul3A_2333 = arith.constant 4 : i32
        %mul3A_2334 = arith.muli %scan3A_1264, %mul3A_2333 : i32
        %add3A_2335 = arith.constant 2 : i32
        %add3A_2336 = arith.addi %mul3A_2334, %add3A_2335 : i32
        %mul3A_2337 = arith.constant 16 : i32
        %mul3A_2338 = arith.muli %add3A_2336, %mul3A_2337 : i32
        %swap3A_2339 = arith.constant 31 : i32
        %swap3A_2340 = arith.index_cast %swap3A_2339 : i32 to index
        %swap3A_2341 = arith.index_cast %mul3A_2338 : i32 to index
        %swap3A_2342 = tpu.vector_load %arg9[%swap3A_2340, %swap3A_2341] {strides = array<i32>} : memref<32x512xf32, #tpu.memory_space<vmem>>, vector<16xf32>,
        tpu.vector_store %arg9[%swap3A_2340, %swap3A_2341], %gather3A_2022 {strides = array<i32>} : memref<32x512xf32, #tpu.memory_space<vmem>>, vector<16xf32>,
        %mul3A_2343 = arith.constant 4 : i32
        %mul3A_2344 = arith.muli %scan3A_1264, %mul3A_2343 : i32
        %add3A_2345 = arith.constant 3 : i32
        %add3A_2346 = arith.addi %mul3A_2344, %add3A_2345 : i32
        %mul3A_2347 = arith.constant 16 : i32
        %mul3A_2348 = arith.muli %add3A_2346, %mul3A_2347 : i32
        %add3A_2349 = vector.broadcast %mul3A_2348 : i32 to vector<16xi32>
        %add3A_2350 = arith.addi %add3A_2349, %iota3A : vector<16xi32>
        %gather3A_2351 = tpu.vector_load_idx %arg7[%add3A_2350, %broadcast_in_dim3A_3] : memref<512x32xf32, #tpu.memory_space<vmem>>[vector<16xi32>, vector<16xi32>], vector<16xf32>,
        %gather3A_2352 = tpu.vector_load_idx %arg7[%add3A_2350, %broadcast_in_dim3A_5] : memref<512x32xf32, #tpu.memory_space<vmem>>[vector<16xi32>, vector<16xi32>], vector<16xf32>,
        %gather3A_2353 = tpu.vector_load_idx %arg7[%add3A_2350, %broadcast_in_dim3A_7] : memref<512x32xf32, #tpu.memory_space<vmem>>[vector<16xi32>, vector<16xi32>], vector<16xf32>,
        %gather3A_2354 = tpu.vector_load_idx %arg7[%add3A_2350, %broadcast_in_dim3A_9] : memref<512x32xf32, #tpu.memory_space<vmem>>[vector<16xi32>, vector<16xi32>], vector<16xf32>,
        %gather3A_2355 = tpu.vector_load_idx %arg7[%add3A_2350, %broadcast_in_dim3A_11] : memref<512x32xf32, #tpu.memory_space<vmem>>[vector<16xi32>, vector<16xi32>], vector<16xf32>,
        %gather3A_2356 = tpu.vector_load_idx %arg7[%add3A_2350, %broadcast_in_dim3A_13] : memref<512x32xf32, #tpu.memory_space<vmem>>[vector<16xi32>, vector<16xi32>], vector<16xf32>,
        %gather3A_2357 = tpu.vector_load_idx %arg7[%add3A_2350, %broadcast_in_dim3A_15] : memref<512x32xf32, #tpu.memory_space<vmem>>[vector<16xi32>, vector<16xi32>], vector<16xf32>,
        %gather3A_2358 = tpu.vector_load_idx %arg7[%add3A_2350, %broadcast_in_dim3A_17] : memref<512x32xf32, #tpu.memory_space<vmem>>[vector<16xi32>, vector<16xi32>], vector<16xf32>,
        %gather3A_2359 = tpu.vector_load_idx %arg7[%add3A_2350, %broadcast_in_dim3A_19] : memref<512x32xf32, #tpu.memory_space<vmem>>[vector<16xi32>, vector<16xi32>], vector<16xf32>,
        %gather3A_2360 = tpu.vector_load_idx %arg7[%add3A_2350, %broadcast_in_dim3A_21] : memref<512x32xf32, #tpu.memory_space<vmem>>[vector<16xi32>, vector<16xi32>], vector<16xf32>,
        %gather3A_2361 = tpu.vector_load_idx %arg7[%add3A_2350, %broadcast_in_dim3A_23] : memref<512x32xf32, #tpu.memory_space<vmem>>[vector<16xi32>, vector<16xi32>], vector<16xf32>,
        %gather3A_2362 = tpu.vector_load_idx %arg7[%add3A_2350, %broadcast_in_dim3A_25] : memref<512x32xf32, #tpu.memory_space<vmem>>[vector<16xi32>, vector<16xi32>], vector<16xf32>,
        %gather3A_2363 = tpu.vector_load_idx %arg7[%add3A_2350, %broadcast_in_dim3A_27] : memref<512x32xf32, #tpu.memory_space<vmem>>[vector<16xi32>, vector<16xi32>], vector<16xf32>,
        %gather3A_2364 = tpu.vector_load_idx %arg7[%add3A_2350, %broadcast_in_dim3A_29] : memref<512x32xf32, #tpu.memory_space<vmem>>[vector<16xi32>, vector<16xi32>], vector<16xf32>,
        %gather3A_2365 = tpu.vector_load_idx %arg7[%add3A_2350, %broadcast_in_dim3A_31] : memref<512x32xf32, #tpu.memory_space<vmem>>[vector<16xi32>, vector<16xi32>], vector<16xf32>,
        %gather3A_2366 = tpu.vector_load_idx %arg7[%add3A_2350, %broadcast_in_dim3A_33] : memref<512x32xf32, #tpu.memory_space<vmem>>[vector<16xi32>, vector<16xi32>], vector<16xf32>,
        %gather3A_2367 = tpu.vector_load_idx %arg7[%add3A_2350, %broadcast_in_dim3A_35] : memref<512x32xf32, #tpu.memory_space<vmem>>[vector<16xi32>, vector<16xi32>], vector<16xf32>,
        %gather3A_2368 = tpu.vector_load_idx %arg7[%add3A_2350, %broadcast_in_dim3A_37] : memref<512x32xf32, #tpu.memory_space<vmem>>[vector<16xi32>, vector<16xi32>], vector<16xf32>,
        %gather3A_2369 = tpu.vector_load_idx %arg7[%add3A_2350, %broadcast_in_dim3A_39] : memref<512x32xf32, #tpu.memory_space<vmem>>[vector<16xi32>, vector<16xi32>], vector<16xf32>,
        %gather3A_2370 = tpu.vector_load_idx %arg7[%add3A_2350, %broadcast_in_dim3A_41] : memref<512x32xf32, #tpu.memory_space<vmem>>[vector<16xi32>, vector<16xi32>], vector<16xf32>,
        %gather3A_2371 = tpu.vector_load_idx %arg7[%add3A_2350, %broadcast_in_dim3A_43] : memref<512x32xf32, #tpu.memory_space<vmem>>[vector<16xi32>, vector<16xi32>], vector<16xf32>,
        %gather3A_2372 = tpu.vector_load_idx %arg7[%add3A_2350, %broadcast_in_dim3A_45] : memref<512x32xf32, #tpu.memory_space<vmem>>[vector<16xi32>, vector<16xi32>], vector<16xf32>,
        %gather3A_2373 = tpu.vector_load_idx %arg7[%add3A_2350, %broadcast_in_dim3A_47] : memref<512x32xf32, #tpu.memory_space<vmem>>[vector<16xi32>, vector<16xi32>], vector<16xf32>,
        %gather3A_2374 = tpu.vector_load_idx %arg7[%add3A_2350, %broadcast_in_dim3A_49] : memref<512x32xf32, #tpu.memory_space<vmem>>[vector<16xi32>, vector<16xi32>], vector<16xf32>,
        %gather3A_2375 = tpu.vector_load_idx %arg7[%add3A_2350, %broadcast_in_dim3A_51] : memref<512x32xf32, #tpu.memory_space<vmem>>[vector<16xi32>, vector<16xi32>], vector<16xf32>,
        %gather3A_2376 = tpu.vector_load_idx %arg7[%add3A_2350, %broadcast_in_dim3A_53] : memref<512x32xf32, #tpu.memory_space<vmem>>[vector<16xi32>, vector<16xi32>], vector<16xf32>,
        %gather3A_2377 = tpu.vector_load_idx %arg7[%add3A_2350, %broadcast_in_dim3A_55] : memref<512x32xf32, #tpu.memory_space<vmem>>[vector<16xi32>, vector<16xi32>], vector<16xf32>,
        %gather3A_2378 = tpu.vector_load_idx %arg7[%add3A_2350, %broadcast_in_dim3A_57] : memref<512x32xf32, #tpu.memory_space<vmem>>[vector<16xi32>, vector<16xi32>], vector<16xf32>,
        %gather3A_2379 = tpu.vector_load_idx %arg7[%add3A_2350, %broadcast_in_dim3A_59] : memref<512x32xf32, #tpu.memory_space<vmem>>[vector<16xi32>, vector<16xi32>], vector<16xf32>,
        %gather3A_2380 = tpu.vector_load_idx %arg7[%add3A_2350, %broadcast_in_dim3A_61] : memref<512x32xf32, #tpu.memory_space<vmem>>[vector<16xi32>, vector<16xi32>], vector<16xf32>,
        %gather3A_2381 = tpu.vector_load_idx %arg7[%add3A_2350, %broadcast_in_dim3A_63] : memref<512x32xf32, #tpu.memory_space<vmem>>[vector<16xi32>, vector<16xi32>], vector<16xf32>,
        %gather3A_2382 = tpu.vector_load_idx %arg7[%add3A_2350, %broadcast_in_dim3A_65] : memref<512x32xf32, #tpu.memory_space<vmem>>[vector<16xi32>, vector<16xi32>], vector<16xf32>,
        %mul3A_2383 = arith.constant 4 : i32
        %mul3A_2384 = arith.muli %scan3A_1264, %mul3A_2383 : i32
        %add3A_2385 = arith.constant 3 : i32
        %add3A_2386 = arith.addi %mul3A_2384, %add3A_2385 : i32
        %mul3A_2387 = arith.constant 16 : i32
        %mul3A_2388 = arith.muli %add3A_2386, %mul3A_2387 : i32
        %swap3A_2389 = arith.constant 0 : i32
        %swap3A_2390 = arith.index_cast %swap3A_2389 : i32 to index
        %swap3A_2391 = arith.index_cast %mul3A_2388 : i32 to index
        %swap3A_2392 = tpu.vector_load %arg9[%swap3A_2390, %swap3A_2391] {strides = array<i32>} : memref<32x512xf32, #tpu.memory_space<vmem>>, vector<16xf32>,
        tpu.vector_store %arg9[%swap3A_2390, %swap3A_2391], %gather3A_2351 {strides = array<i32>} : memref<32x512xf32, #tpu.memory_space<vmem>>, vector<16xf32>,
        %mul3A_2393 = arith.constant 4 : i32
        %mul3A_2394 = arith.muli %scan3A_1264, %mul3A_2393 : i32
        %add3A_2395 = arith.constant 3 : i32
        %add3A_2396 = arith.addi %mul3A_2394, %add3A_2395 : i32
        %mul3A_2397 = arith.constant 16 : i32
        %mul3A_2398 = arith.muli %add3A_2396, %mul3A_2397 : i32
        %swap3A_2399 = arith.constant 1 : i32
        %swap3A_2400 = arith.index_cast %swap3A_2399 : i32 to index
        %swap3A_2401 = arith.index_cast %mul3A_2398 : i32 to index
        %swap3A_2402 = tpu.vector_load %arg9[%swap3A_2400, %swap3A_2401] {strides = array<i32>} : memref<32x512xf32, #tpu.memory_space<vmem>>, vector<16xf32>,
        tpu.vector_store %arg9[%swap3A_2400, %swap3A_2401], %gather3A_2352 {strides = array<i32>} : memref<32x512xf32, #tpu.memory_space<vmem>>, vector<16xf32>,
        %mul3A_2403 = arith.constant 4 : i32
        %mul3A_2404 = arith.muli %scan3A_1264, %mul3A_2403 : i32
        %add3A_2405 = arith.constant 3 : i32
        %add3A_2406 = arith.addi %mul3A_2404, %add3A_2405 : i32
        %mul3A_2407 = arith.constant 16 : i32
        %mul3A_2408 = arith.muli %add3A_2406, %mul3A_2407 : i32
        %swap3A_2409 = arith.constant 2 : i32
        %swap3A_2410 = arith.index_cast %swap3A_2409 : i32 to index
        %swap3A_2411 = arith.index_cast %mul3A_2408 : i32 to index
        %swap3A_2412 = tpu.vector_load %arg9[%swap3A_2410, %swap3A_2411] {strides = array<i32>} : memref<32x512xf32, #tpu.memory_space<vmem>>, vector<16xf32>,
        tpu.vector_store %arg9[%swap3A_2410, %swap3A_2411], %gather3A_2353 {strides = array<i32>} : memref<32x512xf32, #tpu.memory_space<vmem>>, vector<16xf32>,
        %mul3A_2413 = arith.constant 4 : i32
        %mul3A_2414 = arith.muli %scan3A_1264, %mul3A_2413 : i32
        %add3A_2415 = arith.constant 3 : i32
        %add3A_2416 = arith.addi %mul3A_2414, %add3A_2415 : i32
        %mul3A_2417 = arith.constant 16 : i32
        %mul3A_2418 = arith.muli %add3A_2416, %mul3A_2417 : i32
        %swap3A_2419 = arith.constant 3 : i32
        %swap3A_2420 = arith.index_cast %swap3A_2419 : i32 to index
        %swap3A_2421 = arith.index_cast %mul3A_2418 : i32 to index
        %swap3A_2422 = tpu.vector_load %arg9[%swap3A_2420, %swap3A_2421] {strides = array<i32>} : memref<32x512xf32, #tpu.memory_space<vmem>>, vector<16xf32>,
        tpu.vector_store %arg9[%swap3A_2420, %swap3A_2421], %gather3A_2354 {strides = array<i32>} : memref<32x512xf32, #tpu.memory_space<vmem>>, vector<16xf32>,
        %mul3A_2423 = arith.constant 4 : i32
        %mul3A_2424 = arith.muli %scan3A_1264, %mul3A_2423 : i32
        %add3A_2425 = arith.constant 3 : i32
        %add3A_2426 = arith.addi %mul3A_2424, %add3A_2425 : i32
        %mul3A_2427 = arith.constant 16 : i32
        %mul3A_2428 = arith.muli %add3A_2426, %mul3A_2427 : i32
        %swap3A_2429 = arith.constant 4 : i32
        %swap3A_2430 = arith.index_cast %swap3A_2429 : i32 to index
        %swap3A_2431 = arith.index_cast %mul3A_2428 : i32 to index
        %swap3A_2432 = tpu.vector_load %arg9[%swap3A_2430, %swap3A_2431] {strides = array<i32>} : memref<32x512xf32, #tpu.memory_space<vmem>>, vector<16xf32>,
        tpu.vector_store %arg9[%swap3A_2430, %swap3A_2431], %gather3A_2355 {strides = array<i32>} : memref<32x512xf32, #tpu.memory_space<vmem>>, vector<16xf32>,
        %mul3A_2433 = arith.constant 4 : i32
        %mul3A_2434 = arith.muli %scan3A_1264, %mul3A_2433 : i32
        %add3A_2435 = arith.constant 3 : i32
        %add3A_2436 = arith.addi %mul3A_2434, %add3A_2435 : i32
        %mul3A_2437 = arith.constant 16 : i32
        %mul3A_2438 = arith.muli %add3A_2436, %mul3A_2437 : i32
        %swap3A_2439 = arith.constant 5 : i32
        %swap3A_2440 = arith.index_cast %swap3A_2439 : i32 to index
        %swap3A_2441 = arith.index_cast %mul3A_2438 : i32 to index
        %swap3A_2442 = tpu.vector_load %arg9[%swap3A_2440, %swap3A_2441] {strides = array<i32>} : memref<32x512xf32, #tpu.memory_space<vmem>>, vector<16xf32>,
        tpu.vector_store %arg9[%swap3A_2440, %swap3A_2441], %gather3A_2356 {strides = array<i32>} : memref<32x512xf32, #tpu.memory_space<vmem>>, vector<16xf32>,
        %mul3A_2443 = arith.constant 4 : i32
        %mul3A_2444 = arith.muli %scan3A_1264, %mul3A_2443 : i32
        %add3A_2445 = arith.constant 3 : i32
        %add3A_2446 = arith.addi %mul3A_2444, %add3A_2445 : i32
        %mul3A_2447 = arith.constant 16 : i32
        %mul3A_2448 = arith.muli %add3A_2446, %mul3A_2447 : i32
        %swap3A_2449 = arith.constant 6 : i32
        %swap3A_2450 = arith.index_cast %swap3A_2449 : i32 to index
        %swap3A_2451 = arith.index_cast %mul3A_2448 : i32 to index
        %swap3A_2452 = tpu.vector_load %arg9[%swap3A_2450, %swap3A_2451] {strides = array<i32>} : memref<32x512xf32, #tpu.memory_space<vmem>>, vector<16xf32>,
        tpu.vector_store %arg9[%swap3A_2450, %swap3A_2451], %gather3A_2357 {strides = array<i32>} : memref<32x512xf32, #tpu.memory_space<vmem>>, vector<16xf32>,
        %mul3A_2453 = arith.constant 4 : i32
        %mul3A_2454 = arith.muli %scan3A_1264, %mul3A_2453 : i32
        %add3A_2455 = arith.constant 3 : i32
        %add3A_2456 = arith.addi %mul3A_2454, %add3A_2455 : i32
        %mul3A_2457 = arith.constant 16 : i32
        %mul3A_2458 = arith.muli %add3A_2456, %mul3A_2457 : i32
        %swap3A_2459 = arith.constant 7 : i32
        %swap3A_2460 = arith.index_cast %swap3A_2459 : i32 to index
        %swap3A_2461 = arith.index_cast %mul3A_2458 : i32 to index
        %swap3A_2462 = tpu.vector_load %arg9[%swap3A_2460, %swap3A_2461] {strides = array<i32>} : memref<32x512xf32, #tpu.memory_space<vmem>>, vector<16xf32>,
        tpu.vector_store %arg9[%swap3A_2460, %swap3A_2461], %gather3A_2358 {strides = array<i32>} : memref<32x512xf32, #tpu.memory_space<vmem>>, vector<16xf32>,
        %mul3A_2463 = arith.constant 4 : i32
        %mul3A_2464 = arith.muli %scan3A_1264, %mul3A_2463 : i32
        %add3A_2465 = arith.constant 3 : i32
        %add3A_2466 = arith.addi %mul3A_2464, %add3A_2465 : i32
        %mul3A_2467 = arith.constant 16 : i32
        %mul3A_2468 = arith.muli %add3A_2466, %mul3A_2467 : i32
        %swap3A_2469 = arith.constant 8 : i32
        %swap3A_2470 = arith.index_cast %swap3A_2469 : i32 to index
        %swap3A_2471 = arith.index_cast %mul3A_2468 : i32 to index
        %swap3A_2472 = tpu.vector_load %arg9[%swap3A_2470, %swap3A_2471] {strides = array<i32>} : memref<32x512xf32, #tpu.memory_space<vmem>>, vector<16xf32>,
        tpu.vector_store %arg9[%swap3A_2470, %swap3A_2471], %gather3A_2359 {strides = array<i32>} : memref<32x512xf32, #tpu.memory_space<vmem>>, vector<16xf32>,
        %mul3A_2473 = arith.constant 4 : i32
        %mul3A_2474 = arith.muli %scan3A_1264, %mul3A_2473 : i32
        %add3A_2475 = arith.constant 3 : i32
        %add3A_2476 = arith.addi %mul3A_2474, %add3A_2475 : i32
        %mul3A_2477 = arith.constant 16 : i32
        %mul3A_2478 = arith.muli %add3A_2476, %mul3A_2477 : i32
        %swap3A_2479 = arith.constant 9 : i32
        %swap3A_2480 = arith.index_cast %swap3A_2479 : i32 to index
        %swap3A_2481 = arith.index_cast %mul3A_2478 : i32 to index
        %swap3A_2482 = tpu.vector_load %arg9[%swap3A_2480, %swap3A_2481] {strides = array<i32>} : memref<32x512xf32, #tpu.memory_space<vmem>>, vector<16xf32>,
        tpu.vector_store %arg9[%swap3A_2480, %swap3A_2481], %gather3A_2360 {strides = array<i32>} : memref<32x512xf32, #tpu.memory_space<vmem>>, vector<16xf32>,
        %mul3A_2483 = arith.constant 4 : i32
        %mul3A_2484 = arith.muli %scan3A_1264, %mul3A_2483 : i32
        %add3A_2485 = arith.constant 3 : i32
        %add3A_2486 = arith.addi %mul3A_2484, %add3A_2485 : i32
        %mul3A_2487 = arith.constant 16 : i32
        %mul3A_2488 = arith.muli %add3A_2486, %mul3A_2487 : i32
        %swap3A_2489 = arith.constant 10 : i32
        %swap3A_2490 = arith.index_cast %swap3A_2489 : i32 to index
        %swap3A_2491 = arith.index_cast %mul3A_2488 : i32 to index
        %swap3A_2492 = tpu.vector_load %arg9[%swap3A_2490, %swap3A_2491] {strides = array<i32>} : memref<32x512xf32, #tpu.memory_space<vmem>>, vector<16xf32>,
        tpu.vector_store %arg9[%swap3A_2490, %swap3A_2491], %gather3A_2361 {strides = array<i32>} : memref<32x512xf32, #tpu.memory_space<vmem>>, vector<16xf32>,
        %mul3A_2493 = arith.constant 4 : i32
        %mul3A_2494 = arith.muli %scan3A_1264, %mul3A_2493 : i32
        %add3A_2495 = arith.constant 3 : i32
        %add3A_2496 = arith.addi %mul3A_2494, %add3A_2495 : i32
        %mul3A_2497 = arith.constant 16 : i32
        %mul3A_2498 = arith.muli %add3A_2496, %mul3A_2497 : i32
        %swap3A_2499 = arith.constant 11 : i32
        %swap3A_2500 = arith.index_cast %swap3A_2499 : i32 to index
        %swap3A_2501 = arith.index_cast %mul3A_2498 : i32 to index
        %swap3A_2502 = tpu.vector_load %arg9[%swap3A_2500, %swap3A_2501] {strides = array<i32>} : memref<32x512xf32, #tpu.memory_space<vmem>>, vector<16xf32>,
        tpu.vector_store %arg9[%swap3A_2500, %swap3A_2501], %gather3A_2362 {strides = array<i32>} : memref<32x512xf32, #tpu.memory_space<vmem>>, vector<16xf32>,
        %mul3A_2503 = arith.constant 4 : i32
        %mul3A_2504 = arith.muli %scan3A_1264, %mul3A_2503 : i32
        %add3A_2505 = arith.constant 3 : i32
        %add3A_2506 = arith.addi %mul3A_2504, %add3A_2505 : i32
        %mul3A_2507 = arith.constant 16 : i32
        %mul3A_2508 = arith.muli %add3A_2506, %mul3A_2507 : i32
        %swap3A_2509 = arith.constant 12 : i32
        %swap3A_2510 = arith.index_cast %swap3A_2509 : i32 to index
        %swap3A_2511 = arith.index_cast %mul3A_2508 : i32 to index
        %swap3A_2512 = tpu.vector_load %arg9[%swap3A_2510, %swap3A_2511] {strides = array<i32>} : memref<32x512xf32, #tpu.memory_space<vmem>>, vector<16xf32>,
        tpu.vector_store %arg9[%swap3A_2510, %swap3A_2511], %gather3A_2363 {strides = array<i32>} : memref<32x512xf32, #tpu.memory_space<vmem>>, vector<16xf32>,
        %mul3A_2513 = arith.constant 4 : i32
        %mul3A_2514 = arith.muli %scan3A_1264, %mul3A_2513 : i32
        %add3A_2515 = arith.constant 3 : i32
        %add3A_2516 = arith.addi %mul3A_2514, %add3A_2515 : i32
        %mul3A_2517 = arith.constant 16 : i32
        %mul3A_2518 = arith.muli %add3A_2516, %mul3A_2517 : i32
        %swap3A_2519 = arith.constant 13 : i32
        %swap3A_2520 = arith.index_cast %swap3A_2519 : i32 to index
        %swap3A_2521 = arith.index_cast %mul3A_2518 : i32 to index
        %swap3A_2522 = tpu.vector_load %arg9[%swap3A_2520, %swap3A_2521] {strides = array<i32>} : memref<32x512xf32, #tpu.memory_space<vmem>>, vector<16xf32>,
        tpu.vector_store %arg9[%swap3A_2520, %swap3A_2521], %gather3A_2364 {strides = array<i32>} : memref<32x512xf32, #tpu.memory_space<vmem>>, vector<16xf32>,
        %mul3A_2523 = arith.constant 4 : i32
        %mul3A_2524 = arith.muli %scan3A_1264, %mul3A_2523 : i32
        %add3A_2525 = arith.constant 3 : i32
        %add3A_2526 = arith.addi %mul3A_2524, %add3A_2525 : i32
        %mul3A_2527 = arith.constant 16 : i32
        %mul3A_2528 = arith.muli %add3A_2526, %mul3A_2527 : i32
        %swap3A_2529 = arith.constant 14 : i32
        %swap3A_2530 = arith.index_cast %swap3A_2529 : i32 to index
        %swap3A_2531 = arith.index_cast %mul3A_2528 : i32 to index
        %swap3A_2532 = tpu.vector_load %arg9[%swap3A_2530, %swap3A_2531] {strides = array<i32>} : memref<32x512xf32, #tpu.memory_space<vmem>>, vector<16xf32>,
        tpu.vector_store %arg9[%swap3A_2530, %swap3A_2531], %gather3A_2365 {strides = array<i32>} : memref<32x512xf32, #tpu.memory_space<vmem>>, vector<16xf32>,
        %mul3A_2533 = arith.constant 4 : i32
        %mul3A_2534 = arith.muli %scan3A_1264, %mul3A_2533 : i32
        %add3A_2535 = arith.constant 3 : i32
        %add3A_2536 = arith.addi %mul3A_2534, %add3A_2535 : i32
        %mul3A_2537 = arith.constant 16 : i32
        %mul3A_2538 = arith.muli %add3A_2536, %mul3A_2537 : i32
        %swap3A_2539 = arith.constant 15 : i32
        %swap3A_2540 = arith.index_cast %swap3A_2539 : i32 to index
        %swap3A_2541 = arith.index_cast %mul3A_2538 : i32 to index
        %swap3A_2542 = tpu.vector_load %arg9[%swap3A_2540, %swap3A_2541] {strides = array<i32>} : memref<32x512xf32, #tpu.memory_space<vmem>>, vector<16xf32>,
        tpu.vector_store %arg9[%swap3A_2540, %swap3A_2541], %gather3A_2366 {strides = array<i32>} : memref<32x512xf32, #tpu.memory_space<vmem>>, vector<16xf32>,
        %mul3A_2543 = arith.constant 4 : i32
        %mul3A_2544 = arith.muli %scan3A_1264, %mul3A_2543 : i32
        %add3A_2545 = arith.constant 3 : i32
        %add3A_2546 = arith.addi %mul3A_2544, %add3A_2545 : i32
        %mul3A_2547 = arith.constant 16 : i32
        %mul3A_2548 = arith.muli %add3A_2546, %mul3A_2547 : i32
        %swap3A_2549 = arith.constant 16 : i32
        %swap3A_2550 = arith.index_cast %swap3A_2549 : i32 to index
        %swap3A_2551 = arith.index_cast %mul3A_2548 : i32 to index
        %swap3A_2552 = tpu.vector_load %arg9[%swap3A_2550, %swap3A_2551] {strides = array<i32>} : memref<32x512xf32, #tpu.memory_space<vmem>>, vector<16xf32>,
        tpu.vector_store %arg9[%swap3A_2550, %swap3A_2551], %gather3A_2367 {strides = array<i32>} : memref<32x512xf32, #tpu.memory_space<vmem>>, vector<16xf32>,
        %mul3A_2553 = arith.constant 4 : i32
        %mul3A_2554 = arith.muli %scan3A_1264, %mul3A_2553 : i32
        %add3A_2555 = arith.constant 3 : i32
        %add3A_2556 = arith.addi %mul3A_2554, %add3A_2555 : i32
        %mul3A_2557 = arith.constant 16 : i32
        %mul3A_2558 = arith.muli %add3A_2556, %mul3A_2557 : i32
        %swap3A_2559 = arith.constant 17 : i32
        %swap3A_2560 = arith.index_cast %swap3A_2559 : i32 to index
        %swap3A_2561 = arith.index_cast %mul3A_2558 : i32 to index
        %swap3A_2562 = tpu.vector_load %arg9[%swap3A_2560, %swap3A_2561] {strides = array<i32>} : memref<32x512xf32, #tpu.memory_space<vmem>>, vector<16xf32>,
        tpu.vector_store %arg9[%swap3A_2560, %swap3A_2561], %gather3A_2368 {strides = array<i32>} : memref<32x512xf32, #tpu.memory_space<vmem>>, vector<16xf32>,
        %mul3A_2563 = arith.constant 4 : i32
        %mul3A_2564 = arith.muli %scan3A_1264, %mul3A_2563 : i32
        %add3A_2565 = arith.constant 3 : i32
        %add3A_2566 = arith.addi %mul3A_2564, %add3A_2565 : i32
        %mul3A_2567 = arith.constant 16 : i32
        %mul3A_2568 = arith.muli %add3A_2566, %mul3A_2567 : i32
        %swap3A_2569 = arith.constant 18 : i32
        %swap3A_2570 = arith.index_cast %swap3A_2569 : i32 to index
        %swap3A_2571 = arith.index_cast %mul3A_2568 : i32 to index
        %swap3A_2572 = tpu.vector_load %arg9[%swap3A_2570, %swap3A_2571] {strides = array<i32>} : memref<32x512xf32, #tpu.memory_space<vmem>>, vector<16xf32>,
        tpu.vector_store %arg9[%swap3A_2570, %swap3A_2571], %gather3A_2369 {strides = array<i32>} : memref<32x512xf32, #tpu.memory_space<vmem>>, vector<16xf32>,
        %mul3A_2573 = arith.constant 4 : i32
        %mul3A_2574 = arith.muli %scan3A_1264, %mul3A_2573 : i32
        %add3A_2575 = arith.constant 3 : i32
        %add3A_2576 = arith.addi %mul3A_2574, %add3A_2575 : i32
        %mul3A_2577 = arith.constant 16 : i32
        %mul3A_2578 = arith.muli %add3A_2576, %mul3A_2577 : i32
        %swap3A_2579 = arith.constant 19 : i32
        %swap3A_2580 = arith.index_cast %swap3A_2579 : i32 to index
        %swap3A_2581 = arith.index_cast %mul3A_2578 : i32 to index
        %swap3A_2582 = tpu.vector_load %arg9[%swap3A_2580, %swap3A_2581] {strides = array<i32>} : memref<32x512xf32, #tpu.memory_space<vmem>>, vector<16xf32>,
        tpu.vector_store %arg9[%swap3A_2580, %swap3A_2581], %gather3A_2370 {strides = array<i32>} : memref<32x512xf32, #tpu.memory_space<vmem>>, vector<16xf32>,
        %mul3A_2583 = arith.constant 4 : i32
        %mul3A_2584 = arith.muli %scan3A_1264, %mul3A_2583 : i32
        %add3A_2585 = arith.constant 3 : i32
        %add3A_2586 = arith.addi %mul3A_2584, %add3A_2585 : i32
        %mul3A_2587 = arith.constant 16 : i32
        %mul3A_2588 = arith.muli %add3A_2586, %mul3A_2587 : i32
        %swap3A_2589 = arith.constant 20 : i32
        %swap3A_2590 = arith.index_cast %swap3A_2589 : i32 to index
        %swap3A_2591 = arith.index_cast %mul3A_2588 : i32 to index
        %swap3A_2592 = tpu.vector_load %arg9[%swap3A_2590, %swap3A_2591] {strides = array<i32>} : memref<32x512xf32, #tpu.memory_space<vmem>>, vector<16xf32>,
        tpu.vector_store %arg9[%swap3A_2590, %swap3A_2591], %gather3A_2371 {strides = array<i32>} : memref<32x512xf32, #tpu.memory_space<vmem>>, vector<16xf32>,
        %mul3A_2593 = arith.constant 4 : i32
        %mul3A_2594 = arith.muli %scan3A_1264, %mul3A_2593 : i32
        %add3A_2595 = arith.constant 3 : i32
        %add3A_2596 = arith.addi %mul3A_2594, %add3A_2595 : i32
        %mul3A_2597 = arith.constant 16 : i32
        %mul3A_2598 = arith.muli %add3A_2596, %mul3A_2597 : i32
        %swap3A_2599 = arith.constant 21 : i32
        %swap3A_2600 = arith.index_cast %swap3A_2599 : i32 to index
        %swap3A_2601 = arith.index_cast %mul3A_2598 : i32 to index
        %swap3A_2602 = tpu.vector_load %arg9[%swap3A_2600, %swap3A_2601] {strides = array<i32>} : memref<32x512xf32, #tpu.memory_space<vmem>>, vector<16xf32>,
        tpu.vector_store %arg9[%swap3A_2600, %swap3A_2601], %gather3A_2372 {strides = array<i32>} : memref<32x512xf32, #tpu.memory_space<vmem>>, vector<16xf32>,
        %mul3A_2603 = arith.constant 4 : i32
        %mul3A_2604 = arith.muli %scan3A_1264, %mul3A_2603 : i32
        %add3A_2605 = arith.constant 3 : i32
        %add3A_2606 = arith.addi %mul3A_2604, %add3A_2605 : i32
        %mul3A_2607 = arith.constant 16 : i32
        %mul3A_2608 = arith.muli %add3A_2606, %mul3A_2607 : i32
        %swap3A_2609 = arith.constant 22 : i32
        %swap3A_2610 = arith.index_cast %swap3A_2609 : i32 to index
        %swap3A_2611 = arith.index_cast %mul3A_2608 : i32 to index
        %swap3A_2612 = tpu.vector_load %arg9[%swap3A_2610, %swap3A_2611] {strides = array<i32>} : memref<32x512xf32, #tpu.memory_space<vmem>>, vector<16xf32>,
        tpu.vector_store %arg9[%swap3A_2610, %swap3A_2611], %gather3A_2373 {strides = array<i32>} : memref<32x512xf32, #tpu.memory_space<vmem>>, vector<16xf32>,
        %mul3A_2613 = arith.constant 4 : i32
        %mul3A_2614 = arith.muli %scan3A_1264, %mul3A_2613 : i32
        %add3A_2615 = arith.constant 3 : i32
        %add3A_2616 = arith.addi %mul3A_2614, %add3A_2615 : i32
        %mul3A_2617 = arith.constant 16 : i32
        %mul3A_2618 = arith.muli %add3A_2616, %mul3A_2617 : i32
        %swap3A_2619 = arith.constant 23 : i32
        %swap3A_2620 = arith.index_cast %swap3A_2619 : i32 to index
        %swap3A_2621 = arith.index_cast %mul3A_2618 : i32 to index
        %swap3A_2622 = tpu.vector_load %arg9[%swap3A_2620, %swap3A_2621] {strides = array<i32>} : memref<32x512xf32, #tpu.memory_space<vmem>>, vector<16xf32>,
        tpu.vector_store %arg9[%swap3A_2620, %swap3A_2621], %gather3A_2374 {strides = array<i32>} : memref<32x512xf32, #tpu.memory_space<vmem>>, vector<16xf32>,
        %mul3A_2623 = arith.constant 4 : i32
        %mul3A_2624 = arith.muli %scan3A_1264, %mul3A_2623 : i32
        %add3A_2625 = arith.constant 3 : i32
        %add3A_2626 = arith.addi %mul3A_2624, %add3A_2625 : i32
        %mul3A_2627 = arith.constant 16 : i32
        %mul3A_2628 = arith.muli %add3A_2626, %mul3A_2627 : i32
        %swap3A_2629 = arith.constant 24 : i32
        %swap3A_2630 = arith.index_cast %swap3A_2629 : i32 to index
        %swap3A_2631 = arith.index_cast %mul3A_2628 : i32 to index
        %swap3A_2632 = tpu.vector_load %arg9[%swap3A_2630, %swap3A_2631] {strides = array<i32>} : memref<32x512xf32, #tpu.memory_space<vmem>>, vector<16xf32>,
        tpu.vector_store %arg9[%swap3A_2630, %swap3A_2631], %gather3A_2375 {strides = array<i32>} : memref<32x512xf32, #tpu.memory_space<vmem>>, vector<16xf32>,
        %mul3A_2633 = arith.constant 4 : i32
        %mul3A_2634 = arith.muli %scan3A_1264, %mul3A_2633 : i32
        %add3A_2635 = arith.constant 3 : i32
        %add3A_2636 = arith.addi %mul3A_2634, %add3A_2635 : i32
        %mul3A_2637 = arith.constant 16 : i32
        %mul3A_2638 = arith.muli %add3A_2636, %mul3A_2637 : i32
        %swap3A_2639 = arith.constant 25 : i32
        %swap3A_2640 = arith.index_cast %swap3A_2639 : i32 to index
        %swap3A_2641 = arith.index_cast %mul3A_2638 : i32 to index
        %swap3A_2642 = tpu.vector_load %arg9[%swap3A_2640, %swap3A_2641] {strides = array<i32>} : memref<32x512xf32, #tpu.memory_space<vmem>>, vector<16xf32>,
        tpu.vector_store %arg9[%swap3A_2640, %swap3A_2641], %gather3A_2376 {strides = array<i32>} : memref<32x512xf32, #tpu.memory_space<vmem>>, vector<16xf32>,
        %mul3A_2643 = arith.constant 4 : i32
        %mul3A_2644 = arith.muli %scan3A_1264, %mul3A_2643 : i32
        %add3A_2645 = arith.constant 3 : i32
        %add3A_2646 = arith.addi %mul3A_2644, %add3A_2645 : i32
        %mul3A_2647 = arith.constant 16 : i32
        %mul3A_2648 = arith.muli %add3A_2646, %mul3A_2647 : i32
        %swap3A_2649 = arith.constant 26 : i32
        %swap3A_2650 = arith.index_cast %swap3A_2649 : i32 to index
        %swap3A_2651 = arith.index_cast %mul3A_2648 : i32 to index
        %swap3A_2652 = tpu.vector_load %arg9[%swap3A_2650, %swap3A_2651] {strides = array<i32>} : memref<32x512xf32, #tpu.memory_space<vmem>>, vector<16xf32>,
        tpu.vector_store %arg9[%swap3A_2650, %swap3A_2651], %gather3A_2377 {strides = array<i32>} : memref<32x512xf32, #tpu.memory_space<vmem>>, vector<16xf32>,
        %mul3A_2653 = arith.constant 4 : i32
        %mul3A_2654 = arith.muli %scan3A_1264, %mul3A_2653 : i32
        %add3A_2655 = arith.constant 3 : i32
        %add3A_2656 = arith.addi %mul3A_2654, %add3A_2655 : i32
        %mul3A_2657 = arith.constant 16 : i32
        %mul3A_2658 = arith.muli %add3A_2656, %mul3A_2657 : i32
        %swap3A_2659 = arith.constant 27 : i32
        %swap3A_2660 = arith.index_cast %swap3A_2659 : i32 to index
        %swap3A_2661 = arith.index_cast %mul3A_2658 : i32 to index
        %swap3A_2662 = tpu.vector_load %arg9[%swap3A_2660, %swap3A_2661] {strides = array<i32>} : memref<32x512xf32, #tpu.memory_space<vmem>>, vector<16xf32>,
        tpu.vector_store %arg9[%swap3A_2660, %swap3A_2661], %gather3A_2378 {strides = array<i32>} : memref<32x512xf32, #tpu.memory_space<vmem>>, vector<16xf32>,
        %mul3A_2663 = arith.constant 4 : i32
        %mul3A_2664 = arith.muli %scan3A_1264, %mul3A_2663 : i32
        %add3A_2665 = arith.constant 3 : i32
        %add3A_2666 = arith.addi %mul3A_2664, %add3A_2665 : i32
        %mul3A_2667 = arith.constant 16 : i32
        %mul3A_2668 = arith.muli %add3A_2666, %mul3A_2667 : i32
        %swap3A_2669 = arith.constant 28 : i32
        %swap3A_2670 = arith.index_cast %swap3A_2669 : i32 to index
        %swap3A_2671 = arith.index_cast %mul3A_2668 : i32 to index
        %swap3A_2672 = tpu.vector_load %arg9[%swap3A_2670, %swap3A_2671] {strides = array<i32>} : memref<32x512xf32, #tpu.memory_space<vmem>>, vector<16xf32>,
        tpu.vector_store %arg9[%swap3A_2670, %swap3A_2671], %gather3A_2379 {strides = array<i32>} : memref<32x512xf32, #tpu.memory_space<vmem>>, vector<16xf32>,
        %mul3A_2673 = arith.constant 4 : i32
        %mul3A_2674 = arith.muli %scan3A_1264, %mul3A_2673 : i32
        %add3A_2675 = arith.constant 3 : i32
        %add3A_2676 = arith.addi %mul3A_2674, %add3A_2675 : i32
        %mul3A_2677 = arith.constant 16 : i32
        %mul3A_2678 = arith.muli %add3A_2676, %mul3A_2677 : i32
        %swap3A_2679 = arith.constant 29 : i32
        %swap3A_2680 = arith.index_cast %swap3A_2679 : i32 to index
        %swap3A_2681 = arith.index_cast %mul3A_2678 : i32 to index
        %swap3A_2682 = tpu.vector_load %arg9[%swap3A_2680, %swap3A_2681] {strides = array<i32>} : memref<32x512xf32, #tpu.memory_space<vmem>>, vector<16xf32>,
        tpu.vector_store %arg9[%swap3A_2680, %swap3A_2681], %gather3A_2380 {strides = array<i32>} : memref<32x512xf32, #tpu.memory_space<vmem>>, vector<16xf32>,
        %mul3A_2683 = arith.constant 4 : i32
        %mul3A_2684 = arith.muli %scan3A_1264, %mul3A_2683 : i32
        %add3A_2685 = arith.constant 3 : i32
        %add3A_2686 = arith.addi %mul3A_2684, %add3A_2685 : i32
        %mul3A_2687 = arith.constant 16 : i32
        %mul3A_2688 = arith.muli %add3A_2686, %mul3A_2687 : i32
        %swap3A_2689 = arith.constant 30 : i32
        %swap3A_2690 = arith.index_cast %swap3A_2689 : i32 to index
        %swap3A_2691 = arith.index_cast %mul3A_2688 : i32 to index
        %swap3A_2692 = tpu.vector_load %arg9[%swap3A_2690, %swap3A_2691] {strides = array<i32>} : memref<32x512xf32, #tpu.memory_space<vmem>>, vector<16xf32>,
        tpu.vector_store %arg9[%swap3A_2690, %swap3A_2691], %gather3A_2381 {strides = array<i32>} : memref<32x512xf32, #tpu.memory_space<vmem>>, vector<16xf32>,
        %mul3A_2693 = arith.constant 4 : i32
        %mul3A_2694 = arith.muli %scan3A_1264, %mul3A_2693 : i32
        %add3A_2695 = arith.constant 3 : i32
        %add3A_2696 = arith.addi %mul3A_2694, %add3A_2695 : i32
        %mul3A_2697 = arith.constant 16 : i32
        %mul3A_2698 = arith.muli %add3A_2696, %mul3A_2697 : i32
        %swap3A_2699 = arith.constant 31 : i32
        %swap3A_2700 = arith.index_cast %swap3A_2699 : i32 to index
        %swap3A_2701 = arith.index_cast %mul3A_2698 : i32 to index
        %swap3A_2702 = tpu.vector_load %arg9[%swap3A_2700, %swap3A_2701] {strides = array<i32>} : memref<32x512xf32, #tpu.memory_space<vmem>>, vector<16xf32>,
        tpu.vector_store %arg9[%swap3A_2700, %swap3A_2701], %gather3A_2382 {strides = array<i32>} : memref<32x512xf32, #tpu.memory_space<vmem>>, vector<16xf32>,
      }
      %scan3A_1250 = arith.constant 8 : i32
      %dma_start3A_1251 = arith.constant 0 : i32
      %dma_start3A_1252 = tpu.memref_slice %arg4[%add3A_1232, %dma_start3A_1251, %mul3A_2] : memref<50x32x16384xf32, #tpu.memory_space<hbm>> -> memref<1x32x512xf32, #tpu.memory_space<hbm>>
      %dma_start3A_1253 = tpu.memref_squeeze %dma_start3A_1252 : memref<1x32x512xf32, #tpu.memory_space<hbm>> -> memref<32x512xf32, #tpu.memory_space<hbm>>
      %dma_start3A_1254 = arith.constant 0 : i32
      %dma_start3A_1255 = tpu.memref_slice %arg4[%add3A_1232, %dma_start3A_1254, %mul3A_2] : memref<50x32x16384xf32, #tpu.memory_space<hbm>> -> memref<1x32x512xf32, #tpu.memory_space<hbm>>
      %dma_start3A_1256 = tpu.memref_squeeze %dma_start3A_1255 : memref<1x32x512xf32, #tpu.memory_space<hbm>> -> memref<32x512xf32, #tpu.memory_space<hbm>>
      tpu.enqueue_dma source(%arg9 : memref<32x512xf32, #tpu.memory_space<vmem>>) target(%dma_start3A_1256 : memref<32x512xf32, #tpu.memory_space<hbm>>) target_semaphore(%arg13 : memref<!tpu.dma_semaphore, #tpu.memory_space<semaphore_mem>>)
      %add3A_1257 = arith.constant 2 : i32
      %add3A_1258 = arith.addi %add3A_1232, %add3A_1257 : i32
      %lt3A_1259 = arith.constant 50 : i32
      %lt3A_1260 = arith.cmpi slt, %add3A_1258, %lt3A_1259 : i32
      %convert_element_type3A_1261 = arith.extui %lt3A_1260 : i1 to i32
      %cond3A_1262 = arith.constant 0 : i32
      %cond3A_1263 = arith.cmpi ne, %convert_element_type3A_1261, %cond3A_1262 : i32
      scf.if %cond3A_1263 {
        %add3A_1264 = arith.constant 2 : i32
        %add3A_1265 = arith.addi %add3A_1232, %add3A_1264 : i32
        %dma_start3A_1266 = arith.constant 0 : i32
        %dma_start3A_1267 = tpu.memref_slice %arg5[%add3A_1265, %dma_start3A_1266] : memref<50x512xi32, #tpu.memory_space<vmem>> -> memref<1x512xi32, #tpu.memory_space<vmem>>
        %dma_start3A_1268 = tpu.memref_squeeze %dma_start3A_1267 : memref<1x512xi32, #tpu.memory_space<vmem>> -> memref<512xi32, #tpu.memory_space<vmem>>
        %dma_start3A_1269 = arith.constant 0 : i32
        %dma_start3A_1270 = arith.constant 0 : i32
        %dma_start3A_1271 = tpu.memref_slice %arg2[%dma_start3A_1269, %dma_start3A_1270] : memref<1000000x32xf32, #tpu.memory_space<hbm>> -> memref<1000000x32xf32, #tpu.memory_space<hbm>>
        tpu.enqueue_indirect_dma source(%dma_start3A_1271 : memref<1000000x32xf32, #tpu.memory_space<hbm>>) target(%arg7 : memref<512x32xf32, #tpu.memory_space<vmem>>) offsets(%dma_start3A_1268 : memref<512xi32, #tpu.memory_space<vmem>>) semaphore(%arg11 : memref<!tpu.dma_semaphore, #tpu.memory_space<semaphore_mem>>)
      } else {
      }
    }
    %scan3A_1182 = arith.constant 25 : i32
    %dma_wait3A_1183 = arith.constant 0 : i32
    %dma_wait3A_1184 = arith.constant 0 : i32
    %dma_wait3A_1185 = tpu.memref_slice %arg4[%dma_wait3A_1183, %dma_wait3A_1184, %mul3A_2] : memref<50x32x16384xf32, #tpu.memory_space<hbm>> -> memref<1x32x512xf32, #tpu.memory_space<hbm>>
    %dma_wait3A_1186 = tpu.memref_squeeze %dma_wait3A_1185 : memref<1x32x512xf32, #tpu.memory_space<hbm>> -> memref<32x512xf32, #tpu.memory_space<hbm>>
    %dma_wait3A_1187 = arith.constant 0 : i32
    %dma_wait3A_1188 = tpu.memref_slice %arg4[%dma_wait3A_1183, %dma_wait3A_1187, %mul3A_2] : memref<50x32x16384xf32, #tpu.memory_space<hbm>> -> memref<1x32x512xf32, #tpu.memory_space<hbm>>
    %dma_wait3A_1189 = tpu.memref_squeeze %dma_wait3A_1188 : memref<1x32x512xf32, #tpu.memory_space<hbm>> -> memref<32x512xf32, #tpu.memory_space<hbm>>
    tpu.wait_dma2 semaphore(%arg12 : memref<!tpu.dma_semaphore, #tpu.memory_space<semaphore_mem>>) src(%arg8 : memref<32x512xf32, #tpu.memory_space<vmem>>) dst(%dma_wait3A_1189 : memref<32x512xf32, #tpu.memory_space<hbm>>)
    %dma_wait3A_1190 = arith.constant 0 : i32
    %dma_wait3A_1191 = arith.constant 0 : i32
    %dma_wait3A_1192 = tpu.memref_slice %arg4[%dma_wait3A_1190, %dma_wait3A_1191, %mul3A_2] : memref<50x32x16384xf32, #tpu.memory_space<hbm>> -> memref<1x32x512xf32, #tpu.memory_space<hbm>>
    %dma_wait3A_1193 = tpu.memref_squeeze %dma_wait3A_1192 : memref<1x32x512xf32, #tpu.memory_space<hbm>> -> memref<32x512xf32, #tpu.memory_space<hbm>>
    %dma_wait3A_1194 = arith.constant 0 : i32
    %dma_wait3A_1195 = tpu.memref_slice %arg4[%dma_wait3A_1190, %dma_wait3A_1194, %mul3A_2] : memref<50x32x16384xf32, #tpu.memory_space<hbm>> -> memref<1x32x512xf32, #tpu.memory_space<hbm>>
    %dma_wait3A_1196 = tpu.memref_squeeze %dma_wait3A_1195 : memref<1x32x512xf32, #tpu.memory_space<hbm>> -> memref<32x512xf32, #tpu.memory_space<hbm>>
    tpu.wait_dma2 semaphore(%arg13 : memref<!tpu.dma_semaphore, #tpu.memory_space<semaphore_mem>>) src(%arg9 : memref<32x512xf32, #tpu.memory_space<vmem>>) dst(%dma_wait3A_1196 : memref<32x512xf32, #tpu.memory_space<hbm>>)
    return
  }
}

</mosaic_0001>

<sc_bundles>
// kernel: _sc_gather_t.3.cloned.1.call-start
scs
__scs_entry_jumppad:
0x0: {  	(pc) =	sbr.rel $0x88, $3  }
0x1: {  	(tag) =	ssettag $0x0;
	lr =	simm.s32 $0x1  }
0x2: {  	[smem:$0x3F9F] =	sst lr;
	_ =	strace $0xD0000000  }
0x3: {  	_ = 	snop  }
0x4: {  	_ = 	snop  }
0x5: {  	_ = 	snop  }
0x6: {  	_ = 	snop  }
0x7: {  	_ = 	snop  }
__scs_overlays_trampoline_lowered:
0x8: {  	[smem:$0x3FAE] =	sst s0  }
0x9: {  	[smem:$0x3FAF] =	sst s1  }
0xa: {  	[smem:$0x3FB0] =	sst s2  }
0xb: {  	[smem:$0x3FB1] =	sst s3  }
0xc: {  	[smem:$0x3FB2] =	sst s4  }
0xd: {  	[smem:$0x3FB3] =	sst s5  }
0xe: {  	[smem:$0x3FB4] =	sst s6  }
0xf: {  	[smem:$0x3FB5] =	sst s7  }
0x10: {  	[smem:$0x3FB6] =	sst s8  }
0x11: {  	[smem:$0x3FB7] =	sst s9;
	s0 =	simm.s32 @!p0 $0x0  }
0x12: {  	s1 =	sld [smem:$0x3F9D];
	s0 =	simm.s32 @p0 $0x1  }
0x13: {  	[smem:$0x3FB8] =	sst s0;
	s0 =	simm.s32 @!p1 $0x0  }
0x14: {  	s2 =	sld [smem:$0x3F9C];
	s0 =	simm.s32 @p1 $0x1  }
0x15: {  	[smem:$0x3FB9] =	sst s0;
	s0 =	simm.s32 @!p2 $0x0  }
0x16: {  	s3 =	sld [smem:$0x3FDB];
	s0 =	simm.s32 @p2 $0x1  }
0x17: {  	s4 =	simm.s32 $0x1BF5;
	[smem:$0x3FBB] =	sst s0  }
0x18: {  	s0 =	sld [smem:$0x3F9E];
	_ =	swait.ge [sflag:s4], $0x0  }
0x19: {  	s7 =	sld [smem:$0x3F9F]  }
0x1a: {  	s8 =	sadd.s32 $0xFFFFE003, lr  }
0x1b: {  	s9 =	sadd.s32 $0xFFFFFEF7, lr;
	s5 =	simm.s32 $0xFFFFFFFF;
	p2 =	slt.u32 s8, $0xFFFFF086  }
0x1c: {  	p1 =	slt.u32 s9, $0xF7A;
	s5 =	simm.s32 @!p2 $0x0  }
0x1d: {  	s5 =	simm.s32 @p1 $0x1;
	p0 =	seq.s32 s7, s2  }
0x1e: {  	s7 =	smul.u32 @!p0 $0xF7A, s2;
	p2 =	seq.s32 @!p0 s5, $0x0  }
0x1f: {  	s9 =	smul.u32 $0xF7A, s1;
	s8 =	simm.s32 @!p0 $0x1BF5;
	p2 =	por !p2, p0  }
0x20: {  	[sflag:s8] =	ssyncset.s32 @!p0 $0xFFFFF086;
	s6 =	sadd.s32 @!p0 s3, s7;
	s7 =	simm.s32 @!p0 $0x108  }
0x21: {  	s3 =	sadd.s32 s3, s9;
	s6 =	sadd.s32 @!p0 $0x88, s6;
	s7 =	simm.s32 @p2 $0x1082  }
0x22: {  	[simem:s7], [sflag:s8] =	dma.local @!p0 [hbm:s6], $0xF7A  }
0x23: {  	s9 =	sor.u32 $0xD0000000, s2;
	s6 =	simm.s32 $0x108;
	_ =	swait.ge @!p0 [sflag:s8], $0x0  }
0x24: {  	s3 =	sadd.s32 $0x88, s3;
	s6 =	simm.s32 @!p1 $0x1082;
	[sflag:s4] =	ssyncset.s32 $0xFFFFF086  }
0x25: {  	[simem:s6], [sflag:s4] =	dma.local [hbm:s3], $0xF7A  }
0x26: {  	[smem:$0x3F9F] =	sst s1;
	(tag) =	ssettag s2;
	_ =	strace s9  }
0x27: {  	s1 =	sld [smem:$0x3FAF]  }
0x28: {  	s2 =	sld [smem:$0x3FB0]  }
0x29: {  	s4 =	sld [smem:$0x3FB2]  }
0x2a: {  	p0 =	seq.s32 s5, $0x0;
	s5 =	sld [smem:$0x3FB3]  }
0x2b: {  	s6 =	sld [smem:$0x3FB4]  }
0x2c: {  	s7 =	sld [smem:$0x3FB5]  }
0x2d: {  	s3 =	simm.s32 $0x108;
	s8 =	sld [smem:$0x3FB6]  }
0x2e: {  	s3 =	simm.s32 @!p0 $0x1082;
	s9 =	sld [smem:$0x3FB7]  }
0x2f: {  	lr =	sadd.s32 s0, s3;
	s0 =	sld [smem:$0x3FAE]  }
0x30: {  	s3 =	sld [smem:$0x3FB1]  }
0x31: {  	[smem:$0x3FBA] =	sst s10  }
0x32: {  	s10 =	sld [smem:$0x3FB8];
	_ =	sdelay $0x3  }
0x33: {  	p0 =	seq.s32 s10, $0x1;
	s10 =	sld [smem:$0x3FBA];
	_ =	sdelay $0x3  }
0x34: {  	[smem:$0x3FBA] =	sst s10  }
0x35: {  	s10 =	sld [smem:$0x3FB9];
	_ =	sdelay $0x3  }
0x36: {  	p1 =	seq.s32 s10, $0x1;
	s10 =	sld [smem:$0x3FBA];
	_ =	sdelay $0x3  }
0x37: {  	[smem:$0x3FBA] =	sst s10  }
0x38: {  	s10 =	sld [smem:$0x3FBB]  }
0x39: {  	_ = 	snop;
	(pc) =	sbr.ind lr, $3  }
0x3a: {  	_ = 	snop  }
0x3b: {  	_ = 	snop  }
0x3c: {  	p2 =	seq.s32 s10, $0x1;
	s10 =	sld [smem:$0x3FBA]  }
0x3d: {  	_ =	shalt  }
0x3e: {  	_ =	shalt  }
0x3f: {  	_ =	shalt  }
0x40: {  	_ =	shalt  }
0x41: {  	_ =	shalt  }
0x42: {  	_ =	shalt  }
0x43: {  	_ =	shalt  }
0x44: {  	_ =	shalt  }
0x45: {  	_ =	shalt  }
0x46: {  	_ =	shalt  }
0x47: {  	_ =	shalt  }
0x48: {  	_ =	shalt  }
0x49: {  	_ =	shalt  }
0x4a: {  	_ =	shalt  }
0x4b: {  	_ =	shalt  }
0x4c: {  	_ =	shalt  }
0x4d: {  	_ =	shalt  }
0x4e: {  	_ =	shalt  }
0x4f: {  	_ =	shalt  }
0x50: {  	_ =	shalt  }
0x51: {  	_ =	shalt  }
0x52: {  	_ =	shalt  }
0x53: {  	_ =	shalt  }
0x54: {  	_ =	shalt  }
0x55: {  	_ =	shalt  }
0x56: {  	_ =	shalt  }
0x57: {  	_ =	shalt  }
0x58: {  	_ =	shalt  }
0x59: {  	_ =	shalt  }
0x5a: {  	_ =	shalt  }
0x5b: {  	_ =	shalt  }
0x5c: {  	_ =	shalt  }
0x5d: {  	_ =	shalt  }
0x5e: {  	_ =	shalt  }
0x5f: {  	_ =	shalt  }
0x60: {  	_ =	shalt  }
0x61: {  	_ =	shalt  }
0x62: {  	_ =	shalt  }
0x63: {  	_ =	shalt  }
0x64: {  	_ =	shalt  }
0x65: {  	_ =	shalt  }
0x66: {  	_ =	shalt  }
0x67: {  	_ =	shalt  }
0x68: {  	_ =	shalt  }
0x69: {  	_ =	shalt  }
0x6a: {  	_ =	shalt  }
0x6b: {  	_ =	shalt  }
0x6c: {  	_ =	shalt  }
0x6d: {  	_ =	shalt  }
0x6e: {  	_ =	shalt  }
0x6f: {  	_ =	shalt  }
0x70: {  	_ =	shalt  }
0x71: {  	_ =	shalt  }
0x72: {  	_ =	shalt  }
0x73: {  	_ =	shalt  }
0x74: {  	_ =	shalt  }
0x75: {  	_ =	shalt  }
0x76: {  	_ =	shalt  }
0x77: {  	_ =	shalt  }
0x78: {  	_ =	shalt  }
0x79: {  	_ =	shalt  }
0x7a: {  	_ =	shalt  }
0x7b: {  	_ =	shalt  }
0x7c: {  	_ =	shalt  }
0x7d: {  	_ =	shalt  }
0x7e: {  	_ =	shalt  }
0x7f: {  	_ =	shalt  }
0x80: {  	_ =	shalt  }
0x81: {  	_ =	shalt  }
0x82: {  	_ =	shalt  }
0x83: {  	_ =	shalt  }
0x84: {  	_ =	shalt  }
0x85: {  	_ =	shalt  }
0x86: {  	_ =	shalt  }
0x87: {  	_ =	shalt  }
.Lfunc_end0:
.L_simem_size_0:
called_computation_lowered:
.L_overlay_start_0:
0x88: {  	s2 =	sld [smem:$0x3FD9]  }
0x89: {  	s3 =	sld [smem:$0x3FFE];
	_ =	sdelay $0x1  }
0x8a: {  	s1 =	srdreg.scid  }
0x8b: {  	s0 =	sand.u32 $0x1, s1  }
0x8c: {  	s17 =	sshll.u32 s0, $0xA;
	s2 =	sadd.s32 s3, s2  }
0x8d: {  	s2 =	sadd.s32 s2, s17  }
0x8e: {  	[smem:$0x3FC6] =	sst s2  }
0x8f: {  	_ = 	snop  }
0x90: {  	s2 =	sld [smem:$0x3FC8];
	(tm) =	ssettm $0x1  }
0x91: {  	s18 =	sld [smem:$0x3FFB];
	_ =	sdelay $0x3  }
0x92: {  	_ =	strace s18  }
0x93: {  	s3 =	sld [smem:$0x3FFC];
	_ =	sdelay $0x3  }
0x94: {  	_ =	strace s3  }
0x95: {  	s3 =	sld [smem:$0x3FFD];
	_ =	sdelay $0x3  }
0x96: {  	_ =	strace s3  }
0x97: {  	_ =	strace $0x8FFFFFFF  }
0x98: {  	s19 =	sld [smem:$0x3FDB];
	_ =	sdelay $0x1  }
0x99: {  	s4 =	simm.s32 $_scs_section_size  }
0x9a: {  	s5 =	simm.s32 $_size__tile_overlayer_lowered;
	s6 =	simm.s32 $_tile_overlayer_lowered  }
0x9b: {  	s22 =	simm.s32 $0x1BFF;
	s21 =	sshll.u32 s6, $0x1;
	s3 =	sadd.s32 s4, s19  }
0x9c: {  	s7 =	simm.s32 $0x0;
	s20 =	sshll.u32 s5, $0x1;
	s5 =	sadd.s32 s21, s3  }
0x9d: {  	[timem:s7], [sflag:s22] =	dma.local [hbm:s5], s20  }
0x9e: {  	_ =	swait.ge [sflag:s22], s20  }
0x9f: {  	s4 =	ssub.s32 $0x0, s20;
	[sflag:s22] =	ssyncset.done $0x0  }
0xa0: {  	[sflag:s22] =	ssyncadd.s32 s4;
	_ =	sdelay $0x1  }
0xa1: {  	s23 =	simm.s32 $0x1B8B  }
0xa2: {  	_ =	swait.ge [sflag:s23], $0x1  }
0xa3: {  	[sflag:s23] =	ssyncset.done $0x0  }
0xa4: {  	s25 =	simm.s32 $0x1B8E;
	s24 =	sld [smem:$0x3FFE];
	[sflag:s23] =	ssyncadd.s32 $0xFFFFFFFF  }
0xa5: {  	s26 =	simm.s32 $execute0_lowered;
	[smem:$0x3FD2] =	sst s25  }
0xa6: {  	s5 =	sshll.u32 s26, $0x1;
	_ =	strace $0x80000046;
	[dreg:$0x1] =	wrdreg $0xFFFFFFFF  }
0xa7: {  	s28 =	simm.s32 $_size_execute0_lowered;
	s3 =	sadd.s32 s3, s5;
	[dreg:$0x0] =	wrdreg $0x0  }
0xa8: {  	s5 =	sshll.u32 s28, $0x1;
	[dreg:$0x2] =	wrdreg s3  }
0xa9: {  	[dreg:$0x3] =	wrdreg s5  }
0xaa: {  	[dreg:$0x4] =	wrdreg $0xC0  }
0xab: {  	_ =	task [dreg:s7], $0x5FFFF  }
0xac: {  	[dreg:$0x1] =	wrdreg $0xFFFFFFFF  }
0xad: {  	[dreg:$0x0] =	wrdreg $0x60  }
0xae: {  	[dreg:$0x2] =	wrdreg s24  }
0xaf: {  	[dreg:$0x3] =	wrdreg s2  }
0xb0: {  	[dreg:$0x4] =	wrdreg $0x9  }
0xb1: {  	_ =	task.clear_ibuf [dreg:s7], $0x5FFFF;
	_ =	strace $0x90000046  }
0xb2: {  	s29 =	simm.s32 $0x9;
	_ =	strace $0x80000048  }
0xb3: {  	_ =	swait.ge [sflag:s29], $0x1  }
0xb4: {  	[sflag:s29] =	ssyncadd.s32 $0xFFFFFFFF  }
0xb5: {  	_ =	strace $0x90000048  }
0xb6: {  	_ =	sfence  }
0xb7: {  	s30 =	sld [smem:$0x0];
	_ =	sdelay $0x2  }
0xb8: {  	s31 =	sshll.u32 s1, $0xD;
	s1 =	sshrl.u32 s1, $0x2  }
0xb9: {  	s3 =	sand.u32 $0x4000, s31;
	s1 =	sadd.s32 s1, s30  }
0xba: {  	s0 =	sor.u32 s3, s0;
	s1 =	sshll.u32 s1, $0x11  }
0xbb: {  	s0 =	sor.u32 s1, s0  }
0xbc: {  	s0 =	sadd.s32 $0x8F2B, s0  }
0xbd: {  	[sflag:s0] =	ssyncadd.remote.s32 $0x1  }
0xbe: {  	_ =	sfence.sel $0xFFFF  }
0xbf: {  	[dreg:$0x0] =	wrdreg $0xFFFFFFFF;
	(pc) =	sbr.abs _section_cstart, $3  }
0xc0: {  	[dreg:$0x1] =	wrdreg $0xFFFFFFFF  }
0xc1: {  	_ =	task.clear_ibuf [dreg:s7], $0x2FFFF;
	_ =	strace $0x9FFFFFFF  }
0xc2: {  	(tm) =	ssettm $0x7FFFFFFF  }
0xc3: {  	_ =	shalt  }
tec
execute0_lowered:
.L_overlay_start_1:
0x0: {  	(tag) =	ssettag $0x1  }
0x1: {  	s2 =	srdreg.scid  }
0x2: {  	s0 =	rddreg [dreg:$0x0];
	s3 =	stileid.u32;
	s4 =	sand.u32 $0x1, s2  }
0x3: {  	s3 =	sshll.u32 s3, $0xA;
	s5 =	sshll.u32 s4, $0x9;
	s7 =	ssub.s32 $0x2, s4  }
0x4: {  	s1 =	rddreg [dreg:$0x1];
	s3 =	sor.u32 s5, s3;
	s8 =	sshrl.u32 s7, $0x1  }
0x5: {  	s2 =	simm.s32 $0x0;
	s5 =	sshrl.u32 s3, $0x3;
	s22 =	ssub.s32 s7, s8  }
0x6: {  	[smem:$0x7FF] =	sst s2;
	s5 =	sadd.s32 s1, s5;
	s21 =	smax.u32 s22, $0x1  }
0x7: {  	_ =	strace $0x80000047;
	s23 =	sadd.s32 $0x800, s5;
	[dreg:$0x14] =	wrdreg s21  }
0x8: {  	s24 =	sadd.s32 $0x1000, s5;
	[dreg:$0x3] =	wrdreg s23  }
0x9: {  	s25 =	sadd.s32 $0x1800, s5;
	[dreg:$0x4] =	wrdreg s24  }
0xa: {  	s26 =	sadd.s32 $0x2000, s5;
	[dreg:$0x5] =	wrdreg s25  }
0xb: {  	s8 =	sadd.s32 $0x2800, s5;
	[dreg:$0x6] =	wrdreg s26  }
0xc: {  	s9 =	sadd.s32 $0x3000, s5;
	[dreg:$0x7] =	wrdreg s8  }
0xd: {  	s10 =	sadd.s32 $0x3800, s5;
	[dreg:$0x8] =	wrdreg s9  }
0xe: {  	s11 =	sadd.s32 $0x4000, s5;
	[dreg:$0x9] =	wrdreg s10  }
0xf: {  	s12 =	sadd.s32 $0x4800, s5;
	[dreg:$0xa] =	wrdreg s11  }
0x10: {  	s13 =	sadd.s32 $0x5000, s5;
	[dreg:$0xb] =	wrdreg s12  }
0x11: {  	s14 =	sadd.s32 $0x5800, s5;
	[dreg:$0xc] =	wrdreg s13  }
0x12: {  	s15 =	sadd.s32 $0x6000, s5;
	[dreg:$0xd] =	wrdreg s14  }
0x13: {  	s16 =	sadd.s32 $0x6800, s5;
	[dreg:$0xe] =	wrdreg s15  }
0x14: {  	s17 =	sadd.s32 $0x7000, s5;
	[dreg:$0xf] =	wrdreg s16  }
0x15: {  	s18 =	sadd.s32 $0x7800, s5;
	[dreg:$0x10] =	wrdreg s17  }
0x16: {  	s19 =	sadd.s32 $0x8000, s5;
	[dreg:$0x11] =	wrdreg s18  }
0x17: {  	s20 =	sadd.s32 $0x8800, s5;
	[dreg:$0x12] =	wrdreg s19  }
0x18: {  	s22 =	sadd.s32 $0x9000, s5;
	[dreg:$0x13] =	wrdreg s20  }
0x19: {  	s1 =	sadd.s32 $0xB000, s5;
	[dreg:$0x15] =	wrdreg s22  }
0x1a: {  	s7 =	sadd.s32 $0xB800, s5;
	[dreg:$0x19] =	wrdreg s1  }
0x1b: {  	s21 =	sadd.s32 $0x12800, s5;
	[dreg:$0x1a] =	wrdreg s7  }
0x1c: {  	s23 =	sadd.s32 $0x9800, s5;
	[smem:$0x7F9] =	sst s21  }
0x1d: {  	s25 =	sadd.s32 $0xA000, s5;
	[dreg:$0x16] =	wrdreg s23  }
0x1e: {  	s26 =	sadd.s32 $0xA800, s5;
	[dreg:$0x17] =	wrdreg s25  }
0x1f: {  	s8 =	sadd.s32 $0xC000, s5;
	[dreg:$0x18] =	wrdreg s26  }
0x20: {  	s9 =	sadd.s32 $0xC800, s5;
	[dreg:$0x1b] =	wrdreg s8  }
0x21: {  	s10 =	sadd.s32 $0xD000, s5;
	[dreg:$0x1c] =	wrdreg s9  }
0x22: {  	s11 =	sadd.s32 $0xD800, s5;
	[dreg:$0x1d] =	wrdreg s10  }
0x23: {  	s12 =	sadd.s32 $0xE000, s5;
	[dreg:$0x1e] =	wrdreg s11  }
0x24: {  	s6 =	sadd.s32 $0x400, s0;
	s13 =	sadd.s32 $0xE800, s5;
	[dreg:$0x1f] =	wrdreg s12  }
0x25: {  	s4 =	sadd.s32 $0xF42800, s0;
	s14 =	sadd.s32 $0xF000, s5;
	[smem:$0x7F1] =	sst s13  }
0x26: {  	s28 =	sadd.s32 $0x16000, s5;
	s15 =	sadd.s32 $0xF800, s5;
	[smem:$0x7F2] =	sst s14  }
0x27: {  	s29 =	sadd.s32 $0x16800, s5;
	s16 =	sadd.s32 $0x10000, s5;
	[smem:$0x7F3] =	sst s15  }
0x28: {  	s30 =	sadd.s32 $0x17000, s5;
	s17 =	sadd.s32 $0x10800, s5;
	[smem:$0x7F4] =	sst s16  }
0x29: {  	s31 =	sadd.s32 $0x17800, s5;
	s18 =	sadd.s32 $0x11000, s5;
	[smem:$0x7F5] =	sst s17  }
0x2a: {  	s24 =	sadd.s32 $0x10400, s0;
	s19 =	sadd.s32 $0x11800, s5;
	[smem:$0x7F6] =	sst s18  }
0x2b: {  	s20 =	sadd.s32 $0x12000, s5;
	s22 =	sadd.s32 $0x13000, s5;
	[smem:$0x7F7] =	sst s19  }
0x2c: {  	s0 =	sadd.s32 $0x18000, s5;
	s1 =	sadd.s32 $0x18800, s5;
	[smem:$0x7F8] =	sst s20  }
0x2d: {  	s7 =	simm.s32 $0x200;
	[smem:$0x7FA] =	sst s22;
	s23 =	sadd.s32 $0x13800, s5  }
0x2e: {  	s25 =	sadd.s32 $0x14000, s5;
	s26 =	sadd.s32 $0x14800, s5;
	s8 =	simm.s32 $0x4000  }
.Ltmp0:
0x2f: {  	s9 =	simm.s32 $0x1;
	s10 =	simm.s32 $0x6400;
	(pc) =	sbr.rel .LBB2_1-.Ltmp0, $4  }
0x30: {  	s11 =	simm.s32 $0xA400;
	s12 =	simm.s32 $0xE400;
	s13 =	simm.s32 $0x2  }
0x31: {  	s14 =	simm.s32 $0x4;
	s15 =	simm.s32 $0x12400;
	[smem:$0x7FB] =	sst s23  }
0x32: {  	v0 =	vlaneseq.u32;
	s16 =	simm.s32 $0x3;
	s17 =	simm.s32 $0x0;
	[smem:$0x7FC] =	sst s25  }
0x33: {  	v0 =	vmul.u32 $0x20, v0;
	[smem:$0x7FD] =	sst s26;
	s25 =	sadd.s32 $0x15000, s5;
	s26 =	sadd.s32 $0x15800, s5  }
.LBB2_12:
0x34: {  	_ =	swait.ge [sflag:s16], $0x4000  }
0x35: {  	[sflag:s16] =	ssyncset.done $0x0  }
0x36: {  	[sflag:s16] =	ssyncadd.s32 $0xFFFFC000  }
0x37: {  	_ =	swait.ge [sflag:s14], $0x4000  }
0x38: {  	s17 =	sadd.s32 $0x1, s17;
	s18 =	rddreg [dreg:$0x14]  }
0x39: {  	p0 =	sne.s32 s17, s18  }
.Ltmp1:
0x3a: {  	_ = 	snop;
	(pc) =	sbr.rel @!p0 .LBB2_13-.Ltmp1, $3  }
0x3b: {  	_ =	sdelay $0x1  }
0x3c: {  	[sflag:s14] =	ssyncset.done $0x0  }
0x3d: {  	[sflag:s14] =	ssyncadd.s32 $0xFFFFC000  }
.LBB2_1:
0x3e: {  	[tilespmem:s2], [sflag:$0x1] =	stream.linear.gather [hbm4b:s5+s2], $0x200, $0x38;
	[tilespmem:$0x16400] =	vst v63  }
0x3f: {  	s18 =	rddreg [dreg:$0x3]  }
0x40: {  	s21 =	rddreg [dreg:$0x4]  }
0x41: {  	[tilespmem:s7], [sflag:$0x1] =	stream.linear.gather [hbm4b:s18+s2], $0x200, $0x38;
	[tilespmem:$0x16400] =	vst v63  }
0x42: {  	s19 =	simm.s32 $0x400;
	s22 =	rddreg [dreg:$0x5]  }
0x43: {  	[tilespmem:s19], [sflag:$0x1] =	stream.linear.gather [hbm4b:s21+s2], $0x200, $0x38;
	[tilespmem:$0x16400] =	vst v63  }
0x44: {  	s23 =	simm.s32 $0x600;
	s20 =	rddreg [dreg:$0x6]  }
0x45: {  	[tilespmem:s23], [sflag:$0x1] =	stream.linear.gather [hbm4b:s22+s2], $0x200, $0x38;
	[tilespmem:$0x16400] =	vst v63  }
0x46: {  	s21 =	simm.s32 $0x800;
	s22 =	rddreg [dreg:$0x7]  }
0x47: {  	[tilespmem:s21], [sflag:$0x1] =	stream.linear.gather [hbm4b:s20+s2], $0x200, $0x38;
	[tilespmem:$0x16400] =	vst v63  }
0x48: {  	s23 =	simm.s32 $0xA00;
	s20 =	rddreg [dreg:$0x8]  }
0x49: {  	[tilespmem:s23], [sflag:$0x1] =	stream.linear.gather [hbm4b:s22+s2], $0x200, $0x38;
	[tilespmem:$0x16400] =	vst v63  }
0x4a: {  	s21 =	simm.s32 $0xC00;
	s22 =	rddreg [dreg:$0x9]  }
0x4b: {  	[tilespmem:s21], [sflag:$0x1] =	stream.linear.gather [hbm4b:s20+s2], $0x200, $0x38;
	[tilespmem:$0x16400] =	vst v63  }
0x4c: {  	s23 =	simm.s32 $0xE00;
	s20 =	rddreg [dreg:$0xa]  }
0x4d: {  	[tilespmem:s23], [sflag:$0x1] =	stream.linear.gather [hbm4b:s22+s2], $0x200, $0x38;
	[tilespmem:$0x16400] =	vst v63  }
0x4e: {  	s21 =	simm.s32 $0x1000;
	s22 =	rddreg [dreg:$0xb]  }
0x4f: {  	[tilespmem:s21], [sflag:$0x1] =	stream.linear.gather [hbm4b:s20+s2], $0x200, $0x38;
	[tilespmem:$0x16400] =	vst v63  }
0x50: {  	s23 =	simm.s32 $0x1200;
	s20 =	rddreg [dreg:$0xc]  }
0x51: {  	[tilespmem:s23], [sflag:$0x1] =	stream.linear.gather [hbm4b:s22+s2], $0x200, $0x38;
	[tilespmem:$0x16400] =	vst v63  }
0x52: {  	s21 =	simm.s32 $0x1400;
	s22 =	rddreg [dreg:$0xd]  }
0x53: {  	[tilespmem:s21], [sflag:$0x1] =	stream.linear.gather [hbm4b:s20+s2], $0x200, $0x38;
	[tilespmem:$0x16400] =	vst v63  }
0x54: {  	s23 =	simm.s32 $0x1600;
	s20 =	rddreg [dreg:$0xe]  }
0x55: {  	[tilespmem:s23], [sflag:$0x1] =	stream.linear.gather [hbm4b:s22+s2], $0x200, $0x38;
	[tilespmem:$0x16400] =	vst v63  }
0x56: {  	s21 =	simm.s32 $0x1800;
	s22 =	rddreg [dreg:$0xf]  }
0x57: {  	[tilespmem:s21], [sflag:$0x1] =	stream.linear.gather [hbm4b:s20+s2], $0x200, $0x38;
	[tilespmem:$0x16400] =	vst v63  }
0x58: {  	s23 =	simm.s32 $0x1A00;
	s20 =	rddreg [dreg:$0x10]  }
0x59: {  	[tilespmem:s23], [sflag:$0x1] =	stream.linear.gather [hbm4b:s22+s2], $0x200, $0x38;
	[tilespmem:$0x16400] =	vst v63  }
0x5a: {  	s21 =	simm.s32 $0x1C00;
	s22 =	rddreg [dreg:$0x11]  }
0x5b: {  	[tilespmem:s21], [sflag:$0x1] =	stream.linear.gather [hbm4b:s20+s2], $0x200, $0x38;
	[tilespmem:$0x16400] =	vst v63  }
0x5c: {  	s23 =	simm.s32 $0x1E00;
	s20 =	rddreg [dreg:$0x12]  }
0x5d: {  	[tilespmem:s23], [sflag:$0x1] =	stream.linear.gather [hbm4b:s22+s2], $0x200, $0x38;
	[tilespmem:$0x16400] =	vst v63  }
0x5e: {  	s21 =	simm.s32 $0x2000;
	s22 =	rddreg [dreg:$0x13]  }
0x5f: {  	[tilespmem:s21], [sflag:$0x1] =	stream.linear.gather [hbm4b:s20+s2], $0x200, $0x38;
	[tilespmem:$0x16400] =	vst v63  }
0x60: {  	s23 =	simm.s32 $0x2200;
	s20 =	rddreg [dreg:$0x15]  }
0x61: {  	[tilespmem:s23], [sflag:$0x1] =	stream.linear.gather [hbm4b:s22+s2], $0x200, $0x38;
	[tilespmem:$0x16400] =	vst v63  }
0x62: {  	s21 =	simm.s32 $0x2400;
	s22 =	rddreg [dreg:$0x16]  }
0x63: {  	[tilespmem:s21], [sflag:$0x1] =	stream.linear.gather [hbm4b:s20+s2], $0x200, $0x38;
	[tilespmem:$0x16400] =	vst v63  }
0x64: {  	s23 =	simm.s32 $0x2600;
	s20 =	rddreg [dreg:$0x17]  }
0x65: {  	[tilespmem:s23], [sflag:$0x1] =	stream.linear.gather [hbm4b:s22+s2], $0x200, $0x38;
	[tilespmem:$0x16400] =	vst v63  }
0x66: {  	s21 =	simm.s32 $0x2800;
	s22 =	rddreg [dreg:$0x18]  }
0x67: {  	[tilespmem:s21], [sflag:$0x1] =	stream.linear.gather [hbm4b:s20+s2], $0x200, $0x38;
	[tilespmem:$0x16400] =	vst v63  }
0x68: {  	s23 =	simm.s32 $0x2A00;
	s20 =	rddreg [dreg:$0x19]  }
0x69: {  	[tilespmem:s23], [sflag:$0x1] =	stream.linear.gather [hbm4b:s22+s2], $0x200, $0x38;
	[tilespmem:$0x16400] =	vst v63  }
0x6a: {  	s21 =	simm.s32 $0x2C00;
	s22 =	rddreg [dreg:$0x1a]  }
0x6b: {  	[tilespmem:s21], [sflag:$0x1] =	stream.linear.gather [hbm4b:s20+s2], $0x200, $0x38;
	[tilespmem:$0x16400] =	vst v63  }
0x6c: {  	s23 =	simm.s32 $0x2E00;
	s20 =	rddreg [dreg:$0x1b]  }
0x6d: {  	[tilespmem:s23], [sflag:$0x1] =	stream.linear.gather [hbm4b:s22+s2], $0x200, $0x38;
	[tilespmem:$0x16400] =	vst v63  }
0x6e: {  	s21 =	simm.s32 $0x3000;
	s22 =	rddreg [dreg:$0x1c]  }
0x6f: {  	[tilespmem:s21], [sflag:$0x1] =	stream.linear.gather [hbm4b:s20+s2], $0x200, $0x38;
	[tilespmem:$0x16400] =	vst v63  }
0x70: {  	s23 =	simm.s32 $0x3200;
	s20 =	rddreg [dreg:$0x1d]  }
0x71: {  	[tilespmem:s23], [sflag:$0x1] =	stream.linear.gather [hbm4b:s22+s2], $0x200, $0x38;
	[tilespmem:$0x16400] =	vst v63  }
0x72: {  	s21 =	simm.s32 $0x3400;
	s22 =	rddreg [dreg:$0x1e]  }
0x73: {  	[tilespmem:s21], [sflag:$0x1] =	stream.linear.gather [hbm4b:s20+s2], $0x200, $0x38;
	[tilespmem:$0x16400] =	vst v63  }
0x74: {  	s23 =	simm.s32 $0x3600;
	s20 =	rddreg [dreg:$0x1f]  }
0x75: {  	[tilespmem:s23], [sflag:$0x1] =	stream.linear.gather [hbm4b:s22+s2], $0x200, $0x38;
	[tilespmem:$0x16400] =	vst v63  }
0x76: {  	s21 =	simm.s32 $0x3800;
	s22 =	sld [smem:$0x7F1]  }
0x77: {  	[tilespmem:s21], [sflag:$0x1] =	stream.linear.gather [hbm4b:s20+s2], $0x200, $0x38;
	[tilespmem:$0x16400] =	vst v63  }
0x78: {  	s23 =	simm.s32 $0x3A00;
	s20 =	sld [smem:$0x7F2]  }
0x79: {  	[tilespmem:s23], [sflag:$0x1] =	stream.linear.gather [hbm4b:s22+s2], $0x200, $0x38;
	[tilespmem:$0x16400] =	vst v63  }
0x7a: {  	s21 =	simm.s32 $0x3C00;
	s22 =	sld [smem:$0x7F3]  }
0x7b: {  	[tilespmem:s21], [sflag:$0x1] =	stream.linear.gather [hbm4b:s20+s2], $0x200, $0x38;
	[tilespmem:$0x16400] =	vst v63  }
0x7c: {  	s19 =	sld [smem:$0x7F4];
	s23 =	simm.s32 $0x3E00  }
0x7d: {  	[tilespmem:s23], [sflag:$0x1] =	stream.linear.gather [hbm4b:s22+s2], $0x200, $0x38;
	[tilespmem:$0x16400] =	vst v63  }
0x7e: {  	s20 =	sld [smem:$0x7F5]  }
0x7f: {  	[tilespmem:s8], [sflag:$0x1] =	stream.linear.gather [hbm4b:s19+s2], $0x200, $0x38;
	[tilespmem:$0x16400] =	vst v63  }
0x80: {  	s21 =	simm.s32 $0x4200;
	s22 =	sld [smem:$0x7F6]  }
0x81: {  	[tilespmem:s21], [sflag:$0x1] =	stream.linear.gather [hbm4b:s20+s2], $0x200, $0x38;
	[tilespmem:$0x16400] =	vst v63  }
0x82: {  	s23 =	simm.s32 $0x4400;
	s20 =	sld [smem:$0x7F7]  }
0x83: {  	[tilespmem:s23], [sflag:$0x1] =	stream.linear.gather [hbm4b:s22+s2], $0x200, $0x38;
	[tilespmem:$0x16400] =	vst v63  }
0x84: {  	s21 =	simm.s32 $0x4600;
	s22 =	sld [smem:$0x7F8]  }
0x85: {  	[tilespmem:s21], [sflag:$0x1] =	stream.linear.gather [hbm4b:s20+s2], $0x200, $0x38;
	[tilespmem:$0x16400] =	vst v63  }
0x86: {  	s23 =	simm.s32 $0x4800;
	s20 =	sld [smem:$0x7F9]  }
0x87: {  	[tilespmem:s23], [sflag:$0x1] =	stream.linear.gather [hbm4b:s22+s2], $0x200, $0x38;
	[tilespmem:$0x16400] =	vst v63  }
0x88: {  	s21 =	simm.s32 $0x4A00;
	s22 =	sld [smem:$0x7FA]  }
0x89: {  	[tilespmem:s21], [sflag:$0x1] =	stream.linear.gather [hbm4b:s20+s2], $0x200, $0x38;
	[tilespmem:$0x16400] =	vst v63  }
0x8a: {  	s23 =	simm.s32 $0x4C00;
	s20 =	sld [smem:$0x7FB]  }
0x8b: {  	[tilespmem:s23], [sflag:$0x1] =	stream.linear.gather [hbm4b:s22+s2], $0x200, $0x38;
	[tilespmem:$0x16400] =	vst v63  }
0x8c: {  	s21 =	simm.s32 $0x4E00;
	s22 =	sld [smem:$0x7FC]  }
0x8d: {  	[tilespmem:s21], [sflag:$0x1] =	stream.linear.gather [hbm4b:s20+s2], $0x200, $0x38;
	[tilespmem:$0x16400] =	vst v63  }
0x8e: {  	s19 =	sld [smem:$0x7FD];
	s23 =	simm.s32 $0x5000  }
0x8f: {  	[tilespmem:s23], [sflag:$0x1] =	stream.linear.gather [hbm4b:s22+s2], $0x200, $0x38;
	[tilespmem:$0x16400] =	vst v63  }
0x90: {  	s20 =	simm.s32 $0x5200  }
0x91: {  	[tilespmem:s20], [sflag:$0x1] =	stream.linear.gather [hbm4b:s19+s2], $0x200, $0x38;
	[tilespmem:$0x16400] =	vst v63  }
0x92: {  	s21 =	simm.s32 $0x5400  }
0x93: {  	[tilespmem:s21], [sflag:$0x1] =	stream.linear.gather [hbm4b:s25+s2], $0x200, $0x38;
	[tilespmem:$0x16400] =	vst v63  }
0x94: {  	s22 =	simm.s32 $0x5600  }
0x95: {  	[tilespmem:s22], [sflag:$0x1] =	stream.linear.gather [hbm4b:s26+s2], $0x200, $0x38;
	[tilespmem:$0x16400] =	vst v63  }
0x96: {  	s23 =	simm.s32 $0x5800  }
0x97: {  	[tilespmem:s23], [sflag:$0x1] =	stream.linear.gather [hbm4b:s28+s2], $0x200, $0x38;
	[tilespmem:$0x16400] =	vst v63  }
0x98: {  	s19 =	simm.s32 $0x5A00  }
0x99: {  	[tilespmem:s19], [sflag:$0x1] =	stream.linear.gather [hbm4b:s29+s2], $0x200, $0x38;
	[tilespmem:$0x16400] =	vst v63  }
0x9a: {  	s20 =	simm.s32 $0x5C00  }
0x9b: {  	[tilespmem:s20], [sflag:$0x1] =	stream.linear.gather [hbm4b:s30+s2], $0x200, $0x38;
	[tilespmem:$0x16400] =	vst v63  }
0x9c: {  	s21 =	simm.s32 $0x5E00  }
0x9d: {  	[tilespmem:s21], [sflag:$0x1] =	stream.linear.gather [hbm4b:s31+s2], $0x200, $0x38;
	[tilespmem:$0x16400] =	vst v63  }
0x9e: {  	s22 =	simm.s32 $0x6000  }
0x9f: {  	[tilespmem:s22], [sflag:$0x1] =	stream.linear.gather [hbm4b:s0+s2], $0x200, $0x38;
	[tilespmem:$0x16400] =	vst v63  }
0xa0: {  	s23 =	simm.s32 $0x6200  }
0xa1: {  	[tilespmem:s23], [sflag:$0x1] =	stream.linear.gather [hbm4b:s1+s2], $0x200, $0x38;
	[tilespmem:$0x16400] =	vst v63  }
0xa2: {  	_ =	swait.ge [sflag:s9], $0x200  }
0xa3: {  	[sflag:s9] =	ssyncset.done $0x0  }
0xa4: {  	[sflag:s9] =	ssyncadd.s32 $0xFFFFFE00  }
0xa5: {  	_ =	swait.ge [sflag:s9], $0x200  }
0xa6: {  	[sflag:s9] =	ssyncset.done $0x0  }
0xa7: {  	[sflag:s9] =	ssyncadd.s32 $0xFFFFFE00  }
0xa8: {  	_ =	swait.ge [sflag:s9], $0x200  }
0xa9: {  	[sflag:s9] =	ssyncset.done $0x0  }
0xaa: {  	[sflag:s9] =	ssyncadd.s32 $0xFFFFFE00  }
0xab: {  	_ =	swait.ge [sflag:s9], $0x200  }
0xac: {  	[sflag:s9] =	ssyncset.done $0x0  }
0xad: {  	[sflag:s9] =	ssyncadd.s32 $0xFFFFFE00  }
0xae: {  	_ =	swait.ge [sflag:s9], $0x200  }
0xaf: {  	[sflag:s9] =	ssyncset.done $0x0  }
0xb0: {  	[sflag:s9] =	ssyncadd.s32 $0xFFFFFE00  }
0xb1: {  	_ =	swait.ge [sflag:s9], $0x200  }
0xb2: {  	[sflag:s9] =	ssyncset.done $0x0  }
0xb3: {  	[sflag:s9] =	ssyncadd.s32 $0xFFFFFE00  }
0xb4: {  	_ =	swait.ge [sflag:s9], $0x200  }
0xb5: {  	[sflag:s9] =	ssyncset.done $0x0  }
0xb6: {  	[sflag:s9] =	ssyncadd.s32 $0xFFFFFE00  }
0xb7: {  	_ =	swait.ge [sflag:s9], $0x200  }
0xb8: {  	[sflag:s9] =	ssyncset.done $0x0  }
0xb9: {  	[sflag:s9] =	ssyncadd.s32 $0xFFFFFE00  }
0xba: {  	_ =	swait.ge [sflag:s9], $0x200  }
0xbb: {  	[sflag:s9] =	ssyncset.done $0x0  }
0xbc: {  	[sflag:s9] =	ssyncadd.s32 $0xFFFFFE00  }
0xbd: {  	_ =	swait.ge [sflag:s9], $0x200  }
0xbe: {  	[sflag:s9] =	ssyncset.done $0x0  }
0xbf: {  	[sflag:s9] =	ssyncadd.s32 $0xFFFFFE00  }
0xc0: {  	_ =	swait.ge [sflag:s9], $0x200  }
0xc1: {  	[sflag:s9] =	ssyncset.done $0x0  }
0xc2: {  	[sflag:s9] =	ssyncadd.s32 $0xFFFFFE00  }
0xc3: {  	_ =	swait.ge [sflag:s9], $0x200  }
0xc4: {  	[sflag:s9] =	ssyncset.done $0x0  }
0xc5: {  	[sflag:s9] =	ssyncadd.s32 $0xFFFFFE00  }
0xc6: {  	_ =	swait.ge [sflag:s9], $0x200  }
0xc7: {  	[sflag:s9] =	ssyncset.done $0x0  }
0xc8: {  	[sflag:s9] =	ssyncadd.s32 $0xFFFFFE00  }
0xc9: {  	_ =	swait.ge [sflag:s9], $0x200  }
0xca: {  	[sflag:s9] =	ssyncset.done $0x0  }
0xcb: {  	[sflag:s9] =	ssyncadd.s32 $0xFFFFFE00  }
0xcc: {  	_ =	swait.ge [sflag:s9], $0x200  }
0xcd: {  	[sflag:s9] =	ssyncset.done $0x0  }
0xce: {  	[sflag:s9] =	ssyncadd.s32 $0xFFFFFE00  }
0xcf: {  	_ =	swait.ge [sflag:s9], $0x200  }
0xd0: {  	[sflag:s9] =	ssyncset.done $0x0  }
0xd1: {  	[sflag:s9] =	ssyncadd.s32 $0xFFFFFE00  }
0xd2: {  	_ =	swait.ge [sflag:s9], $0x200  }
0xd3: {  	[sflag:s9] =	ssyncset.done $0x0  }
0xd4: {  	[sflag:s9] =	ssyncadd.s32 $0xFFFFFE00  }
0xd5: {  	_ =	swait.ge [sflag:s9], $0x200  }
0xd6: {  	[sflag:s9] =	ssyncset.done $0x0  }
0xd7: {  	[sflag:s9] =	ssyncadd.s32 $0xFFFFFE00  }
0xd8: {  	_ =	swait.ge [sflag:s9], $0x200  }
0xd9: {  	[sflag:s9] =	ssyncset.done $0x0  }
0xda: {  	[sflag:s9] =	ssyncadd.s32 $0xFFFFFE00  }
0xdb: {  	_ =	swait.ge [sflag:s9], $0x200  }
0xdc: {  	[sflag:s9] =	ssyncset.done $0x0  }
0xdd: {  	[sflag:s9] =	ssyncadd.s32 $0xFFFFFE00  }
0xde: {  	_ =	swait.ge [sflag:s9], $0x200  }
0xdf: {  	[sflag:s9] =	ssyncset.done $0x0  }
0xe0: {  	[sflag:s9] =	ssyncadd.s32 $0xFFFFFE00  }
0xe1: {  	_ =	swait.ge [sflag:s9], $0x200  }
0xe2: {  	[sflag:s9] =	ssyncset.done $0x0  }
0xe3: {  	[sflag:s9] =	ssyncadd.s32 $0xFFFFFE00  }
0xe4: {  	_ =	swait.ge [sflag:s9], $0x200  }
0xe5: {  	[sflag:s9] =	ssyncset.done $0x0  }
0xe6: {  	[sflag:s9] =	ssyncadd.s32 $0xFFFFFE00  }
0xe7: {  	_ =	swait.ge [sflag:s9], $0x200  }
0xe8: {  	[sflag:s9] =	ssyncset.done $0x0  }
0xe9: {  	[sflag:s9] =	ssyncadd.s32 $0xFFFFFE00  }
0xea: {  	_ =	swait.ge [sflag:s9], $0x200  }
0xeb: {  	[sflag:s9] =	ssyncset.done $0x0  }
0xec: {  	[sflag:s9] =	ssyncadd.s32 $0xFFFFFE00  }
0xed: {  	_ =	swait.ge [sflag:s9], $0x200  }
0xee: {  	[sflag:s9] =	ssyncset.done $0x0  }
0xef: {  	[sflag:s9] =	ssyncadd.s32 $0xFFFFFE00  }
0xf0: {  	_ =	swait.ge [sflag:s9], $0x200  }
0xf1: {  	[sflag:s9] =	ssyncset.done $0x0  }
0xf2: {  	[sflag:s9] =	ssyncadd.s32 $0xFFFFFE00  }
0xf3: {  	_ =	swait.ge [sflag:s9], $0x200  }
0xf4: {  	[sflag:s9] =	ssyncset.done $0x0  }
0xf5: {  	[sflag:s9] =	ssyncadd.s32 $0xFFFFFE00  }
0xf6: {  	_ =	swait.ge [sflag:s9], $0x200  }
0xf7: {  	[sflag:s9] =	ssyncset.done $0x0  }
0xf8: {  	[sflag:s9] =	ssyncadd.s32 $0xFFFFFE00  }
0xf9: {  	_ =	swait.ge [sflag:s9], $0x200  }
0xfa: {  	[sflag:s9] =	ssyncset.done $0x0  }
0xfb: {  	[sflag:s9] =	ssyncadd.s32 $0xFFFFFE00  }
0xfc: {  	_ =	swait.ge [sflag:s9], $0x200  }
0xfd: {  	[sflag:s9] =	ssyncset.done $0x0  }
0xfe: {  	[sflag:s9] =	ssyncadd.s32 $0xFFFFFE00  }
0xff: {  	_ =	swait.ge [sflag:s9], $0x200  }
0x100: {  	[sflag:s9] =	ssyncset.done $0x0  }
0x101: {  	[sflag:s9] =	ssyncadd.s32 $0xFFFFFE00  }
0x102: {  	_ =	swait.ge [sflag:s9], $0x200  }
0x103: {  	[sflag:s9] =	ssyncset.done $0x0  }
0x104: {  	[sflag:s9] =	ssyncadd.s32 $0xFFFFFE00  }
0x105: {  	_ =	swait.ge [sflag:s9], $0x200  }
0x106: {  	[sflag:s9] =	ssyncset.done $0x0  }
0x107: {  	[sflag:s9] =	ssyncadd.s32 $0xFFFFFE00  }
0x108: {  	_ =	swait.ge [sflag:s9], $0x200  }
0x109: {  	[sflag:s9] =	ssyncset.done $0x0  }
0x10a: {  	[sflag:s9] =	ssyncadd.s32 $0xFFFFFE00  }
0x10b: {  	_ =	swait.ge [sflag:s9], $0x200  }
0x10c: {  	[sflag:s9] =	ssyncset.done $0x0  }
0x10d: {  	[sflag:s9] =	ssyncadd.s32 $0xFFFFFE00  }
0x10e: {  	_ =	swait.ge [sflag:s9], $0x200  }
0x10f: {  	[sflag:s9] =	ssyncset.done $0x0  }
0x110: {  	[sflag:s9] =	ssyncadd.s32 $0xFFFFFE00  }
0x111: {  	_ =	swait.ge [sflag:s9], $0x200  }
0x112: {  	[sflag:s9] =	ssyncset.done $0x0  }
0x113: {  	[sflag:s9] =	ssyncadd.s32 $0xFFFFFE00  }
0x114: {  	_ =	swait.ge [sflag:s9], $0x200  }
0x115: {  	[sflag:s9] =	ssyncset.done $0x0  }
0x116: {  	[sflag:s9] =	ssyncadd.s32 $0xFFFFFE00  }
0x117: {  	_ =	swait.ge [sflag:s9], $0x200  }
0x118: {  	[sflag:s9] =	ssyncset.done $0x0  }
0x119: {  	[sflag:s9] =	ssyncadd.s32 $0xFFFFFE00  }
0x11a: {  	_ =	swait.ge [sflag:s9], $0x200  }
0x11b: {  	[sflag:s9] =	ssyncset.done $0x0  }
0x11c: {  	[sflag:s9] =	ssyncadd.s32 $0xFFFFFE00  }
0x11d: {  	_ =	swait.ge [sflag:s9], $0x200  }
0x11e: {  	[sflag:s9] =	ssyncset.done $0x0  }
0x11f: {  	[sflag:s9] =	ssyncadd.s32 $0xFFFFFE00  }
0x120: {  	_ =	swait.ge [sflag:s9], $0x200  }
0x121: {  	[sflag:s9] =	ssyncset.done $0x0  }
0x122: {  	[sflag:s9] =	ssyncadd.s32 $0xFFFFFE00  }
0x123: {  	_ =	swait.ge [sflag:s9], $0x200  }
0x124: {  	[sflag:s9] =	ssyncset.done $0x0  }
0x125: {  	[sflag:s9] =	ssyncadd.s32 $0xFFFFFE00  }
0x126: {  	_ =	swait.ge [sflag:s9], $0x200  }
0x127: {  	[sflag:s9] =	ssyncset.done $0x0  }
0x128: {  	[sflag:s9] =	ssyncadd.s32 $0xFFFFFE00  }
0x129: {  	_ =	swait.ge [sflag:s9], $0x200  }
0x12a: {  	[sflag:s9] =	ssyncset.done $0x0  }
0x12b: {  	[sflag:s9] =	ssyncadd.s32 $0xFFFFFE00  }
0x12c: {  	_ =	swait.ge [sflag:s9], $0x200  }
0x12d: {  	[sflag:s9] =	ssyncset.done $0x0  }
0x12e: {  	[sflag:s9] =	ssyncadd.s32 $0xFFFFFE00  }
0x12f: {  	_ =	swait.ge [sflag:s9], $0x200  }
0x130: {  	[sflag:s9] =	ssyncset.done $0x0  }
0x131: {  	[sflag:s9] =	ssyncadd.s32 $0xFFFFFE00  }
0x132: {  	_ =	swait.ge [sflag:s9], $0x200  }
0x133: {  	[sflag:s9] =	ssyncset.done $0x0  }
0x134: {  	[sflag:s9] =	ssyncadd.s32 $0xFFFFFE00  }
0x135: {  	_ =	swait.ge [sflag:s9], $0x200  }
0x136: {  	[sflag:s9] =	ssyncset.done $0x0  }
0x137: {  	[sflag:s9] =	ssyncadd.s32 $0xFFFFFE00  }
0x138: {  	[tilespmem:s10], [sflag:$0x1] =	stream.indirect.gather [hbm4b:s4+s7], $0x20, s2, s7, $0xb8;
	[tilespmem:$0x16400] =	vst v63  }
0x139: {  	s18 =	simm.s32 $0x0  }
0x13a: {  	[tilespmem:s11], [sflag:$0x2] =	stream.indirect.gather [hbm4b:s4+s7], $0x20, s7, s7, $0xb8;
	[tilespmem:$0x16400] =	vst v63  }
.LBB2_2:
0x13b: {  	_ =	swait.ge [sflag:s9], $0x4000  }
0x13c: {  	p0 =	seq.s32 s18, $0x0;
	[sflag:s9] =	ssyncset.done $0x0  }
0x13d: {  	s20 =	simm.s32 @!p0 $0x3;
	[sflag:s9] =	ssyncadd.s32 $0xFFFFC000  }
0x13e: {  	_ =	swait.ge @!p0 [sflag:s20], $0x4000  }
0x13f: {  	s19 =	sshll.u32 s18, $0xC;
	[sflag:s20] =	ssyncset.done @!p0 $0x0  }
0x140: {  	s21 =	simm.s32 $0x10400;
	[sflag:s20] =	ssyncadd.s32 @!p0 $0xFFFFC000;
	s20 =	simm.s32 $0x0  }
.LBB2_3:
0x141: {  	v1 =	vmov s20  }
0x142: {  	v1 =	vshll.u32 v1, $0x5  }
0x143: {  	v1 =	vor.u32 v0, v1  }
0x144: {  	v2 =	vor.u32 $0x1, v1  }
0x145: {  	v3 =	vor.u32 $0x2, v1  }
0x146: {  	v4 =	vor.u32 $0x3, v1  }
0x147: {  	v5 =	vor.u32 $0x4, v1  }
0x148: {  	v7 =	vor.u32 $0x5, v1;
	v6 =	vld.idx.msk [tilespmem:v1+s10+$0x0], $0xffff  }
0x149: {  	v8 =	vor.u32 $0x6, v1;
	v2 =	vld.idx.msk [tilespmem:v2+s10+$0x0], $0xffff  }
0x14a: {  	v9 =	vor.u32 $0x7, v1;
	v3 =	vld.idx.msk [tilespmem:v3+s10+$0x0], $0xffff  }
0x14b: {  	v10 =	vor.u32 $0x8, v1;
	v4 =	vld.idx.msk [tilespmem:v4+s10+$0x0], $0xffff  }
0x14c: {  	v11 =	vor.u32 $0x9, v1;
	v5 =	vld.idx.msk [tilespmem:v5+s10+$0x0], $0xffff  }
0x14d: {  	v12 =	vor.u32 $0xA, v1;
	v7 =	vld.idx.msk [tilespmem:v7+s10+$0x0], $0xffff  }
0x14e: {  	v13 =	vor.u32 $0xB, v1;
	v8 =	vld.idx.msk [tilespmem:v8+s10+$0x0], $0xffff  }
0x14f: {  	v14 =	vor.u32 $0xC, v1;
	v9 =	vld.idx.msk [tilespmem:v9+s10+$0x0], $0xffff  }
0x150: {  	v15 =	vor.u32 $0xD, v1;
	v10 =	vld.idx.msk [tilespmem:v10+s10+$0x0], $0xffff  }
0x151: {  	v16 =	vor.u32 $0xE, v1;
	v11 =	vld.idx.msk [tilespmem:v11+s10+$0x0], $0xffff  }
0x152: {  	v17 =	vor.u32 $0xF, v1;
	v12 =	vld.idx.msk [tilespmem:v12+s10+$0x0], $0xffff  }
0x153: {  	v18 =	vor.u32 $0x10, v1;
	v13 =	vld.idx.msk [tilespmem:v13+s10+$0x0], $0xffff  }
0x154: {  	v19 =	vor.u32 $0x11, v1;
	v14 =	vld.idx.msk [tilespmem:v14+s10+$0x0], $0xffff  }
0x155: {  	v20 =	vor.u32 $0x12, v1;
	v15 =	vld.idx.msk [tilespmem:v15+s10+$0x0], $0xffff  }
0x156: {  	v21 =	vor.u32 $0x13, v1;
	v16 =	vld.idx.msk [tilespmem:v16+s10+$0x0], $0xffff  }
0x157: {  	v22 =	vor.u32 $0x14, v1;
	v17 =	vld.idx.msk [tilespmem:v17+s10+$0x0], $0xffff  }
0x158: {  	v23 =	vor.u32 $0x15, v1;
	v18 =	vld.idx.msk [tilespmem:v18+s10+$0x0], $0xffff  }
0x159: {  	v24 =	vor.u32 $0x16, v1;
	v19 =	vld.idx.msk [tilespmem:v19+s10+$0x0], $0xffff  }
0x15a: {  	v25 =	vor.u32 $0x17, v1;
	v20 =	vld.idx.msk [tilespmem:v20+s10+$0x0], $0xffff  }
0x15b: {  	v26 =	vor.u32 $0x18, v1;
	v21 =	vld.idx.msk [tilespmem:v21+s10+$0x0], $0xffff  }
0x15c: {  	v27 =	vor.u32 $0x19, v1;
	v22 =	vld.idx.msk [tilespmem:v22+s10+$0x0], $0xffff  }
0x15d: {  	v28 =	vor.u32 $0x1A, v1;
	v23 =	vld.idx.msk [tilespmem:v23+s10+$0x0], $0xffff  }
0x15e: {  	v29 =	vor.u32 $0x1B, v1;
	v24 =	vld.idx.msk [tilespmem:v24+s10+$0x0], $0xffff  }
0x15f: {  	v30 =	vor.u32 $0x1C, v1;
	v25 =	vld.idx.msk [tilespmem:v25+s10+$0x0], $0xffff  }
0x160: {  	v31 =	vor.u32 $0x1D, v1;
	v26 =	vld.idx.msk [tilespmem:v26+s10+$0x0], $0xffff  }
0x161: {  	v32 =	vor.u32 $0x1E, v1;
	v27 =	vld.idx.msk [tilespmem:v27+s10+$0x0], $0xffff  }
0x162: {  	v1 =	vor.u32 $0x1F, v1;
	v28 =	vld.idx.msk [tilespmem:v28+s10+$0x0], $0xffff  }
0x163: {  	v29 =	vld.idx.msk [tilespmem:v29+s10+$0x0], $0xffff  }
0x164: {  	v30 =	vld.idx.msk [tilespmem:v30+s10+$0x0], $0xffff  }
0x165: {  	v31 =	vld.idx.msk [tilespmem:v31+s10+$0x0], $0xffff  }
0x166: {  	v32 =	vld.idx.msk [tilespmem:v32+s10+$0x0], $0xffff  }
0x167: {  	v1 =	vld.idx.msk [tilespmem:v1+s10+$0x0], $0xffff;
	[tilespmem:s21+$0xFFFFE000] =	vst v6  }
0x168: {  	[tilespmem:s21+$0xFFFFE200] =	vst v2  }
0x169: {  	[tilespmem:s21+$0xFFFFE400] =	vst v3  }
0x16a: {  	[tilespmem:s21+$0xFFFFE600] =	vst v4  }
0x16b: {  	[tilespmem:s21+$0xFFFFE800] =	vst v5  }
0x16c: {  	[tilespmem:s21+$0xFFFFEA00] =	vst v7  }
0x16d: {  	[tilespmem:s21+$0xFFFFEC00] =	vst v8  }
0x16e: {  	[tilespmem:s21+$0xFFFFEE00] =	vst v9  }
0x16f: {  	[tilespmem:s21+$0xFFFFF000] =	vst v10  }
0x170: {  	[tilespmem:s21+$0xFFFFF200] =	vst v11  }
0x171: {  	[tilespmem:s21+$0xFFFFF400] =	vst v12  }
0x172: {  	[tilespmem:s21+$0xFFFFF600] =	vst v13  }
0x173: {  	[tilespmem:s21+$0xFFFFF800] =	vst v14  }
0x174: {  	[tilespmem:s21+$0xFFFFFA00] =	vst v15  }
0x175: {  	[tilespmem:s21+$0xFFFFFC00] =	vst v16  }
0x176: {  	[tilespmem:s21+$0xFFFFFE00] =	vst v17  }
0x177: {  	[tilespmem:s21+$0x0] =	vst v18  }
0x178: {  	[tilespmem:s21+$0x200] =	vst v19  }
0x179: {  	[tilespmem:s21+$0x400] =	vst v20  }
0x17a: {  	[tilespmem:s21+$0x600] =	vst v21  }
0x17b: {  	[tilespmem:s21+$0x800] =	vst v22  }
0x17c: {  	[tilespmem:s21+$0xA00] =	vst v23  }
0x17d: {  	[tilespmem:s21+$0xC00] =	vst v24  }
0x17e: {  	[tilespmem:s21+$0xE00] =	vst v25  }
0x17f: {  	s22 =	sadd.s32 $0x10, s20;
	[tilespmem:s21+$0x1000] =	vst v26  }
0x180: {  	[tilespmem:s21+$0x1200] =	vst v27;
	v2 =	vmov s22  }
0x181: {  	[tilespmem:s21+$0x1400] =	vst v28;
	v2 =	vshll.u32 v2, $0x5  }
0x182: {  	[tilespmem:s21+$0x1600] =	vst v29;
	v2 =	vor.u32 v0, v2  }
0x183: {  	[tilespmem:s21+$0x1800] =	vst v30;
	v3 =	vor.u32 $0x1, v2  }
0x184: {  	[tilespmem:s21+$0x1A00] =	vst v31;
	v36 =	vor.u32 $0x2, v2  }
0x185: {  	[tilespmem:s21+$0x1C00] =	vst v32;
	v37 =	vor.u32 $0x3, v2  }
0x186: {  	v38 =	vor.u32 $0x5, v2;
	[tilespmem:s21+$0x1E00] =	vst v1  }
0x187: {  	v39 =	vor.u32 $0x6, v2;
	v6 =	vld.idx.msk [tilespmem:v2+s10+$0x0], $0xffff  }
0x188: {  	v40 =	vor.u32 $0x7, v2;
	v3 =	vld.idx.msk [tilespmem:v3+s10+$0x0], $0xffff  }
0x189: {  	v41 =	vor.u32 $0x8, v2;
	v4 =	vld.idx.msk [tilespmem:v36+s10+$0x0], $0xffff  }
0x18a: {  	v42 =	vor.u32 $0x9, v2;
	v5 =	vld.idx.msk [tilespmem:v37+s10+$0x0], $0xffff  }
0x18b: {  	v43 =	vor.u32 $0xA, v2;
	v7 =	vld.idx.msk [tilespmem:v38+s10+$0x0], $0xffff  }
0x18c: {  	v44 =	vor.u32 $0xB, v2;
	v8 =	vld.idx.msk [tilespmem:v39+s10+$0x0], $0xffff  }
0x18d: {  	v45 =	vor.u32 $0xC, v2;
	v9 =	vld.idx.msk [tilespmem:v40+s10+$0x0], $0xffff  }
0x18e: {  	v46 =	vor.u32 $0xD, v2;
	v10 =	vld.idx.msk [tilespmem:v41+s10+$0x0], $0xffff  }
0x18f: {  	v47 =	vor.u32 $0xE, v2;
	v11 =	vld.idx.msk [tilespmem:v42+s10+$0x0], $0xffff  }
0x190: {  	v48 =	vor.u32 $0xF, v2;
	v12 =	vld.idx.msk [tilespmem:v43+s10+$0x0], $0xffff  }
0x191: {  	v49 =	vor.u32 $0x10, v2;
	v13 =	vld.idx.msk [tilespmem:v44+s10+$0x0], $0xffff  }
0x192: {  	v50 =	vor.u32 $0x11, v2;
	v14 =	vld.idx.msk [tilespmem:v45+s10+$0x0], $0xffff  }
0x193: {  	v51 =	vor.u32 $0x12, v2;
	v15 =	vld.idx.msk [tilespmem:v46+s10+$0x0], $0xffff  }
0x194: {  	v52 =	vor.u32 $0x13, v2;
	v16 =	vld.idx.msk [tilespmem:v47+s10+$0x0], $0xffff  }
0x195: {  	v53 =	vor.u32 $0x14, v2;
	v17 =	vld.idx.msk [tilespmem:v48+s10+$0x0], $0xffff  }
0x196: {  	v54 =	vor.u32 $0x15, v2;
	v18 =	vld.idx.msk [tilespmem:v49+s10+$0x0], $0xffff  }
0x197: {  	v55 =	vor.u32 $0x16, v2;
	v19 =	vld.idx.msk [tilespmem:v50+s10+$0x0], $0xffff  }
0x198: {  	v56 =	vor.u32 $0x17, v2;
	v20 =	vld.idx.msk [tilespmem:v51+s10+$0x0], $0xffff  }
0x199: {  	v57 =	vor.u32 $0x18, v2;
	v21 =	vld.idx.msk [tilespmem:v52+s10+$0x0], $0xffff  }
0x19a: {  	v58 =	vor.u32 $0x19, v2;
	v22 =	vld.idx.msk [tilespmem:v53+s10+$0x0], $0xffff  }
0x19b: {  	v59 =	vor.u32 $0x1A, v2;
	v23 =	vld.idx.msk [tilespmem:v54+s10+$0x0], $0xffff  }
0x19c: {  	v60 =	vor.u32 $0x1B, v2;
	v24 =	vld.idx.msk [tilespmem:v55+s10+$0x0], $0xffff  }
0x19d: {  	v61 =	vor.u32 $0x1C, v2;
	v25 =	vld.idx.msk [tilespmem:v56+s10+$0x0], $0xffff  }
0x19e: {  	v62 =	vor.u32 $0x1D, v2;
	v26 =	vld.idx.msk [tilespmem:v57+s10+$0x0], $0xffff  }
0x19f: {  	v63 =	vor.u32 $0x1E, v2;
	v27 =	vld.idx.msk [tilespmem:v58+s10+$0x0], $0xffff  }
0x1a0: {  	v1 =	vor.u32 $0x4, v2;
	v28 =	vld.idx.msk [tilespmem:v59+s10+$0x0], $0xffff  }
0x1a1: {  	v2 =	vor.u32 $0x1F, v2;
	v29 =	vld.idx.msk [tilespmem:v60+s10+$0x0], $0xffff  }
0x1a2: {  	v30 =	vld.idx.msk [tilespmem:v61+s10+$0x0], $0xffff  }
0x1a3: {  	v31 =	vld.idx.msk [tilespmem:v62+s10+$0x0], $0xffff  }
0x1a4: {  	v32 =	vld.idx.msk [tilespmem:v63+s10+$0x0], $0xffff  }
0x1a5: {  	v1 =	vld.idx.msk [tilespmem:v1+s10+$0x0], $0xffff  }
0x1a6: {  	v2 =	vld.idx.msk [tilespmem:v2+s10+$0x0], $0xffff;
	[tilespmem:s21+$0xFFFFE010] =	vst v6  }
0x1a7: {  	[tilespmem:s21+$0xFFFFE210] =	vst v3  }
0x1a8: {  	[tilespmem:s21+$0xFFFFE410] =	vst v4  }
0x1a9: {  	[tilespmem:s21+$0xFFFFE610] =	vst v5  }
0x1aa: {  	[tilespmem:s21+$0xFFFFEA10] =	vst v7  }
0x1ab: {  	[tilespmem:s21+$0xFFFFEC10] =	vst v8  }
0x1ac: {  	[tilespmem:s21+$0xFFFFEE10] =	vst v9  }
0x1ad: {  	[tilespmem:s21+$0xFFFFF010] =	vst v10  }
0x1ae: {  	[tilespmem:s21+$0xFFFFF210] =	vst v11  }
0x1af: {  	[tilespmem:s21+$0xFFFFF410] =	vst v12  }
0x1b0: {  	[tilespmem:s21+$0xFFFFF610] =	vst v13  }
0x1b1: {  	[tilespmem:s21+$0xFFFFF810] =	vst v14  }
0x1b2: {  	[tilespmem:s21+$0xFFFFFA10] =	vst v15  }
0x1b3: {  	[tilespmem:s21+$0xFFFFFC10] =	vst v16  }
0x1b4: {  	[tilespmem:s21+$0xFFFFFE10] =	vst v17  }
0x1b5: {  	[tilespmem:s21+$0x10] =	vst v18  }
0x1b6: {  	[tilespmem:s21+$0x210] =	vst v19  }
0x1b7: {  	[tilespmem:s21+$0x410] =	vst v20  }
0x1b8: {  	[tilespmem:s21+$0x610] =	vst v21  }
0x1b9: {  	[tilespmem:s21+$0x810] =	vst v22  }
0x1ba: {  	[tilespmem:s21+$0xA10] =	vst v23  }
0x1bb: {  	[tilespmem:s21+$0xC10] =	vst v24  }
0x1bc: {  	[tilespmem:s21+$0xE10] =	vst v25  }
0x1bd: {  	[tilespmem:s21+$0x1010] =	vst v26  }
0x1be: {  	s23 =	sadd.s32 $0x20, s20;
	[tilespmem:s21+$0x1210] =	vst v27  }
0x1bf: {  	[tilespmem:s21+$0xFFFFE810] =	vst v1;
	v1 =	vmov s23  }
0x1c0: {  	[tilespmem:s21+$0x1410] =	vst v28;
	v1 =	vshll.u32 v1, $0x5  }
0x1c1: {  	[tilespmem:s21+$0x1610] =	vst v29;
	v1 =	vor.u32 v0, v1  }
0x1c2: {  	[tilespmem:s21+$0x1810] =	vst v30;
	v3 =	vor.u32 $0x1, v1  }
0x1c3: {  	[tilespmem:s21+$0x1A10] =	vst v31;
	v36 =	vor.u32 $0x2, v1  }
0x1c4: {  	[tilespmem:s21+$0x1C10] =	vst v32;
	v37 =	vor.u32 $0x3, v1  }
0x1c5: {  	[tilespmem:s21+$0x1E10] =	vst v2;
	v2 =	vor.u32 $0x4, v1  }
0x1c6: {  	v38 =	vor.u32 $0x5, v1;
	v6 =	vld.idx.msk [tilespmem:v1+s10+$0x0], $0xffff  }
0x1c7: {  	v39 =	vor.u32 $0x6, v1;
	v3 =	vld.idx.msk [tilespmem:v3+s10+$0x0], $0xffff  }
0x1c8: {  	v40 =	vor.u32 $0x7, v1;
	v4 =	vld.idx.msk [tilespmem:v36+s10+$0x0], $0xffff  }
0x1c9: {  	v41 =	vor.u32 $0x8, v1;
	v5 =	vld.idx.msk [tilespmem:v37+s10+$0x0], $0xffff  }
0x1ca: {  	v42 =	vor.u32 $0x9, v1;
	v2 =	vld.idx.msk [tilespmem:v2+s10+$0x0], $0xffff  }
0x1cb: {  	v43 =	vor.u32 $0xA, v1;
	v7 =	vld.idx.msk [tilespmem:v38+s10+$0x0], $0xffff  }
0x1cc: {  	v44 =	vor.u32 $0xB, v1;
	v8 =	vld.idx.msk [tilespmem:v39+s10+$0x0], $0xffff  }
0x1cd: {  	v45 =	vor.u32 $0xC, v1;
	v9 =	vld.idx.msk [tilespmem:v40+s10+$0x0], $0xffff  }
0x1ce: {  	v46 =	vor.u32 $0xD, v1;
	v10 =	vld.idx.msk [tilespmem:v41+s10+$0x0], $0xffff  }
0x1cf: {  	v47 =	vor.u32 $0xE, v1;
	v11 =	vld.idx.msk [tilespmem:v42+s10+$0x0], $0xffff  }
0x1d0: {  	v48 =	vor.u32 $0xF, v1;
	v12 =	vld.idx.msk [tilespmem:v43+s10+$0x0], $0xffff  }
0x1d1: {  	v49 =	vor.u32 $0x10, v1;
	v13 =	vld.idx.msk [tilespmem:v44+s10+$0x0], $0xffff  }
0x1d2: {  	v50 =	vor.u32 $0x11, v1;
	v14 =	vld.idx.msk [tilespmem:v45+s10+$0x0], $0xffff  }
0x1d3: {  	v51 =	vor.u32 $0x12, v1;
	v15 =	vld.idx.msk [tilespmem:v46+s10+$0x0], $0xffff  }
0x1d4: {  	v52 =	vor.u32 $0x13, v1;
	v16 =	vld.idx.msk [tilespmem:v47+s10+$0x0], $0xffff  }
0x1d5: {  	v53 =	vor.u32 $0x14, v1;
	v17 =	vld.idx.msk [tilespmem:v48+s10+$0x0], $0xffff  }
0x1d6: {  	v54 =	vor.u32 $0x15, v1;
	v18 =	vld.idx.msk [tilespmem:v49+s10+$0x0], $0xffff  }
0x1d7: {  	v55 =	vor.u32 $0x16, v1;
	v19 =	vld.idx.msk [tilespmem:v50+s10+$0x0], $0xffff  }
0x1d8: {  	v56 =	vor.u32 $0x17, v1;
	v20 =	vld.idx.msk [tilespmem:v51+s10+$0x0], $0xffff  }
0x1d9: {  	v57 =	vor.u32 $0x18, v1;
	v21 =	vld.idx.msk [tilespmem:v52+s10+$0x0], $0xffff  }
0x1da: {  	v58 =	vor.u32 $0x19, v1;
	v22 =	vld.idx.msk [tilespmem:v53+s10+$0x0], $0xffff  }
0x1db: {  	v59 =	vor.u32 $0x1A, v1;
	v23 =	vld.idx.msk [tilespmem:v54+s10+$0x0], $0xffff  }
0x1dc: {  	v60 =	vor.u32 $0x1B, v1;
	v24 =	vld.idx.msk [tilespmem:v55+s10+$0x0], $0xffff  }
0x1dd: {  	v61 =	vor.u32 $0x1C, v1;
	v25 =	vld.idx.msk [tilespmem:v56+s10+$0x0], $0xffff  }
0x1de: {  	v62 =	vor.u32 $0x1D, v1;
	v26 =	vld.idx.msk [tilespmem:v57+s10+$0x0], $0xffff  }
0x1df: {  	v63 =	vor.u32 $0x1E, v1;
	v27 =	vld.idx.msk [tilespmem:v58+s10+$0x0], $0xffff  }
0x1e0: {  	v1 =	vor.u32 $0x1F, v1;
	v28 =	vld.idx.msk [tilespmem:v59+s10+$0x0], $0xffff  }
0x1e1: {  	v29 =	vld.idx.msk [tilespmem:v60+s10+$0x0], $0xffff  }
0x1e2: {  	v30 =	vld.idx.msk [tilespmem:v61+s10+$0x0], $0xffff  }
0x1e3: {  	v31 =	vld.idx.msk [tilespmem:v62+s10+$0x0], $0xffff  }
0x1e4: {  	v32 =	vld.idx.msk [tilespmem:v63+s10+$0x0], $0xffff  }
0x1e5: {  	v1 =	vld.idx.msk [tilespmem:v1+s10+$0x0], $0xffff;
	[tilespmem:s21+$0xFFFFE020] =	vst v6  }
0x1e6: {  	[tilespmem:s21+$0xFFFFE220] =	vst v3  }
0x1e7: {  	[tilespmem:s21+$0xFFFFE420] =	vst v4  }
0x1e8: {  	[tilespmem:s21+$0xFFFFE620] =	vst v5  }
0x1e9: {  	[tilespmem:s21+$0xFFFFE820] =	vst v2  }
0x1ea: {  	[tilespmem:s21+$0xFFFFEA20] =	vst v7  }
0x1eb: {  	[tilespmem:s21+$0xFFFFEC20] =	vst v8  }
0x1ec: {  	[tilespmem:s21+$0xFFFFEE20] =	vst v9  }
0x1ed: {  	[tilespmem:s21+$0xFFFFF020] =	vst v10  }
0x1ee: {  	[tilespmem:s21+$0xFFFFF220] =	vst v11  }
0x1ef: {  	[tilespmem:s21+$0xFFFFF420] =	vst v12  }
0x1f0: {  	[tilespmem:s21+$0xFFFFF620] =	vst v13  }
0x1f1: {  	[tilespmem:s21+$0xFFFFF820] =	vst v14  }
0x1f2: {  	[tilespmem:s21+$0xFFFFFA20] =	vst v15  }
0x1f3: {  	[tilespmem:s21+$0xFFFFFC20] =	vst v16  }
0x1f4: {  	[tilespmem:s21+$0xFFFFFE20] =	vst v17  }
0x1f5: {  	[tilespmem:s21+$0x20] =	vst v18  }
0x1f6: {  	[tilespmem:s21+$0x220] =	vst v19  }
0x1f7: {  	[tilespmem:s21+$0x420] =	vst v20  }
0x1f8: {  	[tilespmem:s21+$0x620] =	vst v21  }
0x1f9: {  	[tilespmem:s21+$0x820] =	vst v22  }
0x1fa: {  	[tilespmem:s21+$0xA20] =	vst v23  }
0x1fb: {  	[tilespmem:s21+$0xC20] =	vst v24  }
0x1fc: {  	[tilespmem:s21+$0xE20] =	vst v25  }
0x1fd: {  	s23 =	sadd.s32 $0x30, s20;
	[tilespmem:s21+$0x1020] =	vst v26  }
0x1fe: {  	[tilespmem:s21+$0x1220] =	vst v27;
	v2 =	vmov s23  }
0x1ff: {  	[tilespmem:s21+$0x1420] =	vst v28;
	v2 =	vshll.u32 v2, $0x5  }
0x200: {  	[tilespmem:s21+$0x1620] =	vst v29;
	v2 =	vor.u32 v0, v2  }
0x201: {  	[tilespmem:s21+$0x1820] =	vst v30;
	v3 =	vor.u32 $0x1, v2  }
0x202: {  	[tilespmem:s21+$0x1A20] =	vst v31;
	v36 =	vor.u32 $0x2, v2  }
0x203: {  	[tilespmem:s21+$0x1C20] =	vst v32;
	v37 =	vor.u32 $0x3, v2  }
0x204: {  	v38 =	vor.u32 $0x5, v2;
	[tilespmem:s21+$0x1E20] =	vst v1  }
0x205: {  	v39 =	vor.u32 $0x6, v2;
	v6 =	vld.idx.msk [tilespmem:v2+s10+$0x0], $0xffff  }
0x206: {  	v40 =	vor.u32 $0x7, v2;
	v3 =	vld.idx.msk [tilespmem:v3+s10+$0x0], $0xffff  }
0x207: {  	v41 =	vor.u32 $0x8, v2;
	v4 =	vld.idx.msk [tilespmem:v36+s10+$0x0], $0xffff  }
0x208: {  	v42 =	vor.u32 $0x9, v2;
	v5 =	vld.idx.msk [tilespmem:v37+s10+$0x0], $0xffff  }
0x209: {  	v43 =	vor.u32 $0xA, v2;
	v7 =	vld.idx.msk [tilespmem:v38+s10+$0x0], $0xffff  }
0x20a: {  	v44 =	vor.u32 $0xB, v2;
	v8 =	vld.idx.msk [tilespmem:v39+s10+$0x0], $0xffff  }
0x20b: {  	v45 =	vor.u32 $0xC, v2;
	v9 =	vld.idx.msk [tilespmem:v40+s10+$0x0], $0xffff  }
0x20c: {  	v46 =	vor.u32 $0xD, v2;
	v10 =	vld.idx.msk [tilespmem:v41+s10+$0x0], $0xffff  }
0x20d: {  	v47 =	vor.u32 $0xE, v2;
	v11 =	vld.idx.msk [tilespmem:v42+s10+$0x0], $0xffff  }
0x20e: {  	v48 =	vor.u32 $0xF, v2;
	v12 =	vld.idx.msk [tilespmem:v43+s10+$0x0], $0xffff  }
0x20f: {  	v49 =	vor.u32 $0x10, v2;
	v13 =	vld.idx.msk [tilespmem:v44+s10+$0x0], $0xffff  }
0x210: {  	v50 =	vor.u32 $0x11, v2;
	v14 =	vld.idx.msk [tilespmem:v45+s10+$0x0], $0xffff  }
0x211: {  	v51 =	vor.u32 $0x12, v2;
	v15 =	vld.idx.msk [tilespmem:v46+s10+$0x0], $0xffff  }
0x212: {  	v52 =	vor.u32 $0x13, v2;
	v16 =	vld.idx.msk [tilespmem:v47+s10+$0x0], $0xffff  }
0x213: {  	v53 =	vor.u32 $0x14, v2;
	v17 =	vld.idx.msk [tilespmem:v48+s10+$0x0], $0xffff  }
0x214: {  	v54 =	vor.u32 $0x15, v2;
	v18 =	vld.idx.msk [tilespmem:v49+s10+$0x0], $0xffff  }
0x215: {  	v55 =	vor.u32 $0x16, v2;
	v19 =	vld.idx.msk [tilespmem:v50+s10+$0x0], $0xffff  }
0x216: {  	v56 =	vor.u32 $0x17, v2;
	v20 =	vld.idx.msk [tilespmem:v51+s10+$0x0], $0xffff  }
0x217: {  	v57 =	vor.u32 $0x18, v2;
	v21 =	vld.idx.msk [tilespmem:v52+s10+$0x0], $0xffff  }
0x218: {  	v58 =	vor.u32 $0x19, v2;
	v22 =	vld.idx.msk [tilespmem:v53+s10+$0x0], $0xffff  }
0x219: {  	v59 =	vor.u32 $0x1A, v2;
	v23 =	vld.idx.msk [tilespmem:v54+s10+$0x0], $0xffff  }
0x21a: {  	v60 =	vor.u32 $0x1B, v2;
	v24 =	vld.idx.msk [tilespmem:v55+s10+$0x0], $0xffff  }
0x21b: {  	v61 =	vor.u32 $0x1C, v2;
	v25 =	vld.idx.msk [tilespmem:v56+s10+$0x0], $0xffff  }
0x21c: {  	v62 =	vor.u32 $0x1D, v2;
	v26 =	vld.idx.msk [tilespmem:v57+s10+$0x0], $0xffff  }
0x21d: {  	v63 =	vor.u32 $0x1E, v2;
	v27 =	vld.idx.msk [tilespmem:v58+s10+$0x0], $0xffff  }
0x21e: {  	v1 =	vor.u32 $0x4, v2;
	v28 =	vld.idx.msk [tilespmem:v59+s10+$0x0], $0xffff  }
0x21f: {  	v2 =	vor.u32 $0x1F, v2;
	v29 =	vld.idx.msk [tilespmem:v60+s10+$0x0], $0xffff  }
0x220: {  	v30 =	vld.idx.msk [tilespmem:v61+s10+$0x0], $0xffff  }
0x221: {  	v31 =	vld.idx.msk [tilespmem:v62+s10+$0x0], $0xffff  }
0x222: {  	v32 =	vld.idx.msk [tilespmem:v63+s10+$0x0], $0xffff  }
0x223: {  	v1 =	vld.idx.msk [tilespmem:v1+s10+$0x0], $0xffff  }
0x224: {  	v2 =	vld.idx.msk [tilespmem:v2+s10+$0x0], $0xffff;
	[tilespmem:s21+$0xFFFFE030] =	vst v6  }
0x225: {  	[tilespmem:s21+$0xFFFFE230] =	vst v3  }
0x226: {  	[tilespmem:s21+$0xFFFFE430] =	vst v4  }
0x227: {  	[tilespmem:s21+$0xFFFFE630] =	vst v5  }
0x228: {  	[tilespmem:s21+$0xFFFFEA30] =	vst v7  }
0x229: {  	[tilespmem:s21+$0xFFFFEC30] =	vst v8  }
0x22a: {  	[tilespmem:s21+$0xFFFFEE30] =	vst v9  }
0x22b: {  	[tilespmem:s21+$0xFFFFF030] =	vst v10  }
0x22c: {  	[tilespmem:s21+$0xFFFFF230] =	vst v11  }
0x22d: {  	[tilespmem:s21+$0xFFFFF430] =	vst v12  }
0x22e: {  	[tilespmem:s21+$0xFFFFF630] =	vst v13  }
0x22f: {  	[tilespmem:s21+$0xFFFFF830] =	vst v14  }
0x230: {  	[tilespmem:s21+$0xFFFFFA30] =	vst v15  }
0x231: {  	[tilespmem:s21+$0xFFFFFC30] =	vst v16  }
0x232: {  	[tilespmem:s21+$0xFFFFFE30] =	vst v17  }
0x233: {  	[tilespmem:s21+$0x30] =	vst v18  }
0x234: {  	[tilespmem:s21+$0x230] =	vst v19  }
0x235: {  	[tilespmem:s21+$0x430] =	vst v20  }
0x236: {  	[tilespmem:s21+$0x630] =	vst v21  }
0x237: {  	[tilespmem:s21+$0x830] =	vst v22  }
0x238: {  	[tilespmem:s21+$0xA30] =	vst v23  }
0x239: {  	[tilespmem:s21+$0xC30] =	vst v24  }
0x23a: {  	[tilespmem:s21+$0xE30] =	vst v25  }
0x23b: {  	[tilespmem:s21+$0x1030] =	vst v26  }
0x23c: {  	[tilespmem:s21+$0x1230] =	vst v27  }
0x23d: {  	[tilespmem:s21+$0x1430] =	vst v28  }
0x23e: {  	p1 =	sne.s32 s20, $0x1C0;
	[tilespmem:s21+$0x1630] =	vst v29  }
.Ltmp2:
0x23f: {  	[tilespmem:s21+$0x1830] =	vst v30;
	(pc) =	sbr.rel @p1 .LBB2_3-.Ltmp2, $4  }
0x240: {  	[tilespmem:s21+$0x1A30] =	vst v31  }
0x241: {  	[tilespmem:s21+$0x1C30] =	vst v32  }
0x242: {  	[tilespmem:s21+$0xFFFFE830] =	vst v1  }
0x243: {  	s20 =	sadd.s32 $0x40, s20;
	[tilespmem:s21+$0x1E30] =	vst v2;
	s21 =	sadd.s32 $0x40, s21  }
0x244: {  	p1 =	sne.s32 s18, $0x18  }
.Ltmp3:
0x245: {  	s20 =	sshll.u32 s18, $0x14;
	(pc) =	sbr.rel @p1 .LBB2_6-.Ltmp3, $4  }
0x246: {  	s20 =	sor.u32 s3, s20  }
0x247: {  	s20 =	sshrl.u32 s20, $0x3  }
0x248: {  	s21 =	sadd.s32 s6, s20  }
0x249: {  	[hbm4b:s21+s7] =	stream.strided.scatter [tilespmem:s12], [sflag:$0x3], $0x4000, s8, s7, $0x38;
	[tilespmem:$0x16400] =	vst v63  }
.Ltmp4:
0x24a: {  	(pc) =	sbr.rel .LBB2_7-.Ltmp4, $4  }
0x24b: {  	_ = 	snop  }
0x24c: {  	_ =	swait.ge [sflag:s13], $0x4000  }
0x24d: {  	[sflag:s13] =	ssyncset.done $0x0  }
0x24e: {  	[sflag:s13] =	ssyncadd.s32 $0xFFFFC000  }
.LBB2_6:
0x24f: {  	s21 =	sshrl.u32 s19, $0x2  }
.Ltmp5:
0x250: {  	s21 =	sadd.s32 $0x400, s21;
	(pc) =	sbr.rel @p0 .LBB2_8-.Ltmp5, $4  }
0x251: {  	[tilespmem:s10], [sflag:$0x1] =	stream.indirect.gather [hbm4b:s4+s7], $0x20, s21, s7, $0xb8;
	[tilespmem:$0x16400] =	vst v63  }
0x252: {  	_ =	swait.ge [sflag:s13], $0x4000  }
0x253: {  	[sflag:s13] =	ssyncset.done $0x0  }
0x254: {  	[sflag:s13] =	ssyncadd.s32 $0xFFFFC000  }
.LBB2_7:
0x255: {  	_ =	swait.ge [sflag:s14], $0x4000  }
0x256: {  	[sflag:s14] =	ssyncset.done $0x0  }
0x257: {  	[sflag:s14] =	ssyncadd.s32 $0xFFFFC000  }
.LBB2_8:
0x258: {  	s21 =	simm.s32 $0x0;
	s22 =	simm.s32 $0x14400  }
.LBB2_9:
0x259: {  	v1 =	vmov s21  }
0x25a: {  	v1 =	vshll.u32 v1, $0x5  }
0x25b: {  	v1 =	vor.u32 v0, v1  }
0x25c: {  	v2 =	vor.u32 $0x1, v1  }
0x25d: {  	v3 =	vor.u32 $0x2, v1  }
0x25e: {  	v4 =	vor.u32 $0x3, v1  }
0x25f: {  	v5 =	vor.u32 $0x4, v1  }
0x260: {  	v7 =	vor.u32 $0x5, v1;
	v6 =	vld.idx.msk [tilespmem:v1+s11+$0x0], $0xffff  }
0x261: {  	v8 =	vor.u32 $0x6, v1;
	v2 =	vld.idx.msk [tilespmem:v2+s11+$0x0], $0xffff  }
0x262: {  	v9 =	vor.u32 $0x7, v1;
	v3 =	vld.idx.msk [tilespmem:v3+s11+$0x0], $0xffff  }
0x263: {  	v10 =	vor.u32 $0x8, v1;
	v4 =	vld.idx.msk [tilespmem:v4+s11+$0x0], $0xffff  }
0x264: {  	v11 =	vor.u32 $0x9, v1;
	v5 =	vld.idx.msk [tilespmem:v5+s11+$0x0], $0xffff  }
0x265: {  	v12 =	vor.u32 $0xA, v1;
	v7 =	vld.idx.msk [tilespmem:v7+s11+$0x0], $0xffff  }
0x266: {  	v13 =	vor.u32 $0xB, v1;
	v8 =	vld.idx.msk [tilespmem:v8+s11+$0x0], $0xffff  }
0x267: {  	v14 =	vor.u32 $0xC, v1;
	v9 =	vld.idx.msk [tilespmem:v9+s11+$0x0], $0xffff  }
0x268: {  	v15 =	vor.u32 $0xD, v1;
	v10 =	vld.idx.msk [tilespmem:v10+s11+$0x0], $0xffff  }
0x269: {  	v16 =	vor.u32 $0xE, v1;
	v11 =	vld.idx.msk [tilespmem:v11+s11+$0x0], $0xffff  }
0x26a: {  	v17 =	vor.u32 $0xF, v1;
	v12 =	vld.idx.msk [tilespmem:v12+s11+$0x0], $0xffff  }
0x26b: {  	v18 =	vor.u32 $0x10, v1;
	v13 =	vld.idx.msk [tilespmem:v13+s11+$0x0], $0xffff  }
0x26c: {  	v19 =	vor.u32 $0x11, v1;
	v14 =	vld.idx.msk [tilespmem:v14+s11+$0x0], $0xffff  }
0x26d: {  	v20 =	vor.u32 $0x12, v1;
	v15 =	vld.idx.msk [tilespmem:v15+s11+$0x0], $0xffff  }
0x26e: {  	v21 =	vor.u32 $0x13, v1;
	v16 =	vld.idx.msk [tilespmem:v16+s11+$0x0], $0xffff  }
0x26f: {  	v22 =	vor.u32 $0x14, v1;
	v17 =	vld.idx.msk [tilespmem:v17+s11+$0x0], $0xffff  }
0x270: {  	v23 =	vor.u32 $0x15, v1;
	v18 =	vld.idx.msk [tilespmem:v18+s11+$0x0], $0xffff  }
0x271: {  	v24 =	vor.u32 $0x16, v1;
	v19 =	vld.idx.msk [tilespmem:v19+s11+$0x0], $0xffff  }
0x272: {  	v25 =	vor.u32 $0x17, v1;
	v20 =	vld.idx.msk [tilespmem:v20+s11+$0x0], $0xffff  }
0x273: {  	v26 =	vor.u32 $0x18, v1;
	v21 =	vld.idx.msk [tilespmem:v21+s11+$0x0], $0xffff  }
0x274: {  	v27 =	vor.u32 $0x19, v1;
	v22 =	vld.idx.msk [tilespmem:v22+s11+$0x0], $0xffff  }
0x275: {  	v28 =	vor.u32 $0x1A, v1;
	v23 =	vld.idx.msk [tilespmem:v23+s11+$0x0], $0xffff  }
0x276: {  	v29 =	vor.u32 $0x1B, v1;
	v24 =	vld.idx.msk [tilespmem:v24+s11+$0x0], $0xffff  }
0x277: {  	v30 =	vor.u32 $0x1C, v1;
	v25 =	vld.idx.msk [tilespmem:v25+s11+$0x0], $0xffff  }
0x278: {  	v31 =	vor.u32 $0x1D, v1;
	v26 =	vld.idx.msk [tilespmem:v26+s11+$0x0], $0xffff  }
0x279: {  	v32 =	vor.u32 $0x1E, v1;
	v27 =	vld.idx.msk [tilespmem:v27+s11+$0x0], $0xffff  }
0x27a: {  	v1 =	vor.u32 $0x1F, v1;
	v28 =	vld.idx.msk [tilespmem:v28+s11+$0x0], $0xffff  }
0x27b: {  	v29 =	vld.idx.msk [tilespmem:v29+s11+$0x0], $0xffff  }
0x27c: {  	v30 =	vld.idx.msk [tilespmem:v30+s11+$0x0], $0xffff  }
0x27d: {  	v31 =	vld.idx.msk [tilespmem:v31+s11+$0x0], $0xffff  }
0x27e: {  	v32 =	vld.idx.msk [tilespmem:v32+s11+$0x0], $0xffff  }
0x27f: {  	v1 =	vld.idx.msk [tilespmem:v1+s11+$0x0], $0xffff;
	[tilespmem:s22+$0xFFFFE000] =	vst v6  }
0x280: {  	[tilespmem:s22+$0xFFFFE200] =	vst v2  }
0x281: {  	[tilespmem:s22+$0xFFFFE400] =	vst v3  }
0x282: {  	[tilespmem:s22+$0xFFFFE600] =	vst v4  }
0x283: {  	[tilespmem:s22+$0xFFFFE800] =	vst v5  }
0x284: {  	[tilespmem:s22+$0xFFFFEA00] =	vst v7  }
0x285: {  	[tilespmem:s22+$0xFFFFEC00] =	vst v8  }
0x286: {  	[tilespmem:s22+$0xFFFFEE00] =	vst v9  }
0x287: {  	[tilespmem:s22+$0xFFFFF000] =	vst v10  }
0x288: {  	[tilespmem:s22+$0xFFFFF200] =	vst v11  }
0x289: {  	[tilespmem:s22+$0xFFFFF400] =	vst v12  }
0x28a: {  	[tilespmem:s22+$0xFFFFF600] =	vst v13  }
0x28b: {  	[tilespmem:s22+$0xFFFFF800] =	vst v14  }
0x28c: {  	[tilespmem:s22+$0xFFFFFA00] =	vst v15  }
0x28d: {  	[tilespmem:s22+$0xFFFFFC00] =	vst v16  }
0x28e: {  	[tilespmem:s22+$0xFFFFFE00] =	vst v17  }
0x28f: {  	[tilespmem:s22+$0x0] =	vst v18  }
0x290: {  	[tilespmem:s22+$0x200] =	vst v19  }
0x291: {  	[tilespmem:s22+$0x400] =	vst v20  }
0x292: {  	[tilespmem:s22+$0x600] =	vst v21  }
0x293: {  	[tilespmem:s22+$0x800] =	vst v22  }
0x294: {  	[tilespmem:s22+$0xA00] =	vst v23  }
0x295: {  	[tilespmem:s22+$0xC00] =	vst v24  }
0x296: {  	[tilespmem:s22+$0xE00] =	vst v25  }
0x297: {  	s23 =	sadd.s32 $0x10, s21;
	[tilespmem:s22+$0x1000] =	vst v26  }
0x298: {  	[tilespmem:s22+$0x1200] =	vst v27;
	v2 =	vmov s23  }
0x299: {  	[tilespmem:s22+$0x1400] =	vst v28;
	v2 =	vshll.u32 v2, $0x5  }
0x29a: {  	[tilespmem:s22+$0x1600] =	vst v29;
	v2 =	vor.u32 v0, v2  }
0x29b: {  	[tilespmem:s22+$0x1800] =	vst v30;
	v3 =	vor.u32 $0x1, v2  }
0x29c: {  	[tilespmem:s22+$0x1A00] =	vst v31;
	v36 =	vor.u32 $0x2, v2  }
0x29d: {  	[tilespmem:s22+$0x1C00] =	vst v32;
	v37 =	vor.u32 $0x3, v2  }
0x29e: {  	v38 =	vor.u32 $0x5, v2;
	[tilespmem:s22+$0x1E00] =	vst v1  }
0x29f: {  	v39 =	vor.u32 $0x6, v2;
	v6 =	vld.idx.msk [tilespmem:v2+s11+$0x0], $0xffff  }
0x2a0: {  	v40 =	vor.u32 $0x7, v2;
	v3 =	vld.idx.msk [tilespmem:v3+s11+$0x0], $0xffff  }
0x2a1: {  	v41 =	vor.u32 $0x8, v2;
	v4 =	vld.idx.msk [tilespmem:v36+s11+$0x0], $0xffff  }
0x2a2: {  	v42 =	vor.u32 $0x9, v2;
	v5 =	vld.idx.msk [tilespmem:v37+s11+$0x0], $0xffff  }
0x2a3: {  	v43 =	vor.u32 $0xA, v2;
	v7 =	vld.idx.msk [tilespmem:v38+s11+$0x0], $0xffff  }
0x2a4: {  	v44 =	vor.u32 $0xB, v2;
	v8 =	vld.idx.msk [tilespmem:v39+s11+$0x0], $0xffff  }
0x2a5: {  	v45 =	vor.u32 $0xC, v2;
	v9 =	vld.idx.msk [tilespmem:v40+s11+$0x0], $0xffff  }
0x2a6: {  	v46 =	vor.u32 $0xD, v2;
	v10 =	vld.idx.msk [tilespmem:v41+s11+$0x0], $0xffff  }
0x2a7: {  	v47 =	vor.u32 $0xE, v2;
	v11 =	vld.idx.msk [tilespmem:v42+s11+$0x0], $0xffff  }
0x2a8: {  	v48 =	vor.u32 $0xF, v2;
	v12 =	vld.idx.msk [tilespmem:v43+s11+$0x0], $0xffff  }
0x2a9: {  	v49 =	vor.u32 $0x10, v2;
	v13 =	vld.idx.msk [tilespmem:v44+s11+$0x0], $0xffff  }
0x2aa: {  	v50 =	vor.u32 $0x11, v2;
	v14 =	vld.idx.msk [tilespmem:v45+s11+$0x0], $0xffff  }
0x2ab: {  	v51 =	vor.u32 $0x12, v2;
	v15 =	vld.idx.msk [tilespmem:v46+s11+$0x0], $0xffff  }
0x2ac: {  	v52 =	vor.u32 $0x13, v2;
	v16 =	vld.idx.msk [tilespmem:v47+s11+$0x0], $0xffff  }
0x2ad: {  	v53 =	vor.u32 $0x14, v2;
	v17 =	vld.idx.msk [tilespmem:v48+s11+$0x0], $0xffff  }
0x2ae: {  	v54 =	vor.u32 $0x15, v2;
	v18 =	vld.idx.msk [tilespmem:v49+s11+$0x0], $0xffff  }
0x2af: {  	v55 =	vor.u32 $0x16, v2;
	v19 =	vld.idx.msk [tilespmem:v50+s11+$0x0], $0xffff  }
0x2b0: {  	v56 =	vor.u32 $0x17, v2;
	v20 =	vld.idx.msk [tilespmem:v51+s11+$0x0], $0xffff  }
0x2b1: {  	v57 =	vor.u32 $0x18, v2;
	v21 =	vld.idx.msk [tilespmem:v52+s11+$0x0], $0xffff  }
0x2b2: {  	v58 =	vor.u32 $0x19, v2;
	v22 =	vld.idx.msk [tilespmem:v53+s11+$0x0], $0xffff  }
0x2b3: {  	v59 =	vor.u32 $0x1A, v2;
	v23 =	vld.idx.msk [tilespmem:v54+s11+$0x0], $0xffff  }
0x2b4: {  	v60 =	vor.u32 $0x1B, v2;
	v24 =	vld.idx.msk [tilespmem:v55+s11+$0x0], $0xffff  }
0x2b5: {  	v61 =	vor.u32 $0x1C, v2;
	v25 =	vld.idx.msk [tilespmem:v56+s11+$0x0], $0xffff  }
0x2b6: {  	v62 =	vor.u32 $0x1D, v2;
	v26 =	vld.idx.msk [tilespmem:v57+s11+$0x0], $0xffff  }
0x2b7: {  	v63 =	vor.u32 $0x1E, v2;
	v27 =	vld.idx.msk [tilespmem:v58+s11+$0x0], $0xffff  }
0x2b8: {  	v1 =	vor.u32 $0x4, v2;
	v28 =	vld.idx.msk [tilespmem:v59+s11+$0x0], $0xffff  }
0x2b9: {  	v2 =	vor.u32 $0x1F, v2;
	v29 =	vld.idx.msk [tilespmem:v60+s11+$0x0], $0xffff  }
0x2ba: {  	v30 =	vld.idx.msk [tilespmem:v61+s11+$0x0], $0xffff  }
0x2bb: {  	v31 =	vld.idx.msk [tilespmem:v62+s11+$0x0], $0xffff  }
0x2bc: {  	v32 =	vld.idx.msk [tilespmem:v63+s11+$0x0], $0xffff  }
0x2bd: {  	v1 =	vld.idx.msk [tilespmem:v1+s11+$0x0], $0xffff  }
0x2be: {  	v2 =	vld.idx.msk [tilespmem:v2+s11+$0x0], $0xffff;
	[tilespmem:s22+$0xFFFFE010] =	vst v6  }
0x2bf: {  	[tilespmem:s22+$0xFFFFE210] =	vst v3  }
0x2c0: {  	[tilespmem:s22+$0xFFFFE410] =	vst v4  }
0x2c1: {  	[tilespmem:s22+$0xFFFFE610] =	vst v5  }
0x2c2: {  	[tilespmem:s22+$0xFFFFEA10] =	vst v7  }
0x2c3: {  	[tilespmem:s22+$0xFFFFEC10] =	vst v8  }
0x2c4: {  	[tilespmem:s22+$0xFFFFEE10] =	vst v9  }
0x2c5: {  	[tilespmem:s22+$0xFFFFF010] =	vst v10  }
0x2c6: {  	[tilespmem:s22+$0xFFFFF210] =	vst v11  }
0x2c7: {  	[tilespmem:s22+$0xFFFFF410] =	vst v12  }
0x2c8: {  	[tilespmem:s22+$0xFFFFF610] =	vst v13  }
0x2c9: {  	[tilespmem:s22+$0xFFFFF810] =	vst v14  }
0x2ca: {  	[tilespmem:s22+$0xFFFFFA10] =	vst v15  }
0x2cb: {  	[tilespmem:s22+$0xFFFFFC10] =	vst v16  }
0x2cc: {  	[tilespmem:s22+$0xFFFFFE10] =	vst v17  }
0x2cd: {  	[tilespmem:s22+$0x10] =	vst v18  }
0x2ce: {  	[tilespmem:s22+$0x210] =	vst v19  }
0x2cf: {  	[tilespmem:s22+$0x410] =	vst v20  }
0x2d0: {  	[tilespmem:s22+$0x610] =	vst v21  }
0x2d1: {  	[tilespmem:s22+$0x810] =	vst v22  }
0x2d2: {  	[tilespmem:s22+$0xA10] =	vst v23  }
0x2d3: {  	[tilespmem:s22+$0xC10] =	vst v24  }
0x2d4: {  	[tilespmem:s22+$0xE10] =	vst v25  }
0x2d5: {  	[tilespmem:s22+$0x1010] =	vst v26  }
0x2d6: {  	s23 =	sadd.s32 $0x20, s21;
	[tilespmem:s22+$0x1210] =	vst v27  }
0x2d7: {  	[tilespmem:s22+$0xFFFFE810] =	vst v1;
	v1 =	vmov s23  }
0x2d8: {  	[tilespmem:s22+$0x1410] =	vst v28;
	v1 =	vshll.u32 v1, $0x5  }
0x2d9: {  	[tilespmem:s22+$0x1610] =	vst v29;
	v1 =	vor.u32 v0, v1  }
0x2da: {  	[tilespmem:s22+$0x1810] =	vst v30;
	v3 =	vor.u32 $0x1, v1  }
0x2db: {  	[tilespmem:s22+$0x1A10] =	vst v31;
	v36 =	vor.u32 $0x2, v1  }
0x2dc: {  	[tilespmem:s22+$0x1C10] =	vst v32;
	v37 =	vor.u32 $0x3, v1  }
0x2dd: {  	[tilespmem:s22+$0x1E10] =	vst v2;
	v2 =	vor.u32 $0x4, v1  }
0x2de: {  	v38 =	vor.u32 $0x5, v1;
	v6 =	vld.idx.msk [tilespmem:v1+s11+$0x0], $0xffff  }
0x2df: {  	v39 =	vor.u32 $0x6, v1;
	v3 =	vld.idx.msk [tilespmem:v3+s11+$0x0], $0xffff  }
0x2e0: {  	v40 =	vor.u32 $0x7, v1;
	v4 =	vld.idx.msk [tilespmem:v36+s11+$0x0], $0xffff  }
0x2e1: {  	v41 =	vor.u32 $0x8, v1;
	v5 =	vld.idx.msk [tilespmem:v37+s11+$0x0], $0xffff  }
0x2e2: {  	v42 =	vor.u32 $0x9, v1;
	v2 =	vld.idx.msk [tilespmem:v2+s11+$0x0], $0xffff  }
0x2e3: {  	v43 =	vor.u32 $0xA, v1;
	v7 =	vld.idx.msk [tilespmem:v38+s11+$0x0], $0xffff  }
0x2e4: {  	v44 =	vor.u32 $0xB, v1;
	v8 =	vld.idx.msk [tilespmem:v39+s11+$0x0], $0xffff  }
0x2e5: {  	v45 =	vor.u32 $0xC, v1;
	v9 =	vld.idx.msk [tilespmem:v40+s11+$0x0], $0xffff  }
0x2e6: {  	v46 =	vor.u32 $0xD, v1;
	v10 =	vld.idx.msk [tilespmem:v41+s11+$0x0], $0xffff  }
0x2e7: {  	v47 =	vor.u32 $0xE, v1;
	v11 =	vld.idx.msk [tilespmem:v42+s11+$0x0], $0xffff  }
0x2e8: {  	v48 =	vor.u32 $0xF, v1;
	v12 =	vld.idx.msk [tilespmem:v43+s11+$0x0], $0xffff  }
0x2e9: {  	v49 =	vor.u32 $0x10, v1;
	v13 =	vld.idx.msk [tilespmem:v44+s11+$0x0], $0xffff  }
0x2ea: {  	v50 =	vor.u32 $0x11, v1;
	v14 =	vld.idx.msk [tilespmem:v45+s11+$0x0], $0xffff  }
0x2eb: {  	v51 =	vor.u32 $0x12, v1;
	v15 =	vld.idx.msk [tilespmem:v46+s11+$0x0], $0xffff  }
0x2ec: {  	v52 =	vor.u32 $0x13, v1;
	v16 =	vld.idx.msk [tilespmem:v47+s11+$0x0], $0xffff  }
0x2ed: {  	v53 =	vor.u32 $0x14, v1;
	v17 =	vld.idx.msk [tilespmem:v48+s11+$0x0], $0xffff  }
0x2ee: {  	v54 =	vor.u32 $0x15, v1;
	v18 =	vld.idx.msk [tilespmem:v49+s11+$0x0], $0xffff  }
0x2ef: {  	v55 =	vor.u32 $0x16, v1;
	v19 =	vld.idx.msk [tilespmem:v50+s11+$0x0], $0xffff  }
0x2f0: {  	v56 =	vor.u32 $0x17, v1;
	v20 =	vld.idx.msk [tilespmem:v51+s11+$0x0], $0xffff  }
0x2f1: {  	v57 =	vor.u32 $0x18, v1;
	v21 =	vld.idx.msk [tilespmem:v52+s11+$0x0], $0xffff  }
0x2f2: {  	v58 =	vor.u32 $0x19, v1;
	v22 =	vld.idx.msk [tilespmem:v53+s11+$0x0], $0xffff  }
0x2f3: {  	v59 =	vor.u32 $0x1A, v1;
	v23 =	vld.idx.msk [tilespmem:v54+s11+$0x0], $0xffff  }
0x2f4: {  	v60 =	vor.u32 $0x1B, v1;
	v24 =	vld.idx.msk [tilespmem:v55+s11+$0x0], $0xffff  }
0x2f5: {  	v61 =	vor.u32 $0x1C, v1;
	v25 =	vld.idx.msk [tilespmem:v56+s11+$0x0], $0xffff  }
0x2f6: {  	v62 =	vor.u32 $0x1D, v1;
	v26 =	vld.idx.msk [tilespmem:v57+s11+$0x0], $0xffff  }
0x2f7: {  	v63 =	vor.u32 $0x1E, v1;
	v27 =	vld.idx.msk [tilespmem:v58+s11+$0x0], $0xffff  }
0x2f8: {  	v1 =	vor.u32 $0x1F, v1;
	v28 =	vld.idx.msk [tilespmem:v59+s11+$0x0], $0xffff  }
0x2f9: {  	v29 =	vld.idx.msk [tilespmem:v60+s11+$0x0], $0xffff  }
0x2fa: {  	v30 =	vld.idx.msk [tilespmem:v61+s11+$0x0], $0xffff  }
0x2fb: {  	v31 =	vld.idx.msk [tilespmem:v62+s11+$0x0], $0xffff  }
0x2fc: {  	v32 =	vld.idx.msk [tilespmem:v63+s11+$0x0], $0xffff  }
0x2fd: {  	v1 =	vld.idx.msk [tilespmem:v1+s11+$0x0], $0xffff;
	[tilespmem:s22+$0xFFFFE020] =	vst v6  }
0x2fe: {  	[tilespmem:s22+$0xFFFFE220] =	vst v3  }
0x2ff: {  	[tilespmem:s22+$0xFFFFE420] =	vst v4  }
0x300: {  	[tilespmem:s22+$0xFFFFE620] =	vst v5  }
0x301: {  	[tilespmem:s22+$0xFFFFE820] =	vst v2  }
0x302: {  	[tilespmem:s22+$0xFFFFEA20] =	vst v7  }
0x303: {  	[tilespmem:s22+$0xFFFFEC20] =	vst v8  }
0x304: {  	[tilespmem:s22+$0xFFFFEE20] =	vst v9  }
0x305: {  	[tilespmem:s22+$0xFFFFF020] =	vst v10  }
0x306: {  	[tilespmem:s22+$0xFFFFF220] =	vst v11  }
0x307: {  	[tilespmem:s22+$0xFFFFF420] =	vst v12  }
0x308: {  	[tilespmem:s22+$0xFFFFF620] =	vst v13  }
0x309: {  	[tilespmem:s22+$0xFFFFF820] =	vst v14  }
0x30a: {  	[tilespmem:s22+$0xFFFFFA20] =	vst v15  }
0x30b: {  	[tilespmem:s22+$0xFFFFFC20] =	vst v16  }
0x30c: {  	[tilespmem:s22+$0xFFFFFE20] =	vst v17  }
0x30d: {  	[tilespmem:s22+$0x20] =	vst v18  }
0x30e: {  	[tilespmem:s22+$0x220] =	vst v19  }
0x30f: {  	[tilespmem:s22+$0x420] =	vst v20  }
0x310: {  	[tilespmem:s22+$0x620] =	vst v21  }
0x311: {  	[tilespmem:s22+$0x820] =	vst v22  }
0x312: {  	[tilespmem:s22+$0xA20] =	vst v23  }
0x313: {  	[tilespmem:s22+$0xC20] =	vst v24  }
0x314: {  	[tilespmem:s22+$0xE20] =	vst v25  }
0x315: {  	s23 =	sadd.s32 $0x30, s21;
	[tilespmem:s22+$0x1020] =	vst v26  }
0x316: {  	[tilespmem:s22+$0x1220] =	vst v27;
	v2 =	vmov s23  }
0x317: {  	[tilespmem:s22+$0x1420] =	vst v28;
	v2 =	vshll.u32 v2, $0x5  }
0x318: {  	[tilespmem:s22+$0x1620] =	vst v29;
	v2 =	vor.u32 v0, v2  }
0x319: {  	[tilespmem:s22+$0x1820] =	vst v30;
	v3 =	vor.u32 $0x1, v2  }
0x31a: {  	[tilespmem:s22+$0x1A20] =	vst v31;
	v36 =	vor.u32 $0x2, v2  }
0x31b: {  	[tilespmem:s22+$0x1C20] =	vst v32;
	v37 =	vor.u32 $0x3, v2  }
0x31c: {  	v38 =	vor.u32 $0x5, v2;
	[tilespmem:s22+$0x1E20] =	vst v1  }
0x31d: {  	v39 =	vor.u32 $0x6, v2;
	v6 =	vld.idx.msk [tilespmem:v2+s11+$0x0], $0xffff  }
0x31e: {  	v40 =	vor.u32 $0x7, v2;
	v3 =	vld.idx.msk [tilespmem:v3+s11+$0x0], $0xffff  }
0x31f: {  	v41 =	vor.u32 $0x8, v2;
	v4 =	vld.idx.msk [tilespmem:v36+s11+$0x0], $0xffff  }
0x320: {  	v42 =	vor.u32 $0x9, v2;
	v5 =	vld.idx.msk [tilespmem:v37+s11+$0x0], $0xffff  }
0x321: {  	v43 =	vor.u32 $0xA, v2;
	v7 =	vld.idx.msk [tilespmem:v38+s11+$0x0], $0xffff  }
0x322: {  	v44 =	vor.u32 $0xB, v2;
	v8 =	vld.idx.msk [tilespmem:v39+s11+$0x0], $0xffff  }
0x323: {  	v45 =	vor.u32 $0xC, v2;
	v9 =	vld.idx.msk [tilespmem:v40+s11+$0x0], $0xffff  }
0x324: {  	v46 =	vor.u32 $0xD, v2;
	v10 =	vld.idx.msk [tilespmem:v41+s11+$0x0], $0xffff  }
0x325: {  	v47 =	vor.u32 $0xE, v2;
	v11 =	vld.idx.msk [tilespmem:v42+s11+$0x0], $0xffff  }
0x326: {  	v48 =	vor.u32 $0xF, v2;
	v12 =	vld.idx.msk [tilespmem:v43+s11+$0x0], $0xffff  }
0x327: {  	v49 =	vor.u32 $0x10, v2;
	v13 =	vld.idx.msk [tilespmem:v44+s11+$0x0], $0xffff  }
0x328: {  	v50 =	vor.u32 $0x11, v2;
	v14 =	vld.idx.msk [tilespmem:v45+s11+$0x0], $0xffff  }
0x329: {  	v51 =	vor.u32 $0x12, v2;
	v15 =	vld.idx.msk [tilespmem:v46+s11+$0x0], $0xffff  }
0x32a: {  	v52 =	vor.u32 $0x13, v2;
	v16 =	vld.idx.msk [tilespmem:v47+s11+$0x0], $0xffff  }
0x32b: {  	v53 =	vor.u32 $0x14, v2;
	v17 =	vld.idx.msk [tilespmem:v48+s11+$0x0], $0xffff  }
0x32c: {  	v54 =	vor.u32 $0x15, v2;
	v18 =	vld.idx.msk [tilespmem:v49+s11+$0x0], $0xffff  }
0x32d: {  	v55 =	vor.u32 $0x16, v2;
	v19 =	vld.idx.msk [tilespmem:v50+s11+$0x0], $0xffff  }
0x32e: {  	v56 =	vor.u32 $0x17, v2;
	v20 =	vld.idx.msk [tilespmem:v51+s11+$0x0], $0xffff  }
0x32f: {  	v57 =	vor.u32 $0x18, v2;
	v21 =	vld.idx.msk [tilespmem:v52+s11+$0x0], $0xffff  }
0x330: {  	v58 =	vor.u32 $0x19, v2;
	v22 =	vld.idx.msk [tilespmem:v53+s11+$0x0], $0xffff  }
0x331: {  	v59 =	vor.u32 $0x1A, v2;
	v23 =	vld.idx.msk [tilespmem:v54+s11+$0x0], $0xffff  }
0x332: {  	v60 =	vor.u32 $0x1B, v2;
	v24 =	vld.idx.msk [tilespmem:v55+s11+$0x0], $0xffff  }
0x333: {  	v61 =	vor.u32 $0x1C, v2;
	v25 =	vld.idx.msk [tilespmem:v56+s11+$0x0], $0xffff  }
0x334: {  	v62 =	vor.u32 $0x1D, v2;
	v26 =	vld.idx.msk [tilespmem:v57+s11+$0x0], $0xffff  }
0x335: {  	v63 =	vor.u32 $0x1E, v2;
	v27 =	vld.idx.msk [tilespmem:v58+s11+$0x0], $0xffff  }
0x336: {  	v1 =	vor.u32 $0x4, v2;
	v28 =	vld.idx.msk [tilespmem:v59+s11+$0x0], $0xffff  }
0x337: {  	v2 =	vor.u32 $0x1F, v2;
	v29 =	vld.idx.msk [tilespmem:v60+s11+$0x0], $0xffff  }
0x338: {  	v30 =	vld.idx.msk [tilespmem:v61+s11+$0x0], $0xffff  }
0x339: {  	v31 =	vld.idx.msk [tilespmem:v62+s11+$0x0], $0xffff  }
0x33a: {  	v32 =	vld.idx.msk [tilespmem:v63+s11+$0x0], $0xffff  }
0x33b: {  	v1 =	vld.idx.msk [tilespmem:v1+s11+$0x0], $0xffff  }
0x33c: {  	v2 =	vld.idx.msk [tilespmem:v2+s11+$0x0], $0xffff;
	[tilespmem:s22+$0xFFFFE030] =	vst v6  }
0x33d: {  	[tilespmem:s22+$0xFFFFE230] =	vst v3  }
0x33e: {  	[tilespmem:s22+$0xFFFFE430] =	vst v4  }
0x33f: {  	[tilespmem:s22+$0xFFFFE630] =	vst v5  }
0x340: {  	[tilespmem:s22+$0xFFFFEA30] =	vst v7  }
0x341: {  	[tilespmem:s22+$0xFFFFEC30] =	vst v8  }
0x342: {  	[tilespmem:s22+$0xFFFFEE30] =	vst v9  }
0x343: {  	[tilespmem:s22+$0xFFFFF030] =	vst v10  }
0x344: {  	[tilespmem:s22+$0xFFFFF230] =	vst v11  }
0x345: {  	[tilespmem:s22+$0xFFFFF430] =	vst v12  }
0x346: {  	[tilespmem:s22+$0xFFFFF630] =	vst v13  }
0x347: {  	[tilespmem:s22+$0xFFFFF830] =	vst v14  }
0x348: {  	[tilespmem:s22+$0xFFFFFA30] =	vst v15  }
0x349: {  	[tilespmem:s22+$0xFFFFFC30] =	vst v16  }
0x34a: {  	[tilespmem:s22+$0xFFFFFE30] =	vst v17  }
0x34b: {  	[tilespmem:s22+$0x30] =	vst v18  }
0x34c: {  	[tilespmem:s22+$0x230] =	vst v19  }
0x34d: {  	[tilespmem:s22+$0x430] =	vst v20  }
0x34e: {  	[tilespmem:s22+$0x630] =	vst v21  }
0x34f: {  	[tilespmem:s22+$0x830] =	vst v22  }
0x350: {  	[tilespmem:s22+$0xA30] =	vst v23  }
0x351: {  	[tilespmem:s22+$0xC30] =	vst v24  }
0x352: {  	[tilespmem:s22+$0xE30] =	vst v25  }
0x353: {  	[tilespmem:s22+$0x1030] =	vst v26  }
0x354: {  	[tilespmem:s22+$0x1230] =	vst v27  }
0x355: {  	[tilespmem:s22+$0x1430] =	vst v28  }
0x356: {  	p0 =	sne.s32 s21, $0x1C0;
	[tilespmem:s22+$0x1630] =	vst v29  }
.Ltmp6:
0x357: {  	[tilespmem:s22+$0x1830] =	vst v30;
	(pc) =	sbr.rel @p0 .LBB2_9-.Ltmp6, $4  }
0x358: {  	[tilespmem:s22+$0x1A30] =	vst v31  }
0x359: {  	[tilespmem:s22+$0x1C30] =	vst v32  }
0x35a: {  	[tilespmem:s22+$0xFFFFE830] =	vst v1  }
0x35b: {  	s21 =	sadd.s32 $0x40, s21;
	[tilespmem:s22+$0x1E30] =	vst v2;
	s22 =	sadd.s32 $0x40, s22  }
0x35c: {  	p0 =	seq.s32 s18, $0x18  }
.Ltmp7:
0x35d: {  	_ = 	snop;
	(pc) =	sbr.rel @p0 .LBB2_12-.Ltmp7, $3  }
0x35e: {  	_ =	sdelay $0x1  }
0x35f: {  	s20 =	sadd.s32 s20, s24  }
0x360: {  	[hbm4b:s20+s7] =	stream.strided.scatter [tilespmem:s15], [sflag:$0x4], $0x4000, s8, s7, $0x38;
	[tilespmem:$0x16400] =	vst v63  }
.Ltmp8:
0x361: {  	(pc) =	sbr.rel .LBB2_2-.Ltmp8, $4  }
0x362: {  	_ = 	snop  }
0x363: {  	s19 =	sshrl.u32 s19, $0x2  }
0x364: {  	s18 =	sadd.s32 $0x1, s18;
	s19 =	sadd.s32 $0x600, s19  }
0x365: {  	[tilespmem:s11], [sflag:$0x2] =	stream.indirect.gather [hbm4b:s4+s7], $0x20, s19, s7, $0xb8;
	[tilespmem:$0x16400] =	vst v63  }
.LBB2_13:
0x366: {  	_ =	sfence.sel $0x180000  }
0x367: {  	[bflag:$0x0] =	sbarrier.arrive $0xFFFF  }
0x368: {  	_ =	strace $0x90000047  }
0x369: {  	s0 =	stileid.u32;
	[bflag:$0x2] =	sbarrier.arrive $0xFFFF  }
0x36a: {  	p0 =	sne.s32 s0, $0x0;
	s0 =	rddreg [dreg:$0x2]  }
0x36b: {  	s0 =	sadd.s32 @!p0 $0x100000, s0  }
0x36c: {  	[sflag:s0] =	ssyncadd.tile.s32 @!p0 $0x1;
	_ =	shalt  }
.Lfunc_end2:
_tile_overlayer_lowered:
.L_overlay_start_2:
0x36d: {  	(tag) =	ssettag $0x2  }
0x36e: {  	s0 =	rddreg [dreg:$0x0];
	s2 =	stileid.u32  }
0x36f: {  	s1 =	rddreg [dreg:$0x1];
	p0 =	sne.s32 s2, $0x0  }
0x370: {  	s3 =	rddreg [dreg:$0x2];
	[bflag:$0x3] =	sbarrier.arrive $0xFFFF;
	s2 =	simm.s32 @!p0 $0x1C05  }
0x371: {  	[timem:s3], [sflag:s2] =	dma.local @!p0 [hbm:s0], s1  }
0x372: {  	s0 =	simm.s32 @!p0 $0x5  }
0x373: {  	_ =	swait.ge @!p0 [sflag:s0], s1  }
0x374: {  	s1 =	ssub.s32 @!p0 $0x0, s1;
	[sflag:s0] =	ssyncset.done @!p0 $0x0  }
0x375: {  	[sflag:s0] =	ssyncadd.s32 @!p0 s1  }
0x376: {  	[bflag:$0x3] =	sbarrier.arrive $0xFFFF  }
0x377: {  	_ =	shalt  }

</sc_bundles>
